<compile_context>
chip_gen: v7x
topology: tpu7x:2x2x1
jax: 0.10.2.dev20260603
libtpu: 0.0.44.dev20260713+nightly
codegen_flags: <defaults>
</compile_context>

<pallas_src>
import jax
import jax.numpy as jnp
from jax import lax
from jax.experimental import pallas as pl
from jax.experimental.pallas import tpu as pltpu
from jax.experimental.pallas import tpu_sc as plsc

PLANE_SIZE = 1024
PLANE_EPS = 0.004
BOUND = 2.0
INV_EPS2 = 1.0 / (PLANE_EPS * PLANE_EPS)

NC, NS, L = 2, 16, 16
NW = NC * NS
N = 16384 * 256
PER_W = N // NW
CHUNK = 4096
N_CHUNKS = PER_W // CHUNK
NSTR = 8
SEG = CHUNK // NSTR


def _body(tmin_hbm, tmax_hbm, pos_hbm, w_hbm, out_hbm,
          pos_v0, pos_v1, pos_v2, pos_v3, w_v0, w_v1, w_v2, w_v3,
          zz_v0, zz_v1, idx_v0, idx_v1, gmin_v0, gmin_v1,
          gmax_v0, gmax_v1, out_v0, out_v1, isem, gsem, osem):
    pos_bufs = (pos_v0, pos_v1, pos_v2, pos_v3)
    w_bufs = (w_v0, w_v1, w_v2, w_v3)
    zz_bufs = (zz_v0, zz_v1)
    idx_bufs = (idx_v0, idx_v1)
    gmin_bufs = (gmin_v0, gmin_v1)
    gmax_bufs = (gmax_v0, gmax_v1)
    out_bufs = (out_v0, out_v1)
    wid = lax.axis_index("s") * NC + lax.axis_index("c")
    base_w = wid * PER_W
    iota = lax.iota(jnp.int32, L)

    def in_copies(c, q, sp):
        base = base_w + c * CHUNK
        return (pltpu.make_async_copy(
                    pos_hbm.at[pl.ds(base * 3, 3 * CHUNK)], pos_bufs[q],
                    isem.at[sp]),
                pltpu.make_async_copy(
                    w_hbm.at[pl.ds(base, CHUNK)], w_bufs[q], isem.at[sp]))

    def gather_copies(p):
        cps = []
        for s in range(NSTR):
            sl = pl.ds(s * SEG, SEG)
            cps.append(pltpu.make_async_copy(
                tmin_hbm.at[idx_bufs[p].at[sl]], gmin_bufs[p].at[sl],
                gsem.at[p]))
            cps.append(pltpu.make_async_copy(
                tmax_hbm.at[idx_bufs[p].at[sl]], gmax_bufs[p].at[sl],
                gsem.at[p]))
        return cps

    def out_copy(c, p):
        base = base_w + c * CHUNK
        return pltpu.make_async_copy(out_bufs[p],
                                     out_hbm.at[pl.ds(base, CHUNK)],
                                     osem.at[p])

    def pass_a(q, p):
        def body(i, carry):
            p3 = i * (3 * L) + iota * 3
            x = plsc.load_gather(pos_bufs[q], [p3])
            y = plsc.load_gather(pos_bufs[q], [p3 + 1])
            z = plsc.load_gather(pos_bufs[q], [p3 + 2])
            mag = jnp.maximum(jnp.maximum(jnp.abs(x), jnp.abs(y)), jnp.abs(z))
            r = 1.0 / jnp.maximum(mag, 1e-9)
            s = jnp.where(mag <= 1.0, 1.0, (2.0 - r) * r)
            cz = z * s
            fx = jnp.minimum((x * s + BOUND) * (PLANE_SIZE * 0.5 / BOUND),
                             PLANE_SIZE - 1.0)
            fy = jnp.minimum((y * s + BOUND) * (PLANE_SIZE * 0.5 / BOUND),
                             PLANE_SIZE - 1.0)
            xy = fx.astype(jnp.int32) * PLANE_SIZE + fy.astype(jnp.int32)
            zz_bufs[p][pl.ds(i * L, L)] = cz
            idx_bufs[p][pl.ds(i * L, L)] = xy
            return carry
        lax.fori_loop(0, CHUNK // L, body, None, unroll=2)

    def pass_b(qprev, pprev):
        def body(i, carry):
            zmin = gmin_bufs[pprev][pl.ds(i * L, L)]
            zmax = gmax_bufs[pprev][pl.ds(i * L, L)]
            zz = zz_bufs[pprev][pl.ds(i * L, L)]
            w = w_bufs[qprev][pl.ds(i * L, L)]
            wm = jnp.where(zz < zmin, 0.0, 1.0)
            wm = jnp.where(zz > zmax, 0.0, wm)
            d1 = zz - zmin
            d2 = zmax - zz
            q1 = d1 * d1 * INV_EPS2
            q2 = d2 * d2 * INV_EPS2
            i1 = (zz < zmin + PLANE_EPS) & (zz > zmin) & (zz < zmax - PLANE_EPS)
            i2 = (zz > zmax - PLANE_EPS) & (zz < zmax) & (zz > zmin + PLANE_EPS)
            wm = jnp.where(i1, q1, wm)
            wm = jnp.where(i2, q2, wm)
            out_bufs[pprev][pl.ds(i * L, L)] = w * wm
            return carry
        lax.fori_loop(0, CHUNK // L, body, None, unroll=2)

    def tail(cprev, qprev, pprev, wait_out):
        for a in gather_copies(pprev):
            a.wait()
        if wait_out is None:
            out_copy(cprev - 2, pprev).wait()
        else:
            pl.when(wait_out)(
                lambda: out_copy(jnp.maximum(cprev - 2, 0), pprev).wait())
        pass_b(qprev, pprev)
        out_copy(cprev, pprev).start()

    for a in in_copies(0, 0, 0):
        a.start()
    for a in in_copies(1, 1, 1):
        a.start()

    def quad(cc, carry):
        for q in range(4):
            c = 4 * cc + q
            p = q % 2
            for a in in_copies(c, q, p):
                a.wait()
            cnxt = jnp.minimum(c + 2, N_CHUNKS - 1)
            for a in in_copies(cnxt, (q + 2) % 4, p):
                a.start()
            pass_a(q, p)
            for a in gather_copies(p):
                a.start()
            if q == 0:
                pl.when(cc > 0)(
                    lambda: tail(jnp.maximum(c - 1, 0), 3, 1, None))
            elif q == 3:
                tail(c - 1, 2, 0, None)
            else:
                tail(c - 1, q - 1, (q - 1) % 2, cc > 0)
        return carry

    lax.fori_loop(0, N_CHUNKS // 4, quad, None)

    clast = N_CHUNKS - 1
    tail(clast, 3, 1, None)
    out_copy(clast - 1, 0).wait()
    out_copy(clast, 1).wait()
    for a in in_copies(N_CHUNKS - 1, 0, 0):
        a.wait()
    for a in in_copies(N_CHUNKS - 1, 1, 1):
        a.wait()


@jax.jit
def _occ_mask_sc(tmin, tmax, pos_flat, w_flat):
    mesh = plsc.VectorSubcoreMesh(core_axis_name="c", subcore_axis_name="s",
                                  num_cores=NC, num_subcores=NS)
    f = pl.kernel(
        _body,
        out_type=jax.ShapeDtypeStruct((N,), jnp.float32),
        mesh=mesh,
        compiler_params=pltpu.CompilerParams(needs_layout_passes=False),
        scratch_types=[
            pltpu.VMEM((3 * CHUNK,), jnp.float32),
            pltpu.VMEM((3 * CHUNK,), jnp.float32),
            pltpu.VMEM((3 * CHUNK,), jnp.float32),
            pltpu.VMEM((3 * CHUNK,), jnp.float32),
            pltpu.VMEM((CHUNK,), jnp.float32),
            pltpu.VMEM((CHUNK,), jnp.float32),
            pltpu.VMEM((CHUNK,), jnp.float32),
            pltpu.VMEM((CHUNK,), jnp.float32),
            pltpu.VMEM((CHUNK,), jnp.float32),
            pltpu.VMEM((CHUNK,), jnp.float32),
            pltpu.VMEM((CHUNK,), jnp.int32),
            pltpu.VMEM((CHUNK,), jnp.int32),
            pltpu.VMEM((CHUNK,), jnp.float32),
            pltpu.VMEM((CHUNK,), jnp.float32),
            pltpu.VMEM((CHUNK,), jnp.float32),
            pltpu.VMEM((CHUNK,), jnp.float32),
            pltpu.VMEM((CHUNK,), jnp.float32),
            pltpu.VMEM((CHUNK,), jnp.float32),
            pltpu.SemaphoreType.DMA((2,)),
            pltpu.SemaphoreType.DMA((2,)),
            pltpu.SemaphoreType.DMA((2,)),
        ],
    )
    return f(tmin, tmax, pos_flat, w_flat)


def kernel(positions, weights, occ_plane_min, occ_plane_max):
    prefix = positions.shape[:-1]
    out = _occ_mask_sc(occ_plane_min, occ_plane_max,
                       positions.reshape(-1), weights.reshape(-1))
    return out.reshape(prefix + (1,))

# --- scband reference (transcript-rebuilt; emitter-appended) ---
"""Pipeline reference for scband-occ-plane-85615878079126 (READ-ONLY COPY).

The authoritative reference and input builder live on the scoring server;
editing this copy changes nothing except your own understanding.
"""

import jax, jax.numpy as jnp
import numpy as np

PLANE_SIZE = 1024
PLANE_EPS = 0.004
BOUND = 2.0  # spatial_distortion is not None -> bound = 2.0
STEP = 50000  # emulate training step with start_step < STEP <= end_step
AABB = np.array([[-1.0, -1.0, -1.0], [1.0, 1.0, 1.0]], dtype=np.float32)


def contract(x):
    # nerfstudio SceneContraction with L-inf norm (the spatial_distortion)
    mag = jnp.max(jnp.abs(x), axis=-1, keepdims=True)
    safe = jnp.maximum(mag, 1e-9)
    return jnp.where(mag <= 1.0, x, (2.0 - 1.0 / safe) * (x / safe))


def setup_inputs(seed: int = 0) -> dict:
    key = jax.random.key(seed)
    k1, k2 = jax.random.split(key)
    positions = jax.random.normal(k1, (16384, 256, 3), dtype=jnp.float32)
    weights = jax.random.uniform(k2, (16384, 256, 1), dtype=jnp.float32)
    occ_plane_min = jnp.full((PLANE_SIZE * PLANE_SIZE,), AABB[0, 2], dtype=jnp.float32)
    occ_plane_max = jnp.full((PLANE_SIZE * PLANE_SIZE,), AABB[1, 2], dtype=jnp.float32)
    return {"positions": positions, "weights": weights,
            "occ_plane_min": occ_plane_min, "occ_plane_max": occ_plane_max}


def reference(positions, weights, occ_plane_min, occ_plane_max):
    # OccPlane.get_weight_mask with _step = STEP (> start_step, <= end_step)
    xyz = contract(positions)
    w = jnp.squeeze(weights, -1)
    prefix = xyz.shape[:-1]
    x_index = jnp.clip(jnp.floor((xyz[..., 0] + BOUND) * PLANE_SIZE * 0.5 / BOUND), 0.0, PLANE_SIZE - 1)
    y_index = jnp.clip(jnp.floor((xyz[..., 1] + BOUND) * PLANE_SIZE * 0.5 / BOUND), 0.0, PLANE_SIZE - 1)
    xy_index = (x_index * PLANE_SIZE + y_index).astype(jnp.int32).reshape(-1)
    zz_min = jnp.take(occ_plane_min, xy_index, axis=0).reshape(prefix)
    zz_max = jnp.take(occ_plane_max, xy_index, axis=0).reshape(prefix)
    zz = xyz[..., 2]
    weights_mask = jnp.ones_like(w)
    weights_mask = jnp.where(zz < zz_min, 0.0, weights_mask)
    weights_mask = jnp.where(zz > zz_max, 0.0, weights_mask)
    # _step <= end_step: soften mask near plane boundaries
    index1 = (zz < zz_min + PLANE_EPS) & (zz > zz_min) & (zz < zz_max - PLANE_EPS)
    weights_mask = jnp.where(index1, (zz - zz_min) ** 2 / (PLANE_EPS ** 2), weights_mask)
    index2 = (zz > zz_max - PLANE_EPS) & (zz < zz_max) & (zz > zz_min + PLANE_EPS)
    weights_mask = jnp.where(index2, (-zz + zz_max) ** 2 / (PLANE_EPS ** 2), weights_mask)
    weights_mask = jnp.nan_to_num(weights_mask, nan=0.0)
    out = (w * weights_mask)[..., None]
    return out

if __name__ == "__main__":
    import jax
    _d = setup_inputs()
    print(jax.jit(kernel)(*tuple(_d.values())))

</pallas_src>

<mosaic_0001>
#map = affine_map<(d0, d1) -> (0)>
module attributes {stable_mosaic.version = 14 : i64} {
  func.func @_body(%arg0: i32, %arg1: i32, %arg2: memref<1048576xf32, #tpu.memory_space<hbm>>, %arg3: memref<1048576xf32, #tpu.memory_space<hbm>>, %arg4: memref<12582912xf32, #tpu.memory_space<hbm>>, %arg5: memref<4194304xf32, #tpu.memory_space<hbm>>, %arg6: memref<4194304xf32, #tpu.memory_space<hbm>>, %arg7: memref<12288xf32, #tpu.memory_space<vmem>>, %arg8: memref<12288xf32, #tpu.memory_space<vmem>>, %arg9: memref<12288xf32, #tpu.memory_space<vmem>>, %arg10: memref<12288xf32, #tpu.memory_space<vmem>>, %arg11: memref<4096xf32, #tpu.memory_space<vmem>>, %arg12: memref<4096xf32, #tpu.memory_space<vmem>>, %arg13: memref<4096xf32, #tpu.memory_space<vmem>>, %arg14: memref<4096xf32, #tpu.memory_space<vmem>>, %arg15: memref<4096xf32, #tpu.memory_space<vmem>>, %arg16: memref<4096xf32, #tpu.memory_space<vmem>>, %arg17: memref<4096xi32, #tpu.memory_space<vmem>>, %arg18: memref<4096xi32, #tpu.memory_space<vmem>>, %arg19: memref<4096xf32, #tpu.memory_space<vmem>>, %arg20: memref<4096xf32, #tpu.memory_space<vmem>>, %arg21: memref<4096xf32, #tpu.memory_space<vmem>>, %arg22: memref<4096xf32, #tpu.memory_space<vmem>>, %arg23: memref<4096xf32, #tpu.memory_space<vmem>>, %arg24: memref<4096xf32, #tpu.memory_space<vmem>>, %arg25: memref<2x!tpu.dma_semaphore, #tpu.memory_space<semaphore_mem>>, %arg26: memref<2x!tpu.dma_semaphore, #tpu.memory_space<semaphore_mem>>, %arg27: memref<2x!tpu.dma_semaphore, #tpu.memory_space<semaphore_mem>>) attributes {dimension_semantics = [#tpu.dimension_semantics<core_parallel>, #tpu.dimension_semantics<subcore_parallel>], iteration_bounds = array<i64: 2, 16>, scalar_prefetch = 0 : i64, scratch_operands = 21 : i64, tpu.core_type = #tpu.core_type<sc_vector_subcore>, window_params = [{transform_indices = #map}, {transform_indices = #map}, {transform_indices = #map}, {transform_indices = #map}, {transform_indices = #map}]} {
    %mul3A = arith.constant 2 : i32
    %mul3A_0 = arith.muli %arg1, %mul3A : i32
    %add3A = arith.addi %mul3A_0, %arg0 : i32
    %mul3A_1 = arith.constant 131072 : i32
    %mul3A_2 = arith.muli %add3A, %mul3A_1 : i32
    %iota3A = tpu.iota {dimensions = array<i32: 0>} : vector<16xi32>
    %add3A_3 = arith.constant 0 : i32
    %add3A_4 = arith.addi %mul3A_2, %add3A_3 : i32
    %mul3A_5 = arith.constant 3 : i32
    %mul3A_6 = arith.muli %add3A_4, %mul3A_5 : i32
    %dma_start3A = arith.constant 0 : i32
    %dma_start3A_7 = tpu.memref_slice %arg4[%mul3A_6] : memref<12582912xf32, #tpu.memory_space<hbm>> -> memref<12288xf32, #tpu.memory_space<hbm>>
    %dma_start3A_8 = tpu.memref_slice %arg25[%dma_start3A] : memref<2x!tpu.dma_semaphore, #tpu.memory_space<semaphore_mem>> -> memref<1x!tpu.dma_semaphore, #tpu.memory_space<semaphore_mem>>
    %dma_start3A_9 = tpu.memref_squeeze %dma_start3A_8 : memref<1x!tpu.dma_semaphore, #tpu.memory_space<semaphore_mem>> -> memref<!tpu.dma_semaphore, #tpu.memory_space<semaphore_mem>>
    %dma_start3A_10 = tpu.memref_slice %arg4[%mul3A_6] : memref<12582912xf32, #tpu.memory_space<hbm>> -> memref<12288xf32, #tpu.memory_space<hbm>>
    tpu.enqueue_dma source(%dma_start3A_10 : memref<12288xf32, #tpu.memory_space<hbm>>) target(%arg7 : memref<12288xf32, #tpu.memory_space<vmem>>) target_semaphore(%dma_start3A_9 : memref<!tpu.dma_semaphore, #tpu.memory_space<semaphore_mem>>)
    %dma_start3A_11 = arith.constant 0 : i32
    %dma_start3A_12 = tpu.memref_slice %arg5[%add3A_4] : memref<4194304xf32, #tpu.memory_space<hbm>> -> memref<4096xf32, #tpu.memory_space<hbm>>
    %dma_start3A_13 = tpu.memref_slice %arg25[%dma_start3A_11] : memref<2x!tpu.dma_semaphore, #tpu.memory_space<semaphore_mem>> -> memref<1x!tpu.dma_semaphore, #tpu.memory_space<semaphore_mem>>
    %dma_start3A_14 = tpu.memref_squeeze %dma_start3A_13 : memref<1x!tpu.dma_semaphore, #tpu.memory_space<semaphore_mem>> -> memref<!tpu.dma_semaphore, #tpu.memory_space<semaphore_mem>>
    %dma_start3A_15 = tpu.memref_slice %arg5[%add3A_4] : memref<4194304xf32, #tpu.memory_space<hbm>> -> memref<4096xf32, #tpu.memory_space<hbm>>
    tpu.enqueue_dma source(%dma_start3A_15 : memref<4096xf32, #tpu.memory_space<hbm>>) target(%arg11 : memref<4096xf32, #tpu.memory_space<vmem>>) target_semaphore(%dma_start3A_14 : memref<!tpu.dma_semaphore, #tpu.memory_space<semaphore_mem>>)
    %add3A_16 = arith.constant 4096 : i32
    %add3A_17 = arith.addi %mul3A_2, %add3A_16 : i32
    %mul3A_18 = arith.constant 3 : i32
    %mul3A_19 = arith.muli %add3A_17, %mul3A_18 : i32
    %dma_start3A_20 = arith.constant 1 : i32
    %dma_start3A_21 = tpu.memref_slice %arg4[%mul3A_19] : memref<12582912xf32, #tpu.memory_space<hbm>> -> memref<12288xf32, #tpu.memory_space<hbm>>
    %dma_start3A_22 = tpu.memref_slice %arg25[%dma_start3A_20] : memref<2x!tpu.dma_semaphore, #tpu.memory_space<semaphore_mem>> -> memref<1x!tpu.dma_semaphore, #tpu.memory_space<semaphore_mem>>
    %dma_start3A_23 = tpu.memref_squeeze %dma_start3A_22 : memref<1x!tpu.dma_semaphore, #tpu.memory_space<semaphore_mem>> -> memref<!tpu.dma_semaphore, #tpu.memory_space<semaphore_mem>>
    %dma_start3A_24 = tpu.memref_slice %arg4[%mul3A_19] : memref<12582912xf32, #tpu.memory_space<hbm>> -> memref<12288xf32, #tpu.memory_space<hbm>>
    tpu.enqueue_dma source(%dma_start3A_24 : memref<12288xf32, #tpu.memory_space<hbm>>) target(%arg8 : memref<12288xf32, #tpu.memory_space<vmem>>) target_semaphore(%dma_start3A_23 : memref<!tpu.dma_semaphore, #tpu.memory_space<semaphore_mem>>)
    %dma_start3A_25 = arith.constant 1 : i32
    %dma_start3A_26 = tpu.memref_slice %arg5[%add3A_17] : memref<4194304xf32, #tpu.memory_space<hbm>> -> memref<4096xf32, #tpu.memory_space<hbm>>
    %dma_start3A_27 = tpu.memref_slice %arg25[%dma_start3A_25] : memref<2x!tpu.dma_semaphore, #tpu.memory_space<semaphore_mem>> -> memref<1x!tpu.dma_semaphore, #tpu.memory_space<semaphore_mem>>
    %dma_start3A_28 = tpu.memref_squeeze %dma_start3A_27 : memref<1x!tpu.dma_semaphore, #tpu.memory_space<semaphore_mem>> -> memref<!tpu.dma_semaphore, #tpu.memory_space<semaphore_mem>>
    %dma_start3A_29 = tpu.memref_slice %arg5[%add3A_17] : memref<4194304xf32, #tpu.memory_space<hbm>> -> memref<4096xf32, #tpu.memory_space<hbm>>
    tpu.enqueue_dma source(%dma_start3A_29 : memref<4096xf32, #tpu.memory_space<hbm>>) target(%arg12 : memref<4096xf32, #tpu.memory_space<vmem>>) target_semaphore(%dma_start3A_28 : memref<!tpu.dma_semaphore, #tpu.memory_space<semaphore_mem>>)
    %scan3A = arith.constant 0 : i32
    %scan3A_30 = arith.constant 8 : i32
    %scan3A_31 = arith.addi %scan3A, %scan3A_30 : i32
    %scan3A_32 = arith.constant 1 : i32
    scf.for %scan3A_238 = %scan3A to %scan3A_31 step %scan3A_32  : i32 {
      %mul3A_239 = arith.constant 4 : i32
      %mul3A_240 = arith.muli %mul3A_239, %scan3A_238 : i32
      %add3A_241 = arith.constant 0 : i32
      %add3A_242 = arith.addi %mul3A_240, %add3A_241 : i32
      %mul3A_243 = arith.constant 4096 : i32
      %mul3A_244 = arith.muli %add3A_242, %mul3A_243 : i32
      %add3A_245 = arith.addi %mul3A_2, %mul3A_244 : i32
      %mul3A_246 = arith.constant 3 : i32
      %mul3A_247 = arith.muli %add3A_245, %mul3A_246 : i32
      %dma_wait3A_248 = arith.constant 0 : i32
      %dma_wait3A_249 = tpu.memref_slice %arg4[%mul3A_247] : memref<12582912xf32, #tpu.memory_space<hbm>> -> memref<12288xf32, #tpu.memory_space<hbm>>
      %dma_wait3A_250 = tpu.memref_slice %arg25[%dma_wait3A_248] : memref<2x!tpu.dma_semaphore, #tpu.memory_space<semaphore_mem>> -> memref<1x!tpu.dma_semaphore, #tpu.memory_space<semaphore_mem>>
      %dma_wait3A_251 = tpu.memref_squeeze %dma_wait3A_250 : memref<1x!tpu.dma_semaphore, #tpu.memory_space<semaphore_mem>> -> memref<!tpu.dma_semaphore, #tpu.memory_space<semaphore_mem>>
      %dma_wait3A_252 = tpu.memref_slice %arg4[%mul3A_247] : memref<12582912xf32, #tpu.memory_space<hbm>> -> memref<12288xf32, #tpu.memory_space<hbm>>
      tpu.wait_dma2 semaphore(%dma_wait3A_251 : memref<!tpu.dma_semaphore, #tpu.memory_space<semaphore_mem>>) src(%dma_wait3A_252 : memref<12288xf32, #tpu.memory_space<hbm>>) dst(%arg7 : memref<12288xf32, #tpu.memory_space<vmem>>)
      %dma_wait3A_253 = arith.constant 0 : i32
      %dma_wait3A_254 = tpu.memref_slice %arg5[%add3A_245] : memref<4194304xf32, #tpu.memory_space<hbm>> -> memref<4096xf32, #tpu.memory_space<hbm>>
      %dma_wait3A_255 = tpu.memref_slice %arg25[%dma_wait3A_253] : memref<2x!tpu.dma_semaphore, #tpu.memory_space<semaphore_mem>> -> memref<1x!tpu.dma_semaphore, #tpu.memory_space<semaphore_mem>>
      %dma_wait3A_256 = tpu.memref_squeeze %dma_wait3A_255 : memref<1x!tpu.dma_semaphore, #tpu.memory_space<semaphore_mem>> -> memref<!tpu.dma_semaphore, #tpu.memory_space<semaphore_mem>>
      %dma_wait3A_257 = tpu.memref_slice %arg5[%add3A_245] : memref<4194304xf32, #tpu.memory_space<hbm>> -> memref<4096xf32, #tpu.memory_space<hbm>>
      tpu.wait_dma2 semaphore(%dma_wait3A_256 : memref<!tpu.dma_semaphore, #tpu.memory_space<semaphore_mem>>) src(%dma_wait3A_257 : memref<4096xf32, #tpu.memory_space<hbm>>) dst(%arg11 : memref<4096xf32, #tpu.memory_space<vmem>>)
      %add3A_258 = arith.constant 2 : i32
      %add3A_259 = arith.addi %add3A_242, %add3A_258 : i32
      %min3A = arith.constant 31 : i32
      %min3A_260 = arith.minsi %add3A_259, %min3A : i32
      %mul3A_261 = arith.constant 4096 : i32
      %mul3A_262 = arith.muli %min3A_260, %mul3A_261 : i32
      %add3A_263 = arith.addi %mul3A_2, %mul3A_262 : i32
      %mul3A_264 = arith.constant 3 : i32
      %mul3A_265 = arith.muli %add3A_263, %mul3A_264 : i32
      %dma_start3A_266 = arith.constant 0 : i32
      %dma_start3A_267 = tpu.memref_slice %arg4[%mul3A_265] : memref<12582912xf32, #tpu.memory_space<hbm>> -> memref<12288xf32, #tpu.memory_space<hbm>>
      %dma_start3A_268 = tpu.memref_slice %arg25[%dma_start3A_266] : memref<2x!tpu.dma_semaphore, #tpu.memory_space<semaphore_mem>> -> memref<1x!tpu.dma_semaphore, #tpu.memory_space<semaphore_mem>>
      %dma_start3A_269 = tpu.memref_squeeze %dma_start3A_268 : memref<1x!tpu.dma_semaphore, #tpu.memory_space<semaphore_mem>> -> memref<!tpu.dma_semaphore, #tpu.memory_space<semaphore_mem>>
      %dma_start3A_270 = tpu.memref_slice %arg4[%mul3A_265] : memref<12582912xf32, #tpu.memory_space<hbm>> -> memref<12288xf32, #tpu.memory_space<hbm>>
      tpu.enqueue_dma source(%dma_start3A_270 : memref<12288xf32, #tpu.memory_space<hbm>>) target(%arg9 : memref<12288xf32, #tpu.memory_space<vmem>>) target_semaphore(%dma_start3A_269 : memref<!tpu.dma_semaphore, #tpu.memory_space<semaphore_mem>>)
      %dma_start3A_271 = arith.constant 0 : i32
      %dma_start3A_272 = tpu.memref_slice %arg5[%add3A_263] : memref<4194304xf32, #tpu.memory_space<hbm>> -> memref<4096xf32, #tpu.memory_space<hbm>>
      %dma_start3A_273 = tpu.memref_slice %arg25[%dma_start3A_271] : memref<2x!tpu.dma_semaphore, #tpu.memory_space<semaphore_mem>> -> memref<1x!tpu.dma_semaphore, #tpu.memory_space<semaphore_mem>>
      %dma_start3A_274 = tpu.memref_squeeze %dma_start3A_273 : memref<1x!tpu.dma_semaphore, #tpu.memory_space<semaphore_mem>> -> memref<!tpu.dma_semaphore, #tpu.memory_space<semaphore_mem>>
      %dma_start3A_275 = tpu.memref_slice %arg5[%add3A_263] : memref<4194304xf32, #tpu.memory_space<hbm>> -> memref<4096xf32, #tpu.memory_space<hbm>>
      tpu.enqueue_dma source(%dma_start3A_275 : memref<4096xf32, #tpu.memory_space<hbm>>) target(%arg13 : memref<4096xf32, #tpu.memory_space<vmem>>) target_semaphore(%dma_start3A_274 : memref<!tpu.dma_semaphore, #tpu.memory_space<semaphore_mem>>)
      %scan3A_276 = arith.constant 0 : i32
      %scan3A_277 = arith.constant 256 : i32
      %scan3A_278 = arith.addi %scan3A_276, %scan3A_277 : i32
      %scan3A_279 = arith.constant 2 : i32
      scf.for %scan3A_1484 = %scan3A_276 to %scan3A_278 step %scan3A_279  : i32 {
        %mul3A_1485 = arith.constant 48 : i32
        %mul3A_1486 = arith.muli %scan3A_1484, %mul3A_1485 : i32
        %mul3A_1487 = arith.constant 3 : i32
        %mul3A_1488 = vector.broadcast %mul3A_1487 : i32 to vector<16xi32>
        %mul3A_1489 = arith.muli %iota3A, %mul3A_1488 : vector<16xi32>
        %add3A_1490 = vector.broadcast %mul3A_1486 : i32 to vector<16xi32>
        %add3A_1491 = arith.addi %add3A_1490, %mul3A_1489 : vector<16xi32>
        %gather3A = tpu.vector_load_idx %arg7[%add3A_1491] : memref<12288xf32, #tpu.memory_space<vmem>>[vector<16xi32>], vector<16xf32>,
        %add3A_1492 = arith.constant 1 : i32
        %add3A_1493 = vector.broadcast %add3A_1492 : i32 to vector<16xi32>
        %add3A_1494 = arith.addi %add3A_1491, %add3A_1493 : vector<16xi32>
        %gather3A_1495 = tpu.vector_load_idx %arg7[%add3A_1494] : memref<12288xf32, #tpu.memory_space<vmem>>[vector<16xi32>], vector<16xf32>,
        %add3A_1496 = arith.constant 2 : i32
        %add3A_1497 = vector.broadcast %add3A_1496 : i32 to vector<16xi32>
        %add3A_1498 = arith.addi %add3A_1491, %add3A_1497 : vector<16xi32>
        %gather3A_1499 = tpu.vector_load_idx %arg7[%add3A_1498] : memref<12288xf32, #tpu.memory_space<vmem>>[vector<16xi32>], vector<16xf32>,
        %abs3A = math.absf %gather3A : vector<16xf32>
        %abs3A_1500 = math.absf %gather3A_1495 : vector<16xf32>
        %max3A = arith.maximumf %abs3A, %abs3A_1500 : vector<16xf32>
        %abs3A_1501 = math.absf %gather3A_1499 : vector<16xf32>
        %max3A_1502 = arith.maximumf %max3A, %abs3A_1501 : vector<16xf32>
        %max3A_1503 = arith.constant 9.99999971E-10 : f32
        %max3A_1504 = vector.broadcast %max3A_1503 : f32 to vector<16xf32>
        %max3A_1505 = arith.maximumf %max3A_1502, %max3A_1504 : vector<16xf32>
        %div3A = arith.constant 1.000000e+00 : f32
        %div3A_1506 = vector.broadcast %div3A : f32 to vector<16xf32>
        %div3A_1507 = arith.divf %div3A_1506, %max3A_1505 : vector<16xf32>
        %le3A = arith.constant 1.000000e+00 : f32
        %le3A_1508 = vector.broadcast %le3A : f32 to vector<16xf32>
        %le3A_1509 = arith.cmpf ole, %max3A_1502, %le3A_1508 : vector<16xf32>
        %sub3A_1510 = arith.constant 2.000000e+00 : f32
        %sub3A_1511 = vector.broadcast %sub3A_1510 : f32 to vector<16xf32>
        %sub3A_1512 = arith.subf %sub3A_1511, %div3A_1507 : vector<16xf32>
        %mul3A_1513 = arith.mulf %sub3A_1512, %div3A_1507 : vector<16xf32>
        %jit3A = arith.constant 1.000000e+00 : f32
        %broadcast_in_dim3A = vector.broadcast %jit3A : f32 to vector<16xf32>
        %select_n3A = arith.select %le3A_1509, %broadcast_in_dim3A, %mul3A_1513 : vector<16xi1>, vector<16xf32>
        %mul3A_1514 = arith.mulf %gather3A_1499, %select_n3A : vector<16xf32>
        %mul3A_1515 = arith.mulf %gather3A, %select_n3A : vector<16xf32>
        %add3A_1516 = arith.constant 2.000000e+00 : f32
        %add3A_1517 = vector.broadcast %add3A_1516 : f32 to vector<16xf32>
        %add3A_1518 = arith.addf %mul3A_1515, %add3A_1517 : vector<16xf32>
        %mul3A_1519 = arith.constant 2.560000e+02 : f32
        %mul3A_1520 = vector.broadcast %mul3A_1519 : f32 to vector<16xf32>
        %mul3A_1521 = arith.mulf %add3A_1518, %mul3A_1520 : vector<16xf32>
        %min3A_1522 = arith.constant 1.023000e+03 : f32
        %min3A_1523 = vector.broadcast %min3A_1522 : f32 to vector<16xf32>
        %min3A_1524 = arith.minimumf %mul3A_1521, %min3A_1523 : vector<16xf32>
        %mul3A_1525 = arith.mulf %gather3A_1495, %select_n3A : vector<16xf32>
        %add3A_1526 = arith.constant 2.000000e+00 : f32
        %add3A_1527 = vector.broadcast %add3A_1526 : f32 to vector<16xf32>
        %add3A_1528 = arith.addf %mul3A_1525, %add3A_1527 : vector<16xf32>
        %mul3A_1529 = arith.constant 2.560000e+02 : f32
        %mul3A_1530 = vector.broadcast %mul3A_1529 : f32 to vector<16xf32>
        %mul3A_1531 = arith.mulf %add3A_1528, %mul3A_1530 : vector<16xf32>
        %min3A_1532 = arith.constant 1.023000e+03 : f32
        %min3A_1533 = vector.broadcast %min3A_1532 : f32 to vector<16xf32>
        %min3A_1534 = arith.minimumf %mul3A_1531, %min3A_1533 : vector<16xf32>
        %convert_element_type3A_1535 = arith.fptosi %min3A_1524 : vector<16xf32> to vector<16xi32>
        %mul3A_1536 = arith.constant 1024 : i32
        %mul3A_1537 = vector.broadcast %mul3A_1536 : i32 to vector<16xi32>
        %mul3A_1538 = arith.muli %convert_element_type3A_1535, %mul3A_1537 : vector<16xi32>
        %convert_element_type3A_1539 = arith.fptosi %min3A_1534 : vector<16xf32> to vector<16xi32>
        %add3A_1540 = arith.addi %mul3A_1538, %convert_element_type3A_1539 : vector<16xi32>
        %mul3A_1541 = arith.constant 16 : i32
        %mul3A_1542 = arith.muli %scan3A_1484, %mul3A_1541 : i32
        %swap3A = arith.index_cast %mul3A_1542 : i32 to index
        %swap3A_1543 = tpu.vector_load %arg15[%swap3A] {strides = array<i32>} : memref<4096xf32, #tpu.memory_space<vmem>>, vector<16xf32>,
        tpu.vector_store %arg15[%swap3A], %mul3A_1514 {strides = array<i32>} : memref<4096xf32, #tpu.memory_space<vmem>>, vector<16xf32>,
        %mul3A_1544 = arith.constant 16 : i32
        %mul3A_1545 = arith.muli %scan3A_1484, %mul3A_1544 : i32
        %swap3A_1546 = arith.index_cast %mul3A_1545 : i32 to index
        %swap3A_1547 = tpu.vector_load %arg17[%swap3A_1546] {strides = array<i32>} : memref<4096xi32, #tpu.memory_space<vmem>>, vector<16xi32>,
        tpu.vector_store %arg17[%swap3A_1546], %add3A_1540 {strides = array<i32>} : memref<4096xi32, #tpu.memory_space<vmem>>, vector<16xi32>,
        %scan3A_1548 = arith.constant 1 : i32
        %scan3A_1549 = arith.addi %scan3A_1484, %scan3A_1548 : i32
        %mul3A_1550 = arith.constant 48 : i32
        %mul3A_1551 = arith.muli %scan3A_1549, %mul3A_1550 : i32
        %mul3A_1552 = arith.constant 3 : i32
        %mul3A_1553 = vector.broadcast %mul3A_1552 : i32 to vector<16xi32>
        %mul3A_1554 = arith.muli %iota3A, %mul3A_1553 : vector<16xi32>
        %add3A_1555 = vector.broadcast %mul3A_1551 : i32 to vector<16xi32>
        %add3A_1556 = arith.addi %add3A_1555, %mul3A_1554 : vector<16xi32>
        %gather3A_1557 = tpu.vector_load_idx %arg7[%add3A_1556] : memref<12288xf32, #tpu.memory_space<vmem>>[vector<16xi32>], vector<16xf32>,
        %add3A_1558 = arith.constant 1 : i32
        %add3A_1559 = vector.broadcast %add3A_1558 : i32 to vector<16xi32>
        %add3A_1560 = arith.addi %add3A_1556, %add3A_1559 : vector<16xi32>
        %gather3A_1561 = tpu.vector_load_idx %arg7[%add3A_1560] : memref<12288xf32, #tpu.memory_space<vmem>>[vector<16xi32>], vector<16xf32>,
        %add3A_1562 = arith.constant 2 : i32
        %add3A_1563 = vector.broadcast %add3A_1562 : i32 to vector<16xi32>
        %add3A_1564 = arith.addi %add3A_1556, %add3A_1563 : vector<16xi32>
        %gather3A_1565 = tpu.vector_load_idx %arg7[%add3A_1564] : memref<12288xf32, #tpu.memory_space<vmem>>[vector<16xi32>], vector<16xf32>,
        %abs3A_1566 = math.absf %gather3A_1557 : vector<16xf32>
        %abs3A_1567 = math.absf %gather3A_1561 : vector<16xf32>
        %max3A_1568 = arith.maximumf %abs3A_1566, %abs3A_1567 : vector<16xf32>
        %abs3A_1569 = math.absf %gather3A_1565 : vector<16xf32>
        %max3A_1570 = arith.maximumf %max3A_1568, %abs3A_1569 : vector<16xf32>
        %max3A_1571 = arith.constant 9.99999971E-10 : f32
        %max3A_1572 = vector.broadcast %max3A_1571 : f32 to vector<16xf32>
        %max3A_1573 = arith.maximumf %max3A_1570, %max3A_1572 : vector<16xf32>
        %div3A_1574 = arith.constant 1.000000e+00 : f32
        %div3A_1575 = vector.broadcast %div3A_1574 : f32 to vector<16xf32>
        %div3A_1576 = arith.divf %div3A_1575, %max3A_1573 : vector<16xf32>
        %le3A_1577 = arith.constant 1.000000e+00 : f32
        %le3A_1578 = vector.broadcast %le3A_1577 : f32 to vector<16xf32>
        %le3A_1579 = arith.cmpf ole, %max3A_1570, %le3A_1578 : vector<16xf32>
        %sub3A_1580 = arith.constant 2.000000e+00 : f32
        %sub3A_1581 = vector.broadcast %sub3A_1580 : f32 to vector<16xf32>
        %sub3A_1582 = arith.subf %sub3A_1581, %div3A_1576 : vector<16xf32>
        %mul3A_1583 = arith.mulf %sub3A_1582, %div3A_1576 : vector<16xf32>
        %jit3A_1584 = arith.constant 1.000000e+00 : f32
        %broadcast_in_dim3A_1585 = vector.broadcast %jit3A_1584 : f32 to vector<16xf32>
        %select_n3A_1586 = arith.select %le3A_1579, %broadcast_in_dim3A_1585, %mul3A_1583 : vector<16xi1>, vector<16xf32>
        %mul3A_1587 = arith.mulf %gather3A_1565, %select_n3A_1586 : vector<16xf32>
        %mul3A_1588 = arith.mulf %gather3A_1557, %select_n3A_1586 : vector<16xf32>
        %add3A_1589 = arith.constant 2.000000e+00 : f32
        %add3A_1590 = vector.broadcast %add3A_1589 : f32 to vector<16xf32>
        %add3A_1591 = arith.addf %mul3A_1588, %add3A_1590 : vector<16xf32>
        %mul3A_1592 = arith.constant 2.560000e+02 : f32
        %mul3A_1593 = vector.broadcast %mul3A_1592 : f32 to vector<16xf32>
        %mul3A_1594 = arith.mulf %add3A_1591, %mul3A_1593 : vector<16xf32>
        %min3A_1595 = arith.constant 1.023000e+03 : f32
        %min3A_1596 = vector.broadcast %min3A_1595 : f32 to vector<16xf32>
        %min3A_1597 = arith.minimumf %mul3A_1594, %min3A_1596 : vector<16xf32>
        %mul3A_1598 = arith.mulf %gather3A_1561, %select_n3A_1586 : vector<16xf32>
        %add3A_1599 = arith.constant 2.000000e+00 : f32
        %add3A_1600 = vector.broadcast %add3A_1599 : f32 to vector<16xf32>
        %add3A_1601 = arith.addf %mul3A_1598, %add3A_1600 : vector<16xf32>
        %mul3A_1602 = arith.constant 2.560000e+02 : f32
        %mul3A_1603 = vector.broadcast %mul3A_1602 : f32 to vector<16xf32>
        %mul3A_1604 = arith.mulf %add3A_1601, %mul3A_1603 : vector<16xf32>
        %min3A_1605 = arith.constant 1.023000e+03 : f32
        %min3A_1606 = vector.broadcast %min3A_1605 : f32 to vector<16xf32>
        %min3A_1607 = arith.minimumf %mul3A_1604, %min3A_1606 : vector<16xf32>
        %convert_element_type3A_1608 = arith.fptosi %min3A_1597 : vector<16xf32> to vector<16xi32>
        %mul3A_1609 = arith.constant 1024 : i32
        %mul3A_1610 = vector.broadcast %mul3A_1609 : i32 to vector<16xi32>
        %mul3A_1611 = arith.muli %convert_element_type3A_1608, %mul3A_1610 : vector<16xi32>
        %convert_element_type3A_1612 = arith.fptosi %min3A_1607 : vector<16xf32> to vector<16xi32>
        %add3A_1613 = arith.addi %mul3A_1611, %convert_element_type3A_1612 : vector<16xi32>
        %mul3A_1614 = arith.constant 16 : i32
        %mul3A_1615 = arith.muli %scan3A_1549, %mul3A_1614 : i32
        %swap3A_1616 = arith.index_cast %mul3A_1615 : i32 to index
        %swap3A_1617 = tpu.vector_load %arg15[%swap3A_1616] {strides = array<i32>} : memref<4096xf32, #tpu.memory_space<vmem>>, vector<16xf32>,
        tpu.vector_store %arg15[%swap3A_1616], %mul3A_1587 {strides = array<i32>} : memref<4096xf32, #tpu.memory_space<vmem>>, vector<16xf32>,
        %mul3A_1618 = arith.constant 16 : i32
        %mul3A_1619 = arith.muli %scan3A_1549, %mul3A_1618 : i32
        %swap3A_1620 = arith.index_cast %mul3A_1619 : i32 to index
        %swap3A_1621 = tpu.vector_load %arg17[%swap3A_1620] {strides = array<i32>} : memref<4096xi32, #tpu.memory_space<vmem>>, vector<16xi32>,
        tpu.vector_store %arg17[%swap3A_1620], %add3A_1613 {strides = array<i32>} : memref<4096xi32, #tpu.memory_space<vmem>>, vector<16xi32>,
      }
      %scan3A_280 = arith.constant 256 : i32
      %dma_start3A_281 = arith.constant 0 : i32
      %dma_start3A_282 = arith.constant 0 : i32
      %dma_start3A_283 = tpu.memref_slice %arg19[%dma_start3A_282] : memref<4096xf32, #tpu.memory_space<vmem>> -> memref<512xf32, #tpu.memory_space<vmem>>
      %dma_start3A_284 = arith.constant 0 : i32
      %dma_start3A_285 = tpu.memref_slice %arg17[%dma_start3A_284] : memref<4096xi32, #tpu.memory_space<vmem>> -> memref<512xi32, #tpu.memory_space<vmem>>
      %dma_start3A_286 = arith.constant 0 : i32
      %dma_start3A_287 = tpu.memref_slice %arg2[%dma_start3A_286] : memref<1048576xf32, #tpu.memory_space<hbm>> -> memref<1048576xf32, #tpu.memory_space<hbm>>
      %dma_start3A_288 = tpu.memref_slice %arg26[%dma_start3A_281] : memref<2x!tpu.dma_semaphore, #tpu.memory_space<semaphore_mem>> -> memref<1x!tpu.dma_semaphore, #tpu.memory_space<semaphore_mem>>
      %dma_start3A_289 = tpu.memref_squeeze %dma_start3A_288 : memref<1x!tpu.dma_semaphore, #tpu.memory_space<semaphore_mem>> -> memref<!tpu.dma_semaphore, #tpu.memory_space<semaphore_mem>>
      tpu.enqueue_indirect_dma source(%dma_start3A_287 : memref<1048576xf32, #tpu.memory_space<hbm>>) target(%dma_start3A_283 : memref<512xf32, #tpu.memory_space<vmem>>) offsets(%dma_start3A_285 : memref<512xi32, #tpu.memory_space<vmem>>) semaphore(%dma_start3A_289 : memref<!tpu.dma_semaphore, #tpu.memory_space<semaphore_mem>>)
      %dma_start3A_290 = arith.constant 0 : i32
      %dma_start3A_291 = arith.constant 0 : i32
      %dma_start3A_292 = tpu.memref_slice %arg21[%dma_start3A_291] : memref<4096xf32, #tpu.memory_space<vmem>> -> memref<512xf32, #tpu.memory_space<vmem>>
      %dma_start3A_293 = arith.constant 0 : i32
      %dma_start3A_294 = tpu.memref_slice %arg17[%dma_start3A_293] : memref<4096xi32, #tpu.memory_space<vmem>> -> memref<512xi32, #tpu.memory_space<vmem>>
      %dma_start3A_295 = arith.constant 0 : i32
      %dma_start3A_296 = tpu.memref_slice %arg3[%dma_start3A_295] : memref<1048576xf32, #tpu.memory_space<hbm>> -> memref<1048576xf32, #tpu.memory_space<hbm>>
      %dma_start3A_297 = tpu.memref_slice %arg26[%dma_start3A_290] : memref<2x!tpu.dma_semaphore, #tpu.memory_space<semaphore_mem>> -> memref<1x!tpu.dma_semaphore, #tpu.memory_space<semaphore_mem>>
      %dma_start3A_298 = tpu.memref_squeeze %dma_start3A_297 : memref<1x!tpu.dma_semaphore, #tpu.memory_space<semaphore_mem>> -> memref<!tpu.dma_semaphore, #tpu.memory_space<semaphore_mem>>
      tpu.enqueue_indirect_dma source(%dma_start3A_296 : memref<1048576xf32, #tpu.memory_space<hbm>>) target(%dma_start3A_292 : memref<512xf32, #tpu.memory_space<vmem>>) offsets(%dma_start3A_294 : memref<512xi32, #tpu.memory_space<vmem>>) semaphore(%dma_start3A_298 : memref<!tpu.dma_semaphore, #tpu.memory_space<semaphore_mem>>)
      %dma_start3A_299 = arith.constant 0 : i32
      %dma_start3A_300 = arith.constant 512 : i32
      %dma_start3A_301 = tpu.memref_slice %arg19[%dma_start3A_300] : memref<4096xf32, #tpu.memory_space<vmem>> -> memref<512xf32, #tpu.memory_space<vmem>>
      %dma_start3A_302 = arith.constant 512 : i32
      %dma_start3A_303 = tpu.memref_slice %arg17[%dma_start3A_302] : memref<4096xi32, #tpu.memory_space<vmem>> -> memref<512xi32, #tpu.memory_space<vmem>>
      %dma_start3A_304 = arith.constant 0 : i32
      %dma_start3A_305 = tpu.memref_slice %arg2[%dma_start3A_304] : memref<1048576xf32, #tpu.memory_space<hbm>> -> memref<1048576xf32, #tpu.memory_space<hbm>>
      %dma_start3A_306 = tpu.memref_slice %arg26[%dma_start3A_299] : memref<2x!tpu.dma_semaphore, #tpu.memory_space<semaphore_mem>> -> memref<1x!tpu.dma_semaphore, #tpu.memory_space<semaphore_mem>>
      %dma_start3A_307 = tpu.memref_squeeze %dma_start3A_306 : memref<1x!tpu.dma_semaphore, #tpu.memory_space<semaphore_mem>> -> memref<!tpu.dma_semaphore, #tpu.memory_space<semaphore_mem>>
      tpu.enqueue_indirect_dma source(%dma_start3A_305 : memref<1048576xf32, #tpu.memory_space<hbm>>) target(%dma_start3A_301 : memref<512xf32, #tpu.memory_space<vmem>>) offsets(%dma_start3A_303 : memref<512xi32, #tpu.memory_space<vmem>>) semaphore(%dma_start3A_307 : memref<!tpu.dma_semaphore, #tpu.memory_space<semaphore_mem>>)
      %dma_start3A_308 = arith.constant 0 : i32
      %dma_start3A_309 = arith.constant 512 : i32
      %dma_start3A_310 = tpu.memref_slice %arg21[%dma_start3A_309] : memref<4096xf32, #tpu.memory_space<vmem>> -> memref<512xf32, #tpu.memory_space<vmem>>
      %dma_start3A_311 = arith.constant 512 : i32
      %dma_start3A_312 = tpu.memref_slice %arg17[%dma_start3A_311] : memref<4096xi32, #tpu.memory_space<vmem>> -> memref<512xi32, #tpu.memory_space<vmem>>
      %dma_start3A_313 = arith.constant 0 : i32
      %dma_start3A_314 = tpu.memref_slice %arg3[%dma_start3A_313] : memref<1048576xf32, #tpu.memory_space<hbm>> -> memref<1048576xf32, #tpu.memory_space<hbm>>
      %dma_start3A_315 = tpu.memref_slice %arg26[%dma_start3A_308] : memref<2x!tpu.dma_semaphore, #tpu.memory_space<semaphore_mem>> -> memref<1x!tpu.dma_semaphore, #tpu.memory_space<semaphore_mem>>
      %dma_start3A_316 = tpu.memref_squeeze %dma_start3A_315 : memref<1x!tpu.dma_semaphore, #tpu.memory_space<semaphore_mem>> -> memref<!tpu.dma_semaphore, #tpu.memory_space<semaphore_mem>>
      tpu.enqueue_indirect_dma source(%dma_start3A_314 : memref<1048576xf32, #tpu.memory_space<hbm>>) target(%dma_start3A_310 : memref<512xf32, #tpu.memory_space<vmem>>) offsets(%dma_start3A_312 : memref<512xi32, #tpu.memory_space<vmem>>) semaphore(%dma_start3A_316 : memref<!tpu.dma_semaphore, #tpu.memory_space<semaphore_mem>>)
      %dma_start3A_317 = arith.constant 0 : i32
      %dma_start3A_318 = arith.constant 1024 : i32
      %dma_start3A_319 = tpu.memref_slice %arg19[%dma_start3A_318] : memref<4096xf32, #tpu.memory_space<vmem>> -> memref<512xf32, #tpu.memory_space<vmem>>
      %dma_start3A_320 = arith.constant 1024 : i32
      %dma_start3A_321 = tpu.memref_slice %arg17[%dma_start3A_320] : memref<4096xi32, #tpu.memory_space<vmem>> -> memref<512xi32, #tpu.memory_space<vmem>>
      %dma_start3A_322 = arith.constant 0 : i32
      %dma_start3A_323 = tpu.memref_slice %arg2[%dma_start3A_322] : memref<1048576xf32, #tpu.memory_space<hbm>> -> memref<1048576xf32, #tpu.memory_space<hbm>>
      %dma_start3A_324 = tpu.memref_slice %arg26[%dma_start3A_317] : memref<2x!tpu.dma_semaphore, #tpu.memory_space<semaphore_mem>> -> memref<1x!tpu.dma_semaphore, #tpu.memory_space<semaphore_mem>>
      %dma_start3A_325 = tpu.memref_squeeze %dma_start3A_324 : memref<1x!tpu.dma_semaphore, #tpu.memory_space<semaphore_mem>> -> memref<!tpu.dma_semaphore, #tpu.memory_space<semaphore_mem>>
      tpu.enqueue_indirect_dma source(%dma_start3A_323 : memref<1048576xf32, #tpu.memory_space<hbm>>) target(%dma_start3A_319 : memref<512xf32, #tpu.memory_space<vmem>>) offsets(%dma_start3A_321 : memref<512xi32, #tpu.memory_space<vmem>>) semaphore(%dma_start3A_325 : memref<!tpu.dma_semaphore, #tpu.memory_space<semaphore_mem>>)
      %dma_start3A_326 = arith.constant 0 : i32
      %dma_start3A_327 = arith.constant 1024 : i32
      %dma_start3A_328 = tpu.memref_slice %arg21[%dma_start3A_327] : memref<4096xf32, #tpu.memory_space<vmem>> -> memref<512xf32, #tpu.memory_space<vmem>>
      %dma_start3A_329 = arith.constant 1024 : i32
      %dma_start3A_330 = tpu.memref_slice %arg17[%dma_start3A_329] : memref<4096xi32, #tpu.memory_space<vmem>> -> memref<512xi32, #tpu.memory_space<vmem>>
      %dma_start3A_331 = arith.constant 0 : i32
      %dma_start3A_332 = tpu.memref_slice %arg3[%dma_start3A_331] : memref<1048576xf32, #tpu.memory_space<hbm>> -> memref<1048576xf32, #tpu.memory_space<hbm>>
      %dma_start3A_333 = tpu.memref_slice %arg26[%dma_start3A_326] : memref<2x!tpu.dma_semaphore, #tpu.memory_space<semaphore_mem>> -> memref<1x!tpu.dma_semaphore, #tpu.memory_space<semaphore_mem>>
      %dma_start3A_334 = tpu.memref_squeeze %dma_start3A_333 : memref<1x!tpu.dma_semaphore, #tpu.memory_space<semaphore_mem>> -> memref<!tpu.dma_semaphore, #tpu.memory_space<semaphore_mem>>
      tpu.enqueue_indirect_dma source(%dma_start3A_332 : memref<1048576xf32, #tpu.memory_space<hbm>>) target(%dma_start3A_328 : memref<512xf32, #tpu.memory_space<vmem>>) offsets(%dma_start3A_330 : memref<512xi32, #tpu.memory_space<vmem>>) semaphore(%dma_start3A_334 : memref<!tpu.dma_semaphore, #tpu.memory_space<semaphore_mem>>)
      %dma_start3A_335 = arith.constant 0 : i32
      %dma_start3A_336 = arith.constant 1536 : i32
      %dma_start3A_337 = tpu.memref_slice %arg19[%dma_start3A_336] : memref<4096xf32, #tpu.memory_space<vmem>> -> memref<512xf32, #tpu.memory_space<vmem>>
      %dma_start3A_338 = arith.constant 1536 : i32
      %dma_start3A_339 = tpu.memref_slice %arg17[%dma_start3A_338] : memref<4096xi32, #tpu.memory_space<vmem>> -> memref<512xi32, #tpu.memory_space<vmem>>
      %dma_start3A_340 = arith.constant 0 : i32
      %dma_start3A_341 = tpu.memref_slice %arg2[%dma_start3A_340] : memref<1048576xf32, #tpu.memory_space<hbm>> -> memref<1048576xf32, #tpu.memory_space<hbm>>
      %dma_start3A_342 = tpu.memref_slice %arg26[%dma_start3A_335] : memref<2x!tpu.dma_semaphore, #tpu.memory_space<semaphore_mem>> -> memref<1x!tpu.dma_semaphore, #tpu.memory_space<semaphore_mem>>
      %dma_start3A_343 = tpu.memref_squeeze %dma_start3A_342 : memref<1x!tpu.dma_semaphore, #tpu.memory_space<semaphore_mem>> -> memref<!tpu.dma_semaphore, #tpu.memory_space<semaphore_mem>>
      tpu.enqueue_indirect_dma source(%dma_start3A_341 : memref<1048576xf32, #tpu.memory_space<hbm>>) target(%dma_start3A_337 : memref<512xf32, #tpu.memory_space<vmem>>) offsets(%dma_start3A_339 : memref<512xi32, #tpu.memory_space<vmem>>) semaphore(%dma_start3A_343 : memref<!tpu.dma_semaphore, #tpu.memory_space<semaphore_mem>>)
      %dma_start3A_344 = arith.constant 0 : i32
      %dma_start3A_345 = arith.constant 1536 : i32
      %dma_start3A_346 = tpu.memref_slice %arg21[%dma_start3A_345] : memref<4096xf32, #tpu.memory_space<vmem>> -> memref<512xf32, #tpu.memory_space<vmem>>
      %dma_start3A_347 = arith.constant 1536 : i32
      %dma_start3A_348 = tpu.memref_slice %arg17[%dma_start3A_347] : memref<4096xi32, #tpu.memory_space<vmem>> -> memref<512xi32, #tpu.memory_space<vmem>>
      %dma_start3A_349 = arith.constant 0 : i32
      %dma_start3A_350 = tpu.memref_slice %arg3[%dma_start3A_349] : memref<1048576xf32, #tpu.memory_space<hbm>> -> memref<1048576xf32, #tpu.memory_space<hbm>>
      %dma_start3A_351 = tpu.memref_slice %arg26[%dma_start3A_344] : memref<2x!tpu.dma_semaphore, #tpu.memory_space<semaphore_mem>> -> memref<1x!tpu.dma_semaphore, #tpu.memory_space<semaphore_mem>>
      %dma_start3A_352 = tpu.memref_squeeze %dma_start3A_351 : memref<1x!tpu.dma_semaphore, #tpu.memory_space<semaphore_mem>> -> memref<!tpu.dma_semaphore, #tpu.memory_space<semaphore_mem>>
      tpu.enqueue_indirect_dma source(%dma_start3A_350 : memref<1048576xf32, #tpu.memory_space<hbm>>) target(%dma_start3A_346 : memref<512xf32, #tpu.memory_space<vmem>>) offsets(%dma_start3A_348 : memref<512xi32, #tpu.memory_space<vmem>>) semaphore(%dma_start3A_352 : memref<!tpu.dma_semaphore, #tpu.memory_space<semaphore_mem>>)
      %dma_start3A_353 = arith.constant 0 : i32
      %dma_start3A_354 = arith.constant 2048 : i32
      %dma_start3A_355 = tpu.memref_slice %arg19[%dma_start3A_354] : memref<4096xf32, #tpu.memory_space<vmem>> -> memref<512xf32, #tpu.memory_space<vmem>>
      %dma_start3A_356 = arith.constant 2048 : i32
      %dma_start3A_357 = tpu.memref_slice %arg17[%dma_start3A_356] : memref<4096xi32, #tpu.memory_space<vmem>> -> memref<512xi32, #tpu.memory_space<vmem>>
      %dma_start3A_358 = arith.constant 0 : i32
      %dma_start3A_359 = tpu.memref_slice %arg2[%dma_start3A_358] : memref<1048576xf32, #tpu.memory_space<hbm>> -> memref<1048576xf32, #tpu.memory_space<hbm>>
      %dma_start3A_360 = tpu.memref_slice %arg26[%dma_start3A_353] : memref<2x!tpu.dma_semaphore, #tpu.memory_space<semaphore_mem>> -> memref<1x!tpu.dma_semaphore, #tpu.memory_space<semaphore_mem>>
      %dma_start3A_361 = tpu.memref_squeeze %dma_start3A_360 : memref<1x!tpu.dma_semaphore, #tpu.memory_space<semaphore_mem>> -> memref<!tpu.dma_semaphore, #tpu.memory_space<semaphore_mem>>
      tpu.enqueue_indirect_dma source(%dma_start3A_359 : memref<1048576xf32, #tpu.memory_space<hbm>>) target(%dma_start3A_355 : memref<512xf32, #tpu.memory_space<vmem>>) offsets(%dma_start3A_357 : memref<512xi32, #tpu.memory_space<vmem>>) semaphore(%dma_start3A_361 : memref<!tpu.dma_semaphore, #tpu.memory_space<semaphore_mem>>)
      %dma_start3A_362 = arith.constant 0 : i32
      %dma_start3A_363 = arith.constant 2048 : i32
      %dma_start3A_364 = tpu.memref_slice %arg21[%dma_start3A_363] : memref<4096xf32, #tpu.memory_space<vmem>> -> memref<512xf32, #tpu.memory_space<vmem>>
      %dma_start3A_365 = arith.constant 2048 : i32
      %dma_start3A_366 = tpu.memref_slice %arg17[%dma_start3A_365] : memref<4096xi32, #tpu.memory_space<vmem>> -> memref<512xi32, #tpu.memory_space<vmem>>
      %dma_start3A_367 = arith.constant 0 : i32
      %dma_start3A_368 = tpu.memref_slice %arg3[%dma_start3A_367] : memref<1048576xf32, #tpu.memory_space<hbm>> -> memref<1048576xf32, #tpu.memory_space<hbm>>
      %dma_start3A_369 = tpu.memref_slice %arg26[%dma_start3A_362] : memref<2x!tpu.dma_semaphore, #tpu.memory_space<semaphore_mem>> -> memref<1x!tpu.dma_semaphore, #tpu.memory_space<semaphore_mem>>
      %dma_start3A_370 = tpu.memref_squeeze %dma_start3A_369 : memref<1x!tpu.dma_semaphore, #tpu.memory_space<semaphore_mem>> -> memref<!tpu.dma_semaphore, #tpu.memory_space<semaphore_mem>>
      tpu.enqueue_indirect_dma source(%dma_start3A_368 : memref<1048576xf32, #tpu.memory_space<hbm>>) target(%dma_start3A_364 : memref<512xf32, #tpu.memory_space<vmem>>) offsets(%dma_start3A_366 : memref<512xi32, #tpu.memory_space<vmem>>) semaphore(%dma_start3A_370 : memref<!tpu.dma_semaphore, #tpu.memory_space<semaphore_mem>>)
      %dma_start3A_371 = arith.constant 0 : i32
      %dma_start3A_372 = arith.constant 2560 : i32
      %dma_start3A_373 = tpu.memref_slice %arg19[%dma_start3A_372] : memref<4096xf32, #tpu.memory_space<vmem>> -> memref<512xf32, #tpu.memory_space<vmem>>
      %dma_start3A_374 = arith.constant 2560 : i32
      %dma_start3A_375 = tpu.memref_slice %arg17[%dma_start3A_374] : memref<4096xi32, #tpu.memory_space<vmem>> -> memref<512xi32, #tpu.memory_space<vmem>>
      %dma_start3A_376 = arith.constant 0 : i32
      %dma_start3A_377 = tpu.memref_slice %arg2[%dma_start3A_376] : memref<1048576xf32, #tpu.memory_space<hbm>> -> memref<1048576xf32, #tpu.memory_space<hbm>>
      %dma_start3A_378 = tpu.memref_slice %arg26[%dma_start3A_371] : memref<2x!tpu.dma_semaphore, #tpu.memory_space<semaphore_mem>> -> memref<1x!tpu.dma_semaphore, #tpu.memory_space<semaphore_mem>>
      %dma_start3A_379 = tpu.memref_squeeze %dma_start3A_378 : memref<1x!tpu.dma_semaphore, #tpu.memory_space<semaphore_mem>> -> memref<!tpu.dma_semaphore, #tpu.memory_space<semaphore_mem>>
      tpu.enqueue_indirect_dma source(%dma_start3A_377 : memref<1048576xf32, #tpu.memory_space<hbm>>) target(%dma_start3A_373 : memref<512xf32, #tpu.memory_space<vmem>>) offsets(%dma_start3A_375 : memref<512xi32, #tpu.memory_space<vmem>>) semaphore(%dma_start3A_379 : memref<!tpu.dma_semaphore, #tpu.memory_space<semaphore_mem>>)
      %dma_start3A_380 = arith.constant 0 : i32
      %dma_start3A_381 = arith.constant 2560 : i32
      %dma_start3A_382 = tpu.memref_slice %arg21[%dma_start3A_381] : memref<4096xf32, #tpu.memory_space<vmem>> -> memref<512xf32, #tpu.memory_space<vmem>>
      %dma_start3A_383 = arith.constant 2560 : i32
      %dma_start3A_384 = tpu.memref_slice %arg17[%dma_start3A_383] : memref<4096xi32, #tpu.memory_space<vmem>> -> memref<512xi32, #tpu.memory_space<vmem>>
      %dma_start3A_385 = arith.constant 0 : i32
      %dma_start3A_386 = tpu.memref_slice %arg3[%dma_start3A_385] : memref<1048576xf32, #tpu.memory_space<hbm>> -> memref<1048576xf32, #tpu.memory_space<hbm>>
      %dma_start3A_387 = tpu.memref_slice %arg26[%dma_start3A_380] : memref<2x!tpu.dma_semaphore, #tpu.memory_space<semaphore_mem>> -> memref<1x!tpu.dma_semaphore, #tpu.memory_space<semaphore_mem>>
      %dma_start3A_388 = tpu.memref_squeeze %dma_start3A_387 : memref<1x!tpu.dma_semaphore, #tpu.memory_space<semaphore_mem>> -> memref<!tpu.dma_semaphore, #tpu.memory_space<semaphore_mem>>
      tpu.enqueue_indirect_dma source(%dma_start3A_386 : memref<1048576xf32, #tpu.memory_space<hbm>>) target(%dma_start3A_382 : memref<512xf32, #tpu.memory_space<vmem>>) offsets(%dma_start3A_384 : memref<512xi32, #tpu.memory_space<vmem>>) semaphore(%dma_start3A_388 : memref<!tpu.dma_semaphore, #tpu.memory_space<semaphore_mem>>)
      %dma_start3A_389 = arith.constant 0 : i32
      %dma_start3A_390 = arith.constant 3072 : i32
      %dma_start3A_391 = tpu.memref_slice %arg19[%dma_start3A_390] : memref<4096xf32, #tpu.memory_space<vmem>> -> memref<512xf32, #tpu.memory_space<vmem>>
      %dma_start3A_392 = arith.constant 3072 : i32
      %dma_start3A_393 = tpu.memref_slice %arg17[%dma_start3A_392] : memref<4096xi32, #tpu.memory_space<vmem>> -> memref<512xi32, #tpu.memory_space<vmem>>
      %dma_start3A_394 = arith.constant 0 : i32
      %dma_start3A_395 = tpu.memref_slice %arg2[%dma_start3A_394] : memref<1048576xf32, #tpu.memory_space<hbm>> -> memref<1048576xf32, #tpu.memory_space<hbm>>
      %dma_start3A_396 = tpu.memref_slice %arg26[%dma_start3A_389] : memref<2x!tpu.dma_semaphore, #tpu.memory_space<semaphore_mem>> -> memref<1x!tpu.dma_semaphore, #tpu.memory_space<semaphore_mem>>
      %dma_start3A_397 = tpu.memref_squeeze %dma_start3A_396 : memref<1x!tpu.dma_semaphore, #tpu.memory_space<semaphore_mem>> -> memref<!tpu.dma_semaphore, #tpu.memory_space<semaphore_mem>>
      tpu.enqueue_indirect_dma source(%dma_start3A_395 : memref<1048576xf32, #tpu.memory_space<hbm>>) target(%dma_start3A_391 : memref<512xf32, #tpu.memory_space<vmem>>) offsets(%dma_start3A_393 : memref<512xi32, #tpu.memory_space<vmem>>) semaphore(%dma_start3A_397 : memref<!tpu.dma_semaphore, #tpu.memory_space<semaphore_mem>>)
      %dma_start3A_398 = arith.constant 0 : i32
      %dma_start3A_399 = arith.constant 3072 : i32
      %dma_start3A_400 = tpu.memref_slice %arg21[%dma_start3A_399] : memref<4096xf32, #tpu.memory_space<vmem>> -> memref<512xf32, #tpu.memory_space<vmem>>
      %dma_start3A_401 = arith.constant 3072 : i32
      %dma_start3A_402 = tpu.memref_slice %arg17[%dma_start3A_401] : memref<4096xi32, #tpu.memory_space<vmem>> -> memref<512xi32, #tpu.memory_space<vmem>>
      %dma_start3A_403 = arith.constant 0 : i32
      %dma_start3A_404 = tpu.memref_slice %arg3[%dma_start3A_403] : memref<1048576xf32, #tpu.memory_space<hbm>> -> memref<1048576xf32, #tpu.memory_space<hbm>>
      %dma_start3A_405 = tpu.memref_slice %arg26[%dma_start3A_398] : memref<2x!tpu.dma_semaphore, #tpu.memory_space<semaphore_mem>> -> memref<1x!tpu.dma_semaphore, #tpu.memory_space<semaphore_mem>>
      %dma_start3A_406 = tpu.memref_squeeze %dma_start3A_405 : memref<1x!tpu.dma_semaphore, #tpu.memory_space<semaphore_mem>> -> memref<!tpu.dma_semaphore, #tpu.memory_space<semaphore_mem>>
      tpu.enqueue_indirect_dma source(%dma_start3A_404 : memref<1048576xf32, #tpu.memory_space<hbm>>) target(%dma_start3A_400 : memref<512xf32, #tpu.memory_space<vmem>>) offsets(%dma_start3A_402 : memref<512xi32, #tpu.memory_space<vmem>>) semaphore(%dma_start3A_406 : memref<!tpu.dma_semaphore, #tpu.memory_space<semaphore_mem>>)
      %dma_start3A_407 = arith.constant 0 : i32
      %dma_start3A_408 = arith.constant 3584 : i32
      %dma_start3A_409 = tpu.memref_slice %arg19[%dma_start3A_408] : memref<4096xf32, #tpu.memory_space<vmem>> -> memref<512xf32, #tpu.memory_space<vmem>>
      %dma_start3A_410 = arith.constant 3584 : i32
      %dma_start3A_411 = tpu.memref_slice %arg17[%dma_start3A_410] : memref<4096xi32, #tpu.memory_space<vmem>> -> memref<512xi32, #tpu.memory_space<vmem>>
      %dma_start3A_412 = arith.constant 0 : i32
      %dma_start3A_413 = tpu.memref_slice %arg2[%dma_start3A_412] : memref<1048576xf32, #tpu.memory_space<hbm>> -> memref<1048576xf32, #tpu.memory_space<hbm>>
      %dma_start3A_414 = tpu.memref_slice %arg26[%dma_start3A_407] : memref<2x!tpu.dma_semaphore, #tpu.memory_space<semaphore_mem>> -> memref<1x!tpu.dma_semaphore, #tpu.memory_space<semaphore_mem>>
      %dma_start3A_415 = tpu.memref_squeeze %dma_start3A_414 : memref<1x!tpu.dma_semaphore, #tpu.memory_space<semaphore_mem>> -> memref<!tpu.dma_semaphore, #tpu.memory_space<semaphore_mem>>
      tpu.enqueue_indirect_dma source(%dma_start3A_413 : memref<1048576xf32, #tpu.memory_space<hbm>>) target(%dma_start3A_409 : memref<512xf32, #tpu.memory_space<vmem>>) offsets(%dma_start3A_411 : memref<512xi32, #tpu.memory_space<vmem>>) semaphore(%dma_start3A_415 : memref<!tpu.dma_semaphore, #tpu.memory_space<semaphore_mem>>)
      %dma_start3A_416 = arith.constant 0 : i32
      %dma_start3A_417 = arith.constant 3584 : i32
      %dma_start3A_418 = tpu.memref_slice %arg21[%dma_start3A_417] : memref<4096xf32, #tpu.memory_space<vmem>> -> memref<512xf32, #tpu.memory_space<vmem>>
      %dma_start3A_419 = arith.constant 3584 : i32
      %dma_start3A_420 = tpu.memref_slice %arg17[%dma_start3A_419] : memref<4096xi32, #tpu.memory_space<vmem>> -> memref<512xi32, #tpu.memory_space<vmem>>
      %dma_start3A_421 = arith.constant 0 : i32
      %dma_start3A_422 = tpu.memref_slice %arg3[%dma_start3A_421] : memref<1048576xf32, #tpu.memory_space<hbm>> -> memref<1048576xf32, #tpu.memory_space<hbm>>
      %dma_start3A_423 = tpu.memref_slice %arg26[%dma_start3A_416] : memref<2x!tpu.dma_semaphore, #tpu.memory_space<semaphore_mem>> -> memref<1x!tpu.dma_semaphore, #tpu.memory_space<semaphore_mem>>
      %dma_start3A_424 = tpu.memref_squeeze %dma_start3A_423 : memref<1x!tpu.dma_semaphore, #tpu.memory_space<semaphore_mem>> -> memref<!tpu.dma_semaphore, #tpu.memory_space<semaphore_mem>>
      tpu.enqueue_indirect_dma source(%dma_start3A_422 : memref<1048576xf32, #tpu.memory_space<hbm>>) target(%dma_start3A_418 : memref<512xf32, #tpu.memory_space<vmem>>) offsets(%dma_start3A_420 : memref<512xi32, #tpu.memory_space<vmem>>) semaphore(%dma_start3A_424 : memref<!tpu.dma_semaphore, #tpu.memory_space<semaphore_mem>>)
      %gt3A = arith.constant 0 : i32
      %gt3A_425 = arith.cmpi sgt, %scan3A_238, %gt3A : i32
      %convert_element_type3A = arith.extui %gt3A_425 : i1 to i32
      %cond3A = arith.constant 0 : i32
      %cond3A_426 = arith.cmpi ne, %convert_element_type3A, %cond3A : i32
      scf.if %cond3A_426 {
        %sub3A_1484 = arith.constant 1 : i32
        %sub3A_1485 = arith.subi %add3A_242, %sub3A_1484 : i32
        %max3A = arith.constant 0 : i32
        %max3A_1486 = arith.maxsi %sub3A_1485, %max3A : i32
        %dma_wait3A_1487 = arith.constant 1 : i32
        %dma_wait3A_1488 = arith.constant 0 : i32
        %dma_wait3A_1489 = tpu.memref_slice %arg20[%dma_wait3A_1488] : memref<4096xf32, #tpu.memory_space<vmem>> -> memref<512xf32, #tpu.memory_space<vmem>>
        %dma_wait3A_1490 = arith.constant 0 : i32
        %dma_wait3A_1491 = tpu.memref_slice %arg18[%dma_wait3A_1490] : memref<4096xi32, #tpu.memory_space<vmem>> -> memref<512xi32, #tpu.memory_space<vmem>>
        %dma_wait3A_1492 = arith.constant 0 : i32
        %dma_wait3A_1493 = tpu.memref_slice %arg2[%dma_wait3A_1492] : memref<1048576xf32, #tpu.memory_space<hbm>> -> memref<1048576xf32, #tpu.memory_space<hbm>>
        %dma_wait3A_1494 = tpu.memref_slice %arg26[%dma_wait3A_1487] : memref<2x!tpu.dma_semaphore, #tpu.memory_space<semaphore_mem>> -> memref<1x!tpu.dma_semaphore, #tpu.memory_space<semaphore_mem>>
        %dma_wait3A_1495 = tpu.memref_squeeze %dma_wait3A_1494 : memref<1x!tpu.dma_semaphore, #tpu.memory_space<semaphore_mem>> -> memref<!tpu.dma_semaphore, #tpu.memory_space<semaphore_mem>>
        tpu.wait_indirect_dma semaphore(%dma_wait3A_1495 : memref<!tpu.dma_semaphore, #tpu.memory_space<semaphore_mem>>) src(%dma_wait3A_1493 : memref<1048576xf32, #tpu.memory_space<hbm>>) dst(%dma_wait3A_1489 : memref<512xf32, #tpu.memory_space<vmem>>)
        %dma_wait3A_1496 = arith.constant 1 : i32
        %dma_wait3A_1497 = arith.constant 0 : i32
        %dma_wait3A_1498 = tpu.memref_slice %arg22[%dma_wait3A_1497] : memref<4096xf32, #tpu.memory_space<vmem>> -> memref<512xf32, #tpu.memory_space<vmem>>
        %dma_wait3A_1499 = arith.constant 0 : i32
        %dma_wait3A_1500 = tpu.memref_slice %arg18[%dma_wait3A_1499] : memref<4096xi32, #tpu.memory_space<vmem>> -> memref<512xi32, #tpu.memory_space<vmem>>
        %dma_wait3A_1501 = arith.constant 0 : i32
        %dma_wait3A_1502 = tpu.memref_slice %arg3[%dma_wait3A_1501] : memref<1048576xf32, #tpu.memory_space<hbm>> -> memref<1048576xf32, #tpu.memory_space<hbm>>
        %dma_wait3A_1503 = tpu.memref_slice %arg26[%dma_wait3A_1496] : memref<2x!tpu.dma_semaphore, #tpu.memory_space<semaphore_mem>> -> memref<1x!tpu.dma_semaphore, #tpu.memory_space<semaphore_mem>>
        %dma_wait3A_1504 = tpu.memref_squeeze %dma_wait3A_1503 : memref<1x!tpu.dma_semaphore, #tpu.memory_space<semaphore_mem>> -> memref<!tpu.dma_semaphore, #tpu.memory_space<semaphore_mem>>
        tpu.wait_indirect_dma semaphore(%dma_wait3A_1504 : memref<!tpu.dma_semaphore, #tpu.memory_space<semaphore_mem>>) src(%dma_wait3A_1502 : memref<1048576xf32, #tpu.memory_space<hbm>>) dst(%dma_wait3A_1498 : memref<512xf32, #tpu.memory_space<vmem>>)
        %dma_wait3A_1505 = arith.constant 1 : i32
        %dma_wait3A_1506 = arith.constant 512 : i32
        %dma_wait3A_1507 = tpu.memref_slice %arg20[%dma_wait3A_1506] : memref<4096xf32, #tpu.memory_space<vmem>> -> memref<512xf32, #tpu.memory_space<vmem>>
        %dma_wait3A_1508 = arith.constant 512 : i32
        %dma_wait3A_1509 = tpu.memref_slice %arg18[%dma_wait3A_1508] : memref<4096xi32, #tpu.memory_space<vmem>> -> memref<512xi32, #tpu.memory_space<vmem>>
        %dma_wait3A_1510 = arith.constant 0 : i32
        %dma_wait3A_1511 = tpu.memref_slice %arg2[%dma_wait3A_1510] : memref<1048576xf32, #tpu.memory_space<hbm>> -> memref<1048576xf32, #tpu.memory_space<hbm>>
        %dma_wait3A_1512 = tpu.memref_slice %arg26[%dma_wait3A_1505] : memref<2x!tpu.dma_semaphore, #tpu.memory_space<semaphore_mem>> -> memref<1x!tpu.dma_semaphore, #tpu.memory_space<semaphore_mem>>
        %dma_wait3A_1513 = tpu.memref_squeeze %dma_wait3A_1512 : memref<1x!tpu.dma_semaphore, #tpu.memory_space<semaphore_mem>> -> memref<!tpu.dma_semaphore, #tpu.memory_space<semaphore_mem>>
        tpu.wait_indirect_dma semaphore(%dma_wait3A_1513 : memref<!tpu.dma_semaphore, #tpu.memory_space<semaphore_mem>>) src(%dma_wait3A_1511 : memref<1048576xf32, #tpu.memory_space<hbm>>) dst(%dma_wait3A_1507 : memref<512xf32, #tpu.memory_space<vmem>>)
        %dma_wait3A_1514 = arith.constant 1 : i32
        %dma_wait3A_1515 = arith.constant 512 : i32
        %dma_wait3A_1516 = tpu.memref_slice %arg22[%dma_wait3A_1515] : memref<4096xf32, #tpu.memory_space<vmem>> -> memref<512xf32, #tpu.memory_space<vmem>>
        %dma_wait3A_1517 = arith.constant 512 : i32
        %dma_wait3A_1518 = tpu.memref_slice %arg18[%dma_wait3A_1517] : memref<4096xi32, #tpu.memory_space<vmem>> -> memref<512xi32, #tpu.memory_space<vmem>>
        %dma_wait3A_1519 = arith.constant 0 : i32
        %dma_wait3A_1520 = tpu.memref_slice %arg3[%dma_wait3A_1519] : memref<1048576xf32, #tpu.memory_space<hbm>> -> memref<1048576xf32, #tpu.memory_space<hbm>>
        %dma_wait3A_1521 = tpu.memref_slice %arg26[%dma_wait3A_1514] : memref<2x!tpu.dma_semaphore, #tpu.memory_space<semaphore_mem>> -> memref<1x!tpu.dma_semaphore, #tpu.memory_space<semaphore_mem>>
        %dma_wait3A_1522 = tpu.memref_squeeze %dma_wait3A_1521 : memref<1x!tpu.dma_semaphore, #tpu.memory_space<semaphore_mem>> -> memref<!tpu.dma_semaphore, #tpu.memory_space<semaphore_mem>>
        tpu.wait_indirect_dma semaphore(%dma_wait3A_1522 : memref<!tpu.dma_semaphore, #tpu.memory_space<semaphore_mem>>) src(%dma_wait3A_1520 : memref<1048576xf32, #tpu.memory_space<hbm>>) dst(%dma_wait3A_1516 : memref<512xf32, #tpu.memory_space<vmem>>)
        %dma_wait3A_1523 = arith.constant 1 : i32
        %dma_wait3A_1524 = arith.constant 1024 : i32
        %dma_wait3A_1525 = tpu.memref_slice %arg20[%dma_wait3A_1524] : memref<4096xf32, #tpu.memory_space<vmem>> -> memref<512xf32, #tpu.memory_space<vmem>>
        %dma_wait3A_1526 = arith.constant 1024 : i32
        %dma_wait3A_1527 = tpu.memref_slice %arg18[%dma_wait3A_1526] : memref<4096xi32, #tpu.memory_space<vmem>> -> memref<512xi32, #tpu.memory_space<vmem>>
        %dma_wait3A_1528 = arith.constant 0 : i32
        %dma_wait3A_1529 = tpu.memref_slice %arg2[%dma_wait3A_1528] : memref<1048576xf32, #tpu.memory_space<hbm>> -> memref<1048576xf32, #tpu.memory_space<hbm>>
        %dma_wait3A_1530 = tpu.memref_slice %arg26[%dma_wait3A_1523] : memref<2x!tpu.dma_semaphore, #tpu.memory_space<semaphore_mem>> -> memref<1x!tpu.dma_semaphore, #tpu.memory_space<semaphore_mem>>
        %dma_wait3A_1531 = tpu.memref_squeeze %dma_wait3A_1530 : memref<1x!tpu.dma_semaphore, #tpu.memory_space<semaphore_mem>> -> memref<!tpu.dma_semaphore, #tpu.memory_space<semaphore_mem>>
        tpu.wait_indirect_dma semaphore(%dma_wait3A_1531 : memref<!tpu.dma_semaphore, #tpu.memory_space<semaphore_mem>>) src(%dma_wait3A_1529 : memref<1048576xf32, #tpu.memory_space<hbm>>) dst(%dma_wait3A_1525 : memref<512xf32, #tpu.memory_space<vmem>>)
        %dma_wait3A_1532 = arith.constant 1 : i32
        %dma_wait3A_1533 = arith.constant 1024 : i32
        %dma_wait3A_1534 = tpu.memref_slice %arg22[%dma_wait3A_1533] : memref<4096xf32, #tpu.memory_space<vmem>> -> memref<512xf32, #tpu.memory_space<vmem>>
        %dma_wait3A_1535 = arith.constant 1024 : i32
        %dma_wait3A_1536 = tpu.memref_slice %arg18[%dma_wait3A_1535] : memref<4096xi32, #tpu.memory_space<vmem>> -> memref<512xi32, #tpu.memory_space<vmem>>
        %dma_wait3A_1537 = arith.constant 0 : i32
        %dma_wait3A_1538 = tpu.memref_slice %arg3[%dma_wait3A_1537] : memref<1048576xf32, #tpu.memory_space<hbm>> -> memref<1048576xf32, #tpu.memory_space<hbm>>
        %dma_wait3A_1539 = tpu.memref_slice %arg26[%dma_wait3A_1532] : memref<2x!tpu.dma_semaphore, #tpu.memory_space<semaphore_mem>> -> memref<1x!tpu.dma_semaphore, #tpu.memory_space<semaphore_mem>>
        %dma_wait3A_1540 = tpu.memref_squeeze %dma_wait3A_1539 : memref<1x!tpu.dma_semaphore, #tpu.memory_space<semaphore_mem>> -> memref<!tpu.dma_semaphore, #tpu.memory_space<semaphore_mem>>
        tpu.wait_indirect_dma semaphore(%dma_wait3A_1540 : memref<!tpu.dma_semaphore, #tpu.memory_space<semaphore_mem>>) src(%dma_wait3A_1538 : memref<1048576xf32, #tpu.memory_space<hbm>>) dst(%dma_wait3A_1534 : memref<512xf32, #tpu.memory_space<vmem>>)
        %dma_wait3A_1541 = arith.constant 1 : i32
        %dma_wait3A_1542 = arith.constant 1536 : i32
        %dma_wait3A_1543 = tpu.memref_slice %arg20[%dma_wait3A_1542] : memref<4096xf32, #tpu.memory_space<vmem>> -> memref<512xf32, #tpu.memory_space<vmem>>
        %dma_wait3A_1544 = arith.constant 1536 : i32
        %dma_wait3A_1545 = tpu.memref_slice %arg18[%dma_wait3A_1544] : memref<4096xi32, #tpu.memory_space<vmem>> -> memref<512xi32, #tpu.memory_space<vmem>>
        %dma_wait3A_1546 = arith.constant 0 : i32
        %dma_wait3A_1547 = tpu.memref_slice %arg2[%dma_wait3A_1546] : memref<1048576xf32, #tpu.memory_space<hbm>> -> memref<1048576xf32, #tpu.memory_space<hbm>>
        %dma_wait3A_1548 = tpu.memref_slice %arg26[%dma_wait3A_1541] : memref<2x!tpu.dma_semaphore, #tpu.memory_space<semaphore_mem>> -> memref<1x!tpu.dma_semaphore, #tpu.memory_space<semaphore_mem>>
        %dma_wait3A_1549 = tpu.memref_squeeze %dma_wait3A_1548 : memref<1x!tpu.dma_semaphore, #tpu.memory_space<semaphore_mem>> -> memref<!tpu.dma_semaphore, #tpu.memory_space<semaphore_mem>>
        tpu.wait_indirect_dma semaphore(%dma_wait3A_1549 : memref<!tpu.dma_semaphore, #tpu.memory_space<semaphore_mem>>) src(%dma_wait3A_1547 : memref<1048576xf32, #tpu.memory_space<hbm>>) dst(%dma_wait3A_1543 : memref<512xf32, #tpu.memory_space<vmem>>)
        %dma_wait3A_1550 = arith.constant 1 : i32
        %dma_wait3A_1551 = arith.constant 1536 : i32
        %dma_wait3A_1552 = tpu.memref_slice %arg22[%dma_wait3A_1551] : memref<4096xf32, #tpu.memory_space<vmem>> -> memref<512xf32, #tpu.memory_space<vmem>>
        %dma_wait3A_1553 = arith.constant 1536 : i32
        %dma_wait3A_1554 = tpu.memref_slice %arg18[%dma_wait3A_1553] : memref<4096xi32, #tpu.memory_space<vmem>> -> memref<512xi32, #tpu.memory_space<vmem>>
        %dma_wait3A_1555 = arith.constant 0 : i32
        %dma_wait3A_1556 = tpu.memref_slice %arg3[%dma_wait3A_1555] : memref<1048576xf32, #tpu.memory_space<hbm>> -> memref<1048576xf32, #tpu.memory_space<hbm>>
        %dma_wait3A_1557 = tpu.memref_slice %arg26[%dma_wait3A_1550] : memref<2x!tpu.dma_semaphore, #tpu.memory_space<semaphore_mem>> -> memref<1x!tpu.dma_semaphore, #tpu.memory_space<semaphore_mem>>
        %dma_wait3A_1558 = tpu.memref_squeeze %dma_wait3A_1557 : memref<1x!tpu.dma_semaphore, #tpu.memory_space<semaphore_mem>> -> memref<!tpu.dma_semaphore, #tpu.memory_space<semaphore_mem>>
        tpu.wait_indirect_dma semaphore(%dma_wait3A_1558 : memref<!tpu.dma_semaphore, #tpu.memory_space<semaphore_mem>>) src(%dma_wait3A_1556 : memref<1048576xf32, #tpu.memory_space<hbm>>) dst(%dma_wait3A_1552 : memref<512xf32, #tpu.memory_space<vmem>>)
        %dma_wait3A_1559 = arith.constant 1 : i32
        %dma_wait3A_1560 = arith.constant 2048 : i32
        %dma_wait3A_1561 = tpu.memref_slice %arg20[%dma_wait3A_1560] : memref<4096xf32, #tpu.memory_space<vmem>> -> memref<512xf32, #tpu.memory_space<vmem>>
        %dma_wait3A_1562 = arith.constant 2048 : i32
        %dma_wait3A_1563 = tpu.memref_slice %arg18[%dma_wait3A_1562] : memref<4096xi32, #tpu.memory_space<vmem>> -> memref<512xi32, #tpu.memory_space<vmem>>
        %dma_wait3A_1564 = arith.constant 0 : i32
        %dma_wait3A_1565 = tpu.memref_slice %arg2[%dma_wait3A_1564] : memref<1048576xf32, #tpu.memory_space<hbm>> -> memref<1048576xf32, #tpu.memory_space<hbm>>
        %dma_wait3A_1566 = tpu.memref_slice %arg26[%dma_wait3A_1559] : memref<2x!tpu.dma_semaphore, #tpu.memory_space<semaphore_mem>> -> memref<1x!tpu.dma_semaphore, #tpu.memory_space<semaphore_mem>>
        %dma_wait3A_1567 = tpu.memref_squeeze %dma_wait3A_1566 : memref<1x!tpu.dma_semaphore, #tpu.memory_space<semaphore_mem>> -> memref<!tpu.dma_semaphore, #tpu.memory_space<semaphore_mem>>
        tpu.wait_indirect_dma semaphore(%dma_wait3A_1567 : memref<!tpu.dma_semaphore, #tpu.memory_space<semaphore_mem>>) src(%dma_wait3A_1565 : memref<1048576xf32, #tpu.memory_space<hbm>>) dst(%dma_wait3A_1561 : memref<512xf32, #tpu.memory_space<vmem>>)
        %dma_wait3A_1568 = arith.constant 1 : i32
        %dma_wait3A_1569 = arith.constant 2048 : i32
        %dma_wait3A_1570 = tpu.memref_slice %arg22[%dma_wait3A_1569] : memref<4096xf32, #tpu.memory_space<vmem>> -> memref<512xf32, #tpu.memory_space<vmem>>
        %dma_wait3A_1571 = arith.constant 2048 : i32
        %dma_wait3A_1572 = tpu.memref_slice %arg18[%dma_wait3A_1571] : memref<4096xi32, #tpu.memory_space<vmem>> -> memref<512xi32, #tpu.memory_space<vmem>>
        %dma_wait3A_1573 = arith.constant 0 : i32
        %dma_wait3A_1574 = tpu.memref_slice %arg3[%dma_wait3A_1573] : memref<1048576xf32, #tpu.memory_space<hbm>> -> memref<1048576xf32, #tpu.memory_space<hbm>>
        %dma_wait3A_1575 = tpu.memref_slice %arg26[%dma_wait3A_1568] : memref<2x!tpu.dma_semaphore, #tpu.memory_space<semaphore_mem>> -> memref<1x!tpu.dma_semaphore, #tpu.memory_space<semaphore_mem>>
        %dma_wait3A_1576 = tpu.memref_squeeze %dma_wait3A_1575 : memref<1x!tpu.dma_semaphore, #tpu.memory_space<semaphore_mem>> -> memref<!tpu.dma_semaphore, #tpu.memory_space<semaphore_mem>>
        tpu.wait_indirect_dma semaphore(%dma_wait3A_1576 : memref<!tpu.dma_semaphore, #tpu.memory_space<semaphore_mem>>) src(%dma_wait3A_1574 : memref<1048576xf32, #tpu.memory_space<hbm>>) dst(%dma_wait3A_1570 : memref<512xf32, #tpu.memory_space<vmem>>)
        %dma_wait3A_1577 = arith.constant 1 : i32
        %dma_wait3A_1578 = arith.constant 2560 : i32
        %dma_wait3A_1579 = tpu.memref_slice %arg20[%dma_wait3A_1578] : memref<4096xf32, #tpu.memory_space<vmem>> -> memref<512xf32, #tpu.memory_space<vmem>>
        %dma_wait3A_1580 = arith.constant 2560 : i32
        %dma_wait3A_1581 = tpu.memref_slice %arg18[%dma_wait3A_1580] : memref<4096xi32, #tpu.memory_space<vmem>> -> memref<512xi32, #tpu.memory_space<vmem>>
        %dma_wait3A_1582 = arith.constant 0 : i32
        %dma_wait3A_1583 = tpu.memref_slice %arg2[%dma_wait3A_1582] : memref<1048576xf32, #tpu.memory_space<hbm>> -> memref<1048576xf32, #tpu.memory_space<hbm>>
        %dma_wait3A_1584 = tpu.memref_slice %arg26[%dma_wait3A_1577] : memref<2x!tpu.dma_semaphore, #tpu.memory_space<semaphore_mem>> -> memref<1x!tpu.dma_semaphore, #tpu.memory_space<semaphore_mem>>
        %dma_wait3A_1585 = tpu.memref_squeeze %dma_wait3A_1584 : memref<1x!tpu.dma_semaphore, #tpu.memory_space<semaphore_mem>> -> memref<!tpu.dma_semaphore, #tpu.memory_space<semaphore_mem>>
        tpu.wait_indirect_dma semaphore(%dma_wait3A_1585 : memref<!tpu.dma_semaphore, #tpu.memory_space<semaphore_mem>>) src(%dma_wait3A_1583 : memref<1048576xf32, #tpu.memory_space<hbm>>) dst(%dma_wait3A_1579 : memref<512xf32, #tpu.memory_space<vmem>>)
        %dma_wait3A_1586 = arith.constant 1 : i32
        %dma_wait3A_1587 = arith.constant 2560 : i32
        %dma_wait3A_1588 = tpu.memref_slice %arg22[%dma_wait3A_1587] : memref<4096xf32, #tpu.memory_space<vmem>> -> memref<512xf32, #tpu.memory_space<vmem>>
        %dma_wait3A_1589 = arith.constant 2560 : i32
        %dma_wait3A_1590 = tpu.memref_slice %arg18[%dma_wait3A_1589] : memref<4096xi32, #tpu.memory_space<vmem>> -> memref<512xi32, #tpu.memory_space<vmem>>
        %dma_wait3A_1591 = arith.constant 0 : i32
        %dma_wait3A_1592 = tpu.memref_slice %arg3[%dma_wait3A_1591] : memref<1048576xf32, #tpu.memory_space<hbm>> -> memref<1048576xf32, #tpu.memory_space<hbm>>
        %dma_wait3A_1593 = tpu.memref_slice %arg26[%dma_wait3A_1586] : memref<2x!tpu.dma_semaphore, #tpu.memory_space<semaphore_mem>> -> memref<1x!tpu.dma_semaphore, #tpu.memory_space<semaphore_mem>>
        %dma_wait3A_1594 = tpu.memref_squeeze %dma_wait3A_1593 : memref<1x!tpu.dma_semaphore, #tpu.memory_space<semaphore_mem>> -> memref<!tpu.dma_semaphore, #tpu.memory_space<semaphore_mem>>
        tpu.wait_indirect_dma semaphore(%dma_wait3A_1594 : memref<!tpu.dma_semaphore, #tpu.memory_space<semaphore_mem>>) src(%dma_wait3A_1592 : memref<1048576xf32, #tpu.memory_space<hbm>>) dst(%dma_wait3A_1588 : memref<512xf32, #tpu.memory_space<vmem>>)
        %dma_wait3A_1595 = arith.constant 1 : i32
        %dma_wait3A_1596 = arith.constant 3072 : i32
        %dma_wait3A_1597 = tpu.memref_slice %arg20[%dma_wait3A_1596] : memref<4096xf32, #tpu.memory_space<vmem>> -> memref<512xf32, #tpu.memory_space<vmem>>
        %dma_wait3A_1598 = arith.constant 3072 : i32
        %dma_wait3A_1599 = tpu.memref_slice %arg18[%dma_wait3A_1598] : memref<4096xi32, #tpu.memory_space<vmem>> -> memref<512xi32, #tpu.memory_space<vmem>>
        %dma_wait3A_1600 = arith.constant 0 : i32
        %dma_wait3A_1601 = tpu.memref_slice %arg2[%dma_wait3A_1600] : memref<1048576xf32, #tpu.memory_space<hbm>> -> memref<1048576xf32, #tpu.memory_space<hbm>>
        %dma_wait3A_1602 = tpu.memref_slice %arg26[%dma_wait3A_1595] : memref<2x!tpu.dma_semaphore, #tpu.memory_space<semaphore_mem>> -> memref<1x!tpu.dma_semaphore, #tpu.memory_space<semaphore_mem>>
        %dma_wait3A_1603 = tpu.memref_squeeze %dma_wait3A_1602 : memref<1x!tpu.dma_semaphore, #tpu.memory_space<semaphore_mem>> -> memref<!tpu.dma_semaphore, #tpu.memory_space<semaphore_mem>>
        tpu.wait_indirect_dma semaphore(%dma_wait3A_1603 : memref<!tpu.dma_semaphore, #tpu.memory_space<semaphore_mem>>) src(%dma_wait3A_1601 : memref<1048576xf32, #tpu.memory_space<hbm>>) dst(%dma_wait3A_1597 : memref<512xf32, #tpu.memory_space<vmem>>)
        %dma_wait3A_1604 = arith.constant 1 : i32
        %dma_wait3A_1605 = arith.constant 3072 : i32
        %dma_wait3A_1606 = tpu.memref_slice %arg22[%dma_wait3A_1605] : memref<4096xf32, #tpu.memory_space<vmem>> -> memref<512xf32, #tpu.memory_space<vmem>>
        %dma_wait3A_1607 = arith.constant 3072 : i32
        %dma_wait3A_1608 = tpu.memref_slice %arg18[%dma_wait3A_1607] : memref<4096xi32, #tpu.memory_space<vmem>> -> memref<512xi32, #tpu.memory_space<vmem>>
        %dma_wait3A_1609 = arith.constant 0 : i32
        %dma_wait3A_1610 = tpu.memref_slice %arg3[%dma_wait3A_1609] : memref<1048576xf32, #tpu.memory_space<hbm>> -> memref<1048576xf32, #tpu.memory_space<hbm>>
        %dma_wait3A_1611 = tpu.memref_slice %arg26[%dma_wait3A_1604] : memref<2x!tpu.dma_semaphore, #tpu.memory_space<semaphore_mem>> -> memref<1x!tpu.dma_semaphore, #tpu.memory_space<semaphore_mem>>
        %dma_wait3A_1612 = tpu.memref_squeeze %dma_wait3A_1611 : memref<1x!tpu.dma_semaphore, #tpu.memory_space<semaphore_mem>> -> memref<!tpu.dma_semaphore, #tpu.memory_space<semaphore_mem>>
        tpu.wait_indirect_dma semaphore(%dma_wait3A_1612 : memref<!tpu.dma_semaphore, #tpu.memory_space<semaphore_mem>>) src(%dma_wait3A_1610 : memref<1048576xf32, #tpu.memory_space<hbm>>) dst(%dma_wait3A_1606 : memref<512xf32, #tpu.memory_space<vmem>>)
        %dma_wait3A_1613 = arith.constant 1 : i32
        %dma_wait3A_1614 = arith.constant 3584 : i32
        %dma_wait3A_1615 = tpu.memref_slice %arg20[%dma_wait3A_1614] : memref<4096xf32, #tpu.memory_space<vmem>> -> memref<512xf32, #tpu.memory_space<vmem>>
        %dma_wait3A_1616 = arith.constant 3584 : i32
        %dma_wait3A_1617 = tpu.memref_slice %arg18[%dma_wait3A_1616] : memref<4096xi32, #tpu.memory_space<vmem>> -> memref<512xi32, #tpu.memory_space<vmem>>
        %dma_wait3A_1618 = arith.constant 0 : i32
        %dma_wait3A_1619 = tpu.memref_slice %arg2[%dma_wait3A_1618] : memref<1048576xf32, #tpu.memory_space<hbm>> -> memref<1048576xf32, #tpu.memory_space<hbm>>
        %dma_wait3A_1620 = tpu.memref_slice %arg26[%dma_wait3A_1613] : memref<2x!tpu.dma_semaphore, #tpu.memory_space<semaphore_mem>> -> memref<1x!tpu.dma_semaphore, #tpu.memory_space<semaphore_mem>>
        %dma_wait3A_1621 = tpu.memref_squeeze %dma_wait3A_1620 : memref<1x!tpu.dma_semaphore, #tpu.memory_space<semaphore_mem>> -> memref<!tpu.dma_semaphore, #tpu.memory_space<semaphore_mem>>
        tpu.wait_indirect_dma semaphore(%dma_wait3A_1621 : memref<!tpu.dma_semaphore, #tpu.memory_space<semaphore_mem>>) src(%dma_wait3A_1619 : memref<1048576xf32, #tpu.memory_space<hbm>>) dst(%dma_wait3A_1615 : memref<512xf32, #tpu.memory_space<vmem>>)
        %dma_wait3A_1622 = arith.constant 1 : i32
        %dma_wait3A_1623 = arith.constant 3584 : i32
        %dma_wait3A_1624 = tpu.memref_slice %arg22[%dma_wait3A_1623] : memref<4096xf32, #tpu.memory_space<vmem>> -> memref<512xf32, #tpu.memory_space<vmem>>
        %dma_wait3A_1625 = arith.constant 3584 : i32
        %dma_wait3A_1626 = tpu.memref_slice %arg18[%dma_wait3A_1625] : memref<4096xi32, #tpu.memory_space<vmem>> -> memref<512xi32, #tpu.memory_space<vmem>>
        %dma_wait3A_1627 = arith.constant 0 : i32
        %dma_wait3A_1628 = tpu.memref_slice %arg3[%dma_wait3A_1627] : memref<1048576xf32, #tpu.memory_space<hbm>> -> memref<1048576xf32, #tpu.memory_space<hbm>>
        %dma_wait3A_1629 = tpu.memref_slice %arg26[%dma_wait3A_1622] : memref<2x!tpu.dma_semaphore, #tpu.memory_space<semaphore_mem>> -> memref<1x!tpu.dma_semaphore, #tpu.memory_space<semaphore_mem>>
        %dma_wait3A_1630 = tpu.memref_squeeze %dma_wait3A_1629 : memref<1x!tpu.dma_semaphore, #tpu.memory_space<semaphore_mem>> -> memref<!tpu.dma_semaphore, #tpu.memory_space<semaphore_mem>>
        tpu.wait_indirect_dma semaphore(%dma_wait3A_1630 : memref<!tpu.dma_semaphore, #tpu.memory_space<semaphore_mem>>) src(%dma_wait3A_1628 : memref<1048576xf32, #tpu.memory_space<hbm>>) dst(%dma_wait3A_1624 : memref<512xf32, #tpu.memory_space<vmem>>)
        %sub3A_1631 = arith.constant 2 : i32
        %sub3A_1632 = arith.subi %max3A_1486, %sub3A_1631 : i32
        %mul3A_1633 = arith.constant 4096 : i32
        %mul3A_1634 = arith.muli %sub3A_1632, %mul3A_1633 : i32
        %add3A_1635 = arith.addi %mul3A_2, %mul3A_1634 : i32
        %dma_wait3A_1636 = arith.constant 1 : i32
        %dma_wait3A_1637 = tpu.memref_slice %arg6[%add3A_1635] : memref<4194304xf32, #tpu.memory_space<hbm>> -> memref<4096xf32, #tpu.memory_space<hbm>>
        %dma_wait3A_1638 = tpu.memref_slice %arg27[%dma_wait3A_1636] : memref<2x!tpu.dma_semaphore, #tpu.memory_space<semaphore_mem>> -> memref<1x!tpu.dma_semaphore, #tpu.memory_space<semaphore_mem>>
        %dma_wait3A_1639 = tpu.memref_squeeze %dma_wait3A_1638 : memref<1x!tpu.dma_semaphore, #tpu.memory_space<semaphore_mem>> -> memref<!tpu.dma_semaphore, #tpu.memory_space<semaphore_mem>>
        %dma_wait3A_1640 = tpu.memref_slice %arg6[%add3A_1635] : memref<4194304xf32, #tpu.memory_space<hbm>> -> memref<4096xf32, #tpu.memory_space<hbm>>
        tpu.wait_dma2 semaphore(%dma_wait3A_1639 : memref<!tpu.dma_semaphore, #tpu.memory_space<semaphore_mem>>) src(%arg24 : memref<4096xf32, #tpu.memory_space<vmem>>) dst(%dma_wait3A_1640 : memref<4096xf32, #tpu.memory_space<hbm>>)
        %scan3A_1641 = arith.constant 0 : i32
        %scan3A_1642 = arith.constant 256 : i32
        %scan3A_1643 = arith.addi %scan3A_1641, %scan3A_1642 : i32
        %scan3A_1644 = arith.constant 2 : i32
        scf.for %scan3A_1654 = %scan3A_1641 to %scan3A_1643 step %scan3A_1644  : i32 {
          %mul3A_1655 = arith.constant 16 : i32
          %mul3A_1656 = arith.muli %scan3A_1654, %mul3A_1655 : i32
          %get3A = arith.index_cast %mul3A_1656 : i32 to index
          %get3A_1657 = tpu.vector_load %arg20[%get3A] {strides = array<i32>} : memref<4096xf32, #tpu.memory_space<vmem>>, vector<16xf32>,
          %mul3A_1658 = arith.constant 16 : i32
          %mul3A_1659 = arith.muli %scan3A_1654, %mul3A_1658 : i32
          %get3A_1660 = arith.index_cast %mul3A_1659 : i32 to index
          %get3A_1661 = tpu.vector_load %arg22[%get3A_1660] {strides = array<i32>} : memref<4096xf32, #tpu.memory_space<vmem>>, vector<16xf32>,
          %mul3A_1662 = arith.constant 16 : i32
          %mul3A_1663 = arith.muli %scan3A_1654, %mul3A_1662 : i32
          %get3A_1664 = arith.index_cast %mul3A_1663 : i32 to index
          %get3A_1665 = tpu.vector_load %arg16[%get3A_1664] {strides = array<i32>} : memref<4096xf32, #tpu.memory_space<vmem>>, vector<16xf32>,
          %mul3A_1666 = arith.constant 16 : i32
          %mul3A_1667 = arith.muli %scan3A_1654, %mul3A_1666 : i32
          %get3A_1668 = arith.index_cast %mul3A_1667 : i32 to index
          %get3A_1669 = tpu.vector_load %arg14[%get3A_1668] {strides = array<i32>} : memref<4096xf32, #tpu.memory_space<vmem>>, vector<16xf32>,
          %lt3A = arith.cmpf olt, %get3A_1665, %get3A_1657 : vector<16xf32>
          %jit3A = arith.constant 0.000000e+00 : f32
          %jit3A_1670 = arith.constant 1.000000e+00 : f32
          %broadcast_in_dim3A = vector.broadcast %jit3A : f32 to vector<16xf32>
          %broadcast_in_dim3A_1671 = vector.broadcast %jit3A_1670 : f32 to vector<16xf32>
          %select_n3A = arith.select %lt3A, %broadcast_in_dim3A, %broadcast_in_dim3A_1671 : vector<16xi1>, vector<16xf32>
          %gt3A_1672 = arith.cmpf ogt, %get3A_1665, %get3A_1661 : vector<16xf32>
          %jit3A_1673 = arith.constant 0.000000e+00 : f32
          %broadcast_in_dim3A_1674 = vector.broadcast %jit3A_1673 : f32 to vector<16xf32>
          %select_n3A_1675 = arith.select %gt3A_1672, %broadcast_in_dim3A_1674, %select_n3A : vector<16xi1>, vector<16xf32>
          %sub3A_1676 = arith.subf %get3A_1665, %get3A_1657 : vector<16xf32>
          %sub3A_1677 = arith.subf %get3A_1661, %get3A_1665 : vector<16xf32>
          %mul3A_1678 = arith.mulf %sub3A_1676, %sub3A_1676 : vector<16xf32>
          %mul3A_1679 = arith.constant 6.250000e+04 : f32
          %mul3A_1680 = vector.broadcast %mul3A_1679 : f32 to vector<16xf32>
          %mul3A_1681 = arith.mulf %mul3A_1678, %mul3A_1680 : vector<16xf32>
          %mul3A_1682 = arith.mulf %sub3A_1677, %sub3A_1677 : vector<16xf32>
          %mul3A_1683 = arith.constant 6.250000e+04 : f32
          %mul3A_1684 = vector.broadcast %mul3A_1683 : f32 to vector<16xf32>
          %mul3A_1685 = arith.mulf %mul3A_1682, %mul3A_1684 : vector<16xf32>
          %add3A_1686 = arith.constant 4.000000e-03 : f32
          %add3A_1687 = vector.broadcast %add3A_1686 : f32 to vector<16xf32>
          %add3A_1688 = arith.addf %get3A_1657, %add3A_1687 : vector<16xf32>
          %lt3A_1689 = arith.cmpf olt, %get3A_1665, %add3A_1688 : vector<16xf32>
          %gt3A_1690 = arith.cmpf ogt, %get3A_1665, %get3A_1657 : vector<16xf32>
          %and3A = arith.andi %lt3A_1689, %gt3A_1690 : vector<16xi1>
          %sub3A_1691 = arith.constant 4.000000e-03 : f32
          %sub3A_1692 = vector.broadcast %sub3A_1691 : f32 to vector<16xf32>
          %sub3A_1693 = arith.subf %get3A_1661, %sub3A_1692 : vector<16xf32>
          %lt3A_1694 = arith.cmpf olt, %get3A_1665, %sub3A_1693 : vector<16xf32>
          %and3A_1695 = arith.andi %and3A, %lt3A_1694 : vector<16xi1>
          %sub3A_1696 = arith.constant 4.000000e-03 : f32
          %sub3A_1697 = vector.broadcast %sub3A_1696 : f32 to vector<16xf32>
          %sub3A_1698 = arith.subf %get3A_1661, %sub3A_1697 : vector<16xf32>
          %gt3A_1699 = arith.cmpf ogt, %get3A_1665, %sub3A_1698 : vector<16xf32>
          %lt3A_1700 = arith.cmpf olt, %get3A_1665, %get3A_1661 : vector<16xf32>
          %and3A_1701 = arith.andi %gt3A_1699, %lt3A_1700 : vector<16xi1>
          %add3A_1702 = arith.constant 4.000000e-03 : f32
          %add3A_1703 = vector.broadcast %add3A_1702 : f32 to vector<16xf32>
          %add3A_1704 = arith.addf %get3A_1657, %add3A_1703 : vector<16xf32>
          %gt3A_1705 = arith.cmpf ogt, %get3A_1665, %add3A_1704 : vector<16xf32>
          %and3A_1706 = arith.andi %and3A_1701, %gt3A_1705 : vector<16xi1>
          %select_n3A_1707 = arith.select %and3A_1695, %mul3A_1681, %select_n3A_1675 : vector<16xi1>, vector<16xf32>
          %select_n3A_1708 = arith.select %and3A_1706, %mul3A_1685, %select_n3A_1707 : vector<16xi1>, vector<16xf32>
          %mul3A_1709 = arith.mulf %get3A_1669, %select_n3A_1708 : vector<16xf32>
          %mul3A_1710 = arith.constant 16 : i32
          %mul3A_1711 = arith.muli %scan3A_1654, %mul3A_1710 : i32
          %swap3A = arith.index_cast %mul3A_1711 : i32 to index
          %swap3A_1712 = tpu.vector_load %arg24[%swap3A] {strides = array<i32>} : memref<4096xf32, #tpu.memory_space<vmem>>, vector<16xf32>,
          tpu.vector_store %arg24[%swap3A], %mul3A_1709 {strides = array<i32>} : memref<4096xf32, #tpu.memory_space<vmem>>, vector<16xf32>,
          %scan3A_1713 = arith.constant 1 : i32
          %scan3A_1714 = arith.addi %scan3A_1654, %scan3A_1713 : i32
          %mul3A_1715 = arith.constant 16 : i32
          %mul3A_1716 = arith.muli %scan3A_1714, %mul3A_1715 : i32
          %get3A_1717 = arith.index_cast %mul3A_1716 : i32 to index
          %get3A_1718 = tpu.vector_load %arg20[%get3A_1717] {strides = array<i32>} : memref<4096xf32, #tpu.memory_space<vmem>>, vector<16xf32>,
          %mul3A_1719 = arith.constant 16 : i32
          %mul3A_1720 = arith.muli %scan3A_1714, %mul3A_1719 : i32
          %get3A_1721 = arith.index_cast %mul3A_1720 : i32 to index
          %get3A_1722 = tpu.vector_load %arg22[%get3A_1721] {strides = array<i32>} : memref<4096xf32, #tpu.memory_space<vmem>>, vector<16xf32>,
          %mul3A_1723 = arith.constant 16 : i32
          %mul3A_1724 = arith.muli %scan3A_1714, %mul3A_1723 : i32
          %get3A_1725 = arith.index_cast %mul3A_1724 : i32 to index
          %get3A_1726 = tpu.vector_load %arg16[%get3A_1725] {strides = array<i32>} : memref<4096xf32, #tpu.memory_space<vmem>>, vector<16xf32>,
          %mul3A_1727 = arith.constant 16 : i32
          %mul3A_1728 = arith.muli %scan3A_1714, %mul3A_1727 : i32
          %get3A_1729 = arith.index_cast %mul3A_1728 : i32 to index
          %get3A_1730 = tpu.vector_load %arg14[%get3A_1729] {strides = array<i32>} : memref<4096xf32, #tpu.memory_space<vmem>>, vector<16xf32>,
          %lt3A_1731 = arith.cmpf olt, %get3A_1726, %get3A_1718 : vector<16xf32>
          %jit3A_1732 = arith.constant 0.000000e+00 : f32
          %jit3A_1733 = arith.constant 1.000000e+00 : f32
          %broadcast_in_dim3A_1734 = vector.broadcast %jit3A_1732 : f32 to vector<16xf32>
          %broadcast_in_dim3A_1735 = vector.broadcast %jit3A_1733 : f32 to vector<16xf32>
          %select_n3A_1736 = arith.select %lt3A_1731, %broadcast_in_dim3A_1734, %broadcast_in_dim3A_1735 : vector<16xi1>, vector<16xf32>
          %gt3A_1737 = arith.cmpf ogt, %get3A_1726, %get3A_1722 : vector<16xf32>
          %jit3A_1738 = arith.constant 0.000000e+00 : f32
          %broadcast_in_dim3A_1739 = vector.broadcast %jit3A_1738 : f32 to vector<16xf32>
          %select_n3A_1740 = arith.select %gt3A_1737, %broadcast_in_dim3A_1739, %select_n3A_1736 : vector<16xi1>, vector<16xf32>
          %sub3A_1741 = arith.subf %get3A_1726, %get3A_1718 : vector<16xf32>
          %sub3A_1742 = arith.subf %get3A_1722, %get3A_1726 : vector<16xf32>
          %mul3A_1743 = arith.mulf %sub3A_1741, %sub3A_1741 : vector<16xf32>
          %mul3A_1744 = arith.constant 6.250000e+04 : f32
          %mul3A_1745 = vector.broadcast %mul3A_1744 : f32 to vector<16xf32>
          %mul3A_1746 = arith.mulf %mul3A_1743, %mul3A_1745 : vector<16xf32>
          %mul3A_1747 = arith.mulf %sub3A_1742, %sub3A_1742 : vector<16xf32>
          %mul3A_1748 = arith.constant 6.250000e+04 : f32
          %mul3A_1749 = vector.broadcast %mul3A_1748 : f32 to vector<16xf32>
          %mul3A_1750 = arith.mulf %mul3A_1747, %mul3A_1749 : vector<16xf32>
          %add3A_1751 = arith.constant 4.000000e-03 : f32
          %add3A_1752 = vector.broadcast %add3A_1751 : f32 to vector<16xf32>
          %add3A_1753 = arith.addf %get3A_1718, %add3A_1752 : vector<16xf32>
          %lt3A_1754 = arith.cmpf olt, %get3A_1726, %add3A_1753 : vector<16xf32>
          %gt3A_1755 = arith.cmpf ogt, %get3A_1726, %get3A_1718 : vector<16xf32>
          %and3A_1756 = arith.andi %lt3A_1754, %gt3A_1755 : vector<16xi1>
          %sub3A_1757 = arith.constant 4.000000e-03 : f32
          %sub3A_1758 = vector.broadcast %sub3A_1757 : f32 to vector<16xf32>
          %sub3A_1759 = arith.subf %get3A_1722, %sub3A_1758 : vector<16xf32>
          %lt3A_1760 = arith.cmpf olt, %get3A_1726, %sub3A_1759 : vector<16xf32>
          %and3A_1761 = arith.andi %and3A_1756, %lt3A_1760 : vector<16xi1>
          %sub3A_1762 = arith.constant 4.000000e-03 : f32
          %sub3A_1763 = vector.broadcast %sub3A_1762 : f32 to vector<16xf32>
          %sub3A_1764 = arith.subf %get3A_1722, %sub3A_1763 : vector<16xf32>
          %gt3A_1765 = arith.cmpf ogt, %get3A_1726, %sub3A_1764 : vector<16xf32>
          %lt3A_1766 = arith.cmpf olt, %get3A_1726, %get3A_1722 : vector<16xf32>
          %and3A_1767 = arith.andi %gt3A_1765, %lt3A_1766 : vector<16xi1>
          %add3A_1768 = arith.constant 4.000000e-03 : f32
          %add3A_1769 = vector.broadcast %add3A_1768 : f32 to vector<16xf32>
          %add3A_1770 = arith.addf %get3A_1718, %add3A_1769 : vector<16xf32>
          %gt3A_1771 = arith.cmpf ogt, %get3A_1726, %add3A_1770 : vector<16xf32>
          %and3A_1772 = arith.andi %and3A_1767, %gt3A_1771 : vector<16xi1>
          %select_n3A_1773 = arith.select %and3A_1761, %mul3A_1746, %select_n3A_1740 : vector<16xi1>, vector<16xf32>
          %select_n3A_1774 = arith.select %and3A_1772, %mul3A_1750, %select_n3A_1773 : vector<16xi1>, vector<16xf32>
          %mul3A_1775 = arith.mulf %get3A_1730, %select_n3A_1774 : vector<16xf32>
          %mul3A_1776 = arith.constant 16 : i32
          %mul3A_1777 = arith.muli %scan3A_1714, %mul3A_1776 : i32
          %swap3A_1778 = arith.index_cast %mul3A_1777 : i32 to index
          %swap3A_1779 = tpu.vector_load %arg24[%swap3A_1778] {strides = array<i32>} : memref<4096xf32, #tpu.memory_space<vmem>>, vector<16xf32>,
          tpu.vector_store %arg24[%swap3A_1778], %mul3A_1775 {strides = array<i32>} : memref<4096xf32, #tpu.memory_space<vmem>>, vector<16xf32>,
        }
        %scan3A_1645 = arith.constant 256 : i32
        %mul3A_1646 = arith.constant 4096 : i32
        %mul3A_1647 = arith.muli %max3A_1486, %mul3A_1646 : i32
        %add3A_1648 = arith.addi %mul3A_2, %mul3A_1647 : i32
        %dma_start3A_1649 = arith.constant 1 : i32
        %dma_start3A_1650 = tpu.memref_slice %arg6[%add3A_1648] : memref<4194304xf32, #tpu.memory_space<hbm>> -> memref<4096xf32, #tpu.memory_space<hbm>>
        %dma_start3A_1651 = tpu.memref_slice %arg27[%dma_start3A_1649] : memref<2x!tpu.dma_semaphore, #tpu.memory_space<semaphore_mem>> -> memref<1x!tpu.dma_semaphore, #tpu.memory_space<semaphore_mem>>
        %dma_start3A_1652 = tpu.memref_squeeze %dma_start3A_1651 : memref<1x!tpu.dma_semaphore, #tpu.memory_space<semaphore_mem>> -> memref<!tpu.dma_semaphore, #tpu.memory_space<semaphore_mem>>
        %dma_start3A_1653 = tpu.memref_slice %arg6[%add3A_1648] : memref<4194304xf32, #tpu.memory_space<hbm>> -> memref<4096xf32, #tpu.memory_space<hbm>>
        tpu.enqueue_dma source(%arg24 : memref<4096xf32, #tpu.memory_space<vmem>>) target(%dma_start3A_1653 : memref<4096xf32, #tpu.memory_space<hbm>>) target_semaphore(%dma_start3A_1652 : memref<!tpu.dma_semaphore, #tpu.memory_space<semaphore_mem>>)
      } else {
      }
      %mul3A_427 = arith.constant 4 : i32
      %mul3A_428 = arith.muli %mul3A_427, %scan3A_238 : i32
      %add3A_429 = arith.constant 1 : i32
      %add3A_430 = arith.addi %mul3A_428, %add3A_429 : i32
      %mul3A_431 = arith.constant 4096 : i32
      %mul3A_432 = arith.muli %add3A_430, %mul3A_431 : i32
      %add3A_433 = arith.addi %mul3A_2, %mul3A_432 : i32
      %mul3A_434 = arith.constant 3 : i32
      %mul3A_435 = arith.muli %add3A_433, %mul3A_434 : i32
      %dma_wait3A_436 = arith.constant 1 : i32
      %dma_wait3A_437 = tpu.memref_slice %arg4[%mul3A_435] : memref<12582912xf32, #tpu.memory_space<hbm>> -> memref<12288xf32, #tpu.memory_space<hbm>>
      %dma_wait3A_438 = tpu.memref_slice %arg25[%dma_wait3A_436] : memref<2x!tpu.dma_semaphore, #tpu.memory_space<semaphore_mem>> -> memref<1x!tpu.dma_semaphore, #tpu.memory_space<semaphore_mem>>
      %dma_wait3A_439 = tpu.memref_squeeze %dma_wait3A_438 : memref<1x!tpu.dma_semaphore, #tpu.memory_space<semaphore_mem>> -> memref<!tpu.dma_semaphore, #tpu.memory_space<semaphore_mem>>
      %dma_wait3A_440 = tpu.memref_slice %arg4[%mul3A_435] : memref<12582912xf32, #tpu.memory_space<hbm>> -> memref<12288xf32, #tpu.memory_space<hbm>>
      tpu.wait_dma2 semaphore(%dma_wait3A_439 : memref<!tpu.dma_semaphore, #tpu.memory_space<semaphore_mem>>) src(%dma_wait3A_440 : memref<12288xf32, #tpu.memory_space<hbm>>) dst(%arg8 : memref<12288xf32, #tpu.memory_space<vmem>>)
      %dma_wait3A_441 = arith.constant 1 : i32
      %dma_wait3A_442 = tpu.memref_slice %arg5[%add3A_433] : memref<4194304xf32, #tpu.memory_space<hbm>> -> memref<4096xf32, #tpu.memory_space<hbm>>
      %dma_wait3A_443 = tpu.memref_slice %arg25[%dma_wait3A_441] : memref<2x!tpu.dma_semaphore, #tpu.memory_space<semaphore_mem>> -> memref<1x!tpu.dma_semaphore, #tpu.memory_space<semaphore_mem>>
      %dma_wait3A_444 = tpu.memref_squeeze %dma_wait3A_443 : memref<1x!tpu.dma_semaphore, #tpu.memory_space<semaphore_mem>> -> memref<!tpu.dma_semaphore, #tpu.memory_space<semaphore_mem>>
      %dma_wait3A_445 = tpu.memref_slice %arg5[%add3A_433] : memref<4194304xf32, #tpu.memory_space<hbm>> -> memref<4096xf32, #tpu.memory_space<hbm>>
      tpu.wait_dma2 semaphore(%dma_wait3A_444 : memref<!tpu.dma_semaphore, #tpu.memory_space<semaphore_mem>>) src(%dma_wait3A_445 : memref<4096xf32, #tpu.memory_space<hbm>>) dst(%arg12 : memref<4096xf32, #tpu.memory_space<vmem>>)
      %add3A_446 = arith.constant 2 : i32
      %add3A_447 = arith.addi %add3A_430, %add3A_446 : i32
      %min3A_448 = arith.constant 31 : i32
      %min3A_449 = arith.minsi %add3A_447, %min3A_448 : i32
      %mul3A_450 = arith.constant 4096 : i32
      %mul3A_451 = arith.muli %min3A_449, %mul3A_450 : i32
      %add3A_452 = arith.addi %mul3A_2, %mul3A_451 : i32
      %mul3A_453 = arith.constant 3 : i32
      %mul3A_454 = arith.muli %add3A_452, %mul3A_453 : i32
      %dma_start3A_455 = arith.constant 1 : i32
      %dma_start3A_456 = tpu.memref_slice %arg4[%mul3A_454] : memref<12582912xf32, #tpu.memory_space<hbm>> -> memref<12288xf32, #tpu.memory_space<hbm>>
      %dma_start3A_457 = tpu.memref_slice %arg25[%dma_start3A_455] : memref<2x!tpu.dma_semaphore, #tpu.memory_space<semaphore_mem>> -> memref<1x!tpu.dma_semaphore, #tpu.memory_space<semaphore_mem>>
      %dma_start3A_458 = tpu.memref_squeeze %dma_start3A_457 : memref<1x!tpu.dma_semaphore, #tpu.memory_space<semaphore_mem>> -> memref<!tpu.dma_semaphore, #tpu.memory_space<semaphore_mem>>
      %dma_start3A_459 = tpu.memref_slice %arg4[%mul3A_454] : memref<12582912xf32, #tpu.memory_space<hbm>> -> memref<12288xf32, #tpu.memory_space<hbm>>
      tpu.enqueue_dma source(%dma_start3A_459 : memref<12288xf32, #tpu.memory_space<hbm>>) target(%arg10 : memref<12288xf32, #tpu.memory_space<vmem>>) target_semaphore(%dma_start3A_458 : memref<!tpu.dma_semaphore, #tpu.memory_space<semaphore_mem>>)
      %dma_start3A_460 = arith.constant 1 : i32
      %dma_start3A_461 = tpu.memref_slice %arg5[%add3A_452] : memref<4194304xf32, #tpu.memory_space<hbm>> -> memref<4096xf32, #tpu.memory_space<hbm>>
      %dma_start3A_462 = tpu.memref_slice %arg25[%dma_start3A_460] : memref<2x!tpu.dma_semaphore, #tpu.memory_space<semaphore_mem>> -> memref<1x!tpu.dma_semaphore, #tpu.memory_space<semaphore_mem>>
      %dma_start3A_463 = tpu.memref_squeeze %dma_start3A_462 : memref<1x!tpu.dma_semaphore, #tpu.memory_space<semaphore_mem>> -> memref<!tpu.dma_semaphore, #tpu.memory_space<semaphore_mem>>
      %dma_start3A_464 = tpu.memref_slice %arg5[%add3A_452] : memref<4194304xf32, #tpu.memory_space<hbm>> -> memref<4096xf32, #tpu.memory_space<hbm>>
      tpu.enqueue_dma source(%dma_start3A_464 : memref<4096xf32, #tpu.memory_space<hbm>>) target(%arg14 : memref<4096xf32, #tpu.memory_space<vmem>>) target_semaphore(%dma_start3A_463 : memref<!tpu.dma_semaphore, #tpu.memory_space<semaphore_mem>>)
      %scan3A_465 = arith.constant 0 : i32
      %scan3A_466 = arith.constant 256 : i32
      %scan3A_467 = arith.addi %scan3A_465, %scan3A_466 : i32
      %scan3A_468 = arith.constant 2 : i32
      scf.for %scan3A_1484 = %scan3A_465 to %scan3A_467 step %scan3A_468  : i32 {
        %mul3A_1485 = arith.constant 48 : i32
        %mul3A_1486 = arith.muli %scan3A_1484, %mul3A_1485 : i32
        %mul3A_1487 = arith.constant 3 : i32
        %mul3A_1488 = vector.broadcast %mul3A_1487 : i32 to vector<16xi32>
        %mul3A_1489 = arith.muli %iota3A, %mul3A_1488 : vector<16xi32>
        %add3A_1490 = vector.broadcast %mul3A_1486 : i32 to vector<16xi32>
        %add3A_1491 = arith.addi %add3A_1490, %mul3A_1489 : vector<16xi32>
        %gather3A = tpu.vector_load_idx %arg8[%add3A_1491] : memref<12288xf32, #tpu.memory_space<vmem>>[vector<16xi32>], vector<16xf32>,
        %add3A_1492 = arith.constant 1 : i32
        %add3A_1493 = vector.broadcast %add3A_1492 : i32 to vector<16xi32>
        %add3A_1494 = arith.addi %add3A_1491, %add3A_1493 : vector<16xi32>
        %gather3A_1495 = tpu.vector_load_idx %arg8[%add3A_1494] : memref<12288xf32, #tpu.memory_space<vmem>>[vector<16xi32>], vector<16xf32>,
        %add3A_1496 = arith.constant 2 : i32
        %add3A_1497 = vector.broadcast %add3A_1496 : i32 to vector<16xi32>
        %add3A_1498 = arith.addi %add3A_1491, %add3A_1497 : vector<16xi32>
        %gather3A_1499 = tpu.vector_load_idx %arg8[%add3A_1498] : memref<12288xf32, #tpu.memory_space<vmem>>[vector<16xi32>], vector<16xf32>,
        %abs3A = math.absf %gather3A : vector<16xf32>
        %abs3A_1500 = math.absf %gather3A_1495 : vector<16xf32>
        %max3A = arith.maximumf %abs3A, %abs3A_1500 : vector<16xf32>
        %abs3A_1501 = math.absf %gather3A_1499 : vector<16xf32>
        %max3A_1502 = arith.maximumf %max3A, %abs3A_1501 : vector<16xf32>
        %max3A_1503 = arith.constant 9.99999971E-10 : f32
        %max3A_1504 = vector.broadcast %max3A_1503 : f32 to vector<16xf32>
        %max3A_1505 = arith.maximumf %max3A_1502, %max3A_1504 : vector<16xf32>
        %div3A = arith.constant 1.000000e+00 : f32
        %div3A_1506 = vector.broadcast %div3A : f32 to vector<16xf32>
        %div3A_1507 = arith.divf %div3A_1506, %max3A_1505 : vector<16xf32>
        %le3A = arith.constant 1.000000e+00 : f32
        %le3A_1508 = vector.broadcast %le3A : f32 to vector<16xf32>
        %le3A_1509 = arith.cmpf ole, %max3A_1502, %le3A_1508 : vector<16xf32>
        %sub3A_1510 = arith.constant 2.000000e+00 : f32
        %sub3A_1511 = vector.broadcast %sub3A_1510 : f32 to vector<16xf32>
        %sub3A_1512 = arith.subf %sub3A_1511, %div3A_1507 : vector<16xf32>
        %mul3A_1513 = arith.mulf %sub3A_1512, %div3A_1507 : vector<16xf32>
        %jit3A = arith.constant 1.000000e+00 : f32
        %broadcast_in_dim3A = vector.broadcast %jit3A : f32 to vector<16xf32>
        %select_n3A = arith.select %le3A_1509, %broadcast_in_dim3A, %mul3A_1513 : vector<16xi1>, vector<16xf32>
        %mul3A_1514 = arith.mulf %gather3A_1499, %select_n3A : vector<16xf32>
        %mul3A_1515 = arith.mulf %gather3A, %select_n3A : vector<16xf32>
        %add3A_1516 = arith.constant 2.000000e+00 : f32
        %add3A_1517 = vector.broadcast %add3A_1516 : f32 to vector<16xf32>
        %add3A_1518 = arith.addf %mul3A_1515, %add3A_1517 : vector<16xf32>
        %mul3A_1519 = arith.constant 2.560000e+02 : f32
        %mul3A_1520 = vector.broadcast %mul3A_1519 : f32 to vector<16xf32>
        %mul3A_1521 = arith.mulf %add3A_1518, %mul3A_1520 : vector<16xf32>
        %min3A_1522 = arith.constant 1.023000e+03 : f32
        %min3A_1523 = vector.broadcast %min3A_1522 : f32 to vector<16xf32>
        %min3A_1524 = arith.minimumf %mul3A_1521, %min3A_1523 : vector<16xf32>
        %mul3A_1525 = arith.mulf %gather3A_1495, %select_n3A : vector<16xf32>
        %add3A_1526 = arith.constant 2.000000e+00 : f32
        %add3A_1527 = vector.broadcast %add3A_1526 : f32 to vector<16xf32>
        %add3A_1528 = arith.addf %mul3A_1525, %add3A_1527 : vector<16xf32>
        %mul3A_1529 = arith.constant 2.560000e+02 : f32
        %mul3A_1530 = vector.broadcast %mul3A_1529 : f32 to vector<16xf32>
        %mul3A_1531 = arith.mulf %add3A_1528, %mul3A_1530 : vector<16xf32>
        %min3A_1532 = arith.constant 1.023000e+03 : f32
        %min3A_1533 = vector.broadcast %min3A_1532 : f32 to vector<16xf32>
        %min3A_1534 = arith.minimumf %mul3A_1531, %min3A_1533 : vector<16xf32>
        %convert_element_type3A_1535 = arith.fptosi %min3A_1524 : vector<16xf32> to vector<16xi32>
        %mul3A_1536 = arith.constant 1024 : i32
        %mul3A_1537 = vector.broadcast %mul3A_1536 : i32 to vector<16xi32>
        %mul3A_1538 = arith.muli %convert_element_type3A_1535, %mul3A_1537 : vector<16xi32>
        %convert_element_type3A_1539 = arith.fptosi %min3A_1534 : vector<16xf32> to vector<16xi32>
        %add3A_1540 = arith.addi %mul3A_1538, %convert_element_type3A_1539 : vector<16xi32>
        %mul3A_1541 = arith.constant 16 : i32
        %mul3A_1542 = arith.muli %scan3A_1484, %mul3A_1541 : i32
        %swap3A = arith.index_cast %mul3A_1542 : i32 to index
        %swap3A_1543 = tpu.vector_load %arg16[%swap3A] {strides = array<i32>} : memref<4096xf32, #tpu.memory_space<vmem>>, vector<16xf32>,
        tpu.vector_store %arg16[%swap3A], %mul3A_1514 {strides = array<i32>} : memref<4096xf32, #tpu.memory_space<vmem>>, vector<16xf32>,
        %mul3A_1544 = arith.constant 16 : i32
        %mul3A_1545 = arith.muli %scan3A_1484, %mul3A_1544 : i32
        %swap3A_1546 = arith.index_cast %mul3A_1545 : i32 to index
        %swap3A_1547 = tpu.vector_load %arg18[%swap3A_1546] {strides = array<i32>} : memref<4096xi32, #tpu.memory_space<vmem>>, vector<16xi32>,
        tpu.vector_store %arg18[%swap3A_1546], %add3A_1540 {strides = array<i32>} : memref<4096xi32, #tpu.memory_space<vmem>>, vector<16xi32>,
        %scan3A_1548 = arith.constant 1 : i32
        %scan3A_1549 = arith.addi %scan3A_1484, %scan3A_1548 : i32
        %mul3A_1550 = arith.constant 48 : i32
        %mul3A_1551 = arith.muli %scan3A_1549, %mul3A_1550 : i32
        %mul3A_1552 = arith.constant 3 : i32
        %mul3A_1553 = vector.broadcast %mul3A_1552 : i32 to vector<16xi32>
        %mul3A_1554 = arith.muli %iota3A, %mul3A_1553 : vector<16xi32>
        %add3A_1555 = vector.broadcast %mul3A_1551 : i32 to vector<16xi32>
        %add3A_1556 = arith.addi %add3A_1555, %mul3A_1554 : vector<16xi32>
        %gather3A_1557 = tpu.vector_load_idx %arg8[%add3A_1556] : memref<12288xf32, #tpu.memory_space<vmem>>[vector<16xi32>], vector<16xf32>,
        %add3A_1558 = arith.constant 1 : i32
        %add3A_1559 = vector.broadcast %add3A_1558 : i32 to vector<16xi32>
        %add3A_1560 = arith.addi %add3A_1556, %add3A_1559 : vector<16xi32>
        %gather3A_1561 = tpu.vector_load_idx %arg8[%add3A_1560] : memref<12288xf32, #tpu.memory_space<vmem>>[vector<16xi32>], vector<16xf32>,
        %add3A_1562 = arith.constant 2 : i32
        %add3A_1563 = vector.broadcast %add3A_1562 : i32 to vector<16xi32>
        %add3A_1564 = arith.addi %add3A_1556, %add3A_1563 : vector<16xi32>
        %gather3A_1565 = tpu.vector_load_idx %arg8[%add3A_1564] : memref<12288xf32, #tpu.memory_space<vmem>>[vector<16xi32>], vector<16xf32>,
        %abs3A_1566 = math.absf %gather3A_1557 : vector<16xf32>
        %abs3A_1567 = math.absf %gather3A_1561 : vector<16xf32>
        %max3A_1568 = arith.maximumf %abs3A_1566, %abs3A_1567 : vector<16xf32>
        %abs3A_1569 = math.absf %gather3A_1565 : vector<16xf32>
        %max3A_1570 = arith.maximumf %max3A_1568, %abs3A_1569 : vector<16xf32>
        %max3A_1571 = arith.constant 9.99999971E-10 : f32
        %max3A_1572 = vector.broadcast %max3A_1571 : f32 to vector<16xf32>
        %max3A_1573 = arith.maximumf %max3A_1570, %max3A_1572 : vector<16xf32>
        %div3A_1574 = arith.constant 1.000000e+00 : f32
        %div3A_1575 = vector.broadcast %div3A_1574 : f32 to vector<16xf32>
        %div3A_1576 = arith.divf %div3A_1575, %max3A_1573 : vector<16xf32>
        %le3A_1577 = arith.constant 1.000000e+00 : f32
        %le3A_1578 = vector.broadcast %le3A_1577 : f32 to vector<16xf32>
        %le3A_1579 = arith.cmpf ole, %max3A_1570, %le3A_1578 : vector<16xf32>
        %sub3A_1580 = arith.constant 2.000000e+00 : f32
        %sub3A_1581 = vector.broadcast %sub3A_1580 : f32 to vector<16xf32>
        %sub3A_1582 = arith.subf %sub3A_1581, %div3A_1576 : vector<16xf32>
        %mul3A_1583 = arith.mulf %sub3A_1582, %div3A_1576 : vector<16xf32>
        %jit3A_1584 = arith.constant 1.000000e+00 : f32
        %broadcast_in_dim3A_1585 = vector.broadcast %jit3A_1584 : f32 to vector<16xf32>
        %select_n3A_1586 = arith.select %le3A_1579, %broadcast_in_dim3A_1585, %mul3A_1583 : vector<16xi1>, vector<16xf32>
        %mul3A_1587 = arith.mulf %gather3A_1565, %select_n3A_1586 : vector<16xf32>
        %mul3A_1588 = arith.mulf %gather3A_1557, %select_n3A_1586 : vector<16xf32>
        %add3A_1589 = arith.constant 2.000000e+00 : f32
        %add3A_1590 = vector.broadcast %add3A_1589 : f32 to vector<16xf32>
        %add3A_1591 = arith.addf %mul3A_1588, %add3A_1590 : vector<16xf32>
        %mul3A_1592 = arith.constant 2.560000e+02 : f32
        %mul3A_1593 = vector.broadcast %mul3A_1592 : f32 to vector<16xf32>
        %mul3A_1594 = arith.mulf %add3A_1591, %mul3A_1593 : vector<16xf32>
        %min3A_1595 = arith.constant 1.023000e+03 : f32
        %min3A_1596 = vector.broadcast %min3A_1595 : f32 to vector<16xf32>
        %min3A_1597 = arith.minimumf %mul3A_1594, %min3A_1596 : vector<16xf32>
        %mul3A_1598 = arith.mulf %gather3A_1561, %select_n3A_1586 : vector<16xf32>
        %add3A_1599 = arith.constant 2.000000e+00 : f32
        %add3A_1600 = vector.broadcast %add3A_1599 : f32 to vector<16xf32>
        %add3A_1601 = arith.addf %mul3A_1598, %add3A_1600 : vector<16xf32>
        %mul3A_1602 = arith.constant 2.560000e+02 : f32
        %mul3A_1603 = vector.broadcast %mul3A_1602 : f32 to vector<16xf32>
        %mul3A_1604 = arith.mulf %add3A_1601, %mul3A_1603 : vector<16xf32>
        %min3A_1605 = arith.constant 1.023000e+03 : f32
        %min3A_1606 = vector.broadcast %min3A_1605 : f32 to vector<16xf32>
        %min3A_1607 = arith.minimumf %mul3A_1604, %min3A_1606 : vector<16xf32>
        %convert_element_type3A_1608 = arith.fptosi %min3A_1597 : vector<16xf32> to vector<16xi32>
        %mul3A_1609 = arith.constant 1024 : i32
        %mul3A_1610 = vector.broadcast %mul3A_1609 : i32 to vector<16xi32>
        %mul3A_1611 = arith.muli %convert_element_type3A_1608, %mul3A_1610 : vector<16xi32>
        %convert_element_type3A_1612 = arith.fptosi %min3A_1607 : vector<16xf32> to vector<16xi32>
        %add3A_1613 = arith.addi %mul3A_1611, %convert_element_type3A_1612 : vector<16xi32>
        %mul3A_1614 = arith.constant 16 : i32
        %mul3A_1615 = arith.muli %scan3A_1549, %mul3A_1614 : i32
        %swap3A_1616 = arith.index_cast %mul3A_1615 : i32 to index
        %swap3A_1617 = tpu.vector_load %arg16[%swap3A_1616] {strides = array<i32>} : memref<4096xf32, #tpu.memory_space<vmem>>, vector<16xf32>,
        tpu.vector_store %arg16[%swap3A_1616], %mul3A_1587 {strides = array<i32>} : memref<4096xf32, #tpu.memory_space<vmem>>, vector<16xf32>,
        %mul3A_1618 = arith.constant 16 : i32
        %mul3A_1619 = arith.muli %scan3A_1549, %mul3A_1618 : i32
        %swap3A_1620 = arith.index_cast %mul3A_1619 : i32 to index
        %swap3A_1621 = tpu.vector_load %arg18[%swap3A_1620] {strides = array<i32>} : memref<4096xi32, #tpu.memory_space<vmem>>, vector<16xi32>,
        tpu.vector_store %arg18[%swap3A_1620], %add3A_1613 {strides = array<i32>} : memref<4096xi32, #tpu.memory_space<vmem>>, vector<16xi32>,
      }
      %scan3A_469 = arith.constant 256 : i32
      %dma_start3A_470 = arith.constant 1 : i32
      %dma_start3A_471 = arith.constant 0 : i32
      %dma_start3A_472 = tpu.memref_slice %arg20[%dma_start3A_471] : memref<4096xf32, #tpu.memory_space<vmem>> -> memref<512xf32, #tpu.memory_space<vmem>>
      %dma_start3A_473 = arith.constant 0 : i32
      %dma_start3A_474 = tpu.memref_slice %arg18[%dma_start3A_473] : memref<4096xi32, #tpu.memory_space<vmem>> -> memref<512xi32, #tpu.memory_space<vmem>>
      %dma_start3A_475 = arith.constant 0 : i32
      %dma_start3A_476 = tpu.memref_slice %arg2[%dma_start3A_475] : memref<1048576xf32, #tpu.memory_space<hbm>> -> memref<1048576xf32, #tpu.memory_space<hbm>>
      %dma_start3A_477 = tpu.memref_slice %arg26[%dma_start3A_470] : memref<2x!tpu.dma_semaphore, #tpu.memory_space<semaphore_mem>> -> memref<1x!tpu.dma_semaphore, #tpu.memory_space<semaphore_mem>>
      %dma_start3A_478 = tpu.memref_squeeze %dma_start3A_477 : memref<1x!tpu.dma_semaphore, #tpu.memory_space<semaphore_mem>> -> memref<!tpu.dma_semaphore, #tpu.memory_space<semaphore_mem>>
      tpu.enqueue_indirect_dma source(%dma_start3A_476 : memref<1048576xf32, #tpu.memory_space<hbm>>) target(%dma_start3A_472 : memref<512xf32, #tpu.memory_space<vmem>>) offsets(%dma_start3A_474 : memref<512xi32, #tpu.memory_space<vmem>>) semaphore(%dma_start3A_478 : memref<!tpu.dma_semaphore, #tpu.memory_space<semaphore_mem>>)
      %dma_start3A_479 = arith.constant 1 : i32
      %dma_start3A_480 = arith.constant 0 : i32
      %dma_start3A_481 = tpu.memref_slice %arg22[%dma_start3A_480] : memref<4096xf32, #tpu.memory_space<vmem>> -> memref<512xf32, #tpu.memory_space<vmem>>
      %dma_start3A_482 = arith.constant 0 : i32
      %dma_start3A_483 = tpu.memref_slice %arg18[%dma_start3A_482] : memref<4096xi32, #tpu.memory_space<vmem>> -> memref<512xi32, #tpu.memory_space<vmem>>
      %dma_start3A_484 = arith.constant 0 : i32
      %dma_start3A_485 = tpu.memref_slice %arg3[%dma_start3A_484] : memref<1048576xf32, #tpu.memory_space<hbm>> -> memref<1048576xf32, #tpu.memory_space<hbm>>
      %dma_start3A_486 = tpu.memref_slice %arg26[%dma_start3A_479] : memref<2x!tpu.dma_semaphore, #tpu.memory_space<semaphore_mem>> -> memref<1x!tpu.dma_semaphore, #tpu.memory_space<semaphore_mem>>
      %dma_start3A_487 = tpu.memref_squeeze %dma_start3A_486 : memref<1x!tpu.dma_semaphore, #tpu.memory_space<semaphore_mem>> -> memref<!tpu.dma_semaphore, #tpu.memory_space<semaphore_mem>>
      tpu.enqueue_indirect_dma source(%dma_start3A_485 : memref<1048576xf32, #tpu.memory_space<hbm>>) target(%dma_start3A_481 : memref<512xf32, #tpu.memory_space<vmem>>) offsets(%dma_start3A_483 : memref<512xi32, #tpu.memory_space<vmem>>) semaphore(%dma_start3A_487 : memref<!tpu.dma_semaphore, #tpu.memory_space<semaphore_mem>>)
      %dma_start3A_488 = arith.constant 1 : i32
      %dma_start3A_489 = arith.constant 512 : i32
      %dma_start3A_490 = tpu.memref_slice %arg20[%dma_start3A_489] : memref<4096xf32, #tpu.memory_space<vmem>> -> memref<512xf32, #tpu.memory_space<vmem>>
      %dma_start3A_491 = arith.constant 512 : i32
      %dma_start3A_492 = tpu.memref_slice %arg18[%dma_start3A_491] : memref<4096xi32, #tpu.memory_space<vmem>> -> memref<512xi32, #tpu.memory_space<vmem>>
      %dma_start3A_493 = arith.constant 0 : i32
      %dma_start3A_494 = tpu.memref_slice %arg2[%dma_start3A_493] : memref<1048576xf32, #tpu.memory_space<hbm>> -> memref<1048576xf32, #tpu.memory_space<hbm>>
      %dma_start3A_495 = tpu.memref_slice %arg26[%dma_start3A_488] : memref<2x!tpu.dma_semaphore, #tpu.memory_space<semaphore_mem>> -> memref<1x!tpu.dma_semaphore, #tpu.memory_space<semaphore_mem>>
      %dma_start3A_496 = tpu.memref_squeeze %dma_start3A_495 : memref<1x!tpu.dma_semaphore, #tpu.memory_space<semaphore_mem>> -> memref<!tpu.dma_semaphore, #tpu.memory_space<semaphore_mem>>
      tpu.enqueue_indirect_dma source(%dma_start3A_494 : memref<1048576xf32, #tpu.memory_space<hbm>>) target(%dma_start3A_490 : memref<512xf32, #tpu.memory_space<vmem>>) offsets(%dma_start3A_492 : memref<512xi32, #tpu.memory_space<vmem>>) semaphore(%dma_start3A_496 : memref<!tpu.dma_semaphore, #tpu.memory_space<semaphore_mem>>)
      %dma_start3A_497 = arith.constant 1 : i32
      %dma_start3A_498 = arith.constant 512 : i32
      %dma_start3A_499 = tpu.memref_slice %arg22[%dma_start3A_498] : memref<4096xf32, #tpu.memory_space<vmem>> -> memref<512xf32, #tpu.memory_space<vmem>>
      %dma_start3A_500 = arith.constant 512 : i32
      %dma_start3A_501 = tpu.memref_slice %arg18[%dma_start3A_500] : memref<4096xi32, #tpu.memory_space<vmem>> -> memref<512xi32, #tpu.memory_space<vmem>>
      %dma_start3A_502 = arith.constant 0 : i32
      %dma_start3A_503 = tpu.memref_slice %arg3[%dma_start3A_502] : memref<1048576xf32, #tpu.memory_space<hbm>> -> memref<1048576xf32, #tpu.memory_space<hbm>>
      %dma_start3A_504 = tpu.memref_slice %arg26[%dma_start3A_497] : memref<2x!tpu.dma_semaphore, #tpu.memory_space<semaphore_mem>> -> memref<1x!tpu.dma_semaphore, #tpu.memory_space<semaphore_mem>>
      %dma_start3A_505 = tpu.memref_squeeze %dma_start3A_504 : memref<1x!tpu.dma_semaphore, #tpu.memory_space<semaphore_mem>> -> memref<!tpu.dma_semaphore, #tpu.memory_space<semaphore_mem>>
      tpu.enqueue_indirect_dma source(%dma_start3A_503 : memref<1048576xf32, #tpu.memory_space<hbm>>) target(%dma_start3A_499 : memref<512xf32, #tpu.memory_space<vmem>>) offsets(%dma_start3A_501 : memref<512xi32, #tpu.memory_space<vmem>>) semaphore(%dma_start3A_505 : memref<!tpu.dma_semaphore, #tpu.memory_space<semaphore_mem>>)
      %dma_start3A_506 = arith.constant 1 : i32
      %dma_start3A_507 = arith.constant 1024 : i32
      %dma_start3A_508 = tpu.memref_slice %arg20[%dma_start3A_507] : memref<4096xf32, #tpu.memory_space<vmem>> -> memref<512xf32, #tpu.memory_space<vmem>>
      %dma_start3A_509 = arith.constant 1024 : i32
      %dma_start3A_510 = tpu.memref_slice %arg18[%dma_start3A_509] : memref<4096xi32, #tpu.memory_space<vmem>> -> memref<512xi32, #tpu.memory_space<vmem>>
      %dma_start3A_511 = arith.constant 0 : i32
      %dma_start3A_512 = tpu.memref_slice %arg2[%dma_start3A_511] : memref<1048576xf32, #tpu.memory_space<hbm>> -> memref<1048576xf32, #tpu.memory_space<hbm>>
      %dma_start3A_513 = tpu.memref_slice %arg26[%dma_start3A_506] : memref<2x!tpu.dma_semaphore, #tpu.memory_space<semaphore_mem>> -> memref<1x!tpu.dma_semaphore, #tpu.memory_space<semaphore_mem>>
      %dma_start3A_514 = tpu.memref_squeeze %dma_start3A_513 : memref<1x!tpu.dma_semaphore, #tpu.memory_space<semaphore_mem>> -> memref<!tpu.dma_semaphore, #tpu.memory_space<semaphore_mem>>
      tpu.enqueue_indirect_dma source(%dma_start3A_512 : memref<1048576xf32, #tpu.memory_space<hbm>>) target(%dma_start3A_508 : memref<512xf32, #tpu.memory_space<vmem>>) offsets(%dma_start3A_510 : memref<512xi32, #tpu.memory_space<vmem>>) semaphore(%dma_start3A_514 : memref<!tpu.dma_semaphore, #tpu.memory_space<semaphore_mem>>)
      %dma_start3A_515 = arith.constant 1 : i32
      %dma_start3A_516 = arith.constant 1024 : i32
      %dma_start3A_517 = tpu.memref_slice %arg22[%dma_start3A_516] : memref<4096xf32, #tpu.memory_space<vmem>> -> memref<512xf32, #tpu.memory_space<vmem>>
      %dma_start3A_518 = arith.constant 1024 : i32
      %dma_start3A_519 = tpu.memref_slice %arg18[%dma_start3A_518] : memref<4096xi32, #tpu.memory_space<vmem>> -> memref<512xi32, #tpu.memory_space<vmem>>
      %dma_start3A_520 = arith.constant 0 : i32
      %dma_start3A_521 = tpu.memref_slice %arg3[%dma_start3A_520] : memref<1048576xf32, #tpu.memory_space<hbm>> -> memref<1048576xf32, #tpu.memory_space<hbm>>
      %dma_start3A_522 = tpu.memref_slice %arg26[%dma_start3A_515] : memref<2x!tpu.dma_semaphore, #tpu.memory_space<semaphore_mem>> -> memref<1x!tpu.dma_semaphore, #tpu.memory_space<semaphore_mem>>
      %dma_start3A_523 = tpu.memref_squeeze %dma_start3A_522 : memref<1x!tpu.dma_semaphore, #tpu.memory_space<semaphore_mem>> -> memref<!tpu.dma_semaphore, #tpu.memory_space<semaphore_mem>>
      tpu.enqueue_indirect_dma source(%dma_start3A_521 : memref<1048576xf32, #tpu.memory_space<hbm>>) target(%dma_start3A_517 : memref<512xf32, #tpu.memory_space<vmem>>) offsets(%dma_start3A_519 : memref<512xi32, #tpu.memory_space<vmem>>) semaphore(%dma_start3A_523 : memref<!tpu.dma_semaphore, #tpu.memory_space<semaphore_mem>>)
      %dma_start3A_524 = arith.constant 1 : i32
      %dma_start3A_525 = arith.constant 1536 : i32
      %dma_start3A_526 = tpu.memref_slice %arg20[%dma_start3A_525] : memref<4096xf32, #tpu.memory_space<vmem>> -> memref<512xf32, #tpu.memory_space<vmem>>
      %dma_start3A_527 = arith.constant 1536 : i32
      %dma_start3A_528 = tpu.memref_slice %arg18[%dma_start3A_527] : memref<4096xi32, #tpu.memory_space<vmem>> -> memref<512xi32, #tpu.memory_space<vmem>>
      %dma_start3A_529 = arith.constant 0 : i32
      %dma_start3A_530 = tpu.memref_slice %arg2[%dma_start3A_529] : memref<1048576xf32, #tpu.memory_space<hbm>> -> memref<1048576xf32, #tpu.memory_space<hbm>>
      %dma_start3A_531 = tpu.memref_slice %arg26[%dma_start3A_524] : memref<2x!tpu.dma_semaphore, #tpu.memory_space<semaphore_mem>> -> memref<1x!tpu.dma_semaphore, #tpu.memory_space<semaphore_mem>>
      %dma_start3A_532 = tpu.memref_squeeze %dma_start3A_531 : memref<1x!tpu.dma_semaphore, #tpu.memory_space<semaphore_mem>> -> memref<!tpu.dma_semaphore, #tpu.memory_space<semaphore_mem>>
      tpu.enqueue_indirect_dma source(%dma_start3A_530 : memref<1048576xf32, #tpu.memory_space<hbm>>) target(%dma_start3A_526 : memref<512xf32, #tpu.memory_space<vmem>>) offsets(%dma_start3A_528 : memref<512xi32, #tpu.memory_space<vmem>>) semaphore(%dma_start3A_532 : memref<!tpu.dma_semaphore, #tpu.memory_space<semaphore_mem>>)
      %dma_start3A_533 = arith.constant 1 : i32
      %dma_start3A_534 = arith.constant 1536 : i32
      %dma_start3A_535 = tpu.memref_slice %arg22[%dma_start3A_534] : memref<4096xf32, #tpu.memory_space<vmem>> -> memref<512xf32, #tpu.memory_space<vmem>>
      %dma_start3A_536 = arith.constant 1536 : i32
      %dma_start3A_537 = tpu.memref_slice %arg18[%dma_start3A_536] : memref<4096xi32, #tpu.memory_space<vmem>> -> memref<512xi32, #tpu.memory_space<vmem>>
      %dma_start3A_538 = arith.constant 0 : i32
      %dma_start3A_539 = tpu.memref_slice %arg3[%dma_start3A_538] : memref<1048576xf32, #tpu.memory_space<hbm>> -> memref<1048576xf32, #tpu.memory_space<hbm>>
      %dma_start3A_540 = tpu.memref_slice %arg26[%dma_start3A_533] : memref<2x!tpu.dma_semaphore, #tpu.memory_space<semaphore_mem>> -> memref<1x!tpu.dma_semaphore, #tpu.memory_space<semaphore_mem>>
      %dma_start3A_541 = tpu.memref_squeeze %dma_start3A_540 : memref<1x!tpu.dma_semaphore, #tpu.memory_space<semaphore_mem>> -> memref<!tpu.dma_semaphore, #tpu.memory_space<semaphore_mem>>
      tpu.enqueue_indirect_dma source(%dma_start3A_539 : memref<1048576xf32, #tpu.memory_space<hbm>>) target(%dma_start3A_535 : memref<512xf32, #tpu.memory_space<vmem>>) offsets(%dma_start3A_537 : memref<512xi32, #tpu.memory_space<vmem>>) semaphore(%dma_start3A_541 : memref<!tpu.dma_semaphore, #tpu.memory_space<semaphore_mem>>)
      %dma_start3A_542 = arith.constant 1 : i32
      %dma_start3A_543 = arith.constant 2048 : i32
      %dma_start3A_544 = tpu.memref_slice %arg20[%dma_start3A_543] : memref<4096xf32, #tpu.memory_space<vmem>> -> memref<512xf32, #tpu.memory_space<vmem>>
      %dma_start3A_545 = arith.constant 2048 : i32
      %dma_start3A_546 = tpu.memref_slice %arg18[%dma_start3A_545] : memref<4096xi32, #tpu.memory_space<vmem>> -> memref<512xi32, #tpu.memory_space<vmem>>
      %dma_start3A_547 = arith.constant 0 : i32
      %dma_start3A_548 = tpu.memref_slice %arg2[%dma_start3A_547] : memref<1048576xf32, #tpu.memory_space<hbm>> -> memref<1048576xf32, #tpu.memory_space<hbm>>
      %dma_start3A_549 = tpu.memref_slice %arg26[%dma_start3A_542] : memref<2x!tpu.dma_semaphore, #tpu.memory_space<semaphore_mem>> -> memref<1x!tpu.dma_semaphore, #tpu.memory_space<semaphore_mem>>
      %dma_start3A_550 = tpu.memref_squeeze %dma_start3A_549 : memref<1x!tpu.dma_semaphore, #tpu.memory_space<semaphore_mem>> -> memref<!tpu.dma_semaphore, #tpu.memory_space<semaphore_mem>>
      tpu.enqueue_indirect_dma source(%dma_start3A_548 : memref<1048576xf32, #tpu.memory_space<hbm>>) target(%dma_start3A_544 : memref<512xf32, #tpu.memory_space<vmem>>) offsets(%dma_start3A_546 : memref<512xi32, #tpu.memory_space<vmem>>) semaphore(%dma_start3A_550 : memref<!tpu.dma_semaphore, #tpu.memory_space<semaphore_mem>>)
      %dma_start3A_551 = arith.constant 1 : i32
      %dma_start3A_552 = arith.constant 2048 : i32
      %dma_start3A_553 = tpu.memref_slice %arg22[%dma_start3A_552] : memref<4096xf32, #tpu.memory_space<vmem>> -> memref<512xf32, #tpu.memory_space<vmem>>
      %dma_start3A_554 = arith.constant 2048 : i32
      %dma_start3A_555 = tpu.memref_slice %arg18[%dma_start3A_554] : memref<4096xi32, #tpu.memory_space<vmem>> -> memref<512xi32, #tpu.memory_space<vmem>>
      %dma_start3A_556 = arith.constant 0 : i32
      %dma_start3A_557 = tpu.memref_slice %arg3[%dma_start3A_556] : memref<1048576xf32, #tpu.memory_space<hbm>> -> memref<1048576xf32, #tpu.memory_space<hbm>>
      %dma_start3A_558 = tpu.memref_slice %arg26[%dma_start3A_551] : memref<2x!tpu.dma_semaphore, #tpu.memory_space<semaphore_mem>> -> memref<1x!tpu.dma_semaphore, #tpu.memory_space<semaphore_mem>>
      %dma_start3A_559 = tpu.memref_squeeze %dma_start3A_558 : memref<1x!tpu.dma_semaphore, #tpu.memory_space<semaphore_mem>> -> memref<!tpu.dma_semaphore, #tpu.memory_space<semaphore_mem>>
      tpu.enqueue_indirect_dma source(%dma_start3A_557 : memref<1048576xf32, #tpu.memory_space<hbm>>) target(%dma_start3A_553 : memref<512xf32, #tpu.memory_space<vmem>>) offsets(%dma_start3A_555 : memref<512xi32, #tpu.memory_space<vmem>>) semaphore(%dma_start3A_559 : memref<!tpu.dma_semaphore, #tpu.memory_space<semaphore_mem>>)
      %dma_start3A_560 = arith.constant 1 : i32
      %dma_start3A_561 = arith.constant 2560 : i32
      %dma_start3A_562 = tpu.memref_slice %arg20[%dma_start3A_561] : memref<4096xf32, #tpu.memory_space<vmem>> -> memref<512xf32, #tpu.memory_space<vmem>>
      %dma_start3A_563 = arith.constant 2560 : i32
      %dma_start3A_564 = tpu.memref_slice %arg18[%dma_start3A_563] : memref<4096xi32, #tpu.memory_space<vmem>> -> memref<512xi32, #tpu.memory_space<vmem>>
      %dma_start3A_565 = arith.constant 0 : i32
      %dma_start3A_566 = tpu.memref_slice %arg2[%dma_start3A_565] : memref<1048576xf32, #tpu.memory_space<hbm>> -> memref<1048576xf32, #tpu.memory_space<hbm>>
      %dma_start3A_567 = tpu.memref_slice %arg26[%dma_start3A_560] : memref<2x!tpu.dma_semaphore, #tpu.memory_space<semaphore_mem>> -> memref<1x!tpu.dma_semaphore, #tpu.memory_space<semaphore_mem>>
      %dma_start3A_568 = tpu.memref_squeeze %dma_start3A_567 : memref<1x!tpu.dma_semaphore, #tpu.memory_space<semaphore_mem>> -> memref<!tpu.dma_semaphore, #tpu.memory_space<semaphore_mem>>
      tpu.enqueue_indirect_dma source(%dma_start3A_566 : memref<1048576xf32, #tpu.memory_space<hbm>>) target(%dma_start3A_562 : memref<512xf32, #tpu.memory_space<vmem>>) offsets(%dma_start3A_564 : memref<512xi32, #tpu.memory_space<vmem>>) semaphore(%dma_start3A_568 : memref<!tpu.dma_semaphore, #tpu.memory_space<semaphore_mem>>)
      %dma_start3A_569 = arith.constant 1 : i32
      %dma_start3A_570 = arith.constant 2560 : i32
      %dma_start3A_571 = tpu.memref_slice %arg22[%dma_start3A_570] : memref<4096xf32, #tpu.memory_space<vmem>> -> memref<512xf32, #tpu.memory_space<vmem>>
      %dma_start3A_572 = arith.constant 2560 : i32
      %dma_start3A_573 = tpu.memref_slice %arg18[%dma_start3A_572] : memref<4096xi32, #tpu.memory_space<vmem>> -> memref<512xi32, #tpu.memory_space<vmem>>
      %dma_start3A_574 = arith.constant 0 : i32
      %dma_start3A_575 = tpu.memref_slice %arg3[%dma_start3A_574] : memref<1048576xf32, #tpu.memory_space<hbm>> -> memref<1048576xf32, #tpu.memory_space<hbm>>
      %dma_start3A_576 = tpu.memref_slice %arg26[%dma_start3A_569] : memref<2x!tpu.dma_semaphore, #tpu.memory_space<semaphore_mem>> -> memref<1x!tpu.dma_semaphore, #tpu.memory_space<semaphore_mem>>
      %dma_start3A_577 = tpu.memref_squeeze %dma_start3A_576 : memref<1x!tpu.dma_semaphore, #tpu.memory_space<semaphore_mem>> -> memref<!tpu.dma_semaphore, #tpu.memory_space<semaphore_mem>>
      tpu.enqueue_indirect_dma source(%dma_start3A_575 : memref<1048576xf32, #tpu.memory_space<hbm>>) target(%dma_start3A_571 : memref<512xf32, #tpu.memory_space<vmem>>) offsets(%dma_start3A_573 : memref<512xi32, #tpu.memory_space<vmem>>) semaphore(%dma_start3A_577 : memref<!tpu.dma_semaphore, #tpu.memory_space<semaphore_mem>>)
      %dma_start3A_578 = arith.constant 1 : i32
      %dma_start3A_579 = arith.constant 3072 : i32
      %dma_start3A_580 = tpu.memref_slice %arg20[%dma_start3A_579] : memref<4096xf32, #tpu.memory_space<vmem>> -> memref<512xf32, #tpu.memory_space<vmem>>
      %dma_start3A_581 = arith.constant 3072 : i32
      %dma_start3A_582 = tpu.memref_slice %arg18[%dma_start3A_581] : memref<4096xi32, #tpu.memory_space<vmem>> -> memref<512xi32, #tpu.memory_space<vmem>>
      %dma_start3A_583 = arith.constant 0 : i32
      %dma_start3A_584 = tpu.memref_slice %arg2[%dma_start3A_583] : memref<1048576xf32, #tpu.memory_space<hbm>> -> memref<1048576xf32, #tpu.memory_space<hbm>>
      %dma_start3A_585 = tpu.memref_slice %arg26[%dma_start3A_578] : memref<2x!tpu.dma_semaphore, #tpu.memory_space<semaphore_mem>> -> memref<1x!tpu.dma_semaphore, #tpu.memory_space<semaphore_mem>>
      %dma_start3A_586 = tpu.memref_squeeze %dma_start3A_585 : memref<1x!tpu.dma_semaphore, #tpu.memory_space<semaphore_mem>> -> memref<!tpu.dma_semaphore, #tpu.memory_space<semaphore_mem>>
      tpu.enqueue_indirect_dma source(%dma_start3A_584 : memref<1048576xf32, #tpu.memory_space<hbm>>) target(%dma_start3A_580 : memref<512xf32, #tpu.memory_space<vmem>>) offsets(%dma_start3A_582 : memref<512xi32, #tpu.memory_space<vmem>>) semaphore(%dma_start3A_586 : memref<!tpu.dma_semaphore, #tpu.memory_space<semaphore_mem>>)
      %dma_start3A_587 = arith.constant 1 : i32
      %dma_start3A_588 = arith.constant 3072 : i32
      %dma_start3A_589 = tpu.memref_slice %arg22[%dma_start3A_588] : memref<4096xf32, #tpu.memory_space<vmem>> -> memref<512xf32, #tpu.memory_space<vmem>>
      %dma_start3A_590 = arith.constant 3072 : i32
      %dma_start3A_591 = tpu.memref_slice %arg18[%dma_start3A_590] : memref<4096xi32, #tpu.memory_space<vmem>> -> memref<512xi32, #tpu.memory_space<vmem>>
      %dma_start3A_592 = arith.constant 0 : i32
      %dma_start3A_593 = tpu.memref_slice %arg3[%dma_start3A_592] : memref<1048576xf32, #tpu.memory_space<hbm>> -> memref<1048576xf32, #tpu.memory_space<hbm>>
      %dma_start3A_594 = tpu.memref_slice %arg26[%dma_start3A_587] : memref<2x!tpu.dma_semaphore, #tpu.memory_space<semaphore_mem>> -> memref<1x!tpu.dma_semaphore, #tpu.memory_space<semaphore_mem>>
      %dma_start3A_595 = tpu.memref_squeeze %dma_start3A_594 : memref<1x!tpu.dma_semaphore, #tpu.memory_space<semaphore_mem>> -> memref<!tpu.dma_semaphore, #tpu.memory_space<semaphore_mem>>
      tpu.enqueue_indirect_dma source(%dma_start3A_593 : memref<1048576xf32, #tpu.memory_space<hbm>>) target(%dma_start3A_589 : memref<512xf32, #tpu.memory_space<vmem>>) offsets(%dma_start3A_591 : memref<512xi32, #tpu.memory_space<vmem>>) semaphore(%dma_start3A_595 : memref<!tpu.dma_semaphore, #tpu.memory_space<semaphore_mem>>)
      %dma_start3A_596 = arith.constant 1 : i32
      %dma_start3A_597 = arith.constant 3584 : i32
      %dma_start3A_598 = tpu.memref_slice %arg20[%dma_start3A_597] : memref<4096xf32, #tpu.memory_space<vmem>> -> memref<512xf32, #tpu.memory_space<vmem>>
      %dma_start3A_599 = arith.constant 3584 : i32
      %dma_start3A_600 = tpu.memref_slice %arg18[%dma_start3A_599] : memref<4096xi32, #tpu.memory_space<vmem>> -> memref<512xi32, #tpu.memory_space<vmem>>
      %dma_start3A_601 = arith.constant 0 : i32
      %dma_start3A_602 = tpu.memref_slice %arg2[%dma_start3A_601] : memref<1048576xf32, #tpu.memory_space<hbm>> -> memref<1048576xf32, #tpu.memory_space<hbm>>
      %dma_start3A_603 = tpu.memref_slice %arg26[%dma_start3A_596] : memref<2x!tpu.dma_semaphore, #tpu.memory_space<semaphore_mem>> -> memref<1x!tpu.dma_semaphore, #tpu.memory_space<semaphore_mem>>
      %dma_start3A_604 = tpu.memref_squeeze %dma_start3A_603 : memref<1x!tpu.dma_semaphore, #tpu.memory_space<semaphore_mem>> -> memref<!tpu.dma_semaphore, #tpu.memory_space<semaphore_mem>>
      tpu.enqueue_indirect_dma source(%dma_start3A_602 : memref<1048576xf32, #tpu.memory_space<hbm>>) target(%dma_start3A_598 : memref<512xf32, #tpu.memory_space<vmem>>) offsets(%dma_start3A_600 : memref<512xi32, #tpu.memory_space<vmem>>) semaphore(%dma_start3A_604 : memref<!tpu.dma_semaphore, #tpu.memory_space<semaphore_mem>>)
      %dma_start3A_605 = arith.constant 1 : i32
      %dma_start3A_606 = arith.constant 3584 : i32
      %dma_start3A_607 = tpu.memref_slice %arg22[%dma_start3A_606] : memref<4096xf32, #tpu.memory_space<vmem>> -> memref<512xf32, #tpu.memory_space<vmem>>
      %dma_start3A_608 = arith.constant 3584 : i32
      %dma_start3A_609 = tpu.memref_slice %arg18[%dma_start3A_608] : memref<4096xi32, #tpu.memory_space<vmem>> -> memref<512xi32, #tpu.memory_space<vmem>>
      %dma_start3A_610 = arith.constant 0 : i32
      %dma_start3A_611 = tpu.memref_slice %arg3[%dma_start3A_610] : memref<1048576xf32, #tpu.memory_space<hbm>> -> memref<1048576xf32, #tpu.memory_space<hbm>>
      %dma_start3A_612 = tpu.memref_slice %arg26[%dma_start3A_605] : memref<2x!tpu.dma_semaphore, #tpu.memory_space<semaphore_mem>> -> memref<1x!tpu.dma_semaphore, #tpu.memory_space<semaphore_mem>>
      %dma_start3A_613 = tpu.memref_squeeze %dma_start3A_612 : memref<1x!tpu.dma_semaphore, #tpu.memory_space<semaphore_mem>> -> memref<!tpu.dma_semaphore, #tpu.memory_space<semaphore_mem>>
      tpu.enqueue_indirect_dma source(%dma_start3A_611 : memref<1048576xf32, #tpu.memory_space<hbm>>) target(%dma_start3A_607 : memref<512xf32, #tpu.memory_space<vmem>>) offsets(%dma_start3A_609 : memref<512xi32, #tpu.memory_space<vmem>>) semaphore(%dma_start3A_613 : memref<!tpu.dma_semaphore, #tpu.memory_space<semaphore_mem>>)
      %sub3A = arith.constant 1 : i32
      %sub3A_614 = arith.subi %add3A_430, %sub3A : i32
      %gt3A_615 = arith.constant 0 : i32
      %gt3A_616 = arith.cmpi sgt, %scan3A_238, %gt3A_615 : i32
      %dma_wait3A_617 = arith.constant 0 : i32
      %dma_wait3A_618 = arith.constant 0 : i32
      %dma_wait3A_619 = tpu.memref_slice %arg19[%dma_wait3A_618] : memref<4096xf32, #tpu.memory_space<vmem>> -> memref<512xf32, #tpu.memory_space<vmem>>
      %dma_wait3A_620 = arith.constant 0 : i32
      %dma_wait3A_621 = tpu.memref_slice %arg17[%dma_wait3A_620] : memref<4096xi32, #tpu.memory_space<vmem>> -> memref<512xi32, #tpu.memory_space<vmem>>
      %dma_wait3A_622 = arith.constant 0 : i32
      %dma_wait3A_623 = tpu.memref_slice %arg2[%dma_wait3A_622] : memref<1048576xf32, #tpu.memory_space<hbm>> -> memref<1048576xf32, #tpu.memory_space<hbm>>
      %dma_wait3A_624 = tpu.memref_slice %arg26[%dma_wait3A_617] : memref<2x!tpu.dma_semaphore, #tpu.memory_space<semaphore_mem>> -> memref<1x!tpu.dma_semaphore, #tpu.memory_space<semaphore_mem>>
      %dma_wait3A_625 = tpu.memref_squeeze %dma_wait3A_624 : memref<1x!tpu.dma_semaphore, #tpu.memory_space<semaphore_mem>> -> memref<!tpu.dma_semaphore, #tpu.memory_space<semaphore_mem>>
      tpu.wait_indirect_dma semaphore(%dma_wait3A_625 : memref<!tpu.dma_semaphore, #tpu.memory_space<semaphore_mem>>) src(%dma_wait3A_623 : memref<1048576xf32, #tpu.memory_space<hbm>>) dst(%dma_wait3A_619 : memref<512xf32, #tpu.memory_space<vmem>>)
      %dma_wait3A_626 = arith.constant 0 : i32
      %dma_wait3A_627 = arith.constant 0 : i32
      %dma_wait3A_628 = tpu.memref_slice %arg21[%dma_wait3A_627] : memref<4096xf32, #tpu.memory_space<vmem>> -> memref<512xf32, #tpu.memory_space<vmem>>
      %dma_wait3A_629 = arith.constant 0 : i32
      %dma_wait3A_630 = tpu.memref_slice %arg17[%dma_wait3A_629] : memref<4096xi32, #tpu.memory_space<vmem>> -> memref<512xi32, #tpu.memory_space<vmem>>
      %dma_wait3A_631 = arith.constant 0 : i32
      %dma_wait3A_632 = tpu.memref_slice %arg3[%dma_wait3A_631] : memref<1048576xf32, #tpu.memory_space<hbm>> -> memref<1048576xf32, #tpu.memory_space<hbm>>
      %dma_wait3A_633 = tpu.memref_slice %arg26[%dma_wait3A_626] : memref<2x!tpu.dma_semaphore, #tpu.memory_space<semaphore_mem>> -> memref<1x!tpu.dma_semaphore, #tpu.memory_space<semaphore_mem>>
      %dma_wait3A_634 = tpu.memref_squeeze %dma_wait3A_633 : memref<1x!tpu.dma_semaphore, #tpu.memory_space<semaphore_mem>> -> memref<!tpu.dma_semaphore, #tpu.memory_space<semaphore_mem>>
      tpu.wait_indirect_dma semaphore(%dma_wait3A_634 : memref<!tpu.dma_semaphore, #tpu.memory_space<semaphore_mem>>) src(%dma_wait3A_632 : memref<1048576xf32, #tpu.memory_space<hbm>>) dst(%dma_wait3A_628 : memref<512xf32, #tpu.memory_space<vmem>>)
      %dma_wait3A_635 = arith.constant 0 : i32
      %dma_wait3A_636 = arith.constant 512 : i32
      %dma_wait3A_637 = tpu.memref_slice %arg19[%dma_wait3A_636] : memref<4096xf32, #tpu.memory_space<vmem>> -> memref<512xf32, #tpu.memory_space<vmem>>
      %dma_wait3A_638 = arith.constant 512 : i32
      %dma_wait3A_639 = tpu.memref_slice %arg17[%dma_wait3A_638] : memref<4096xi32, #tpu.memory_space<vmem>> -> memref<512xi32, #tpu.memory_space<vmem>>
      %dma_wait3A_640 = arith.constant 0 : i32
      %dma_wait3A_641 = tpu.memref_slice %arg2[%dma_wait3A_640] : memref<1048576xf32, #tpu.memory_space<hbm>> -> memref<1048576xf32, #tpu.memory_space<hbm>>
      %dma_wait3A_642 = tpu.memref_slice %arg26[%dma_wait3A_635] : memref<2x!tpu.dma_semaphore, #tpu.memory_space<semaphore_mem>> -> memref<1x!tpu.dma_semaphore, #tpu.memory_space<semaphore_mem>>
      %dma_wait3A_643 = tpu.memref_squeeze %dma_wait3A_642 : memref<1x!tpu.dma_semaphore, #tpu.memory_space<semaphore_mem>> -> memref<!tpu.dma_semaphore, #tpu.memory_space<semaphore_mem>>
      tpu.wait_indirect_dma semaphore(%dma_wait3A_643 : memref<!tpu.dma_semaphore, #tpu.memory_space<semaphore_mem>>) src(%dma_wait3A_641 : memref<1048576xf32, #tpu.memory_space<hbm>>) dst(%dma_wait3A_637 : memref<512xf32, #tpu.memory_space<vmem>>)
      %dma_wait3A_644 = arith.constant 0 : i32
      %dma_wait3A_645 = arith.constant 512 : i32
      %dma_wait3A_646 = tpu.memref_slice %arg21[%dma_wait3A_645] : memref<4096xf32, #tpu.memory_space<vmem>> -> memref<512xf32, #tpu.memory_space<vmem>>
      %dma_wait3A_647 = arith.constant 512 : i32
      %dma_wait3A_648 = tpu.memref_slice %arg17[%dma_wait3A_647] : memref<4096xi32, #tpu.memory_space<vmem>> -> memref<512xi32, #tpu.memory_space<vmem>>
      %dma_wait3A_649 = arith.constant 0 : i32
      %dma_wait3A_650 = tpu.memref_slice %arg3[%dma_wait3A_649] : memref<1048576xf32, #tpu.memory_space<hbm>> -> memref<1048576xf32, #tpu.memory_space<hbm>>
      %dma_wait3A_651 = tpu.memref_slice %arg26[%dma_wait3A_644] : memref<2x!tpu.dma_semaphore, #tpu.memory_space<semaphore_mem>> -> memref<1x!tpu.dma_semaphore, #tpu.memory_space<semaphore_mem>>
      %dma_wait3A_652 = tpu.memref_squeeze %dma_wait3A_651 : memref<1x!tpu.dma_semaphore, #tpu.memory_space<semaphore_mem>> -> memref<!tpu.dma_semaphore, #tpu.memory_space<semaphore_mem>>
      tpu.wait_indirect_dma semaphore(%dma_wait3A_652 : memref<!tpu.dma_semaphore, #tpu.memory_space<semaphore_mem>>) src(%dma_wait3A_650 : memref<1048576xf32, #tpu.memory_space<hbm>>) dst(%dma_wait3A_646 : memref<512xf32, #tpu.memory_space<vmem>>)
      %dma_wait3A_653 = arith.constant 0 : i32
      %dma_wait3A_654 = arith.constant 1024 : i32
      %dma_wait3A_655 = tpu.memref_slice %arg19[%dma_wait3A_654] : memref<4096xf32, #tpu.memory_space<vmem>> -> memref<512xf32, #tpu.memory_space<vmem>>
      %dma_wait3A_656 = arith.constant 1024 : i32
      %dma_wait3A_657 = tpu.memref_slice %arg17[%dma_wait3A_656] : memref<4096xi32, #tpu.memory_space<vmem>> -> memref<512xi32, #tpu.memory_space<vmem>>
      %dma_wait3A_658 = arith.constant 0 : i32
      %dma_wait3A_659 = tpu.memref_slice %arg2[%dma_wait3A_658] : memref<1048576xf32, #tpu.memory_space<hbm>> -> memref<1048576xf32, #tpu.memory_space<hbm>>
      %dma_wait3A_660 = tpu.memref_slice %arg26[%dma_wait3A_653] : memref<2x!tpu.dma_semaphore, #tpu.memory_space<semaphore_mem>> -> memref<1x!tpu.dma_semaphore, #tpu.memory_space<semaphore_mem>>
      %dma_wait3A_661 = tpu.memref_squeeze %dma_wait3A_660 : memref<1x!tpu.dma_semaphore, #tpu.memory_space<semaphore_mem>> -> memref<!tpu.dma_semaphore, #tpu.memory_space<semaphore_mem>>
      tpu.wait_indirect_dma semaphore(%dma_wait3A_661 : memref<!tpu.dma_semaphore, #tpu.memory_space<semaphore_mem>>) src(%dma_wait3A_659 : memref<1048576xf32, #tpu.memory_space<hbm>>) dst(%dma_wait3A_655 : memref<512xf32, #tpu.memory_space<vmem>>)
      %dma_wait3A_662 = arith.constant 0 : i32
      %dma_wait3A_663 = arith.constant 1024 : i32
      %dma_wait3A_664 = tpu.memref_slice %arg21[%dma_wait3A_663] : memref<4096xf32, #tpu.memory_space<vmem>> -> memref<512xf32, #tpu.memory_space<vmem>>
      %dma_wait3A_665 = arith.constant 1024 : i32
      %dma_wait3A_666 = tpu.memref_slice %arg17[%dma_wait3A_665] : memref<4096xi32, #tpu.memory_space<vmem>> -> memref<512xi32, #tpu.memory_space<vmem>>
      %dma_wait3A_667 = arith.constant 0 : i32
      %dma_wait3A_668 = tpu.memref_slice %arg3[%dma_wait3A_667] : memref<1048576xf32, #tpu.memory_space<hbm>> -> memref<1048576xf32, #tpu.memory_space<hbm>>
      %dma_wait3A_669 = tpu.memref_slice %arg26[%dma_wait3A_662] : memref<2x!tpu.dma_semaphore, #tpu.memory_space<semaphore_mem>> -> memref<1x!tpu.dma_semaphore, #tpu.memory_space<semaphore_mem>>
      %dma_wait3A_670 = tpu.memref_squeeze %dma_wait3A_669 : memref<1x!tpu.dma_semaphore, #tpu.memory_space<semaphore_mem>> -> memref<!tpu.dma_semaphore, #tpu.memory_space<semaphore_mem>>
      tpu.wait_indirect_dma semaphore(%dma_wait3A_670 : memref<!tpu.dma_semaphore, #tpu.memory_space<semaphore_mem>>) src(%dma_wait3A_668 : memref<1048576xf32, #tpu.memory_space<hbm>>) dst(%dma_wait3A_664 : memref<512xf32, #tpu.memory_space<vmem>>)
      %dma_wait3A_671 = arith.constant 0 : i32
      %dma_wait3A_672 = arith.constant 1536 : i32
      %dma_wait3A_673 = tpu.memref_slice %arg19[%dma_wait3A_672] : memref<4096xf32, #tpu.memory_space<vmem>> -> memref<512xf32, #tpu.memory_space<vmem>>
      %dma_wait3A_674 = arith.constant 1536 : i32
      %dma_wait3A_675 = tpu.memref_slice %arg17[%dma_wait3A_674] : memref<4096xi32, #tpu.memory_space<vmem>> -> memref<512xi32, #tpu.memory_space<vmem>>
      %dma_wait3A_676 = arith.constant 0 : i32
      %dma_wait3A_677 = tpu.memref_slice %arg2[%dma_wait3A_676] : memref<1048576xf32, #tpu.memory_space<hbm>> -> memref<1048576xf32, #tpu.memory_space<hbm>>
      %dma_wait3A_678 = tpu.memref_slice %arg26[%dma_wait3A_671] : memref<2x!tpu.dma_semaphore, #tpu.memory_space<semaphore_mem>> -> memref<1x!tpu.dma_semaphore, #tpu.memory_space<semaphore_mem>>
      %dma_wait3A_679 = tpu.memref_squeeze %dma_wait3A_678 : memref<1x!tpu.dma_semaphore, #tpu.memory_space<semaphore_mem>> -> memref<!tpu.dma_semaphore, #tpu.memory_space<semaphore_mem>>
      tpu.wait_indirect_dma semaphore(%dma_wait3A_679 : memref<!tpu.dma_semaphore, #tpu.memory_space<semaphore_mem>>) src(%dma_wait3A_677 : memref<1048576xf32, #tpu.memory_space<hbm>>) dst(%dma_wait3A_673 : memref<512xf32, #tpu.memory_space<vmem>>)
      %dma_wait3A_680 = arith.constant 0 : i32
      %dma_wait3A_681 = arith.constant 1536 : i32
      %dma_wait3A_682 = tpu.memref_slice %arg21[%dma_wait3A_681] : memref<4096xf32, #tpu.memory_space<vmem>> -> memref<512xf32, #tpu.memory_space<vmem>>
      %dma_wait3A_683 = arith.constant 1536 : i32
      %dma_wait3A_684 = tpu.memref_slice %arg17[%dma_wait3A_683] : memref<4096xi32, #tpu.memory_space<vmem>> -> memref<512xi32, #tpu.memory_space<vmem>>
      %dma_wait3A_685 = arith.constant 0 : i32
      %dma_wait3A_686 = tpu.memref_slice %arg3[%dma_wait3A_685] : memref<1048576xf32, #tpu.memory_space<hbm>> -> memref<1048576xf32, #tpu.memory_space<hbm>>
      %dma_wait3A_687 = tpu.memref_slice %arg26[%dma_wait3A_680] : memref<2x!tpu.dma_semaphore, #tpu.memory_space<semaphore_mem>> -> memref<1x!tpu.dma_semaphore, #tpu.memory_space<semaphore_mem>>
      %dma_wait3A_688 = tpu.memref_squeeze %dma_wait3A_687 : memref<1x!tpu.dma_semaphore, #tpu.memory_space<semaphore_mem>> -> memref<!tpu.dma_semaphore, #tpu.memory_space<semaphore_mem>>
      tpu.wait_indirect_dma semaphore(%dma_wait3A_688 : memref<!tpu.dma_semaphore, #tpu.memory_space<semaphore_mem>>) src(%dma_wait3A_686 : memref<1048576xf32, #tpu.memory_space<hbm>>) dst(%dma_wait3A_682 : memref<512xf32, #tpu.memory_space<vmem>>)
      %dma_wait3A_689 = arith.constant 0 : i32
      %dma_wait3A_690 = arith.constant 2048 : i32
      %dma_wait3A_691 = tpu.memref_slice %arg19[%dma_wait3A_690] : memref<4096xf32, #tpu.memory_space<vmem>> -> memref<512xf32, #tpu.memory_space<vmem>>
      %dma_wait3A_692 = arith.constant 2048 : i32
      %dma_wait3A_693 = tpu.memref_slice %arg17[%dma_wait3A_692] : memref<4096xi32, #tpu.memory_space<vmem>> -> memref<512xi32, #tpu.memory_space<vmem>>
      %dma_wait3A_694 = arith.constant 0 : i32
      %dma_wait3A_695 = tpu.memref_slice %arg2[%dma_wait3A_694] : memref<1048576xf32, #tpu.memory_space<hbm>> -> memref<1048576xf32, #tpu.memory_space<hbm>>
      %dma_wait3A_696 = tpu.memref_slice %arg26[%dma_wait3A_689] : memref<2x!tpu.dma_semaphore, #tpu.memory_space<semaphore_mem>> -> memref<1x!tpu.dma_semaphore, #tpu.memory_space<semaphore_mem>>
      %dma_wait3A_697 = tpu.memref_squeeze %dma_wait3A_696 : memref<1x!tpu.dma_semaphore, #tpu.memory_space<semaphore_mem>> -> memref<!tpu.dma_semaphore, #tpu.memory_space<semaphore_mem>>
      tpu.wait_indirect_dma semaphore(%dma_wait3A_697 : memref<!tpu.dma_semaphore, #tpu.memory_space<semaphore_mem>>) src(%dma_wait3A_695 : memref<1048576xf32, #tpu.memory_space<hbm>>) dst(%dma_wait3A_691 : memref<512xf32, #tpu.memory_space<vmem>>)
      %dma_wait3A_698 = arith.constant 0 : i32
      %dma_wait3A_699 = arith.constant 2048 : i32
      %dma_wait3A_700 = tpu.memref_slice %arg21[%dma_wait3A_699] : memref<4096xf32, #tpu.memory_space<vmem>> -> memref<512xf32, #tpu.memory_space<vmem>>
      %dma_wait3A_701 = arith.constant 2048 : i32
      %dma_wait3A_702 = tpu.memref_slice %arg17[%dma_wait3A_701] : memref<4096xi32, #tpu.memory_space<vmem>> -> memref<512xi32, #tpu.memory_space<vmem>>
      %dma_wait3A_703 = arith.constant 0 : i32
      %dma_wait3A_704 = tpu.memref_slice %arg3[%dma_wait3A_703] : memref<1048576xf32, #tpu.memory_space<hbm>> -> memref<1048576xf32, #tpu.memory_space<hbm>>
      %dma_wait3A_705 = tpu.memref_slice %arg26[%dma_wait3A_698] : memref<2x!tpu.dma_semaphore, #tpu.memory_space<semaphore_mem>> -> memref<1x!tpu.dma_semaphore, #tpu.memory_space<semaphore_mem>>
      %dma_wait3A_706 = tpu.memref_squeeze %dma_wait3A_705 : memref<1x!tpu.dma_semaphore, #tpu.memory_space<semaphore_mem>> -> memref<!tpu.dma_semaphore, #tpu.memory_space<semaphore_mem>>
      tpu.wait_indirect_dma semaphore(%dma_wait3A_706 : memref<!tpu.dma_semaphore, #tpu.memory_space<semaphore_mem>>) src(%dma_wait3A_704 : memref<1048576xf32, #tpu.memory_space<hbm>>) dst(%dma_wait3A_700 : memref<512xf32, #tpu.memory_space<vmem>>)
      %dma_wait3A_707 = arith.constant 0 : i32
      %dma_wait3A_708 = arith.constant 2560 : i32
      %dma_wait3A_709 = tpu.memref_slice %arg19[%dma_wait3A_708] : memref<4096xf32, #tpu.memory_space<vmem>> -> memref<512xf32, #tpu.memory_space<vmem>>
      %dma_wait3A_710 = arith.constant 2560 : i32
      %dma_wait3A_711 = tpu.memref_slice %arg17[%dma_wait3A_710] : memref<4096xi32, #tpu.memory_space<vmem>> -> memref<512xi32, #tpu.memory_space<vmem>>
      %dma_wait3A_712 = arith.constant 0 : i32
      %dma_wait3A_713 = tpu.memref_slice %arg2[%dma_wait3A_712] : memref<1048576xf32, #tpu.memory_space<hbm>> -> memref<1048576xf32, #tpu.memory_space<hbm>>
      %dma_wait3A_714 = tpu.memref_slice %arg26[%dma_wait3A_707] : memref<2x!tpu.dma_semaphore, #tpu.memory_space<semaphore_mem>> -> memref<1x!tpu.dma_semaphore, #tpu.memory_space<semaphore_mem>>
      %dma_wait3A_715 = tpu.memref_squeeze %dma_wait3A_714 : memref<1x!tpu.dma_semaphore, #tpu.memory_space<semaphore_mem>> -> memref<!tpu.dma_semaphore, #tpu.memory_space<semaphore_mem>>
      tpu.wait_indirect_dma semaphore(%dma_wait3A_715 : memref<!tpu.dma_semaphore, #tpu.memory_space<semaphore_mem>>) src(%dma_wait3A_713 : memref<1048576xf32, #tpu.memory_space<hbm>>) dst(%dma_wait3A_709 : memref<512xf32, #tpu.memory_space<vmem>>)
      %dma_wait3A_716 = arith.constant 0 : i32
      %dma_wait3A_717 = arith.constant 2560 : i32
      %dma_wait3A_718 = tpu.memref_slice %arg21[%dma_wait3A_717] : memref<4096xf32, #tpu.memory_space<vmem>> -> memref<512xf32, #tpu.memory_space<vmem>>
      %dma_wait3A_719 = arith.constant 2560 : i32
      %dma_wait3A_720 = tpu.memref_slice %arg17[%dma_wait3A_719] : memref<4096xi32, #tpu.memory_space<vmem>> -> memref<512xi32, #tpu.memory_space<vmem>>
      %dma_wait3A_721 = arith.constant 0 : i32
      %dma_wait3A_722 = tpu.memref_slice %arg3[%dma_wait3A_721] : memref<1048576xf32, #tpu.memory_space<hbm>> -> memref<1048576xf32, #tpu.memory_space<hbm>>
      %dma_wait3A_723 = tpu.memref_slice %arg26[%dma_wait3A_716] : memref<2x!tpu.dma_semaphore, #tpu.memory_space<semaphore_mem>> -> memref<1x!tpu.dma_semaphore, #tpu.memory_space<semaphore_mem>>
      %dma_wait3A_724 = tpu.memref_squeeze %dma_wait3A_723 : memref<1x!tpu.dma_semaphore, #tpu.memory_space<semaphore_mem>> -> memref<!tpu.dma_semaphore, #tpu.memory_space<semaphore_mem>>
      tpu.wait_indirect_dma semaphore(%dma_wait3A_724 : memref<!tpu.dma_semaphore, #tpu.memory_space<semaphore_mem>>) src(%dma_wait3A_722 : memref<1048576xf32, #tpu.memory_space<hbm>>) dst(%dma_wait3A_718 : memref<512xf32, #tpu.memory_space<vmem>>)
      %dma_wait3A_725 = arith.constant 0 : i32
      %dma_wait3A_726 = arith.constant 3072 : i32
      %dma_wait3A_727 = tpu.memref_slice %arg19[%dma_wait3A_726] : memref<4096xf32, #tpu.memory_space<vmem>> -> memref<512xf32, #tpu.memory_space<vmem>>
      %dma_wait3A_728 = arith.constant 3072 : i32
      %dma_wait3A_729 = tpu.memref_slice %arg17[%dma_wait3A_728] : memref<4096xi32, #tpu.memory_space<vmem>> -> memref<512xi32, #tpu.memory_space<vmem>>
      %dma_wait3A_730 = arith.constant 0 : i32
      %dma_wait3A_731 = tpu.memref_slice %arg2[%dma_wait3A_730] : memref<1048576xf32, #tpu.memory_space<hbm>> -> memref<1048576xf32, #tpu.memory_space<hbm>>
      %dma_wait3A_732 = tpu.memref_slice %arg26[%dma_wait3A_725] : memref<2x!tpu.dma_semaphore, #tpu.memory_space<semaphore_mem>> -> memref<1x!tpu.dma_semaphore, #tpu.memory_space<semaphore_mem>>
      %dma_wait3A_733 = tpu.memref_squeeze %dma_wait3A_732 : memref<1x!tpu.dma_semaphore, #tpu.memory_space<semaphore_mem>> -> memref<!tpu.dma_semaphore, #tpu.memory_space<semaphore_mem>>
      tpu.wait_indirect_dma semaphore(%dma_wait3A_733 : memref<!tpu.dma_semaphore, #tpu.memory_space<semaphore_mem>>) src(%dma_wait3A_731 : memref<1048576xf32, #tpu.memory_space<hbm>>) dst(%dma_wait3A_727 : memref<512xf32, #tpu.memory_space<vmem>>)
      %dma_wait3A_734 = arith.constant 0 : i32
      %dma_wait3A_735 = arith.constant 3072 : i32
      %dma_wait3A_736 = tpu.memref_slice %arg21[%dma_wait3A_735] : memref<4096xf32, #tpu.memory_space<vmem>> -> memref<512xf32, #tpu.memory_space<vmem>>
      %dma_wait3A_737 = arith.constant 3072 : i32
      %dma_wait3A_738 = tpu.memref_slice %arg17[%dma_wait3A_737] : memref<4096xi32, #tpu.memory_space<vmem>> -> memref<512xi32, #tpu.memory_space<vmem>>
      %dma_wait3A_739 = arith.constant 0 : i32
      %dma_wait3A_740 = tpu.memref_slice %arg3[%dma_wait3A_739] : memref<1048576xf32, #tpu.memory_space<hbm>> -> memref<1048576xf32, #tpu.memory_space<hbm>>
      %dma_wait3A_741 = tpu.memref_slice %arg26[%dma_wait3A_734] : memref<2x!tpu.dma_semaphore, #tpu.memory_space<semaphore_mem>> -> memref<1x!tpu.dma_semaphore, #tpu.memory_space<semaphore_mem>>
      %dma_wait3A_742 = tpu.memref_squeeze %dma_wait3A_741 : memref<1x!tpu.dma_semaphore, #tpu.memory_space<semaphore_mem>> -> memref<!tpu.dma_semaphore, #tpu.memory_space<semaphore_mem>>
      tpu.wait_indirect_dma semaphore(%dma_wait3A_742 : memref<!tpu.dma_semaphore, #tpu.memory_space<semaphore_mem>>) src(%dma_wait3A_740 : memref<1048576xf32, #tpu.memory_space<hbm>>) dst(%dma_wait3A_736 : memref<512xf32, #tpu.memory_space<vmem>>)
      %dma_wait3A_743 = arith.constant 0 : i32
      %dma_wait3A_744 = arith.constant 3584 : i32
      %dma_wait3A_745 = tpu.memref_slice %arg19[%dma_wait3A_744] : memref<4096xf32, #tpu.memory_space<vmem>> -> memref<512xf32, #tpu.memory_space<vmem>>
      %dma_wait3A_746 = arith.constant 3584 : i32
      %dma_wait3A_747 = tpu.memref_slice %arg17[%dma_wait3A_746] : memref<4096xi32, #tpu.memory_space<vmem>> -> memref<512xi32, #tpu.memory_space<vmem>>
      %dma_wait3A_748 = arith.constant 0 : i32
      %dma_wait3A_749 = tpu.memref_slice %arg2[%dma_wait3A_748] : memref<1048576xf32, #tpu.memory_space<hbm>> -> memref<1048576xf32, #tpu.memory_space<hbm>>
      %dma_wait3A_750 = tpu.memref_slice %arg26[%dma_wait3A_743] : memref<2x!tpu.dma_semaphore, #tpu.memory_space<semaphore_mem>> -> memref<1x!tpu.dma_semaphore, #tpu.memory_space<semaphore_mem>>
      %dma_wait3A_751 = tpu.memref_squeeze %dma_wait3A_750 : memref<1x!tpu.dma_semaphore, #tpu.memory_space<semaphore_mem>> -> memref<!tpu.dma_semaphore, #tpu.memory_space<semaphore_mem>>
      tpu.wait_indirect_dma semaphore(%dma_wait3A_751 : memref<!tpu.dma_semaphore, #tpu.memory_space<semaphore_mem>>) src(%dma_wait3A_749 : memref<1048576xf32, #tpu.memory_space<hbm>>) dst(%dma_wait3A_745 : memref<512xf32, #tpu.memory_space<vmem>>)
      %dma_wait3A_752 = arith.constant 0 : i32
      %dma_wait3A_753 = arith.constant 3584 : i32
      %dma_wait3A_754 = tpu.memref_slice %arg21[%dma_wait3A_753] : memref<4096xf32, #tpu.memory_space<vmem>> -> memref<512xf32, #tpu.memory_space<vmem>>
      %dma_wait3A_755 = arith.constant 3584 : i32
      %dma_wait3A_756 = tpu.memref_slice %arg17[%dma_wait3A_755] : memref<4096xi32, #tpu.memory_space<vmem>> -> memref<512xi32, #tpu.memory_space<vmem>>
      %dma_wait3A_757 = arith.constant 0 : i32
      %dma_wait3A_758 = tpu.memref_slice %arg3[%dma_wait3A_757] : memref<1048576xf32, #tpu.memory_space<hbm>> -> memref<1048576xf32, #tpu.memory_space<hbm>>
      %dma_wait3A_759 = tpu.memref_slice %arg26[%dma_wait3A_752] : memref<2x!tpu.dma_semaphore, #tpu.memory_space<semaphore_mem>> -> memref<1x!tpu.dma_semaphore, #tpu.memory_space<semaphore_mem>>
      %dma_wait3A_760 = tpu.memref_squeeze %dma_wait3A_759 : memref<1x!tpu.dma_semaphore, #tpu.memory_space<semaphore_mem>> -> memref<!tpu.dma_semaphore, #tpu.memory_space<semaphore_mem>>
      tpu.wait_indirect_dma semaphore(%dma_wait3A_760 : memref<!tpu.dma_semaphore, #tpu.memory_space<semaphore_mem>>) src(%dma_wait3A_758 : memref<1048576xf32, #tpu.memory_space<hbm>>) dst(%dma_wait3A_754 : memref<512xf32, #tpu.memory_space<vmem>>)
      %convert_element_type3A_761 = arith.extui %gt3A_616 : i1 to i32
      %cond3A_762 = arith.constant 0 : i32
      %cond3A_763 = arith.cmpi ne, %convert_element_type3A_761, %cond3A_762 : i32
      scf.if %cond3A_763 {
        %sub3A_1484 = arith.constant 2 : i32
        %sub3A_1485 = arith.subi %sub3A_614, %sub3A_1484 : i32
        %max3A = arith.constant 0 : i32
        %max3A_1486 = arith.maxsi %sub3A_1485, %max3A : i32
        %mul3A_1487 = arith.constant 4096 : i32
        %mul3A_1488 = arith.muli %max3A_1486, %mul3A_1487 : i32
        %add3A_1489 = arith.addi %mul3A_2, %mul3A_1488 : i32
        %dma_wait3A_1490 = arith.constant 0 : i32
        %dma_wait3A_1491 = tpu.memref_slice %arg6[%add3A_1489] : memref<4194304xf32, #tpu.memory_space<hbm>> -> memref<4096xf32, #tpu.memory_space<hbm>>
        %dma_wait3A_1492 = tpu.memref_slice %arg27[%dma_wait3A_1490] : memref<2x!tpu.dma_semaphore, #tpu.memory_space<semaphore_mem>> -> memref<1x!tpu.dma_semaphore, #tpu.memory_space<semaphore_mem>>
        %dma_wait3A_1493 = tpu.memref_squeeze %dma_wait3A_1492 : memref<1x!tpu.dma_semaphore, #tpu.memory_space<semaphore_mem>> -> memref<!tpu.dma_semaphore, #tpu.memory_space<semaphore_mem>>
        %dma_wait3A_1494 = tpu.memref_slice %arg6[%add3A_1489] : memref<4194304xf32, #tpu.memory_space<hbm>> -> memref<4096xf32, #tpu.memory_space<hbm>>
        tpu.wait_dma2 semaphore(%dma_wait3A_1493 : memref<!tpu.dma_semaphore, #tpu.memory_space<semaphore_mem>>) src(%arg23 : memref<4096xf32, #tpu.memory_space<vmem>>) dst(%dma_wait3A_1494 : memref<4096xf32, #tpu.memory_space<hbm>>)
      } else {
      }
      %scan3A_764 = arith.constant 0 : i32
      %scan3A_765 = arith.constant 256 : i32
      %scan3A_766 = arith.addi %scan3A_764, %scan3A_765 : i32
      %scan3A_767 = arith.constant 2 : i32
      scf.for %scan3A_1484 = %scan3A_764 to %scan3A_766 step %scan3A_767  : i32 {
        %mul3A_1485 = arith.constant 16 : i32
        %mul3A_1486 = arith.muli %scan3A_1484, %mul3A_1485 : i32
        %get3A = arith.index_cast %mul3A_1486 : i32 to index
        %get3A_1487 = tpu.vector_load %arg19[%get3A] {strides = array<i32>} : memref<4096xf32, #tpu.memory_space<vmem>>, vector<16xf32>,
        %mul3A_1488 = arith.constant 16 : i32
        %mul3A_1489 = arith.muli %scan3A_1484, %mul3A_1488 : i32
        %get3A_1490 = arith.index_cast %mul3A_1489 : i32 to index
        %get3A_1491 = tpu.vector_load %arg21[%get3A_1490] {strides = array<i32>} : memref<4096xf32, #tpu.memory_space<vmem>>, vector<16xf32>,
        %mul3A_1492 = arith.constant 16 : i32
        %mul3A_1493 = arith.muli %scan3A_1484, %mul3A_1492 : i32
        %get3A_1494 = arith.index_cast %mul3A_1493 : i32 to index
        %get3A_1495 = tpu.vector_load %arg15[%get3A_1494] {strides = array<i32>} : memref<4096xf32, #tpu.memory_space<vmem>>, vector<16xf32>,
        %mul3A_1496 = arith.constant 16 : i32
        %mul3A_1497 = arith.muli %scan3A_1484, %mul3A_1496 : i32
        %get3A_1498 = arith.index_cast %mul3A_1497 : i32 to index
        %get3A_1499 = tpu.vector_load %arg11[%get3A_1498] {strides = array<i32>} : memref<4096xf32, #tpu.memory_space<vmem>>, vector<16xf32>,
        %lt3A = arith.cmpf olt, %get3A_1495, %get3A_1487 : vector<16xf32>
        %jit3A = arith.constant 0.000000e+00 : f32
        %jit3A_1500 = arith.constant 1.000000e+00 : f32
        %broadcast_in_dim3A = vector.broadcast %jit3A : f32 to vector<16xf32>
        %broadcast_in_dim3A_1501 = vector.broadcast %jit3A_1500 : f32 to vector<16xf32>
        %select_n3A = arith.select %lt3A, %broadcast_in_dim3A, %broadcast_in_dim3A_1501 : vector<16xi1>, vector<16xf32>
        %gt3A_1502 = arith.cmpf ogt, %get3A_1495, %get3A_1491 : vector<16xf32>
        %jit3A_1503 = arith.constant 0.000000e+00 : f32
        %broadcast_in_dim3A_1504 = vector.broadcast %jit3A_1503 : f32 to vector<16xf32>
        %select_n3A_1505 = arith.select %gt3A_1502, %broadcast_in_dim3A_1504, %select_n3A : vector<16xi1>, vector<16xf32>
        %sub3A_1506 = arith.subf %get3A_1495, %get3A_1487 : vector<16xf32>
        %sub3A_1507 = arith.subf %get3A_1491, %get3A_1495 : vector<16xf32>
        %mul3A_1508 = arith.mulf %sub3A_1506, %sub3A_1506 : vector<16xf32>
        %mul3A_1509 = arith.constant 6.250000e+04 : f32
        %mul3A_1510 = vector.broadcast %mul3A_1509 : f32 to vector<16xf32>
        %mul3A_1511 = arith.mulf %mul3A_1508, %mul3A_1510 : vector<16xf32>
        %mul3A_1512 = arith.mulf %sub3A_1507, %sub3A_1507 : vector<16xf32>
        %mul3A_1513 = arith.constant 6.250000e+04 : f32
        %mul3A_1514 = vector.broadcast %mul3A_1513 : f32 to vector<16xf32>
        %mul3A_1515 = arith.mulf %mul3A_1512, %mul3A_1514 : vector<16xf32>
        %add3A_1516 = arith.constant 4.000000e-03 : f32
        %add3A_1517 = vector.broadcast %add3A_1516 : f32 to vector<16xf32>
        %add3A_1518 = arith.addf %get3A_1487, %add3A_1517 : vector<16xf32>
        %lt3A_1519 = arith.cmpf olt, %get3A_1495, %add3A_1518 : vector<16xf32>
        %gt3A_1520 = arith.cmpf ogt, %get3A_1495, %get3A_1487 : vector<16xf32>
        %and3A = arith.andi %lt3A_1519, %gt3A_1520 : vector<16xi1>
        %sub3A_1521 = arith.constant 4.000000e-03 : f32
        %sub3A_1522 = vector.broadcast %sub3A_1521 : f32 to vector<16xf32>
        %sub3A_1523 = arith.subf %get3A_1491, %sub3A_1522 : vector<16xf32>
        %lt3A_1524 = arith.cmpf olt, %get3A_1495, %sub3A_1523 : vector<16xf32>
        %and3A_1525 = arith.andi %and3A, %lt3A_1524 : vector<16xi1>
        %sub3A_1526 = arith.constant 4.000000e-03 : f32
        %sub3A_1527 = vector.broadcast %sub3A_1526 : f32 to vector<16xf32>
        %sub3A_1528 = arith.subf %get3A_1491, %sub3A_1527 : vector<16xf32>
        %gt3A_1529 = arith.cmpf ogt, %get3A_1495, %sub3A_1528 : vector<16xf32>
        %lt3A_1530 = arith.cmpf olt, %get3A_1495, %get3A_1491 : vector<16xf32>
        %and3A_1531 = arith.andi %gt3A_1529, %lt3A_1530 : vector<16xi1>
        %add3A_1532 = arith.constant 4.000000e-03 : f32
        %add3A_1533 = vector.broadcast %add3A_1532 : f32 to vector<16xf32>
        %add3A_1534 = arith.addf %get3A_1487, %add3A_1533 : vector<16xf32>
        %gt3A_1535 = arith.cmpf ogt, %get3A_1495, %add3A_1534 : vector<16xf32>
        %and3A_1536 = arith.andi %and3A_1531, %gt3A_1535 : vector<16xi1>
        %select_n3A_1537 = arith.select %and3A_1525, %mul3A_1511, %select_n3A_1505 : vector<16xi1>, vector<16xf32>
        %select_n3A_1538 = arith.select %and3A_1536, %mul3A_1515, %select_n3A_1537 : vector<16xi1>, vector<16xf32>
        %mul3A_1539 = arith.mulf %get3A_1499, %select_n3A_1538 : vector<16xf32>
        %mul3A_1540 = arith.constant 16 : i32
        %mul3A_1541 = arith.muli %scan3A_1484, %mul3A_1540 : i32
        %swap3A = arith.index_cast %mul3A_1541 : i32 to index
        %swap3A_1542 = tpu.vector_load %arg23[%swap3A] {strides = array<i32>} : memref<4096xf32, #tpu.memory_space<vmem>>, vector<16xf32>,
        tpu.vector_store %arg23[%swap3A], %mul3A_1539 {strides = array<i32>} : memref<4096xf32, #tpu.memory_space<vmem>>, vector<16xf32>,
        %scan3A_1543 = arith.constant 1 : i32
        %scan3A_1544 = arith.addi %scan3A_1484, %scan3A_1543 : i32
        %mul3A_1545 = arith.constant 16 : i32
        %mul3A_1546 = arith.muli %scan3A_1544, %mul3A_1545 : i32
        %get3A_1547 = arith.index_cast %mul3A_1546 : i32 to index
        %get3A_1548 = tpu.vector_load %arg19[%get3A_1547] {strides = array<i32>} : memref<4096xf32, #tpu.memory_space<vmem>>, vector<16xf32>,
        %mul3A_1549 = arith.constant 16 : i32
        %mul3A_1550 = arith.muli %scan3A_1544, %mul3A_1549 : i32
        %get3A_1551 = arith.index_cast %mul3A_1550 : i32 to index
        %get3A_1552 = tpu.vector_load %arg21[%get3A_1551] {strides = array<i32>} : memref<4096xf32, #tpu.memory_space<vmem>>, vector<16xf32>,
        %mul3A_1553 = arith.constant 16 : i32
        %mul3A_1554 = arith.muli %scan3A_1544, %mul3A_1553 : i32
        %get3A_1555 = arith.index_cast %mul3A_1554 : i32 to index
        %get3A_1556 = tpu.vector_load %arg15[%get3A_1555] {strides = array<i32>} : memref<4096xf32, #tpu.memory_space<vmem>>, vector<16xf32>,
        %mul3A_1557 = arith.constant 16 : i32
        %mul3A_1558 = arith.muli %scan3A_1544, %mul3A_1557 : i32
        %get3A_1559 = arith.index_cast %mul3A_1558 : i32 to index
        %get3A_1560 = tpu.vector_load %arg11[%get3A_1559] {strides = array<i32>} : memref<4096xf32, #tpu.memory_space<vmem>>, vector<16xf32>,
        %lt3A_1561 = arith.cmpf olt, %get3A_1556, %get3A_1548 : vector<16xf32>
        %jit3A_1562 = arith.constant 0.000000e+00 : f32
        %jit3A_1563 = arith.constant 1.000000e+00 : f32
        %broadcast_in_dim3A_1564 = vector.broadcast %jit3A_1562 : f32 to vector<16xf32>
        %broadcast_in_dim3A_1565 = vector.broadcast %jit3A_1563 : f32 to vector<16xf32>
        %select_n3A_1566 = arith.select %lt3A_1561, %broadcast_in_dim3A_1564, %broadcast_in_dim3A_1565 : vector<16xi1>, vector<16xf32>
        %gt3A_1567 = arith.cmpf ogt, %get3A_1556, %get3A_1552 : vector<16xf32>
        %jit3A_1568 = arith.constant 0.000000e+00 : f32
        %broadcast_in_dim3A_1569 = vector.broadcast %jit3A_1568 : f32 to vector<16xf32>
        %select_n3A_1570 = arith.select %gt3A_1567, %broadcast_in_dim3A_1569, %select_n3A_1566 : vector<16xi1>, vector<16xf32>
        %sub3A_1571 = arith.subf %get3A_1556, %get3A_1548 : vector<16xf32>
        %sub3A_1572 = arith.subf %get3A_1552, %get3A_1556 : vector<16xf32>
        %mul3A_1573 = arith.mulf %sub3A_1571, %sub3A_1571 : vector<16xf32>
        %mul3A_1574 = arith.constant 6.250000e+04 : f32
        %mul3A_1575 = vector.broadcast %mul3A_1574 : f32 to vector<16xf32>
        %mul3A_1576 = arith.mulf %mul3A_1573, %mul3A_1575 : vector<16xf32>
        %mul3A_1577 = arith.mulf %sub3A_1572, %sub3A_1572 : vector<16xf32>
        %mul3A_1578 = arith.constant 6.250000e+04 : f32
        %mul3A_1579 = vector.broadcast %mul3A_1578 : f32 to vector<16xf32>
        %mul3A_1580 = arith.mulf %mul3A_1577, %mul3A_1579 : vector<16xf32>
        %add3A_1581 = arith.constant 4.000000e-03 : f32
        %add3A_1582 = vector.broadcast %add3A_1581 : f32 to vector<16xf32>
        %add3A_1583 = arith.addf %get3A_1548, %add3A_1582 : vector<16xf32>
        %lt3A_1584 = arith.cmpf olt, %get3A_1556, %add3A_1583 : vector<16xf32>
        %gt3A_1585 = arith.cmpf ogt, %get3A_1556, %get3A_1548 : vector<16xf32>
        %and3A_1586 = arith.andi %lt3A_1584, %gt3A_1585 : vector<16xi1>
        %sub3A_1587 = arith.constant 4.000000e-03 : f32
        %sub3A_1588 = vector.broadcast %sub3A_1587 : f32 to vector<16xf32>
        %sub3A_1589 = arith.subf %get3A_1552, %sub3A_1588 : vector<16xf32>
        %lt3A_1590 = arith.cmpf olt, %get3A_1556, %sub3A_1589 : vector<16xf32>
        %and3A_1591 = arith.andi %and3A_1586, %lt3A_1590 : vector<16xi1>
        %sub3A_1592 = arith.constant 4.000000e-03 : f32
        %sub3A_1593 = vector.broadcast %sub3A_1592 : f32 to vector<16xf32>
        %sub3A_1594 = arith.subf %get3A_1552, %sub3A_1593 : vector<16xf32>
        %gt3A_1595 = arith.cmpf ogt, %get3A_1556, %sub3A_1594 : vector<16xf32>
        %lt3A_1596 = arith.cmpf olt, %get3A_1556, %get3A_1552 : vector<16xf32>
        %and3A_1597 = arith.andi %gt3A_1595, %lt3A_1596 : vector<16xi1>
        %add3A_1598 = arith.constant 4.000000e-03 : f32
        %add3A_1599 = vector.broadcast %add3A_1598 : f32 to vector<16xf32>
        %add3A_1600 = arith.addf %get3A_1548, %add3A_1599 : vector<16xf32>
        %gt3A_1601 = arith.cmpf ogt, %get3A_1556, %add3A_1600 : vector<16xf32>
        %and3A_1602 = arith.andi %and3A_1597, %gt3A_1601 : vector<16xi1>
        %select_n3A_1603 = arith.select %and3A_1591, %mul3A_1576, %select_n3A_1570 : vector<16xi1>, vector<16xf32>
        %select_n3A_1604 = arith.select %and3A_1602, %mul3A_1580, %select_n3A_1603 : vector<16xi1>, vector<16xf32>
        %mul3A_1605 = arith.mulf %get3A_1560, %select_n3A_1604 : vector<16xf32>
        %mul3A_1606 = arith.constant 16 : i32
        %mul3A_1607 = arith.muli %scan3A_1544, %mul3A_1606 : i32
        %swap3A_1608 = arith.index_cast %mul3A_1607 : i32 to index
        %swap3A_1609 = tpu.vector_load %arg23[%swap3A_1608] {strides = array<i32>} : memref<4096xf32, #tpu.memory_space<vmem>>, vector<16xf32>,
        tpu.vector_store %arg23[%swap3A_1608], %mul3A_1605 {strides = array<i32>} : memref<4096xf32, #tpu.memory_space<vmem>>, vector<16xf32>,
      }
      %scan3A_768 = arith.constant 256 : i32
      %mul3A_769 = arith.constant 4096 : i32
      %mul3A_770 = arith.muli %sub3A_614, %mul3A_769 : i32
      %add3A_771 = arith.addi %mul3A_2, %mul3A_770 : i32
      %dma_start3A_772 = arith.constant 0 : i32
      %dma_start3A_773 = tpu.memref_slice %arg6[%add3A_771] : memref<4194304xf32, #tpu.memory_space<hbm>> -> memref<4096xf32, #tpu.memory_space<hbm>>
      %dma_start3A_774 = tpu.memref_slice %arg27[%dma_start3A_772] : memref<2x!tpu.dma_semaphore, #tpu.memory_space<semaphore_mem>> -> memref<1x!tpu.dma_semaphore, #tpu.memory_space<semaphore_mem>>
      %dma_start3A_775 = tpu.memref_squeeze %dma_start3A_774 : memref<1x!tpu.dma_semaphore, #tpu.memory_space<semaphore_mem>> -> memref<!tpu.dma_semaphore, #tpu.memory_space<semaphore_mem>>
      %dma_start3A_776 = tpu.memref_slice %arg6[%add3A_771] : memref<4194304xf32, #tpu.memory_space<hbm>> -> memref<4096xf32, #tpu.memory_space<hbm>>
      tpu.enqueue_dma source(%arg23 : memref<4096xf32, #tpu.memory_space<vmem>>) target(%dma_start3A_776 : memref<4096xf32, #tpu.memory_space<hbm>>) target_semaphore(%dma_start3A_775 : memref<!tpu.dma_semaphore, #tpu.memory_space<semaphore_mem>>)
      %mul3A_777 = arith.constant 4 : i32
      %mul3A_778 = arith.muli %mul3A_777, %scan3A_238 : i32
      %add3A_779 = arith.constant 2 : i32
      %add3A_780 = arith.addi %mul3A_778, %add3A_779 : i32
      %mul3A_781 = arith.constant 4096 : i32
      %mul3A_782 = arith.muli %add3A_780, %mul3A_781 : i32
      %add3A_783 = arith.addi %mul3A_2, %mul3A_782 : i32
      %mul3A_784 = arith.constant 3 : i32
      %mul3A_785 = arith.muli %add3A_783, %mul3A_784 : i32
      %dma_wait3A_786 = arith.constant 0 : i32
      %dma_wait3A_787 = tpu.memref_slice %arg4[%mul3A_785] : memref<12582912xf32, #tpu.memory_space<hbm>> -> memref<12288xf32, #tpu.memory_space<hbm>>
      %dma_wait3A_788 = tpu.memref_slice %arg25[%dma_wait3A_786] : memref<2x!tpu.dma_semaphore, #tpu.memory_space<semaphore_mem>> -> memref<1x!tpu.dma_semaphore, #tpu.memory_space<semaphore_mem>>
      %dma_wait3A_789 = tpu.memref_squeeze %dma_wait3A_788 : memref<1x!tpu.dma_semaphore, #tpu.memory_space<semaphore_mem>> -> memref<!tpu.dma_semaphore, #tpu.memory_space<semaphore_mem>>
      %dma_wait3A_790 = tpu.memref_slice %arg4[%mul3A_785] : memref<12582912xf32, #tpu.memory_space<hbm>> -> memref<12288xf32, #tpu.memory_space<hbm>>
      tpu.wait_dma2 semaphore(%dma_wait3A_789 : memref<!tpu.dma_semaphore, #tpu.memory_space<semaphore_mem>>) src(%dma_wait3A_790 : memref<12288xf32, #tpu.memory_space<hbm>>) dst(%arg9 : memref<12288xf32, #tpu.memory_space<vmem>>)
      %dma_wait3A_791 = arith.constant 0 : i32
      %dma_wait3A_792 = tpu.memref_slice %arg5[%add3A_783] : memref<4194304xf32, #tpu.memory_space<hbm>> -> memref<4096xf32, #tpu.memory_space<hbm>>
      %dma_wait3A_793 = tpu.memref_slice %arg25[%dma_wait3A_791] : memref<2x!tpu.dma_semaphore, #tpu.memory_space<semaphore_mem>> -> memref<1x!tpu.dma_semaphore, #tpu.memory_space<semaphore_mem>>
      %dma_wait3A_794 = tpu.memref_squeeze %dma_wait3A_793 : memref<1x!tpu.dma_semaphore, #tpu.memory_space<semaphore_mem>> -> memref<!tpu.dma_semaphore, #tpu.memory_space<semaphore_mem>>
      %dma_wait3A_795 = tpu.memref_slice %arg5[%add3A_783] : memref<4194304xf32, #tpu.memory_space<hbm>> -> memref<4096xf32, #tpu.memory_space<hbm>>
      tpu.wait_dma2 semaphore(%dma_wait3A_794 : memref<!tpu.dma_semaphore, #tpu.memory_space<semaphore_mem>>) src(%dma_wait3A_795 : memref<4096xf32, #tpu.memory_space<hbm>>) dst(%arg13 : memref<4096xf32, #tpu.memory_space<vmem>>)
      %add3A_796 = arith.constant 2 : i32
      %add3A_797 = arith.addi %add3A_780, %add3A_796 : i32
      %min3A_798 = arith.constant 31 : i32
      %min3A_799 = arith.minsi %add3A_797, %min3A_798 : i32
      %mul3A_800 = arith.constant 4096 : i32
      %mul3A_801 = arith.muli %min3A_799, %mul3A_800 : i32
      %add3A_802 = arith.addi %mul3A_2, %mul3A_801 : i32
      %mul3A_803 = arith.constant 3 : i32
      %mul3A_804 = arith.muli %add3A_802, %mul3A_803 : i32
      %dma_start3A_805 = arith.constant 0 : i32
      %dma_start3A_806 = tpu.memref_slice %arg4[%mul3A_804] : memref<12582912xf32, #tpu.memory_space<hbm>> -> memref<12288xf32, #tpu.memory_space<hbm>>
      %dma_start3A_807 = tpu.memref_slice %arg25[%dma_start3A_805] : memref<2x!tpu.dma_semaphore, #tpu.memory_space<semaphore_mem>> -> memref<1x!tpu.dma_semaphore, #tpu.memory_space<semaphore_mem>>
      %dma_start3A_808 = tpu.memref_squeeze %dma_start3A_807 : memref<1x!tpu.dma_semaphore, #tpu.memory_space<semaphore_mem>> -> memref<!tpu.dma_semaphore, #tpu.memory_space<semaphore_mem>>
      %dma_start3A_809 = tpu.memref_slice %arg4[%mul3A_804] : memref<12582912xf32, #tpu.memory_space<hbm>> -> memref<12288xf32, #tpu.memory_space<hbm>>
      tpu.enqueue_dma source(%dma_start3A_809 : memref<12288xf32, #tpu.memory_space<hbm>>) target(%arg7 : memref<12288xf32, #tpu.memory_space<vmem>>) target_semaphore(%dma_start3A_808 : memref<!tpu.dma_semaphore, #tpu.memory_space<semaphore_mem>>)
      %dma_start3A_810 = arith.constant 0 : i32
      %dma_start3A_811 = tpu.memref_slice %arg5[%add3A_802] : memref<4194304xf32, #tpu.memory_space<hbm>> -> memref<4096xf32, #tpu.memory_space<hbm>>
      %dma_start3A_812 = tpu.memref_slice %arg25[%dma_start3A_810] : memref<2x!tpu.dma_semaphore, #tpu.memory_space<semaphore_mem>> -> memref<1x!tpu.dma_semaphore, #tpu.memory_space<semaphore_mem>>
      %dma_start3A_813 = tpu.memref_squeeze %dma_start3A_812 : memref<1x!tpu.dma_semaphore, #tpu.memory_space<semaphore_mem>> -> memref<!tpu.dma_semaphore, #tpu.memory_space<semaphore_mem>>
      %dma_start3A_814 = tpu.memref_slice %arg5[%add3A_802] : memref<4194304xf32, #tpu.memory_space<hbm>> -> memref<4096xf32, #tpu.memory_space<hbm>>
      tpu.enqueue_dma source(%dma_start3A_814 : memref<4096xf32, #tpu.memory_space<hbm>>) target(%arg11 : memref<4096xf32, #tpu.memory_space<vmem>>) target_semaphore(%dma_start3A_813 : memref<!tpu.dma_semaphore, #tpu.memory_space<semaphore_mem>>)
      %scan3A_815 = arith.constant 0 : i32
      %scan3A_816 = arith.constant 256 : i32
      %scan3A_817 = arith.addi %scan3A_815, %scan3A_816 : i32
      %scan3A_818 = arith.constant 2 : i32
      scf.for %scan3A_1484 = %scan3A_815 to %scan3A_817 step %scan3A_818  : i32 {
        %mul3A_1485 = arith.constant 48 : i32
        %mul3A_1486 = arith.muli %scan3A_1484, %mul3A_1485 : i32
        %mul3A_1487 = arith.constant 3 : i32
        %mul3A_1488 = vector.broadcast %mul3A_1487 : i32 to vector<16xi32>
        %mul3A_1489 = arith.muli %iota3A, %mul3A_1488 : vector<16xi32>
        %add3A_1490 = vector.broadcast %mul3A_1486 : i32 to vector<16xi32>
        %add3A_1491 = arith.addi %add3A_1490, %mul3A_1489 : vector<16xi32>
        %gather3A = tpu.vector_load_idx %arg9[%add3A_1491] : memref<12288xf32, #tpu.memory_space<vmem>>[vector<16xi32>], vector<16xf32>,
        %add3A_1492 = arith.constant 1 : i32
        %add3A_1493 = vector.broadcast %add3A_1492 : i32 to vector<16xi32>
        %add3A_1494 = arith.addi %add3A_1491, %add3A_1493 : vector<16xi32>
        %gather3A_1495 = tpu.vector_load_idx %arg9[%add3A_1494] : memref<12288xf32, #tpu.memory_space<vmem>>[vector<16xi32>], vector<16xf32>,
        %add3A_1496 = arith.constant 2 : i32
        %add3A_1497 = vector.broadcast %add3A_1496 : i32 to vector<16xi32>
        %add3A_1498 = arith.addi %add3A_1491, %add3A_1497 : vector<16xi32>
        %gather3A_1499 = tpu.vector_load_idx %arg9[%add3A_1498] : memref<12288xf32, #tpu.memory_space<vmem>>[vector<16xi32>], vector<16xf32>,
        %abs3A = math.absf %gather3A : vector<16xf32>
        %abs3A_1500 = math.absf %gather3A_1495 : vector<16xf32>
        %max3A = arith.maximumf %abs3A, %abs3A_1500 : vector<16xf32>
        %abs3A_1501 = math.absf %gather3A_1499 : vector<16xf32>
        %max3A_1502 = arith.maximumf %max3A, %abs3A_1501 : vector<16xf32>
        %max3A_1503 = arith.constant 9.99999971E-10 : f32
        %max3A_1504 = vector.broadcast %max3A_1503 : f32 to vector<16xf32>
        %max3A_1505 = arith.maximumf %max3A_1502, %max3A_1504 : vector<16xf32>
        %div3A = arith.constant 1.000000e+00 : f32
        %div3A_1506 = vector.broadcast %div3A : f32 to vector<16xf32>
        %div3A_1507 = arith.divf %div3A_1506, %max3A_1505 : vector<16xf32>
        %le3A = arith.constant 1.000000e+00 : f32
        %le3A_1508 = vector.broadcast %le3A : f32 to vector<16xf32>
        %le3A_1509 = arith.cmpf ole, %max3A_1502, %le3A_1508 : vector<16xf32>
        %sub3A_1510 = arith.constant 2.000000e+00 : f32
        %sub3A_1511 = vector.broadcast %sub3A_1510 : f32 to vector<16xf32>
        %sub3A_1512 = arith.subf %sub3A_1511, %div3A_1507 : vector<16xf32>
        %mul3A_1513 = arith.mulf %sub3A_1512, %div3A_1507 : vector<16xf32>
        %jit3A = arith.constant 1.000000e+00 : f32
        %broadcast_in_dim3A = vector.broadcast %jit3A : f32 to vector<16xf32>
        %select_n3A = arith.select %le3A_1509, %broadcast_in_dim3A, %mul3A_1513 : vector<16xi1>, vector<16xf32>
        %mul3A_1514 = arith.mulf %gather3A_1499, %select_n3A : vector<16xf32>
        %mul3A_1515 = arith.mulf %gather3A, %select_n3A : vector<16xf32>
        %add3A_1516 = arith.constant 2.000000e+00 : f32
        %add3A_1517 = vector.broadcast %add3A_1516 : f32 to vector<16xf32>
        %add3A_1518 = arith.addf %mul3A_1515, %add3A_1517 : vector<16xf32>
        %mul3A_1519 = arith.constant 2.560000e+02 : f32
        %mul3A_1520 = vector.broadcast %mul3A_1519 : f32 to vector<16xf32>
        %mul3A_1521 = arith.mulf %add3A_1518, %mul3A_1520 : vector<16xf32>
        %min3A_1522 = arith.constant 1.023000e+03 : f32
        %min3A_1523 = vector.broadcast %min3A_1522 : f32 to vector<16xf32>
        %min3A_1524 = arith.minimumf %mul3A_1521, %min3A_1523 : vector<16xf32>
        %mul3A_1525 = arith.mulf %gather3A_1495, %select_n3A : vector<16xf32>
        %add3A_1526 = arith.constant 2.000000e+00 : f32
        %add3A_1527 = vector.broadcast %add3A_1526 : f32 to vector<16xf32>
        %add3A_1528 = arith.addf %mul3A_1525, %add3A_1527 : vector<16xf32>
        %mul3A_1529 = arith.constant 2.560000e+02 : f32
        %mul3A_1530 = vector.broadcast %mul3A_1529 : f32 to vector<16xf32>
        %mul3A_1531 = arith.mulf %add3A_1528, %mul3A_1530 : vector<16xf32>
        %min3A_1532 = arith.constant 1.023000e+03 : f32
        %min3A_1533 = vector.broadcast %min3A_1532 : f32 to vector<16xf32>
        %min3A_1534 = arith.minimumf %mul3A_1531, %min3A_1533 : vector<16xf32>
        %convert_element_type3A_1535 = arith.fptosi %min3A_1524 : vector<16xf32> to vector<16xi32>
        %mul3A_1536 = arith.constant 1024 : i32
        %mul3A_1537 = vector.broadcast %mul3A_1536 : i32 to vector<16xi32>
        %mul3A_1538 = arith.muli %convert_element_type3A_1535, %mul3A_1537 : vector<16xi32>
        %convert_element_type3A_1539 = arith.fptosi %min3A_1534 : vector<16xf32> to vector<16xi32>
        %add3A_1540 = arith.addi %mul3A_1538, %convert_element_type3A_1539 : vector<16xi32>
        %mul3A_1541 = arith.constant 16 : i32
        %mul3A_1542 = arith.muli %scan3A_1484, %mul3A_1541 : i32
        %swap3A = arith.index_cast %mul3A_1542 : i32 to index
        %swap3A_1543 = tpu.vector_load %arg15[%swap3A] {strides = array<i32>} : memref<4096xf32, #tpu.memory_space<vmem>>, vector<16xf32>,
        tpu.vector_store %arg15[%swap3A], %mul3A_1514 {strides = array<i32>} : memref<4096xf32, #tpu.memory_space<vmem>>, vector<16xf32>,
        %mul3A_1544 = arith.constant 16 : i32
        %mul3A_1545 = arith.muli %scan3A_1484, %mul3A_1544 : i32
        %swap3A_1546 = arith.index_cast %mul3A_1545 : i32 to index
        %swap3A_1547 = tpu.vector_load %arg17[%swap3A_1546] {strides = array<i32>} : memref<4096xi32, #tpu.memory_space<vmem>>, vector<16xi32>,
        tpu.vector_store %arg17[%swap3A_1546], %add3A_1540 {strides = array<i32>} : memref<4096xi32, #tpu.memory_space<vmem>>, vector<16xi32>,
        %scan3A_1548 = arith.constant 1 : i32
        %scan3A_1549 = arith.addi %scan3A_1484, %scan3A_1548 : i32
        %mul3A_1550 = arith.constant 48 : i32
        %mul3A_1551 = arith.muli %scan3A_1549, %mul3A_1550 : i32
        %mul3A_1552 = arith.constant 3 : i32
        %mul3A_1553 = vector.broadcast %mul3A_1552 : i32 to vector<16xi32>
        %mul3A_1554 = arith.muli %iota3A, %mul3A_1553 : vector<16xi32>
        %add3A_1555 = vector.broadcast %mul3A_1551 : i32 to vector<16xi32>
        %add3A_1556 = arith.addi %add3A_1555, %mul3A_1554 : vector<16xi32>
        %gather3A_1557 = tpu.vector_load_idx %arg9[%add3A_1556] : memref<12288xf32, #tpu.memory_space<vmem>>[vector<16xi32>], vector<16xf32>,
        %add3A_1558 = arith.constant 1 : i32
        %add3A_1559 = vector.broadcast %add3A_1558 : i32 to vector<16xi32>
        %add3A_1560 = arith.addi %add3A_1556, %add3A_1559 : vector<16xi32>
        %gather3A_1561 = tpu.vector_load_idx %arg9[%add3A_1560] : memref<12288xf32, #tpu.memory_space<vmem>>[vector<16xi32>], vector<16xf32>,
        %add3A_1562 = arith.constant 2 : i32
        %add3A_1563 = vector.broadcast %add3A_1562 : i32 to vector<16xi32>
        %add3A_1564 = arith.addi %add3A_1556, %add3A_1563 : vector<16xi32>
        %gather3A_1565 = tpu.vector_load_idx %arg9[%add3A_1564] : memref<12288xf32, #tpu.memory_space<vmem>>[vector<16xi32>], vector<16xf32>,
        %abs3A_1566 = math.absf %gather3A_1557 : vector<16xf32>
        %abs3A_1567 = math.absf %gather3A_1561 : vector<16xf32>
        %max3A_1568 = arith.maximumf %abs3A_1566, %abs3A_1567 : vector<16xf32>
        %abs3A_1569 = math.absf %gather3A_1565 : vector<16xf32>
        %max3A_1570 = arith.maximumf %max3A_1568, %abs3A_1569 : vector<16xf32>
        %max3A_1571 = arith.constant 9.99999971E-10 : f32
        %max3A_1572 = vector.broadcast %max3A_1571 : f32 to vector<16xf32>
        %max3A_1573 = arith.maximumf %max3A_1570, %max3A_1572 : vector<16xf32>
        %div3A_1574 = arith.constant 1.000000e+00 : f32
        %div3A_1575 = vector.broadcast %div3A_1574 : f32 to vector<16xf32>
        %div3A_1576 = arith.divf %div3A_1575, %max3A_1573 : vector<16xf32>
        %le3A_1577 = arith.constant 1.000000e+00 : f32
        %le3A_1578 = vector.broadcast %le3A_1577 : f32 to vector<16xf32>
        %le3A_1579 = arith.cmpf ole, %max3A_1570, %le3A_1578 : vector<16xf32>
        %sub3A_1580 = arith.constant 2.000000e+00 : f32
        %sub3A_1581 = vector.broadcast %sub3A_1580 : f32 to vector<16xf32>
        %sub3A_1582 = arith.subf %sub3A_1581, %div3A_1576 : vector<16xf32>
        %mul3A_1583 = arith.mulf %sub3A_1582, %div3A_1576 : vector<16xf32>
        %jit3A_1584 = arith.constant 1.000000e+00 : f32
        %broadcast_in_dim3A_1585 = vector.broadcast %jit3A_1584 : f32 to vector<16xf32>
        %select_n3A_1586 = arith.select %le3A_1579, %broadcast_in_dim3A_1585, %mul3A_1583 : vector<16xi1>, vector<16xf32>
        %mul3A_1587 = arith.mulf %gather3A_1565, %select_n3A_1586 : vector<16xf32>
        %mul3A_1588 = arith.mulf %gather3A_1557, %select_n3A_1586 : vector<16xf32>
        %add3A_1589 = arith.constant 2.000000e+00 : f32
        %add3A_1590 = vector.broadcast %add3A_1589 : f32 to vector<16xf32>
        %add3A_1591 = arith.addf %mul3A_1588, %add3A_1590 : vector<16xf32>
        %mul3A_1592 = arith.constant 2.560000e+02 : f32
        %mul3A_1593 = vector.broadcast %mul3A_1592 : f32 to vector<16xf32>
        %mul3A_1594 = arith.mulf %add3A_1591, %mul3A_1593 : vector<16xf32>
        %min3A_1595 = arith.constant 1.023000e+03 : f32
        %min3A_1596 = vector.broadcast %min3A_1595 : f32 to vector<16xf32>
        %min3A_1597 = arith.minimumf %mul3A_1594, %min3A_1596 : vector<16xf32>
        %mul3A_1598 = arith.mulf %gather3A_1561, %select_n3A_1586 : vector<16xf32>
        %add3A_1599 = arith.constant 2.000000e+00 : f32
        %add3A_1600 = vector.broadcast %add3A_1599 : f32 to vector<16xf32>
        %add3A_1601 = arith.addf %mul3A_1598, %add3A_1600 : vector<16xf32>
        %mul3A_1602 = arith.constant 2.560000e+02 : f32
        %mul3A_1603 = vector.broadcast %mul3A_1602 : f32 to vector<16xf32>
        %mul3A_1604 = arith.mulf %add3A_1601, %mul3A_1603 : vector<16xf32>
        %min3A_1605 = arith.constant 1.023000e+03 : f32
        %min3A_1606 = vector.broadcast %min3A_1605 : f32 to vector<16xf32>
        %min3A_1607 = arith.minimumf %mul3A_1604, %min3A_1606 : vector<16xf32>
        %convert_element_type3A_1608 = arith.fptosi %min3A_1597 : vector<16xf32> to vector<16xi32>
        %mul3A_1609 = arith.constant 1024 : i32
        %mul3A_1610 = vector.broadcast %mul3A_1609 : i32 to vector<16xi32>
        %mul3A_1611 = arith.muli %convert_element_type3A_1608, %mul3A_1610 : vector<16xi32>
        %convert_element_type3A_1612 = arith.fptosi %min3A_1607 : vector<16xf32> to vector<16xi32>
        %add3A_1613 = arith.addi %mul3A_1611, %convert_element_type3A_1612 : vector<16xi32>
        %mul3A_1614 = arith.constant 16 : i32
        %mul3A_1615 = arith.muli %scan3A_1549, %mul3A_1614 : i32
        %swap3A_1616 = arith.index_cast %mul3A_1615 : i32 to index
        %swap3A_1617 = tpu.vector_load %arg15[%swap3A_1616] {strides = array<i32>} : memref<4096xf32, #tpu.memory_space<vmem>>, vector<16xf32>,
        tpu.vector_store %arg15[%swap3A_1616], %mul3A_1587 {strides = array<i32>} : memref<4096xf32, #tpu.memory_space<vmem>>, vector<16xf32>,
        %mul3A_1618 = arith.constant 16 : i32
        %mul3A_1619 = arith.muli %scan3A_1549, %mul3A_1618 : i32
        %swap3A_1620 = arith.index_cast %mul3A_1619 : i32 to index
        %swap3A_1621 = tpu.vector_load %arg17[%swap3A_1620] {strides = array<i32>} : memref<4096xi32, #tpu.memory_space<vmem>>, vector<16xi32>,
        tpu.vector_store %arg17[%swap3A_1620], %add3A_1613 {strides = array<i32>} : memref<4096xi32, #tpu.memory_space<vmem>>, vector<16xi32>,
      }
      %scan3A_819 = arith.constant 256 : i32
      %dma_start3A_820 = arith.constant 0 : i32
      %dma_start3A_821 = arith.constant 0 : i32
      %dma_start3A_822 = tpu.memref_slice %arg19[%dma_start3A_821] : memref<4096xf32, #tpu.memory_space<vmem>> -> memref<512xf32, #tpu.memory_space<vmem>>
      %dma_start3A_823 = arith.constant 0 : i32
      %dma_start3A_824 = tpu.memref_slice %arg17[%dma_start3A_823] : memref<4096xi32, #tpu.memory_space<vmem>> -> memref<512xi32, #tpu.memory_space<vmem>>
      %dma_start3A_825 = arith.constant 0 : i32
      %dma_start3A_826 = tpu.memref_slice %arg2[%dma_start3A_825] : memref<1048576xf32, #tpu.memory_space<hbm>> -> memref<1048576xf32, #tpu.memory_space<hbm>>
      %dma_start3A_827 = tpu.memref_slice %arg26[%dma_start3A_820] : memref<2x!tpu.dma_semaphore, #tpu.memory_space<semaphore_mem>> -> memref<1x!tpu.dma_semaphore, #tpu.memory_space<semaphore_mem>>
      %dma_start3A_828 = tpu.memref_squeeze %dma_start3A_827 : memref<1x!tpu.dma_semaphore, #tpu.memory_space<semaphore_mem>> -> memref<!tpu.dma_semaphore, #tpu.memory_space<semaphore_mem>>
      tpu.enqueue_indirect_dma source(%dma_start3A_826 : memref<1048576xf32, #tpu.memory_space<hbm>>) target(%dma_start3A_822 : memref<512xf32, #tpu.memory_space<vmem>>) offsets(%dma_start3A_824 : memref<512xi32, #tpu.memory_space<vmem>>) semaphore(%dma_start3A_828 : memref<!tpu.dma_semaphore, #tpu.memory_space<semaphore_mem>>)
      %dma_start3A_829 = arith.constant 0 : i32
      %dma_start3A_830 = arith.constant 0 : i32
      %dma_start3A_831 = tpu.memref_slice %arg21[%dma_start3A_830] : memref<4096xf32, #tpu.memory_space<vmem>> -> memref<512xf32, #tpu.memory_space<vmem>>
      %dma_start3A_832 = arith.constant 0 : i32
      %dma_start3A_833 = tpu.memref_slice %arg17[%dma_start3A_832] : memref<4096xi32, #tpu.memory_space<vmem>> -> memref<512xi32, #tpu.memory_space<vmem>>
      %dma_start3A_834 = arith.constant 0 : i32
      %dma_start3A_835 = tpu.memref_slice %arg3[%dma_start3A_834] : memref<1048576xf32, #tpu.memory_space<hbm>> -> memref<1048576xf32, #tpu.memory_space<hbm>>
      %dma_start3A_836 = tpu.memref_slice %arg26[%dma_start3A_829] : memref<2x!tpu.dma_semaphore, #tpu.memory_space<semaphore_mem>> -> memref<1x!tpu.dma_semaphore, #tpu.memory_space<semaphore_mem>>
      %dma_start3A_837 = tpu.memref_squeeze %dma_start3A_836 : memref<1x!tpu.dma_semaphore, #tpu.memory_space<semaphore_mem>> -> memref<!tpu.dma_semaphore, #tpu.memory_space<semaphore_mem>>
      tpu.enqueue_indirect_dma source(%dma_start3A_835 : memref<1048576xf32, #tpu.memory_space<hbm>>) target(%dma_start3A_831 : memref<512xf32, #tpu.memory_space<vmem>>) offsets(%dma_start3A_833 : memref<512xi32, #tpu.memory_space<vmem>>) semaphore(%dma_start3A_837 : memref<!tpu.dma_semaphore, #tpu.memory_space<semaphore_mem>>)
      %dma_start3A_838 = arith.constant 0 : i32
      %dma_start3A_839 = arith.constant 512 : i32
      %dma_start3A_840 = tpu.memref_slice %arg19[%dma_start3A_839] : memref<4096xf32, #tpu.memory_space<vmem>> -> memref<512xf32, #tpu.memory_space<vmem>>
      %dma_start3A_841 = arith.constant 512 : i32
      %dma_start3A_842 = tpu.memref_slice %arg17[%dma_start3A_841] : memref<4096xi32, #tpu.memory_space<vmem>> -> memref<512xi32, #tpu.memory_space<vmem>>
      %dma_start3A_843 = arith.constant 0 : i32
      %dma_start3A_844 = tpu.memref_slice %arg2[%dma_start3A_843] : memref<1048576xf32, #tpu.memory_space<hbm>> -> memref<1048576xf32, #tpu.memory_space<hbm>>
      %dma_start3A_845 = tpu.memref_slice %arg26[%dma_start3A_838] : memref<2x!tpu.dma_semaphore, #tpu.memory_space<semaphore_mem>> -> memref<1x!tpu.dma_semaphore, #tpu.memory_space<semaphore_mem>>
      %dma_start3A_846 = tpu.memref_squeeze %dma_start3A_845 : memref<1x!tpu.dma_semaphore, #tpu.memory_space<semaphore_mem>> -> memref<!tpu.dma_semaphore, #tpu.memory_space<semaphore_mem>>
      tpu.enqueue_indirect_dma source(%dma_start3A_844 : memref<1048576xf32, #tpu.memory_space<hbm>>) target(%dma_start3A_840 : memref<512xf32, #tpu.memory_space<vmem>>) offsets(%dma_start3A_842 : memref<512xi32, #tpu.memory_space<vmem>>) semaphore(%dma_start3A_846 : memref<!tpu.dma_semaphore, #tpu.memory_space<semaphore_mem>>)
      %dma_start3A_847 = arith.constant 0 : i32
      %dma_start3A_848 = arith.constant 512 : i32
      %dma_start3A_849 = tpu.memref_slice %arg21[%dma_start3A_848] : memref<4096xf32, #tpu.memory_space<vmem>> -> memref<512xf32, #tpu.memory_space<vmem>>
      %dma_start3A_850 = arith.constant 512 : i32
      %dma_start3A_851 = tpu.memref_slice %arg17[%dma_start3A_850] : memref<4096xi32, #tpu.memory_space<vmem>> -> memref<512xi32, #tpu.memory_space<vmem>>
      %dma_start3A_852 = arith.constant 0 : i32
      %dma_start3A_853 = tpu.memref_slice %arg3[%dma_start3A_852] : memref<1048576xf32, #tpu.memory_space<hbm>> -> memref<1048576xf32, #tpu.memory_space<hbm>>
      %dma_start3A_854 = tpu.memref_slice %arg26[%dma_start3A_847] : memref<2x!tpu.dma_semaphore, #tpu.memory_space<semaphore_mem>> -> memref<1x!tpu.dma_semaphore, #tpu.memory_space<semaphore_mem>>
      %dma_start3A_855 = tpu.memref_squeeze %dma_start3A_854 : memref<1x!tpu.dma_semaphore, #tpu.memory_space<semaphore_mem>> -> memref<!tpu.dma_semaphore, #tpu.memory_space<semaphore_mem>>
      tpu.enqueue_indirect_dma source(%dma_start3A_853 : memref<1048576xf32, #tpu.memory_space<hbm>>) target(%dma_start3A_849 : memref<512xf32, #tpu.memory_space<vmem>>) offsets(%dma_start3A_851 : memref<512xi32, #tpu.memory_space<vmem>>) semaphore(%dma_start3A_855 : memref<!tpu.dma_semaphore, #tpu.memory_space<semaphore_mem>>)
      %dma_start3A_856 = arith.constant 0 : i32
      %dma_start3A_857 = arith.constant 1024 : i32
      %dma_start3A_858 = tpu.memref_slice %arg19[%dma_start3A_857] : memref<4096xf32, #tpu.memory_space<vmem>> -> memref<512xf32, #tpu.memory_space<vmem>>
      %dma_start3A_859 = arith.constant 1024 : i32
      %dma_start3A_860 = tpu.memref_slice %arg17[%dma_start3A_859] : memref<4096xi32, #tpu.memory_space<vmem>> -> memref<512xi32, #tpu.memory_space<vmem>>
      %dma_start3A_861 = arith.constant 0 : i32
      %dma_start3A_862 = tpu.memref_slice %arg2[%dma_start3A_861] : memref<1048576xf32, #tpu.memory_space<hbm>> -> memref<1048576xf32, #tpu.memory_space<hbm>>
      %dma_start3A_863 = tpu.memref_slice %arg26[%dma_start3A_856] : memref<2x!tpu.dma_semaphore, #tpu.memory_space<semaphore_mem>> -> memref<1x!tpu.dma_semaphore, #tpu.memory_space<semaphore_mem>>
      %dma_start3A_864 = tpu.memref_squeeze %dma_start3A_863 : memref<1x!tpu.dma_semaphore, #tpu.memory_space<semaphore_mem>> -> memref<!tpu.dma_semaphore, #tpu.memory_space<semaphore_mem>>
      tpu.enqueue_indirect_dma source(%dma_start3A_862 : memref<1048576xf32, #tpu.memory_space<hbm>>) target(%dma_start3A_858 : memref<512xf32, #tpu.memory_space<vmem>>) offsets(%dma_start3A_860 : memref<512xi32, #tpu.memory_space<vmem>>) semaphore(%dma_start3A_864 : memref<!tpu.dma_semaphore, #tpu.memory_space<semaphore_mem>>)
      %dma_start3A_865 = arith.constant 0 : i32
      %dma_start3A_866 = arith.constant 1024 : i32
      %dma_start3A_867 = tpu.memref_slice %arg21[%dma_start3A_866] : memref<4096xf32, #tpu.memory_space<vmem>> -> memref<512xf32, #tpu.memory_space<vmem>>
      %dma_start3A_868 = arith.constant 1024 : i32
      %dma_start3A_869 = tpu.memref_slice %arg17[%dma_start3A_868] : memref<4096xi32, #tpu.memory_space<vmem>> -> memref<512xi32, #tpu.memory_space<vmem>>
      %dma_start3A_870 = arith.constant 0 : i32
      %dma_start3A_871 = tpu.memref_slice %arg3[%dma_start3A_870] : memref<1048576xf32, #tpu.memory_space<hbm>> -> memref<1048576xf32, #tpu.memory_space<hbm>>
      %dma_start3A_872 = tpu.memref_slice %arg26[%dma_start3A_865] : memref<2x!tpu.dma_semaphore, #tpu.memory_space<semaphore_mem>> -> memref<1x!tpu.dma_semaphore, #tpu.memory_space<semaphore_mem>>
      %dma_start3A_873 = tpu.memref_squeeze %dma_start3A_872 : memref<1x!tpu.dma_semaphore, #tpu.memory_space<semaphore_mem>> -> memref<!tpu.dma_semaphore, #tpu.memory_space<semaphore_mem>>
      tpu.enqueue_indirect_dma source(%dma_start3A_871 : memref<1048576xf32, #tpu.memory_space<hbm>>) target(%dma_start3A_867 : memref<512xf32, #tpu.memory_space<vmem>>) offsets(%dma_start3A_869 : memref<512xi32, #tpu.memory_space<vmem>>) semaphore(%dma_start3A_873 : memref<!tpu.dma_semaphore, #tpu.memory_space<semaphore_mem>>)
      %dma_start3A_874 = arith.constant 0 : i32
      %dma_start3A_875 = arith.constant 1536 : i32
      %dma_start3A_876 = tpu.memref_slice %arg19[%dma_start3A_875] : memref<4096xf32, #tpu.memory_space<vmem>> -> memref<512xf32, #tpu.memory_space<vmem>>
      %dma_start3A_877 = arith.constant 1536 : i32
      %dma_start3A_878 = tpu.memref_slice %arg17[%dma_start3A_877] : memref<4096xi32, #tpu.memory_space<vmem>> -> memref<512xi32, #tpu.memory_space<vmem>>
      %dma_start3A_879 = arith.constant 0 : i32
      %dma_start3A_880 = tpu.memref_slice %arg2[%dma_start3A_879] : memref<1048576xf32, #tpu.memory_space<hbm>> -> memref<1048576xf32, #tpu.memory_space<hbm>>
      %dma_start3A_881 = tpu.memref_slice %arg26[%dma_start3A_874] : memref<2x!tpu.dma_semaphore, #tpu.memory_space<semaphore_mem>> -> memref<1x!tpu.dma_semaphore, #tpu.memory_space<semaphore_mem>>
      %dma_start3A_882 = tpu.memref_squeeze %dma_start3A_881 : memref<1x!tpu.dma_semaphore, #tpu.memory_space<semaphore_mem>> -> memref<!tpu.dma_semaphore, #tpu.memory_space<semaphore_mem>>
      tpu.enqueue_indirect_dma source(%dma_start3A_880 : memref<1048576xf32, #tpu.memory_space<hbm>>) target(%dma_start3A_876 : memref<512xf32, #tpu.memory_space<vmem>>) offsets(%dma_start3A_878 : memref<512xi32, #tpu.memory_space<vmem>>) semaphore(%dma_start3A_882 : memref<!tpu.dma_semaphore, #tpu.memory_space<semaphore_mem>>)
      %dma_start3A_883 = arith.constant 0 : i32
      %dma_start3A_884 = arith.constant 1536 : i32
      %dma_start3A_885 = tpu.memref_slice %arg21[%dma_start3A_884] : memref<4096xf32, #tpu.memory_space<vmem>> -> memref<512xf32, #tpu.memory_space<vmem>>
      %dma_start3A_886 = arith.constant 1536 : i32
      %dma_start3A_887 = tpu.memref_slice %arg17[%dma_start3A_886] : memref<4096xi32, #tpu.memory_space<vmem>> -> memref<512xi32, #tpu.memory_space<vmem>>
      %dma_start3A_888 = arith.constant 0 : i32
      %dma_start3A_889 = tpu.memref_slice %arg3[%dma_start3A_888] : memref<1048576xf32, #tpu.memory_space<hbm>> -> memref<1048576xf32, #tpu.memory_space<hbm>>
      %dma_start3A_890 = tpu.memref_slice %arg26[%dma_start3A_883] : memref<2x!tpu.dma_semaphore, #tpu.memory_space<semaphore_mem>> -> memref<1x!tpu.dma_semaphore, #tpu.memory_space<semaphore_mem>>
      %dma_start3A_891 = tpu.memref_squeeze %dma_start3A_890 : memref<1x!tpu.dma_semaphore, #tpu.memory_space<semaphore_mem>> -> memref<!tpu.dma_semaphore, #tpu.memory_space<semaphore_mem>>
      tpu.enqueue_indirect_dma source(%dma_start3A_889 : memref<1048576xf32, #tpu.memory_space<hbm>>) target(%dma_start3A_885 : memref<512xf32, #tpu.memory_space<vmem>>) offsets(%dma_start3A_887 : memref<512xi32, #tpu.memory_space<vmem>>) semaphore(%dma_start3A_891 : memref<!tpu.dma_semaphore, #tpu.memory_space<semaphore_mem>>)
      %dma_start3A_892 = arith.constant 0 : i32
      %dma_start3A_893 = arith.constant 2048 : i32
      %dma_start3A_894 = tpu.memref_slice %arg19[%dma_start3A_893] : memref<4096xf32, #tpu.memory_space<vmem>> -> memref<512xf32, #tpu.memory_space<vmem>>
      %dma_start3A_895 = arith.constant 2048 : i32
      %dma_start3A_896 = tpu.memref_slice %arg17[%dma_start3A_895] : memref<4096xi32, #tpu.memory_space<vmem>> -> memref<512xi32, #tpu.memory_space<vmem>>
      %dma_start3A_897 = arith.constant 0 : i32
      %dma_start3A_898 = tpu.memref_slice %arg2[%dma_start3A_897] : memref<1048576xf32, #tpu.memory_space<hbm>> -> memref<1048576xf32, #tpu.memory_space<hbm>>
      %dma_start3A_899 = tpu.memref_slice %arg26[%dma_start3A_892] : memref<2x!tpu.dma_semaphore, #tpu.memory_space<semaphore_mem>> -> memref<1x!tpu.dma_semaphore, #tpu.memory_space<semaphore_mem>>
      %dma_start3A_900 = tpu.memref_squeeze %dma_start3A_899 : memref<1x!tpu.dma_semaphore, #tpu.memory_space<semaphore_mem>> -> memref<!tpu.dma_semaphore, #tpu.memory_space<semaphore_mem>>
      tpu.enqueue_indirect_dma source(%dma_start3A_898 : memref<1048576xf32, #tpu.memory_space<hbm>>) target(%dma_start3A_894 : memref<512xf32, #tpu.memory_space<vmem>>) offsets(%dma_start3A_896 : memref<512xi32, #tpu.memory_space<vmem>>) semaphore(%dma_start3A_900 : memref<!tpu.dma_semaphore, #tpu.memory_space<semaphore_mem>>)
      %dma_start3A_901 = arith.constant 0 : i32
      %dma_start3A_902 = arith.constant 2048 : i32
      %dma_start3A_903 = tpu.memref_slice %arg21[%dma_start3A_902] : memref<4096xf32, #tpu.memory_space<vmem>> -> memref<512xf32, #tpu.memory_space<vmem>>
      %dma_start3A_904 = arith.constant 2048 : i32
      %dma_start3A_905 = tpu.memref_slice %arg17[%dma_start3A_904] : memref<4096xi32, #tpu.memory_space<vmem>> -> memref<512xi32, #tpu.memory_space<vmem>>
      %dma_start3A_906 = arith.constant 0 : i32
      %dma_start3A_907 = tpu.memref_slice %arg3[%dma_start3A_906] : memref<1048576xf32, #tpu.memory_space<hbm>> -> memref<1048576xf32, #tpu.memory_space<hbm>>
      %dma_start3A_908 = tpu.memref_slice %arg26[%dma_start3A_901] : memref<2x!tpu.dma_semaphore, #tpu.memory_space<semaphore_mem>> -> memref<1x!tpu.dma_semaphore, #tpu.memory_space<semaphore_mem>>
      %dma_start3A_909 = tpu.memref_squeeze %dma_start3A_908 : memref<1x!tpu.dma_semaphore, #tpu.memory_space<semaphore_mem>> -> memref<!tpu.dma_semaphore, #tpu.memory_space<semaphore_mem>>
      tpu.enqueue_indirect_dma source(%dma_start3A_907 : memref<1048576xf32, #tpu.memory_space<hbm>>) target(%dma_start3A_903 : memref<512xf32, #tpu.memory_space<vmem>>) offsets(%dma_start3A_905 : memref<512xi32, #tpu.memory_space<vmem>>) semaphore(%dma_start3A_909 : memref<!tpu.dma_semaphore, #tpu.memory_space<semaphore_mem>>)
      %dma_start3A_910 = arith.constant 0 : i32
      %dma_start3A_911 = arith.constant 2560 : i32
      %dma_start3A_912 = tpu.memref_slice %arg19[%dma_start3A_911] : memref<4096xf32, #tpu.memory_space<vmem>> -> memref<512xf32, #tpu.memory_space<vmem>>
      %dma_start3A_913 = arith.constant 2560 : i32
      %dma_start3A_914 = tpu.memref_slice %arg17[%dma_start3A_913] : memref<4096xi32, #tpu.memory_space<vmem>> -> memref<512xi32, #tpu.memory_space<vmem>>
      %dma_start3A_915 = arith.constant 0 : i32
      %dma_start3A_916 = tpu.memref_slice %arg2[%dma_start3A_915] : memref<1048576xf32, #tpu.memory_space<hbm>> -> memref<1048576xf32, #tpu.memory_space<hbm>>
      %dma_start3A_917 = tpu.memref_slice %arg26[%dma_start3A_910] : memref<2x!tpu.dma_semaphore, #tpu.memory_space<semaphore_mem>> -> memref<1x!tpu.dma_semaphore, #tpu.memory_space<semaphore_mem>>
      %dma_start3A_918 = tpu.memref_squeeze %dma_start3A_917 : memref<1x!tpu.dma_semaphore, #tpu.memory_space<semaphore_mem>> -> memref<!tpu.dma_semaphore, #tpu.memory_space<semaphore_mem>>
      tpu.enqueue_indirect_dma source(%dma_start3A_916 : memref<1048576xf32, #tpu.memory_space<hbm>>) target(%dma_start3A_912 : memref<512xf32, #tpu.memory_space<vmem>>) offsets(%dma_start3A_914 : memref<512xi32, #tpu.memory_space<vmem>>) semaphore(%dma_start3A_918 : memref<!tpu.dma_semaphore, #tpu.memory_space<semaphore_mem>>)
      %dma_start3A_919 = arith.constant 0 : i32
      %dma_start3A_920 = arith.constant 2560 : i32
      %dma_start3A_921 = tpu.memref_slice %arg21[%dma_start3A_920] : memref<4096xf32, #tpu.memory_space<vmem>> -> memref<512xf32, #tpu.memory_space<vmem>>
      %dma_start3A_922 = arith.constant 2560 : i32
      %dma_start3A_923 = tpu.memref_slice %arg17[%dma_start3A_922] : memref<4096xi32, #tpu.memory_space<vmem>> -> memref<512xi32, #tpu.memory_space<vmem>>
      %dma_start3A_924 = arith.constant 0 : i32
      %dma_start3A_925 = tpu.memref_slice %arg3[%dma_start3A_924] : memref<1048576xf32, #tpu.memory_space<hbm>> -> memref<1048576xf32, #tpu.memory_space<hbm>>
      %dma_start3A_926 = tpu.memref_slice %arg26[%dma_start3A_919] : memref<2x!tpu.dma_semaphore, #tpu.memory_space<semaphore_mem>> -> memref<1x!tpu.dma_semaphore, #tpu.memory_space<semaphore_mem>>
      %dma_start3A_927 = tpu.memref_squeeze %dma_start3A_926 : memref<1x!tpu.dma_semaphore, #tpu.memory_space<semaphore_mem>> -> memref<!tpu.dma_semaphore, #tpu.memory_space<semaphore_mem>>
      tpu.enqueue_indirect_dma source(%dma_start3A_925 : memref<1048576xf32, #tpu.memory_space<hbm>>) target(%dma_start3A_921 : memref<512xf32, #tpu.memory_space<vmem>>) offsets(%dma_start3A_923 : memref<512xi32, #tpu.memory_space<vmem>>) semaphore(%dma_start3A_927 : memref<!tpu.dma_semaphore, #tpu.memory_space<semaphore_mem>>)
      %dma_start3A_928 = arith.constant 0 : i32
      %dma_start3A_929 = arith.constant 3072 : i32
      %dma_start3A_930 = tpu.memref_slice %arg19[%dma_start3A_929] : memref<4096xf32, #tpu.memory_space<vmem>> -> memref<512xf32, #tpu.memory_space<vmem>>
      %dma_start3A_931 = arith.constant 3072 : i32
      %dma_start3A_932 = tpu.memref_slice %arg17[%dma_start3A_931] : memref<4096xi32, #tpu.memory_space<vmem>> -> memref<512xi32, #tpu.memory_space<vmem>>
      %dma_start3A_933 = arith.constant 0 : i32
      %dma_start3A_934 = tpu.memref_slice %arg2[%dma_start3A_933] : memref<1048576xf32, #tpu.memory_space<hbm>> -> memref<1048576xf32, #tpu.memory_space<hbm>>
      %dma_start3A_935 = tpu.memref_slice %arg26[%dma_start3A_928] : memref<2x!tpu.dma_semaphore, #tpu.memory_space<semaphore_mem>> -> memref<1x!tpu.dma_semaphore, #tpu.memory_space<semaphore_mem>>
      %dma_start3A_936 = tpu.memref_squeeze %dma_start3A_935 : memref<1x!tpu.dma_semaphore, #tpu.memory_space<semaphore_mem>> -> memref<!tpu.dma_semaphore, #tpu.memory_space<semaphore_mem>>
      tpu.enqueue_indirect_dma source(%dma_start3A_934 : memref<1048576xf32, #tpu.memory_space<hbm>>) target(%dma_start3A_930 : memref<512xf32, #tpu.memory_space<vmem>>) offsets(%dma_start3A_932 : memref<512xi32, #tpu.memory_space<vmem>>) semaphore(%dma_start3A_936 : memref<!tpu.dma_semaphore, #tpu.memory_space<semaphore_mem>>)
      %dma_start3A_937 = arith.constant 0 : i32
      %dma_start3A_938 = arith.constant 3072 : i32
      %dma_start3A_939 = tpu.memref_slice %arg21[%dma_start3A_938] : memref<4096xf32, #tpu.memory_space<vmem>> -> memref<512xf32, #tpu.memory_space<vmem>>
      %dma_start3A_940 = arith.constant 3072 : i32
      %dma_start3A_941 = tpu.memref_slice %arg17[%dma_start3A_940] : memref<4096xi32, #tpu.memory_space<vmem>> -> memref<512xi32, #tpu.memory_space<vmem>>
      %dma_start3A_942 = arith.constant 0 : i32
      %dma_start3A_943 = tpu.memref_slice %arg3[%dma_start3A_942] : memref<1048576xf32, #tpu.memory_space<hbm>> -> memref<1048576xf32, #tpu.memory_space<hbm>>
      %dma_start3A_944 = tpu.memref_slice %arg26[%dma_start3A_937] : memref<2x!tpu.dma_semaphore, #tpu.memory_space<semaphore_mem>> -> memref<1x!tpu.dma_semaphore, #tpu.memory_space<semaphore_mem>>
      %dma_start3A_945 = tpu.memref_squeeze %dma_start3A_944 : memref<1x!tpu.dma_semaphore, #tpu.memory_space<semaphore_mem>> -> memref<!tpu.dma_semaphore, #tpu.memory_space<semaphore_mem>>
      tpu.enqueue_indirect_dma source(%dma_start3A_943 : memref<1048576xf32, #tpu.memory_space<hbm>>) target(%dma_start3A_939 : memref<512xf32, #tpu.memory_space<vmem>>) offsets(%dma_start3A_941 : memref<512xi32, #tpu.memory_space<vmem>>) semaphore(%dma_start3A_945 : memref<!tpu.dma_semaphore, #tpu.memory_space<semaphore_mem>>)
      %dma_start3A_946 = arith.constant 0 : i32
      %dma_start3A_947 = arith.constant 3584 : i32
      %dma_start3A_948 = tpu.memref_slice %arg19[%dma_start3A_947] : memref<4096xf32, #tpu.memory_space<vmem>> -> memref<512xf32, #tpu.memory_space<vmem>>
      %dma_start3A_949 = arith.constant 3584 : i32
      %dma_start3A_950 = tpu.memref_slice %arg17[%dma_start3A_949] : memref<4096xi32, #tpu.memory_space<vmem>> -> memref<512xi32, #tpu.memory_space<vmem>>
      %dma_start3A_951 = arith.constant 0 : i32
      %dma_start3A_952 = tpu.memref_slice %arg2[%dma_start3A_951] : memref<1048576xf32, #tpu.memory_space<hbm>> -> memref<1048576xf32, #tpu.memory_space<hbm>>
      %dma_start3A_953 = tpu.memref_slice %arg26[%dma_start3A_946] : memref<2x!tpu.dma_semaphore, #tpu.memory_space<semaphore_mem>> -> memref<1x!tpu.dma_semaphore, #tpu.memory_space<semaphore_mem>>
      %dma_start3A_954 = tpu.memref_squeeze %dma_start3A_953 : memref<1x!tpu.dma_semaphore, #tpu.memory_space<semaphore_mem>> -> memref<!tpu.dma_semaphore, #tpu.memory_space<semaphore_mem>>
      tpu.enqueue_indirect_dma source(%dma_start3A_952 : memref<1048576xf32, #tpu.memory_space<hbm>>) target(%dma_start3A_948 : memref<512xf32, #tpu.memory_space<vmem>>) offsets(%dma_start3A_950 : memref<512xi32, #tpu.memory_space<vmem>>) semaphore(%dma_start3A_954 : memref<!tpu.dma_semaphore, #tpu.memory_space<semaphore_mem>>)
      %dma_start3A_955 = arith.constant 0 : i32
      %dma_start3A_956 = arith.constant 3584 : i32
      %dma_start3A_957 = tpu.memref_slice %arg21[%dma_start3A_956] : memref<4096xf32, #tpu.memory_space<vmem>> -> memref<512xf32, #tpu.memory_space<vmem>>
      %dma_start3A_958 = arith.constant 3584 : i32
      %dma_start3A_959 = tpu.memref_slice %arg17[%dma_start3A_958] : memref<4096xi32, #tpu.memory_space<vmem>> -> memref<512xi32, #tpu.memory_space<vmem>>
      %dma_start3A_960 = arith.constant 0 : i32
      %dma_start3A_961 = tpu.memref_slice %arg3[%dma_start3A_960] : memref<1048576xf32, #tpu.memory_space<hbm>> -> memref<1048576xf32, #tpu.memory_space<hbm>>
      %dma_start3A_962 = tpu.memref_slice %arg26[%dma_start3A_955] : memref<2x!tpu.dma_semaphore, #tpu.memory_space<semaphore_mem>> -> memref<1x!tpu.dma_semaphore, #tpu.memory_space<semaphore_mem>>
      %dma_start3A_963 = tpu.memref_squeeze %dma_start3A_962 : memref<1x!tpu.dma_semaphore, #tpu.memory_space<semaphore_mem>> -> memref<!tpu.dma_semaphore, #tpu.memory_space<semaphore_mem>>
      tpu.enqueue_indirect_dma source(%dma_start3A_961 : memref<1048576xf32, #tpu.memory_space<hbm>>) target(%dma_start3A_957 : memref<512xf32, #tpu.memory_space<vmem>>) offsets(%dma_start3A_959 : memref<512xi32, #tpu.memory_space<vmem>>) semaphore(%dma_start3A_963 : memref<!tpu.dma_semaphore, #tpu.memory_space<semaphore_mem>>)
      %sub3A_964 = arith.constant 1 : i32
      %sub3A_965 = arith.subi %add3A_780, %sub3A_964 : i32
      %gt3A_966 = arith.constant 0 : i32
      %gt3A_967 = arith.cmpi sgt, %scan3A_238, %gt3A_966 : i32
      %dma_wait3A_968 = arith.constant 1 : i32
      %dma_wait3A_969 = arith.constant 0 : i32
      %dma_wait3A_970 = tpu.memref_slice %arg20[%dma_wait3A_969] : memref<4096xf32, #tpu.memory_space<vmem>> -> memref<512xf32, #tpu.memory_space<vmem>>
      %dma_wait3A_971 = arith.constant 0 : i32
      %dma_wait3A_972 = tpu.memref_slice %arg18[%dma_wait3A_971] : memref<4096xi32, #tpu.memory_space<vmem>> -> memref<512xi32, #tpu.memory_space<vmem>>
      %dma_wait3A_973 = arith.constant 0 : i32
      %dma_wait3A_974 = tpu.memref_slice %arg2[%dma_wait3A_973] : memref<1048576xf32, #tpu.memory_space<hbm>> -> memref<1048576xf32, #tpu.memory_space<hbm>>
      %dma_wait3A_975 = tpu.memref_slice %arg26[%dma_wait3A_968] : memref<2x!tpu.dma_semaphore, #tpu.memory_space<semaphore_mem>> -> memref<1x!tpu.dma_semaphore, #tpu.memory_space<semaphore_mem>>
      %dma_wait3A_976 = tpu.memref_squeeze %dma_wait3A_975 : memref<1x!tpu.dma_semaphore, #tpu.memory_space<semaphore_mem>> -> memref<!tpu.dma_semaphore, #tpu.memory_space<semaphore_mem>>
      tpu.wait_indirect_dma semaphore(%dma_wait3A_976 : memref<!tpu.dma_semaphore, #tpu.memory_space<semaphore_mem>>) src(%dma_wait3A_974 : memref<1048576xf32, #tpu.memory_space<hbm>>) dst(%dma_wait3A_970 : memref<512xf32, #tpu.memory_space<vmem>>)
      %dma_wait3A_977 = arith.constant 1 : i32
      %dma_wait3A_978 = arith.constant 0 : i32
      %dma_wait3A_979 = tpu.memref_slice %arg22[%dma_wait3A_978] : memref<4096xf32, #tpu.memory_space<vmem>> -> memref<512xf32, #tpu.memory_space<vmem>>
      %dma_wait3A_980 = arith.constant 0 : i32
      %dma_wait3A_981 = tpu.memref_slice %arg18[%dma_wait3A_980] : memref<4096xi32, #tpu.memory_space<vmem>> -> memref<512xi32, #tpu.memory_space<vmem>>
      %dma_wait3A_982 = arith.constant 0 : i32
      %dma_wait3A_983 = tpu.memref_slice %arg3[%dma_wait3A_982] : memref<1048576xf32, #tpu.memory_space<hbm>> -> memref<1048576xf32, #tpu.memory_space<hbm>>
      %dma_wait3A_984 = tpu.memref_slice %arg26[%dma_wait3A_977] : memref<2x!tpu.dma_semaphore, #tpu.memory_space<semaphore_mem>> -> memref<1x!tpu.dma_semaphore, #tpu.memory_space<semaphore_mem>>
      %dma_wait3A_985 = tpu.memref_squeeze %dma_wait3A_984 : memref<1x!tpu.dma_semaphore, #tpu.memory_space<semaphore_mem>> -> memref<!tpu.dma_semaphore, #tpu.memory_space<semaphore_mem>>
      tpu.wait_indirect_dma semaphore(%dma_wait3A_985 : memref<!tpu.dma_semaphore, #tpu.memory_space<semaphore_mem>>) src(%dma_wait3A_983 : memref<1048576xf32, #tpu.memory_space<hbm>>) dst(%dma_wait3A_979 : memref<512xf32, #tpu.memory_space<vmem>>)
      %dma_wait3A_986 = arith.constant 1 : i32
      %dma_wait3A_987 = arith.constant 512 : i32
      %dma_wait3A_988 = tpu.memref_slice %arg20[%dma_wait3A_987] : memref<4096xf32, #tpu.memory_space<vmem>> -> memref<512xf32, #tpu.memory_space<vmem>>
      %dma_wait3A_989 = arith.constant 512 : i32
      %dma_wait3A_990 = tpu.memref_slice %arg18[%dma_wait3A_989] : memref<4096xi32, #tpu.memory_space<vmem>> -> memref<512xi32, #tpu.memory_space<vmem>>
      %dma_wait3A_991 = arith.constant 0 : i32
      %dma_wait3A_992 = tpu.memref_slice %arg2[%dma_wait3A_991] : memref<1048576xf32, #tpu.memory_space<hbm>> -> memref<1048576xf32, #tpu.memory_space<hbm>>
      %dma_wait3A_993 = tpu.memref_slice %arg26[%dma_wait3A_986] : memref<2x!tpu.dma_semaphore, #tpu.memory_space<semaphore_mem>> -> memref<1x!tpu.dma_semaphore, #tpu.memory_space<semaphore_mem>>
      %dma_wait3A_994 = tpu.memref_squeeze %dma_wait3A_993 : memref<1x!tpu.dma_semaphore, #tpu.memory_space<semaphore_mem>> -> memref<!tpu.dma_semaphore, #tpu.memory_space<semaphore_mem>>
      tpu.wait_indirect_dma semaphore(%dma_wait3A_994 : memref<!tpu.dma_semaphore, #tpu.memory_space<semaphore_mem>>) src(%dma_wait3A_992 : memref<1048576xf32, #tpu.memory_space<hbm>>) dst(%dma_wait3A_988 : memref<512xf32, #tpu.memory_space<vmem>>)
      %dma_wait3A_995 = arith.constant 1 : i32
      %dma_wait3A_996 = arith.constant 512 : i32
      %dma_wait3A_997 = tpu.memref_slice %arg22[%dma_wait3A_996] : memref<4096xf32, #tpu.memory_space<vmem>> -> memref<512xf32, #tpu.memory_space<vmem>>
      %dma_wait3A_998 = arith.constant 512 : i32
      %dma_wait3A_999 = tpu.memref_slice %arg18[%dma_wait3A_998] : memref<4096xi32, #tpu.memory_space<vmem>> -> memref<512xi32, #tpu.memory_space<vmem>>
      %dma_wait3A_1000 = arith.constant 0 : i32
      %dma_wait3A_1001 = tpu.memref_slice %arg3[%dma_wait3A_1000] : memref<1048576xf32, #tpu.memory_space<hbm>> -> memref<1048576xf32, #tpu.memory_space<hbm>>
      %dma_wait3A_1002 = tpu.memref_slice %arg26[%dma_wait3A_995] : memref<2x!tpu.dma_semaphore, #tpu.memory_space<semaphore_mem>> -> memref<1x!tpu.dma_semaphore, #tpu.memory_space<semaphore_mem>>
      %dma_wait3A_1003 = tpu.memref_squeeze %dma_wait3A_1002 : memref<1x!tpu.dma_semaphore, #tpu.memory_space<semaphore_mem>> -> memref<!tpu.dma_semaphore, #tpu.memory_space<semaphore_mem>>
      tpu.wait_indirect_dma semaphore(%dma_wait3A_1003 : memref<!tpu.dma_semaphore, #tpu.memory_space<semaphore_mem>>) src(%dma_wait3A_1001 : memref<1048576xf32, #tpu.memory_space<hbm>>) dst(%dma_wait3A_997 : memref<512xf32, #tpu.memory_space<vmem>>)
      %dma_wait3A_1004 = arith.constant 1 : i32
      %dma_wait3A_1005 = arith.constant 1024 : i32
      %dma_wait3A_1006 = tpu.memref_slice %arg20[%dma_wait3A_1005] : memref<4096xf32, #tpu.memory_space<vmem>> -> memref<512xf32, #tpu.memory_space<vmem>>
      %dma_wait3A_1007 = arith.constant 1024 : i32
      %dma_wait3A_1008 = tpu.memref_slice %arg18[%dma_wait3A_1007] : memref<4096xi32, #tpu.memory_space<vmem>> -> memref<512xi32, #tpu.memory_space<vmem>>
      %dma_wait3A_1009 = arith.constant 0 : i32
      %dma_wait3A_1010 = tpu.memref_slice %arg2[%dma_wait3A_1009] : memref<1048576xf32, #tpu.memory_space<hbm>> -> memref<1048576xf32, #tpu.memory_space<hbm>>
      %dma_wait3A_1011 = tpu.memref_slice %arg26[%dma_wait3A_1004] : memref<2x!tpu.dma_semaphore, #tpu.memory_space<semaphore_mem>> -> memref<1x!tpu.dma_semaphore, #tpu.memory_space<semaphore_mem>>
      %dma_wait3A_1012 = tpu.memref_squeeze %dma_wait3A_1011 : memref<1x!tpu.dma_semaphore, #tpu.memory_space<semaphore_mem>> -> memref<!tpu.dma_semaphore, #tpu.memory_space<semaphore_mem>>
      tpu.wait_indirect_dma semaphore(%dma_wait3A_1012 : memref<!tpu.dma_semaphore, #tpu.memory_space<semaphore_mem>>) src(%dma_wait3A_1010 : memref<1048576xf32, #tpu.memory_space<hbm>>) dst(%dma_wait3A_1006 : memref<512xf32, #tpu.memory_space<vmem>>)
      %dma_wait3A_1013 = arith.constant 1 : i32
      %dma_wait3A_1014 = arith.constant 1024 : i32
      %dma_wait3A_1015 = tpu.memref_slice %arg22[%dma_wait3A_1014] : memref<4096xf32, #tpu.memory_space<vmem>> -> memref<512xf32, #tpu.memory_space<vmem>>
      %dma_wait3A_1016 = arith.constant 1024 : i32
      %dma_wait3A_1017 = tpu.memref_slice %arg18[%dma_wait3A_1016] : memref<4096xi32, #tpu.memory_space<vmem>> -> memref<512xi32, #tpu.memory_space<vmem>>
      %dma_wait3A_1018 = arith.constant 0 : i32
      %dma_wait3A_1019 = tpu.memref_slice %arg3[%dma_wait3A_1018] : memref<1048576xf32, #tpu.memory_space<hbm>> -> memref<1048576xf32, #tpu.memory_space<hbm>>
      %dma_wait3A_1020 = tpu.memref_slice %arg26[%dma_wait3A_1013] : memref<2x!tpu.dma_semaphore, #tpu.memory_space<semaphore_mem>> -> memref<1x!tpu.dma_semaphore, #tpu.memory_space<semaphore_mem>>
      %dma_wait3A_1021 = tpu.memref_squeeze %dma_wait3A_1020 : memref<1x!tpu.dma_semaphore, #tpu.memory_space<semaphore_mem>> -> memref<!tpu.dma_semaphore, #tpu.memory_space<semaphore_mem>>
      tpu.wait_indirect_dma semaphore(%dma_wait3A_1021 : memref<!tpu.dma_semaphore, #tpu.memory_space<semaphore_mem>>) src(%dma_wait3A_1019 : memref<1048576xf32, #tpu.memory_space<hbm>>) dst(%dma_wait3A_1015 : memref<512xf32, #tpu.memory_space<vmem>>)
      %dma_wait3A_1022 = arith.constant 1 : i32
      %dma_wait3A_1023 = arith.constant 1536 : i32
      %dma_wait3A_1024 = tpu.memref_slice %arg20[%dma_wait3A_1023] : memref<4096xf32, #tpu.memory_space<vmem>> -> memref<512xf32, #tpu.memory_space<vmem>>
      %dma_wait3A_1025 = arith.constant 1536 : i32
      %dma_wait3A_1026 = tpu.memref_slice %arg18[%dma_wait3A_1025] : memref<4096xi32, #tpu.memory_space<vmem>> -> memref<512xi32, #tpu.memory_space<vmem>>
      %dma_wait3A_1027 = arith.constant 0 : i32
      %dma_wait3A_1028 = tpu.memref_slice %arg2[%dma_wait3A_1027] : memref<1048576xf32, #tpu.memory_space<hbm>> -> memref<1048576xf32, #tpu.memory_space<hbm>>
      %dma_wait3A_1029 = tpu.memref_slice %arg26[%dma_wait3A_1022] : memref<2x!tpu.dma_semaphore, #tpu.memory_space<semaphore_mem>> -> memref<1x!tpu.dma_semaphore, #tpu.memory_space<semaphore_mem>>
      %dma_wait3A_1030 = tpu.memref_squeeze %dma_wait3A_1029 : memref<1x!tpu.dma_semaphore, #tpu.memory_space<semaphore_mem>> -> memref<!tpu.dma_semaphore, #tpu.memory_space<semaphore_mem>>
      tpu.wait_indirect_dma semaphore(%dma_wait3A_1030 : memref<!tpu.dma_semaphore, #tpu.memory_space<semaphore_mem>>) src(%dma_wait3A_1028 : memref<1048576xf32, #tpu.memory_space<hbm>>) dst(%dma_wait3A_1024 : memref<512xf32, #tpu.memory_space<vmem>>)
      %dma_wait3A_1031 = arith.constant 1 : i32
      %dma_wait3A_1032 = arith.constant 1536 : i32
      %dma_wait3A_1033 = tpu.memref_slice %arg22[%dma_wait3A_1032] : memref<4096xf32, #tpu.memory_space<vmem>> -> memref<512xf32, #tpu.memory_space<vmem>>
      %dma_wait3A_1034 = arith.constant 1536 : i32
      %dma_wait3A_1035 = tpu.memref_slice %arg18[%dma_wait3A_1034] : memref<4096xi32, #tpu.memory_space<vmem>> -> memref<512xi32, #tpu.memory_space<vmem>>
      %dma_wait3A_1036 = arith.constant 0 : i32
      %dma_wait3A_1037 = tpu.memref_slice %arg3[%dma_wait3A_1036] : memref<1048576xf32, #tpu.memory_space<hbm>> -> memref<1048576xf32, #tpu.memory_space<hbm>>
      %dma_wait3A_1038 = tpu.memref_slice %arg26[%dma_wait3A_1031] : memref<2x!tpu.dma_semaphore, #tpu.memory_space<semaphore_mem>> -> memref<1x!tpu.dma_semaphore, #tpu.memory_space<semaphore_mem>>
      %dma_wait3A_1039 = tpu.memref_squeeze %dma_wait3A_1038 : memref<1x!tpu.dma_semaphore, #tpu.memory_space<semaphore_mem>> -> memref<!tpu.dma_semaphore, #tpu.memory_space<semaphore_mem>>
      tpu.wait_indirect_dma semaphore(%dma_wait3A_1039 : memref<!tpu.dma_semaphore, #tpu.memory_space<semaphore_mem>>) src(%dma_wait3A_1037 : memref<1048576xf32, #tpu.memory_space<hbm>>) dst(%dma_wait3A_1033 : memref<512xf32, #tpu.memory_space<vmem>>)
      %dma_wait3A_1040 = arith.constant 1 : i32
      %dma_wait3A_1041 = arith.constant 2048 : i32
      %dma_wait3A_1042 = tpu.memref_slice %arg20[%dma_wait3A_1041] : memref<4096xf32, #tpu.memory_space<vmem>> -> memref<512xf32, #tpu.memory_space<vmem>>
      %dma_wait3A_1043 = arith.constant 2048 : i32
      %dma_wait3A_1044 = tpu.memref_slice %arg18[%dma_wait3A_1043] : memref<4096xi32, #tpu.memory_space<vmem>> -> memref<512xi32, #tpu.memory_space<vmem>>
      %dma_wait3A_1045 = arith.constant 0 : i32
      %dma_wait3A_1046 = tpu.memref_slice %arg2[%dma_wait3A_1045] : memref<1048576xf32, #tpu.memory_space<hbm>> -> memref<1048576xf32, #tpu.memory_space<hbm>>
      %dma_wait3A_1047 = tpu.memref_slice %arg26[%dma_wait3A_1040] : memref<2x!tpu.dma_semaphore, #tpu.memory_space<semaphore_mem>> -> memref<1x!tpu.dma_semaphore, #tpu.memory_space<semaphore_mem>>
      %dma_wait3A_1048 = tpu.memref_squeeze %dma_wait3A_1047 : memref<1x!tpu.dma_semaphore, #tpu.memory_space<semaphore_mem>> -> memref<!tpu.dma_semaphore, #tpu.memory_space<semaphore_mem>>
      tpu.wait_indirect_dma semaphore(%dma_wait3A_1048 : memref<!tpu.dma_semaphore, #tpu.memory_space<semaphore_mem>>) src(%dma_wait3A_1046 : memref<1048576xf32, #tpu.memory_space<hbm>>) dst(%dma_wait3A_1042 : memref<512xf32, #tpu.memory_space<vmem>>)
      %dma_wait3A_1049 = arith.constant 1 : i32
      %dma_wait3A_1050 = arith.constant 2048 : i32
      %dma_wait3A_1051 = tpu.memref_slice %arg22[%dma_wait3A_1050] : memref<4096xf32, #tpu.memory_space<vmem>> -> memref<512xf32, #tpu.memory_space<vmem>>
      %dma_wait3A_1052 = arith.constant 2048 : i32
      %dma_wait3A_1053 = tpu.memref_slice %arg18[%dma_wait3A_1052] : memref<4096xi32, #tpu.memory_space<vmem>> -> memref<512xi32, #tpu.memory_space<vmem>>
      %dma_wait3A_1054 = arith.constant 0 : i32
      %dma_wait3A_1055 = tpu.memref_slice %arg3[%dma_wait3A_1054] : memref<1048576xf32, #tpu.memory_space<hbm>> -> memref<1048576xf32, #tpu.memory_space<hbm>>
      %dma_wait3A_1056 = tpu.memref_slice %arg26[%dma_wait3A_1049] : memref<2x!tpu.dma_semaphore, #tpu.memory_space<semaphore_mem>> -> memref<1x!tpu.dma_semaphore, #tpu.memory_space<semaphore_mem>>
      %dma_wait3A_1057 = tpu.memref_squeeze %dma_wait3A_1056 : memref<1x!tpu.dma_semaphore, #tpu.memory_space<semaphore_mem>> -> memref<!tpu.dma_semaphore, #tpu.memory_space<semaphore_mem>>
      tpu.wait_indirect_dma semaphore(%dma_wait3A_1057 : memref<!tpu.dma_semaphore, #tpu.memory_space<semaphore_mem>>) src(%dma_wait3A_1055 : memref<1048576xf32, #tpu.memory_space<hbm>>) dst(%dma_wait3A_1051 : memref<512xf32, #tpu.memory_space<vmem>>)
      %dma_wait3A_1058 = arith.constant 1 : i32
      %dma_wait3A_1059 = arith.constant 2560 : i32
      %dma_wait3A_1060 = tpu.memref_slice %arg20[%dma_wait3A_1059] : memref<4096xf32, #tpu.memory_space<vmem>> -> memref<512xf32, #tpu.memory_space<vmem>>
      %dma_wait3A_1061 = arith.constant 2560 : i32
      %dma_wait3A_1062 = tpu.memref_slice %arg18[%dma_wait3A_1061] : memref<4096xi32, #tpu.memory_space<vmem>> -> memref<512xi32, #tpu.memory_space<vmem>>
      %dma_wait3A_1063 = arith.constant 0 : i32
      %dma_wait3A_1064 = tpu.memref_slice %arg2[%dma_wait3A_1063] : memref<1048576xf32, #tpu.memory_space<hbm>> -> memref<1048576xf32, #tpu.memory_space<hbm>>
      %dma_wait3A_1065 = tpu.memref_slice %arg26[%dma_wait3A_1058] : memref<2x!tpu.dma_semaphore, #tpu.memory_space<semaphore_mem>> -> memref<1x!tpu.dma_semaphore, #tpu.memory_space<semaphore_mem>>
      %dma_wait3A_1066 = tpu.memref_squeeze %dma_wait3A_1065 : memref<1x!tpu.dma_semaphore, #tpu.memory_space<semaphore_mem>> -> memref<!tpu.dma_semaphore, #tpu.memory_space<semaphore_mem>>
      tpu.wait_indirect_dma semaphore(%dma_wait3A_1066 : memref<!tpu.dma_semaphore, #tpu.memory_space<semaphore_mem>>) src(%dma_wait3A_1064 : memref<1048576xf32, #tpu.memory_space<hbm>>) dst(%dma_wait3A_1060 : memref<512xf32, #tpu.memory_space<vmem>>)
      %dma_wait3A_1067 = arith.constant 1 : i32
      %dma_wait3A_1068 = arith.constant 2560 : i32
      %dma_wait3A_1069 = tpu.memref_slice %arg22[%dma_wait3A_1068] : memref<4096xf32, #tpu.memory_space<vmem>> -> memref<512xf32, #tpu.memory_space<vmem>>
      %dma_wait3A_1070 = arith.constant 2560 : i32
      %dma_wait3A_1071 = tpu.memref_slice %arg18[%dma_wait3A_1070] : memref<4096xi32, #tpu.memory_space<vmem>> -> memref<512xi32, #tpu.memory_space<vmem>>
      %dma_wait3A_1072 = arith.constant 0 : i32
      %dma_wait3A_1073 = tpu.memref_slice %arg3[%dma_wait3A_1072] : memref<1048576xf32, #tpu.memory_space<hbm>> -> memref<1048576xf32, #tpu.memory_space<hbm>>
      %dma_wait3A_1074 = tpu.memref_slice %arg26[%dma_wait3A_1067] : memref<2x!tpu.dma_semaphore, #tpu.memory_space<semaphore_mem>> -> memref<1x!tpu.dma_semaphore, #tpu.memory_space<semaphore_mem>>
      %dma_wait3A_1075 = tpu.memref_squeeze %dma_wait3A_1074 : memref<1x!tpu.dma_semaphore, #tpu.memory_space<semaphore_mem>> -> memref<!tpu.dma_semaphore, #tpu.memory_space<semaphore_mem>>
      tpu.wait_indirect_dma semaphore(%dma_wait3A_1075 : memref<!tpu.dma_semaphore, #tpu.memory_space<semaphore_mem>>) src(%dma_wait3A_1073 : memref<1048576xf32, #tpu.memory_space<hbm>>) dst(%dma_wait3A_1069 : memref<512xf32, #tpu.memory_space<vmem>>)
      %dma_wait3A_1076 = arith.constant 1 : i32
      %dma_wait3A_1077 = arith.constant 3072 : i32
      %dma_wait3A_1078 = tpu.memref_slice %arg20[%dma_wait3A_1077] : memref<4096xf32, #tpu.memory_space<vmem>> -> memref<512xf32, #tpu.memory_space<vmem>>
      %dma_wait3A_1079 = arith.constant 3072 : i32
      %dma_wait3A_1080 = tpu.memref_slice %arg18[%dma_wait3A_1079] : memref<4096xi32, #tpu.memory_space<vmem>> -> memref<512xi32, #tpu.memory_space<vmem>>
      %dma_wait3A_1081 = arith.constant 0 : i32
      %dma_wait3A_1082 = tpu.memref_slice %arg2[%dma_wait3A_1081] : memref<1048576xf32, #tpu.memory_space<hbm>> -> memref<1048576xf32, #tpu.memory_space<hbm>>
      %dma_wait3A_1083 = tpu.memref_slice %arg26[%dma_wait3A_1076] : memref<2x!tpu.dma_semaphore, #tpu.memory_space<semaphore_mem>> -> memref<1x!tpu.dma_semaphore, #tpu.memory_space<semaphore_mem>>
      %dma_wait3A_1084 = tpu.memref_squeeze %dma_wait3A_1083 : memref<1x!tpu.dma_semaphore, #tpu.memory_space<semaphore_mem>> -> memref<!tpu.dma_semaphore, #tpu.memory_space<semaphore_mem>>
      tpu.wait_indirect_dma semaphore(%dma_wait3A_1084 : memref<!tpu.dma_semaphore, #tpu.memory_space<semaphore_mem>>) src(%dma_wait3A_1082 : memref<1048576xf32, #tpu.memory_space<hbm>>) dst(%dma_wait3A_1078 : memref<512xf32, #tpu.memory_space<vmem>>)
      %dma_wait3A_1085 = arith.constant 1 : i32
      %dma_wait3A_1086 = arith.constant 3072 : i32
      %dma_wait3A_1087 = tpu.memref_slice %arg22[%dma_wait3A_1086] : memref<4096xf32, #tpu.memory_space<vmem>> -> memref<512xf32, #tpu.memory_space<vmem>>
      %dma_wait3A_1088 = arith.constant 3072 : i32
      %dma_wait3A_1089 = tpu.memref_slice %arg18[%dma_wait3A_1088] : memref<4096xi32, #tpu.memory_space<vmem>> -> memref<512xi32, #tpu.memory_space<vmem>>
      %dma_wait3A_1090 = arith.constant 0 : i32
      %dma_wait3A_1091 = tpu.memref_slice %arg3[%dma_wait3A_1090] : memref<1048576xf32, #tpu.memory_space<hbm>> -> memref<1048576xf32, #tpu.memory_space<hbm>>
      %dma_wait3A_1092 = tpu.memref_slice %arg26[%dma_wait3A_1085] : memref<2x!tpu.dma_semaphore, #tpu.memory_space<semaphore_mem>> -> memref<1x!tpu.dma_semaphore, #tpu.memory_space<semaphore_mem>>
      %dma_wait3A_1093 = tpu.memref_squeeze %dma_wait3A_1092 : memref<1x!tpu.dma_semaphore, #tpu.memory_space<semaphore_mem>> -> memref<!tpu.dma_semaphore, #tpu.memory_space<semaphore_mem>>
      tpu.wait_indirect_dma semaphore(%dma_wait3A_1093 : memref<!tpu.dma_semaphore, #tpu.memory_space<semaphore_mem>>) src(%dma_wait3A_1091 : memref<1048576xf32, #tpu.memory_space<hbm>>) dst(%dma_wait3A_1087 : memref<512xf32, #tpu.memory_space<vmem>>)
      %dma_wait3A_1094 = arith.constant 1 : i32
      %dma_wait3A_1095 = arith.constant 3584 : i32
      %dma_wait3A_1096 = tpu.memref_slice %arg20[%dma_wait3A_1095] : memref<4096xf32, #tpu.memory_space<vmem>> -> memref<512xf32, #tpu.memory_space<vmem>>
      %dma_wait3A_1097 = arith.constant 3584 : i32
      %dma_wait3A_1098 = tpu.memref_slice %arg18[%dma_wait3A_1097] : memref<4096xi32, #tpu.memory_space<vmem>> -> memref<512xi32, #tpu.memory_space<vmem>>
      %dma_wait3A_1099 = arith.constant 0 : i32
      %dma_wait3A_1100 = tpu.memref_slice %arg2[%dma_wait3A_1099] : memref<1048576xf32, #tpu.memory_space<hbm>> -> memref<1048576xf32, #tpu.memory_space<hbm>>
      %dma_wait3A_1101 = tpu.memref_slice %arg26[%dma_wait3A_1094] : memref<2x!tpu.dma_semaphore, #tpu.memory_space<semaphore_mem>> -> memref<1x!tpu.dma_semaphore, #tpu.memory_space<semaphore_mem>>
      %dma_wait3A_1102 = tpu.memref_squeeze %dma_wait3A_1101 : memref<1x!tpu.dma_semaphore, #tpu.memory_space<semaphore_mem>> -> memref<!tpu.dma_semaphore, #tpu.memory_space<semaphore_mem>>
      tpu.wait_indirect_dma semaphore(%dma_wait3A_1102 : memref<!tpu.dma_semaphore, #tpu.memory_space<semaphore_mem>>) src(%dma_wait3A_1100 : memref<1048576xf32, #tpu.memory_space<hbm>>) dst(%dma_wait3A_1096 : memref<512xf32, #tpu.memory_space<vmem>>)
      %dma_wait3A_1103 = arith.constant 1 : i32
      %dma_wait3A_1104 = arith.constant 3584 : i32
      %dma_wait3A_1105 = tpu.memref_slice %arg22[%dma_wait3A_1104] : memref<4096xf32, #tpu.memory_space<vmem>> -> memref<512xf32, #tpu.memory_space<vmem>>
      %dma_wait3A_1106 = arith.constant 3584 : i32
      %dma_wait3A_1107 = tpu.memref_slice %arg18[%dma_wait3A_1106] : memref<4096xi32, #tpu.memory_space<vmem>> -> memref<512xi32, #tpu.memory_space<vmem>>
      %dma_wait3A_1108 = arith.constant 0 : i32
      %dma_wait3A_1109 = tpu.memref_slice %arg3[%dma_wait3A_1108] : memref<1048576xf32, #tpu.memory_space<hbm>> -> memref<1048576xf32, #tpu.memory_space<hbm>>
      %dma_wait3A_1110 = tpu.memref_slice %arg26[%dma_wait3A_1103] : memref<2x!tpu.dma_semaphore, #tpu.memory_space<semaphore_mem>> -> memref<1x!tpu.dma_semaphore, #tpu.memory_space<semaphore_mem>>
      %dma_wait3A_1111 = tpu.memref_squeeze %dma_wait3A_1110 : memref<1x!tpu.dma_semaphore, #tpu.memory_space<semaphore_mem>> -> memref<!tpu.dma_semaphore, #tpu.memory_space<semaphore_mem>>
      tpu.wait_indirect_dma semaphore(%dma_wait3A_1111 : memref<!tpu.dma_semaphore, #tpu.memory_space<semaphore_mem>>) src(%dma_wait3A_1109 : memref<1048576xf32, #tpu.memory_space<hbm>>) dst(%dma_wait3A_1105 : memref<512xf32, #tpu.memory_space<vmem>>)
      %convert_element_type3A_1112 = arith.extui %gt3A_967 : i1 to i32
      %cond3A_1113 = arith.constant 0 : i32
      %cond3A_1114 = arith.cmpi ne, %convert_element_type3A_1112, %cond3A_1113 : i32
      scf.if %cond3A_1114 {
        %sub3A_1484 = arith.constant 2 : i32
        %sub3A_1485 = arith.subi %sub3A_965, %sub3A_1484 : i32
        %max3A = arith.constant 0 : i32
        %max3A_1486 = arith.maxsi %sub3A_1485, %max3A : i32
        %mul3A_1487 = arith.constant 4096 : i32
        %mul3A_1488 = arith.muli %max3A_1486, %mul3A_1487 : i32
        %add3A_1489 = arith.addi %mul3A_2, %mul3A_1488 : i32
        %dma_wait3A_1490 = arith.constant 1 : i32
        %dma_wait3A_1491 = tpu.memref_slice %arg6[%add3A_1489] : memref<4194304xf32, #tpu.memory_space<hbm>> -> memref<4096xf32, #tpu.memory_space<hbm>>
        %dma_wait3A_1492 = tpu.memref_slice %arg27[%dma_wait3A_1490] : memref<2x!tpu.dma_semaphore, #tpu.memory_space<semaphore_mem>> -> memref<1x!tpu.dma_semaphore, #tpu.memory_space<semaphore_mem>>
        %dma_wait3A_1493 = tpu.memref_squeeze %dma_wait3A_1492 : memref<1x!tpu.dma_semaphore, #tpu.memory_space<semaphore_mem>> -> memref<!tpu.dma_semaphore, #tpu.memory_space<semaphore_mem>>
        %dma_wait3A_1494 = tpu.memref_slice %arg6[%add3A_1489] : memref<4194304xf32, #tpu.memory_space<hbm>> -> memref<4096xf32, #tpu.memory_space<hbm>>
        tpu.wait_dma2 semaphore(%dma_wait3A_1493 : memref<!tpu.dma_semaphore, #tpu.memory_space<semaphore_mem>>) src(%arg24 : memref<4096xf32, #tpu.memory_space<vmem>>) dst(%dma_wait3A_1494 : memref<4096xf32, #tpu.memory_space<hbm>>)
      } else {
      }
      %scan3A_1115 = arith.constant 0 : i32
      %scan3A_1116 = arith.constant 256 : i32
      %scan3A_1117 = arith.addi %scan3A_1115, %scan3A_1116 : i32
      %scan3A_1118 = arith.constant 2 : i32
      scf.for %scan3A_1484 = %scan3A_1115 to %scan3A_1117 step %scan3A_1118  : i32 {
        %mul3A_1485 = arith.constant 16 : i32
        %mul3A_1486 = arith.muli %scan3A_1484, %mul3A_1485 : i32
        %get3A = arith.index_cast %mul3A_1486 : i32 to index
        %get3A_1487 = tpu.vector_load %arg20[%get3A] {strides = array<i32>} : memref<4096xf32, #tpu.memory_space<vmem>>, vector<16xf32>,
        %mul3A_1488 = arith.constant 16 : i32
        %mul3A_1489 = arith.muli %scan3A_1484, %mul3A_1488 : i32
        %get3A_1490 = arith.index_cast %mul3A_1489 : i32 to index
        %get3A_1491 = tpu.vector_load %arg22[%get3A_1490] {strides = array<i32>} : memref<4096xf32, #tpu.memory_space<vmem>>, vector<16xf32>,
        %mul3A_1492 = arith.constant 16 : i32
        %mul3A_1493 = arith.muli %scan3A_1484, %mul3A_1492 : i32
        %get3A_1494 = arith.index_cast %mul3A_1493 : i32 to index
        %get3A_1495 = tpu.vector_load %arg16[%get3A_1494] {strides = array<i32>} : memref<4096xf32, #tpu.memory_space<vmem>>, vector<16xf32>,
        %mul3A_1496 = arith.constant 16 : i32
        %mul3A_1497 = arith.muli %scan3A_1484, %mul3A_1496 : i32
        %get3A_1498 = arith.index_cast %mul3A_1497 : i32 to index
        %get3A_1499 = tpu.vector_load %arg12[%get3A_1498] {strides = array<i32>} : memref<4096xf32, #tpu.memory_space<vmem>>, vector<16xf32>,
        %lt3A = arith.cmpf olt, %get3A_1495, %get3A_1487 : vector<16xf32>
        %jit3A = arith.constant 0.000000e+00 : f32
        %jit3A_1500 = arith.constant 1.000000e+00 : f32
        %broadcast_in_dim3A = vector.broadcast %jit3A : f32 to vector<16xf32>
        %broadcast_in_dim3A_1501 = vector.broadcast %jit3A_1500 : f32 to vector<16xf32>
        %select_n3A = arith.select %lt3A, %broadcast_in_dim3A, %broadcast_in_dim3A_1501 : vector<16xi1>, vector<16xf32>
        %gt3A_1502 = arith.cmpf ogt, %get3A_1495, %get3A_1491 : vector<16xf32>
        %jit3A_1503 = arith.constant 0.000000e+00 : f32
        %broadcast_in_dim3A_1504 = vector.broadcast %jit3A_1503 : f32 to vector<16xf32>
        %select_n3A_1505 = arith.select %gt3A_1502, %broadcast_in_dim3A_1504, %select_n3A : vector<16xi1>, vector<16xf32>
        %sub3A_1506 = arith.subf %get3A_1495, %get3A_1487 : vector<16xf32>
        %sub3A_1507 = arith.subf %get3A_1491, %get3A_1495 : vector<16xf32>
        %mul3A_1508 = arith.mulf %sub3A_1506, %sub3A_1506 : vector<16xf32>
        %mul3A_1509 = arith.constant 6.250000e+04 : f32
        %mul3A_1510 = vector.broadcast %mul3A_1509 : f32 to vector<16xf32>
        %mul3A_1511 = arith.mulf %mul3A_1508, %mul3A_1510 : vector<16xf32>
        %mul3A_1512 = arith.mulf %sub3A_1507, %sub3A_1507 : vector<16xf32>
        %mul3A_1513 = arith.constant 6.250000e+04 : f32
        %mul3A_1514 = vector.broadcast %mul3A_1513 : f32 to vector<16xf32>
        %mul3A_1515 = arith.mulf %mul3A_1512, %mul3A_1514 : vector<16xf32>
        %add3A_1516 = arith.constant 4.000000e-03 : f32
        %add3A_1517 = vector.broadcast %add3A_1516 : f32 to vector<16xf32>
        %add3A_1518 = arith.addf %get3A_1487, %add3A_1517 : vector<16xf32>
        %lt3A_1519 = arith.cmpf olt, %get3A_1495, %add3A_1518 : vector<16xf32>
        %gt3A_1520 = arith.cmpf ogt, %get3A_1495, %get3A_1487 : vector<16xf32>
        %and3A = arith.andi %lt3A_1519, %gt3A_1520 : vector<16xi1>
        %sub3A_1521 = arith.constant 4.000000e-03 : f32
        %sub3A_1522 = vector.broadcast %sub3A_1521 : f32 to vector<16xf32>
        %sub3A_1523 = arith.subf %get3A_1491, %sub3A_1522 : vector<16xf32>
        %lt3A_1524 = arith.cmpf olt, %get3A_1495, %sub3A_1523 : vector<16xf32>
        %and3A_1525 = arith.andi %and3A, %lt3A_1524 : vector<16xi1>
        %sub3A_1526 = arith.constant 4.000000e-03 : f32
        %sub3A_1527 = vector.broadcast %sub3A_1526 : f32 to vector<16xf32>
        %sub3A_1528 = arith.subf %get3A_1491, %sub3A_1527 : vector<16xf32>
        %gt3A_1529 = arith.cmpf ogt, %get3A_1495, %sub3A_1528 : vector<16xf32>
        %lt3A_1530 = arith.cmpf olt, %get3A_1495, %get3A_1491 : vector<16xf32>
        %and3A_1531 = arith.andi %gt3A_1529, %lt3A_1530 : vector<16xi1>
        %add3A_1532 = arith.constant 4.000000e-03 : f32
        %add3A_1533 = vector.broadcast %add3A_1532 : f32 to vector<16xf32>
        %add3A_1534 = arith.addf %get3A_1487, %add3A_1533 : vector<16xf32>
        %gt3A_1535 = arith.cmpf ogt, %get3A_1495, %add3A_1534 : vector<16xf32>
        %and3A_1536 = arith.andi %and3A_1531, %gt3A_1535 : vector<16xi1>
        %select_n3A_1537 = arith.select %and3A_1525, %mul3A_1511, %select_n3A_1505 : vector<16xi1>, vector<16xf32>
        %select_n3A_1538 = arith.select %and3A_1536, %mul3A_1515, %select_n3A_1537 : vector<16xi1>, vector<16xf32>
        %mul3A_1539 = arith.mulf %get3A_1499, %select_n3A_1538 : vector<16xf32>
        %mul3A_1540 = arith.constant 16 : i32
        %mul3A_1541 = arith.muli %scan3A_1484, %mul3A_1540 : i32
        %swap3A = arith.index_cast %mul3A_1541 : i32 to index
        %swap3A_1542 = tpu.vector_load %arg24[%swap3A] {strides = array<i32>} : memref<4096xf32, #tpu.memory_space<vmem>>, vector<16xf32>,
        tpu.vector_store %arg24[%swap3A], %mul3A_1539 {strides = array<i32>} : memref<4096xf32, #tpu.memory_space<vmem>>, vector<16xf32>,
        %scan3A_1543 = arith.constant 1 : i32
        %scan3A_1544 = arith.addi %scan3A_1484, %scan3A_1543 : i32
        %mul3A_1545 = arith.constant 16 : i32
        %mul3A_1546 = arith.muli %scan3A_1544, %mul3A_1545 : i32
        %get3A_1547 = arith.index_cast %mul3A_1546 : i32 to index
        %get3A_1548 = tpu.vector_load %arg20[%get3A_1547] {strides = array<i32>} : memref<4096xf32, #tpu.memory_space<vmem>>, vector<16xf32>,
        %mul3A_1549 = arith.constant 16 : i32
        %mul3A_1550 = arith.muli %scan3A_1544, %mul3A_1549 : i32
        %get3A_1551 = arith.index_cast %mul3A_1550 : i32 to index
        %get3A_1552 = tpu.vector_load %arg22[%get3A_1551] {strides = array<i32>} : memref<4096xf32, #tpu.memory_space<vmem>>, vector<16xf32>,
        %mul3A_1553 = arith.constant 16 : i32
        %mul3A_1554 = arith.muli %scan3A_1544, %mul3A_1553 : i32
        %get3A_1555 = arith.index_cast %mul3A_1554 : i32 to index
        %get3A_1556 = tpu.vector_load %arg16[%get3A_1555] {strides = array<i32>} : memref<4096xf32, #tpu.memory_space<vmem>>, vector<16xf32>,
        %mul3A_1557 = arith.constant 16 : i32
        %mul3A_1558 = arith.muli %scan3A_1544, %mul3A_1557 : i32
        %get3A_1559 = arith.index_cast %mul3A_1558 : i32 to index
        %get3A_1560 = tpu.vector_load %arg12[%get3A_1559] {strides = array<i32>} : memref<4096xf32, #tpu.memory_space<vmem>>, vector<16xf32>,
        %lt3A_1561 = arith.cmpf olt, %get3A_1556, %get3A_1548 : vector<16xf32>
        %jit3A_1562 = arith.constant 0.000000e+00 : f32
        %jit3A_1563 = arith.constant 1.000000e+00 : f32
        %broadcast_in_dim3A_1564 = vector.broadcast %jit3A_1562 : f32 to vector<16xf32>
        %broadcast_in_dim3A_1565 = vector.broadcast %jit3A_1563 : f32 to vector<16xf32>
        %select_n3A_1566 = arith.select %lt3A_1561, %broadcast_in_dim3A_1564, %broadcast_in_dim3A_1565 : vector<16xi1>, vector<16xf32>
        %gt3A_1567 = arith.cmpf ogt, %get3A_1556, %get3A_1552 : vector<16xf32>
        %jit3A_1568 = arith.constant 0.000000e+00 : f32
        %broadcast_in_dim3A_1569 = vector.broadcast %jit3A_1568 : f32 to vector<16xf32>
        %select_n3A_1570 = arith.select %gt3A_1567, %broadcast_in_dim3A_1569, %select_n3A_1566 : vector<16xi1>, vector<16xf32>
        %sub3A_1571 = arith.subf %get3A_1556, %get3A_1548 : vector<16xf32>
        %sub3A_1572 = arith.subf %get3A_1552, %get3A_1556 : vector<16xf32>
        %mul3A_1573 = arith.mulf %sub3A_1571, %sub3A_1571 : vector<16xf32>
        %mul3A_1574 = arith.constant 6.250000e+04 : f32
        %mul3A_1575 = vector.broadcast %mul3A_1574 : f32 to vector<16xf32>
        %mul3A_1576 = arith.mulf %mul3A_1573, %mul3A_1575 : vector<16xf32>
        %mul3A_1577 = arith.mulf %sub3A_1572, %sub3A_1572 : vector<16xf32>
        %mul3A_1578 = arith.constant 6.250000e+04 : f32
        %mul3A_1579 = vector.broadcast %mul3A_1578 : f32 to vector<16xf32>
        %mul3A_1580 = arith.mulf %mul3A_1577, %mul3A_1579 : vector<16xf32>
        %add3A_1581 = arith.constant 4.000000e-03 : f32
        %add3A_1582 = vector.broadcast %add3A_1581 : f32 to vector<16xf32>
        %add3A_1583 = arith.addf %get3A_1548, %add3A_1582 : vector<16xf32>
        %lt3A_1584 = arith.cmpf olt, %get3A_1556, %add3A_1583 : vector<16xf32>
        %gt3A_1585 = arith.cmpf ogt, %get3A_1556, %get3A_1548 : vector<16xf32>
        %and3A_1586 = arith.andi %lt3A_1584, %gt3A_1585 : vector<16xi1>
        %sub3A_1587 = arith.constant 4.000000e-03 : f32
        %sub3A_1588 = vector.broadcast %sub3A_1587 : f32 to vector<16xf32>
        %sub3A_1589 = arith.subf %get3A_1552, %sub3A_1588 : vector<16xf32>
        %lt3A_1590 = arith.cmpf olt, %get3A_1556, %sub3A_1589 : vector<16xf32>
        %and3A_1591 = arith.andi %and3A_1586, %lt3A_1590 : vector<16xi1>
        %sub3A_1592 = arith.constant 4.000000e-03 : f32
        %sub3A_1593 = vector.broadcast %sub3A_1592 : f32 to vector<16xf32>
        %sub3A_1594 = arith.subf %get3A_1552, %sub3A_1593 : vector<16xf32>
        %gt3A_1595 = arith.cmpf ogt, %get3A_1556, %sub3A_1594 : vector<16xf32>
        %lt3A_1596 = arith.cmpf olt, %get3A_1556, %get3A_1552 : vector<16xf32>
        %and3A_1597 = arith.andi %gt3A_1595, %lt3A_1596 : vector<16xi1>
        %add3A_1598 = arith.constant 4.000000e-03 : f32
        %add3A_1599 = vector.broadcast %add3A_1598 : f32 to vector<16xf32>
        %add3A_1600 = arith.addf %get3A_1548, %add3A_1599 : vector<16xf32>
        %gt3A_1601 = arith.cmpf ogt, %get3A_1556, %add3A_1600 : vector<16xf32>
        %and3A_1602 = arith.andi %and3A_1597, %gt3A_1601 : vector<16xi1>
        %select_n3A_1603 = arith.select %and3A_1591, %mul3A_1576, %select_n3A_1570 : vector<16xi1>, vector<16xf32>
        %select_n3A_1604 = arith.select %and3A_1602, %mul3A_1580, %select_n3A_1603 : vector<16xi1>, vector<16xf32>
        %mul3A_1605 = arith.mulf %get3A_1560, %select_n3A_1604 : vector<16xf32>
        %mul3A_1606 = arith.constant 16 : i32
        %mul3A_1607 = arith.muli %scan3A_1544, %mul3A_1606 : i32
        %swap3A_1608 = arith.index_cast %mul3A_1607 : i32 to index
        %swap3A_1609 = tpu.vector_load %arg24[%swap3A_1608] {strides = array<i32>} : memref<4096xf32, #tpu.memory_space<vmem>>, vector<16xf32>,
        tpu.vector_store %arg24[%swap3A_1608], %mul3A_1605 {strides = array<i32>} : memref<4096xf32, #tpu.memory_space<vmem>>, vector<16xf32>,
      }
      %scan3A_1119 = arith.constant 256 : i32
      %mul3A_1120 = arith.constant 4096 : i32
      %mul3A_1121 = arith.muli %sub3A_965, %mul3A_1120 : i32
      %add3A_1122 = arith.addi %mul3A_2, %mul3A_1121 : i32
      %dma_start3A_1123 = arith.constant 1 : i32
      %dma_start3A_1124 = tpu.memref_slice %arg6[%add3A_1122] : memref<4194304xf32, #tpu.memory_space<hbm>> -> memref<4096xf32, #tpu.memory_space<hbm>>
      %dma_start3A_1125 = tpu.memref_slice %arg27[%dma_start3A_1123] : memref<2x!tpu.dma_semaphore, #tpu.memory_space<semaphore_mem>> -> memref<1x!tpu.dma_semaphore, #tpu.memory_space<semaphore_mem>>
      %dma_start3A_1126 = tpu.memref_squeeze %dma_start3A_1125 : memref<1x!tpu.dma_semaphore, #tpu.memory_space<semaphore_mem>> -> memref<!tpu.dma_semaphore, #tpu.memory_space<semaphore_mem>>
      %dma_start3A_1127 = tpu.memref_slice %arg6[%add3A_1122] : memref<4194304xf32, #tpu.memory_space<hbm>> -> memref<4096xf32, #tpu.memory_space<hbm>>
      tpu.enqueue_dma source(%arg24 : memref<4096xf32, #tpu.memory_space<vmem>>) target(%dma_start3A_1127 : memref<4096xf32, #tpu.memory_space<hbm>>) target_semaphore(%dma_start3A_1126 : memref<!tpu.dma_semaphore, #tpu.memory_space<semaphore_mem>>)
      %mul3A_1128 = arith.constant 4 : i32
      %mul3A_1129 = arith.muli %mul3A_1128, %scan3A_238 : i32
      %add3A_1130 = arith.constant 3 : i32
      %add3A_1131 = arith.addi %mul3A_1129, %add3A_1130 : i32
      %mul3A_1132 = arith.constant 4096 : i32
      %mul3A_1133 = arith.muli %add3A_1131, %mul3A_1132 : i32
      %add3A_1134 = arith.addi %mul3A_2, %mul3A_1133 : i32
      %mul3A_1135 = arith.constant 3 : i32
      %mul3A_1136 = arith.muli %add3A_1134, %mul3A_1135 : i32
      %dma_wait3A_1137 = arith.constant 1 : i32
      %dma_wait3A_1138 = tpu.memref_slice %arg4[%mul3A_1136] : memref<12582912xf32, #tpu.memory_space<hbm>> -> memref<12288xf32, #tpu.memory_space<hbm>>
      %dma_wait3A_1139 = tpu.memref_slice %arg25[%dma_wait3A_1137] : memref<2x!tpu.dma_semaphore, #tpu.memory_space<semaphore_mem>> -> memref<1x!tpu.dma_semaphore, #tpu.memory_space<semaphore_mem>>
      %dma_wait3A_1140 = tpu.memref_squeeze %dma_wait3A_1139 : memref<1x!tpu.dma_semaphore, #tpu.memory_space<semaphore_mem>> -> memref<!tpu.dma_semaphore, #tpu.memory_space<semaphore_mem>>
      %dma_wait3A_1141 = tpu.memref_slice %arg4[%mul3A_1136] : memref<12582912xf32, #tpu.memory_space<hbm>> -> memref<12288xf32, #tpu.memory_space<hbm>>
      tpu.wait_dma2 semaphore(%dma_wait3A_1140 : memref<!tpu.dma_semaphore, #tpu.memory_space<semaphore_mem>>) src(%dma_wait3A_1141 : memref<12288xf32, #tpu.memory_space<hbm>>) dst(%arg10 : memref<12288xf32, #tpu.memory_space<vmem>>)
      %dma_wait3A_1142 = arith.constant 1 : i32
      %dma_wait3A_1143 = tpu.memref_slice %arg5[%add3A_1134] : memref<4194304xf32, #tpu.memory_space<hbm>> -> memref<4096xf32, #tpu.memory_space<hbm>>
      %dma_wait3A_1144 = tpu.memref_slice %arg25[%dma_wait3A_1142] : memref<2x!tpu.dma_semaphore, #tpu.memory_space<semaphore_mem>> -> memref<1x!tpu.dma_semaphore, #tpu.memory_space<semaphore_mem>>
      %dma_wait3A_1145 = tpu.memref_squeeze %dma_wait3A_1144 : memref<1x!tpu.dma_semaphore, #tpu.memory_space<semaphore_mem>> -> memref<!tpu.dma_semaphore, #tpu.memory_space<semaphore_mem>>
      %dma_wait3A_1146 = tpu.memref_slice %arg5[%add3A_1134] : memref<4194304xf32, #tpu.memory_space<hbm>> -> memref<4096xf32, #tpu.memory_space<hbm>>
      tpu.wait_dma2 semaphore(%dma_wait3A_1145 : memref<!tpu.dma_semaphore, #tpu.memory_space<semaphore_mem>>) src(%dma_wait3A_1146 : memref<4096xf32, #tpu.memory_space<hbm>>) dst(%arg14 : memref<4096xf32, #tpu.memory_space<vmem>>)
      %add3A_1147 = arith.constant 2 : i32
      %add3A_1148 = arith.addi %add3A_1131, %add3A_1147 : i32
      %min3A_1149 = arith.constant 31 : i32
      %min3A_1150 = arith.minsi %add3A_1148, %min3A_1149 : i32
      %mul3A_1151 = arith.constant 4096 : i32
      %mul3A_1152 = arith.muli %min3A_1150, %mul3A_1151 : i32
      %add3A_1153 = arith.addi %mul3A_2, %mul3A_1152 : i32
      %mul3A_1154 = arith.constant 3 : i32
      %mul3A_1155 = arith.muli %add3A_1153, %mul3A_1154 : i32
      %dma_start3A_1156 = arith.constant 1 : i32
      %dma_start3A_1157 = tpu.memref_slice %arg4[%mul3A_1155] : memref<12582912xf32, #tpu.memory_space<hbm>> -> memref<12288xf32, #tpu.memory_space<hbm>>
      %dma_start3A_1158 = tpu.memref_slice %arg25[%dma_start3A_1156] : memref<2x!tpu.dma_semaphore, #tpu.memory_space<semaphore_mem>> -> memref<1x!tpu.dma_semaphore, #tpu.memory_space<semaphore_mem>>
      %dma_start3A_1159 = tpu.memref_squeeze %dma_start3A_1158 : memref<1x!tpu.dma_semaphore, #tpu.memory_space<semaphore_mem>> -> memref<!tpu.dma_semaphore, #tpu.memory_space<semaphore_mem>>
      %dma_start3A_1160 = tpu.memref_slice %arg4[%mul3A_1155] : memref<12582912xf32, #tpu.memory_space<hbm>> -> memref<12288xf32, #tpu.memory_space<hbm>>
      tpu.enqueue_dma source(%dma_start3A_1160 : memref<12288xf32, #tpu.memory_space<hbm>>) target(%arg8 : memref<12288xf32, #tpu.memory_space<vmem>>) target_semaphore(%dma_start3A_1159 : memref<!tpu.dma_semaphore, #tpu.memory_space<semaphore_mem>>)
      %dma_start3A_1161 = arith.constant 1 : i32
      %dma_start3A_1162 = tpu.memref_slice %arg5[%add3A_1153] : memref<4194304xf32, #tpu.memory_space<hbm>> -> memref<4096xf32, #tpu.memory_space<hbm>>
      %dma_start3A_1163 = tpu.memref_slice %arg25[%dma_start3A_1161] : memref<2x!tpu.dma_semaphore, #tpu.memory_space<semaphore_mem>> -> memref<1x!tpu.dma_semaphore, #tpu.memory_space<semaphore_mem>>
      %dma_start3A_1164 = tpu.memref_squeeze %dma_start3A_1163 : memref<1x!tpu.dma_semaphore, #tpu.memory_space<semaphore_mem>> -> memref<!tpu.dma_semaphore, #tpu.memory_space<semaphore_mem>>
      %dma_start3A_1165 = tpu.memref_slice %arg5[%add3A_1153] : memref<4194304xf32, #tpu.memory_space<hbm>> -> memref<4096xf32, #tpu.memory_space<hbm>>
      tpu.enqueue_dma source(%dma_start3A_1165 : memref<4096xf32, #tpu.memory_space<hbm>>) target(%arg12 : memref<4096xf32, #tpu.memory_space<vmem>>) target_semaphore(%dma_start3A_1164 : memref<!tpu.dma_semaphore, #tpu.memory_space<semaphore_mem>>)
      %scan3A_1166 = arith.constant 0 : i32
      %scan3A_1167 = arith.constant 256 : i32
      %scan3A_1168 = arith.addi %scan3A_1166, %scan3A_1167 : i32
      %scan3A_1169 = arith.constant 2 : i32
      scf.for %scan3A_1484 = %scan3A_1166 to %scan3A_1168 step %scan3A_1169  : i32 {
        %mul3A_1485 = arith.constant 48 : i32
        %mul3A_1486 = arith.muli %scan3A_1484, %mul3A_1485 : i32
        %mul3A_1487 = arith.constant 3 : i32
        %mul3A_1488 = vector.broadcast %mul3A_1487 : i32 to vector<16xi32>
        %mul3A_1489 = arith.muli %iota3A, %mul3A_1488 : vector<16xi32>
        %add3A_1490 = vector.broadcast %mul3A_1486 : i32 to vector<16xi32>
        %add3A_1491 = arith.addi %add3A_1490, %mul3A_1489 : vector<16xi32>
        %gather3A = tpu.vector_load_idx %arg10[%add3A_1491] : memref<12288xf32, #tpu.memory_space<vmem>>[vector<16xi32>], vector<16xf32>,
        %add3A_1492 = arith.constant 1 : i32
        %add3A_1493 = vector.broadcast %add3A_1492 : i32 to vector<16xi32>
        %add3A_1494 = arith.addi %add3A_1491, %add3A_1493 : vector<16xi32>
        %gather3A_1495 = tpu.vector_load_idx %arg10[%add3A_1494] : memref<12288xf32, #tpu.memory_space<vmem>>[vector<16xi32>], vector<16xf32>,
        %add3A_1496 = arith.constant 2 : i32
        %add3A_1497 = vector.broadcast %add3A_1496 : i32 to vector<16xi32>
        %add3A_1498 = arith.addi %add3A_1491, %add3A_1497 : vector<16xi32>
        %gather3A_1499 = tpu.vector_load_idx %arg10[%add3A_1498] : memref<12288xf32, #tpu.memory_space<vmem>>[vector<16xi32>], vector<16xf32>,
        %abs3A = math.absf %gather3A : vector<16xf32>
        %abs3A_1500 = math.absf %gather3A_1495 : vector<16xf32>
        %max3A = arith.maximumf %abs3A, %abs3A_1500 : vector<16xf32>
        %abs3A_1501 = math.absf %gather3A_1499 : vector<16xf32>
        %max3A_1502 = arith.maximumf %max3A, %abs3A_1501 : vector<16xf32>
        %max3A_1503 = arith.constant 9.99999971E-10 : f32
        %max3A_1504 = vector.broadcast %max3A_1503 : f32 to vector<16xf32>
        %max3A_1505 = arith.maximumf %max3A_1502, %max3A_1504 : vector<16xf32>
        %div3A = arith.constant 1.000000e+00 : f32
        %div3A_1506 = vector.broadcast %div3A : f32 to vector<16xf32>
        %div3A_1507 = arith.divf %div3A_1506, %max3A_1505 : vector<16xf32>
        %le3A = arith.constant 1.000000e+00 : f32
        %le3A_1508 = vector.broadcast %le3A : f32 to vector<16xf32>
        %le3A_1509 = arith.cmpf ole, %max3A_1502, %le3A_1508 : vector<16xf32>
        %sub3A_1510 = arith.constant 2.000000e+00 : f32
        %sub3A_1511 = vector.broadcast %sub3A_1510 : f32 to vector<16xf32>
        %sub3A_1512 = arith.subf %sub3A_1511, %div3A_1507 : vector<16xf32>
        %mul3A_1513 = arith.mulf %sub3A_1512, %div3A_1507 : vector<16xf32>
        %jit3A = arith.constant 1.000000e+00 : f32
        %broadcast_in_dim3A = vector.broadcast %jit3A : f32 to vector<16xf32>
        %select_n3A = arith.select %le3A_1509, %broadcast_in_dim3A, %mul3A_1513 : vector<16xi1>, vector<16xf32>
        %mul3A_1514 = arith.mulf %gather3A_1499, %select_n3A : vector<16xf32>
        %mul3A_1515 = arith.mulf %gather3A, %select_n3A : vector<16xf32>
        %add3A_1516 = arith.constant 2.000000e+00 : f32
        %add3A_1517 = vector.broadcast %add3A_1516 : f32 to vector<16xf32>
        %add3A_1518 = arith.addf %mul3A_1515, %add3A_1517 : vector<16xf32>
        %mul3A_1519 = arith.constant 2.560000e+02 : f32
        %mul3A_1520 = vector.broadcast %mul3A_1519 : f32 to vector<16xf32>
        %mul3A_1521 = arith.mulf %add3A_1518, %mul3A_1520 : vector<16xf32>
        %min3A_1522 = arith.constant 1.023000e+03 : f32
        %min3A_1523 = vector.broadcast %min3A_1522 : f32 to vector<16xf32>
        %min3A_1524 = arith.minimumf %mul3A_1521, %min3A_1523 : vector<16xf32>
        %mul3A_1525 = arith.mulf %gather3A_1495, %select_n3A : vector<16xf32>
        %add3A_1526 = arith.constant 2.000000e+00 : f32
        %add3A_1527 = vector.broadcast %add3A_1526 : f32 to vector<16xf32>
        %add3A_1528 = arith.addf %mul3A_1525, %add3A_1527 : vector<16xf32>
        %mul3A_1529 = arith.constant 2.560000e+02 : f32
        %mul3A_1530 = vector.broadcast %mul3A_1529 : f32 to vector<16xf32>
        %mul3A_1531 = arith.mulf %add3A_1528, %mul3A_1530 : vector<16xf32>
        %min3A_1532 = arith.constant 1.023000e+03 : f32
        %min3A_1533 = vector.broadcast %min3A_1532 : f32 to vector<16xf32>
        %min3A_1534 = arith.minimumf %mul3A_1531, %min3A_1533 : vector<16xf32>
        %convert_element_type3A_1535 = arith.fptosi %min3A_1524 : vector<16xf32> to vector<16xi32>
        %mul3A_1536 = arith.constant 1024 : i32
        %mul3A_1537 = vector.broadcast %mul3A_1536 : i32 to vector<16xi32>
        %mul3A_1538 = arith.muli %convert_element_type3A_1535, %mul3A_1537 : vector<16xi32>
        %convert_element_type3A_1539 = arith.fptosi %min3A_1534 : vector<16xf32> to vector<16xi32>
        %add3A_1540 = arith.addi %mul3A_1538, %convert_element_type3A_1539 : vector<16xi32>
        %mul3A_1541 = arith.constant 16 : i32
        %mul3A_1542 = arith.muli %scan3A_1484, %mul3A_1541 : i32
        %swap3A = arith.index_cast %mul3A_1542 : i32 to index
        %swap3A_1543 = tpu.vector_load %arg16[%swap3A] {strides = array<i32>} : memref<4096xf32, #tpu.memory_space<vmem>>, vector<16xf32>,
        tpu.vector_store %arg16[%swap3A], %mul3A_1514 {strides = array<i32>} : memref<4096xf32, #tpu.memory_space<vmem>>, vector<16xf32>,
        %mul3A_1544 = arith.constant 16 : i32
        %mul3A_1545 = arith.muli %scan3A_1484, %mul3A_1544 : i32
        %swap3A_1546 = arith.index_cast %mul3A_1545 : i32 to index
        %swap3A_1547 = tpu.vector_load %arg18[%swap3A_1546] {strides = array<i32>} : memref<4096xi32, #tpu.memory_space<vmem>>, vector<16xi32>,
        tpu.vector_store %arg18[%swap3A_1546], %add3A_1540 {strides = array<i32>} : memref<4096xi32, #tpu.memory_space<vmem>>, vector<16xi32>,
        %scan3A_1548 = arith.constant 1 : i32
        %scan3A_1549 = arith.addi %scan3A_1484, %scan3A_1548 : i32
        %mul3A_1550 = arith.constant 48 : i32
        %mul3A_1551 = arith.muli %scan3A_1549, %mul3A_1550 : i32
        %mul3A_1552 = arith.constant 3 : i32
        %mul3A_1553 = vector.broadcast %mul3A_1552 : i32 to vector<16xi32>
        %mul3A_1554 = arith.muli %iota3A, %mul3A_1553 : vector<16xi32>
        %add3A_1555 = vector.broadcast %mul3A_1551 : i32 to vector<16xi32>
        %add3A_1556 = arith.addi %add3A_1555, %mul3A_1554 : vector<16xi32>
        %gather3A_1557 = tpu.vector_load_idx %arg10[%add3A_1556] : memref<12288xf32, #tpu.memory_space<vmem>>[vector<16xi32>], vector<16xf32>,
        %add3A_1558 = arith.constant 1 : i32
        %add3A_1559 = vector.broadcast %add3A_1558 : i32 to vector<16xi32>
        %add3A_1560 = arith.addi %add3A_1556, %add3A_1559 : vector<16xi32>
        %gather3A_1561 = tpu.vector_load_idx %arg10[%add3A_1560] : memref<12288xf32, #tpu.memory_space<vmem>>[vector<16xi32>], vector<16xf32>,
        %add3A_1562 = arith.constant 2 : i32
        %add3A_1563 = vector.broadcast %add3A_1562 : i32 to vector<16xi32>
        %add3A_1564 = arith.addi %add3A_1556, %add3A_1563 : vector<16xi32>
        %gather3A_1565 = tpu.vector_load_idx %arg10[%add3A_1564] : memref<12288xf32, #tpu.memory_space<vmem>>[vector<16xi32>], vector<16xf32>,
        %abs3A_1566 = math.absf %gather3A_1557 : vector<16xf32>
        %abs3A_1567 = math.absf %gather3A_1561 : vector<16xf32>
        %max3A_1568 = arith.maximumf %abs3A_1566, %abs3A_1567 : vector<16xf32>
        %abs3A_1569 = math.absf %gather3A_1565 : vector<16xf32>
        %max3A_1570 = arith.maximumf %max3A_1568, %abs3A_1569 : vector<16xf32>
        %max3A_1571 = arith.constant 9.99999971E-10 : f32
        %max3A_1572 = vector.broadcast %max3A_1571 : f32 to vector<16xf32>
        %max3A_1573 = arith.maximumf %max3A_1570, %max3A_1572 : vector<16xf32>
        %div3A_1574 = arith.constant 1.000000e+00 : f32
        %div3A_1575 = vector.broadcast %div3A_1574 : f32 to vector<16xf32>
        %div3A_1576 = arith.divf %div3A_1575, %max3A_1573 : vector<16xf32>
        %le3A_1577 = arith.constant 1.000000e+00 : f32
        %le3A_1578 = vector.broadcast %le3A_1577 : f32 to vector<16xf32>
        %le3A_1579 = arith.cmpf ole, %max3A_1570, %le3A_1578 : vector<16xf32>
        %sub3A_1580 = arith.constant 2.000000e+00 : f32
        %sub3A_1581 = vector.broadcast %sub3A_1580 : f32 to vector<16xf32>
        %sub3A_1582 = arith.subf %sub3A_1581, %div3A_1576 : vector<16xf32>
        %mul3A_1583 = arith.mulf %sub3A_1582, %div3A_1576 : vector<16xf32>
        %jit3A_1584 = arith.constant 1.000000e+00 : f32
        %broadcast_in_dim3A_1585 = vector.broadcast %jit3A_1584 : f32 to vector<16xf32>
        %select_n3A_1586 = arith.select %le3A_1579, %broadcast_in_dim3A_1585, %mul3A_1583 : vector<16xi1>, vector<16xf32>
        %mul3A_1587 = arith.mulf %gather3A_1565, %select_n3A_1586 : vector<16xf32>
        %mul3A_1588 = arith.mulf %gather3A_1557, %select_n3A_1586 : vector<16xf32>
        %add3A_1589 = arith.constant 2.000000e+00 : f32
        %add3A_1590 = vector.broadcast %add3A_1589 : f32 to vector<16xf32>
        %add3A_1591 = arith.addf %mul3A_1588, %add3A_1590 : vector<16xf32>
        %mul3A_1592 = arith.constant 2.560000e+02 : f32
        %mul3A_1593 = vector.broadcast %mul3A_1592 : f32 to vector<16xf32>
        %mul3A_1594 = arith.mulf %add3A_1591, %mul3A_1593 : vector<16xf32>
        %min3A_1595 = arith.constant 1.023000e+03 : f32
        %min3A_1596 = vector.broadcast %min3A_1595 : f32 to vector<16xf32>
        %min3A_1597 = arith.minimumf %mul3A_1594, %min3A_1596 : vector<16xf32>
        %mul3A_1598 = arith.mulf %gather3A_1561, %select_n3A_1586 : vector<16xf32>
        %add3A_1599 = arith.constant 2.000000e+00 : f32
        %add3A_1600 = vector.broadcast %add3A_1599 : f32 to vector<16xf32>
        %add3A_1601 = arith.addf %mul3A_1598, %add3A_1600 : vector<16xf32>
        %mul3A_1602 = arith.constant 2.560000e+02 : f32
        %mul3A_1603 = vector.broadcast %mul3A_1602 : f32 to vector<16xf32>
        %mul3A_1604 = arith.mulf %add3A_1601, %mul3A_1603 : vector<16xf32>
        %min3A_1605 = arith.constant 1.023000e+03 : f32
        %min3A_1606 = vector.broadcast %min3A_1605 : f32 to vector<16xf32>
        %min3A_1607 = arith.minimumf %mul3A_1604, %min3A_1606 : vector<16xf32>
        %convert_element_type3A_1608 = arith.fptosi %min3A_1597 : vector<16xf32> to vector<16xi32>
        %mul3A_1609 = arith.constant 1024 : i32
        %mul3A_1610 = vector.broadcast %mul3A_1609 : i32 to vector<16xi32>
        %mul3A_1611 = arith.muli %convert_element_type3A_1608, %mul3A_1610 : vector<16xi32>
        %convert_element_type3A_1612 = arith.fptosi %min3A_1607 : vector<16xf32> to vector<16xi32>
        %add3A_1613 = arith.addi %mul3A_1611, %convert_element_type3A_1612 : vector<16xi32>
        %mul3A_1614 = arith.constant 16 : i32
        %mul3A_1615 = arith.muli %scan3A_1549, %mul3A_1614 : i32
        %swap3A_1616 = arith.index_cast %mul3A_1615 : i32 to index
        %swap3A_1617 = tpu.vector_load %arg16[%swap3A_1616] {strides = array<i32>} : memref<4096xf32, #tpu.memory_space<vmem>>, vector<16xf32>,
        tpu.vector_store %arg16[%swap3A_1616], %mul3A_1587 {strides = array<i32>} : memref<4096xf32, #tpu.memory_space<vmem>>, vector<16xf32>,
        %mul3A_1618 = arith.constant 16 : i32
        %mul3A_1619 = arith.muli %scan3A_1549, %mul3A_1618 : i32
        %swap3A_1620 = arith.index_cast %mul3A_1619 : i32 to index
        %swap3A_1621 = tpu.vector_load %arg18[%swap3A_1620] {strides = array<i32>} : memref<4096xi32, #tpu.memory_space<vmem>>, vector<16xi32>,
        tpu.vector_store %arg18[%swap3A_1620], %add3A_1613 {strides = array<i32>} : memref<4096xi32, #tpu.memory_space<vmem>>, vector<16xi32>,
      }
      %scan3A_1170 = arith.constant 256 : i32
      %dma_start3A_1171 = arith.constant 1 : i32
      %dma_start3A_1172 = arith.constant 0 : i32
      %dma_start3A_1173 = tpu.memref_slice %arg20[%dma_start3A_1172] : memref<4096xf32, #tpu.memory_space<vmem>> -> memref<512xf32, #tpu.memory_space<vmem>>
      %dma_start3A_1174 = arith.constant 0 : i32
      %dma_start3A_1175 = tpu.memref_slice %arg18[%dma_start3A_1174] : memref<4096xi32, #tpu.memory_space<vmem>> -> memref<512xi32, #tpu.memory_space<vmem>>
      %dma_start3A_1176 = arith.constant 0 : i32
      %dma_start3A_1177 = tpu.memref_slice %arg2[%dma_start3A_1176] : memref<1048576xf32, #tpu.memory_space<hbm>> -> memref<1048576xf32, #tpu.memory_space<hbm>>
      %dma_start3A_1178 = tpu.memref_slice %arg26[%dma_start3A_1171] : memref<2x!tpu.dma_semaphore, #tpu.memory_space<semaphore_mem>> -> memref<1x!tpu.dma_semaphore, #tpu.memory_space<semaphore_mem>>
      %dma_start3A_1179 = tpu.memref_squeeze %dma_start3A_1178 : memref<1x!tpu.dma_semaphore, #tpu.memory_space<semaphore_mem>> -> memref<!tpu.dma_semaphore, #tpu.memory_space<semaphore_mem>>
      tpu.enqueue_indirect_dma source(%dma_start3A_1177 : memref<1048576xf32, #tpu.memory_space<hbm>>) target(%dma_start3A_1173 : memref<512xf32, #tpu.memory_space<vmem>>) offsets(%dma_start3A_1175 : memref<512xi32, #tpu.memory_space<vmem>>) semaphore(%dma_start3A_1179 : memref<!tpu.dma_semaphore, #tpu.memory_space<semaphore_mem>>)
      %dma_start3A_1180 = arith.constant 1 : i32
      %dma_start3A_1181 = arith.constant 0 : i32
      %dma_start3A_1182 = tpu.memref_slice %arg22[%dma_start3A_1181] : memref<4096xf32, #tpu.memory_space<vmem>> -> memref<512xf32, #tpu.memory_space<vmem>>
      %dma_start3A_1183 = arith.constant 0 : i32
      %dma_start3A_1184 = tpu.memref_slice %arg18[%dma_start3A_1183] : memref<4096xi32, #tpu.memory_space<vmem>> -> memref<512xi32, #tpu.memory_space<vmem>>
      %dma_start3A_1185 = arith.constant 0 : i32
      %dma_start3A_1186 = tpu.memref_slice %arg3[%dma_start3A_1185] : memref<1048576xf32, #tpu.memory_space<hbm>> -> memref<1048576xf32, #tpu.memory_space<hbm>>
      %dma_start3A_1187 = tpu.memref_slice %arg26[%dma_start3A_1180] : memref<2x!tpu.dma_semaphore, #tpu.memory_space<semaphore_mem>> -> memref<1x!tpu.dma_semaphore, #tpu.memory_space<semaphore_mem>>
      %dma_start3A_1188 = tpu.memref_squeeze %dma_start3A_1187 : memref<1x!tpu.dma_semaphore, #tpu.memory_space<semaphore_mem>> -> memref<!tpu.dma_semaphore, #tpu.memory_space<semaphore_mem>>
      tpu.enqueue_indirect_dma source(%dma_start3A_1186 : memref<1048576xf32, #tpu.memory_space<hbm>>) target(%dma_start3A_1182 : memref<512xf32, #tpu.memory_space<vmem>>) offsets(%dma_start3A_1184 : memref<512xi32, #tpu.memory_space<vmem>>) semaphore(%dma_start3A_1188 : memref<!tpu.dma_semaphore, #tpu.memory_space<semaphore_mem>>)
      %dma_start3A_1189 = arith.constant 1 : i32
      %dma_start3A_1190 = arith.constant 512 : i32
      %dma_start3A_1191 = tpu.memref_slice %arg20[%dma_start3A_1190] : memref<4096xf32, #tpu.memory_space<vmem>> -> memref<512xf32, #tpu.memory_space<vmem>>
      %dma_start3A_1192 = arith.constant 512 : i32
      %dma_start3A_1193 = tpu.memref_slice %arg18[%dma_start3A_1192] : memref<4096xi32, #tpu.memory_space<vmem>> -> memref<512xi32, #tpu.memory_space<vmem>>
      %dma_start3A_1194 = arith.constant 0 : i32
      %dma_start3A_1195 = tpu.memref_slice %arg2[%dma_start3A_1194] : memref<1048576xf32, #tpu.memory_space<hbm>> -> memref<1048576xf32, #tpu.memory_space<hbm>>
      %dma_start3A_1196 = tpu.memref_slice %arg26[%dma_start3A_1189] : memref<2x!tpu.dma_semaphore, #tpu.memory_space<semaphore_mem>> -> memref<1x!tpu.dma_semaphore, #tpu.memory_space<semaphore_mem>>
      %dma_start3A_1197 = tpu.memref_squeeze %dma_start3A_1196 : memref<1x!tpu.dma_semaphore, #tpu.memory_space<semaphore_mem>> -> memref<!tpu.dma_semaphore, #tpu.memory_space<semaphore_mem>>
      tpu.enqueue_indirect_dma source(%dma_start3A_1195 : memref<1048576xf32, #tpu.memory_space<hbm>>) target(%dma_start3A_1191 : memref<512xf32, #tpu.memory_space<vmem>>) offsets(%dma_start3A_1193 : memref<512xi32, #tpu.memory_space<vmem>>) semaphore(%dma_start3A_1197 : memref<!tpu.dma_semaphore, #tpu.memory_space<semaphore_mem>>)
      %dma_start3A_1198 = arith.constant 1 : i32
      %dma_start3A_1199 = arith.constant 512 : i32
      %dma_start3A_1200 = tpu.memref_slice %arg22[%dma_start3A_1199] : memref<4096xf32, #tpu.memory_space<vmem>> -> memref<512xf32, #tpu.memory_space<vmem>>
      %dma_start3A_1201 = arith.constant 512 : i32
      %dma_start3A_1202 = tpu.memref_slice %arg18[%dma_start3A_1201] : memref<4096xi32, #tpu.memory_space<vmem>> -> memref<512xi32, #tpu.memory_space<vmem>>
      %dma_start3A_1203 = arith.constant 0 : i32
      %dma_start3A_1204 = tpu.memref_slice %arg3[%dma_start3A_1203] : memref<1048576xf32, #tpu.memory_space<hbm>> -> memref<1048576xf32, #tpu.memory_space<hbm>>
      %dma_start3A_1205 = tpu.memref_slice %arg26[%dma_start3A_1198] : memref<2x!tpu.dma_semaphore, #tpu.memory_space<semaphore_mem>> -> memref<1x!tpu.dma_semaphore, #tpu.memory_space<semaphore_mem>>
      %dma_start3A_1206 = tpu.memref_squeeze %dma_start3A_1205 : memref<1x!tpu.dma_semaphore, #tpu.memory_space<semaphore_mem>> -> memref<!tpu.dma_semaphore, #tpu.memory_space<semaphore_mem>>
      tpu.enqueue_indirect_dma source(%dma_start3A_1204 : memref<1048576xf32, #tpu.memory_space<hbm>>) target(%dma_start3A_1200 : memref<512xf32, #tpu.memory_space<vmem>>) offsets(%dma_start3A_1202 : memref<512xi32, #tpu.memory_space<vmem>>) semaphore(%dma_start3A_1206 : memref<!tpu.dma_semaphore, #tpu.memory_space<semaphore_mem>>)
      %dma_start3A_1207 = arith.constant 1 : i32
      %dma_start3A_1208 = arith.constant 1024 : i32
      %dma_start3A_1209 = tpu.memref_slice %arg20[%dma_start3A_1208] : memref<4096xf32, #tpu.memory_space<vmem>> -> memref<512xf32, #tpu.memory_space<vmem>>
      %dma_start3A_1210 = arith.constant 1024 : i32
      %dma_start3A_1211 = tpu.memref_slice %arg18[%dma_start3A_1210] : memref<4096xi32, #tpu.memory_space<vmem>> -> memref<512xi32, #tpu.memory_space<vmem>>
      %dma_start3A_1212 = arith.constant 0 : i32
      %dma_start3A_1213 = tpu.memref_slice %arg2[%dma_start3A_1212] : memref<1048576xf32, #tpu.memory_space<hbm>> -> memref<1048576xf32, #tpu.memory_space<hbm>>
      %dma_start3A_1214 = tpu.memref_slice %arg26[%dma_start3A_1207] : memref<2x!tpu.dma_semaphore, #tpu.memory_space<semaphore_mem>> -> memref<1x!tpu.dma_semaphore, #tpu.memory_space<semaphore_mem>>
      %dma_start3A_1215 = tpu.memref_squeeze %dma_start3A_1214 : memref<1x!tpu.dma_semaphore, #tpu.memory_space<semaphore_mem>> -> memref<!tpu.dma_semaphore, #tpu.memory_space<semaphore_mem>>
      tpu.enqueue_indirect_dma source(%dma_start3A_1213 : memref<1048576xf32, #tpu.memory_space<hbm>>) target(%dma_start3A_1209 : memref<512xf32, #tpu.memory_space<vmem>>) offsets(%dma_start3A_1211 : memref<512xi32, #tpu.memory_space<vmem>>) semaphore(%dma_start3A_1215 : memref<!tpu.dma_semaphore, #tpu.memory_space<semaphore_mem>>)
      %dma_start3A_1216 = arith.constant 1 : i32
      %dma_start3A_1217 = arith.constant 1024 : i32
      %dma_start3A_1218 = tpu.memref_slice %arg22[%dma_start3A_1217] : memref<4096xf32, #tpu.memory_space<vmem>> -> memref<512xf32, #tpu.memory_space<vmem>>
      %dma_start3A_1219 = arith.constant 1024 : i32
      %dma_start3A_1220 = tpu.memref_slice %arg18[%dma_start3A_1219] : memref<4096xi32, #tpu.memory_space<vmem>> -> memref<512xi32, #tpu.memory_space<vmem>>
      %dma_start3A_1221 = arith.constant 0 : i32
      %dma_start3A_1222 = tpu.memref_slice %arg3[%dma_start3A_1221] : memref<1048576xf32, #tpu.memory_space<hbm>> -> memref<1048576xf32, #tpu.memory_space<hbm>>
      %dma_start3A_1223 = tpu.memref_slice %arg26[%dma_start3A_1216] : memref<2x!tpu.dma_semaphore, #tpu.memory_space<semaphore_mem>> -> memref<1x!tpu.dma_semaphore, #tpu.memory_space<semaphore_mem>>
      %dma_start3A_1224 = tpu.memref_squeeze %dma_start3A_1223 : memref<1x!tpu.dma_semaphore, #tpu.memory_space<semaphore_mem>> -> memref<!tpu.dma_semaphore, #tpu.memory_space<semaphore_mem>>
      tpu.enqueue_indirect_dma source(%dma_start3A_1222 : memref<1048576xf32, #tpu.memory_space<hbm>>) target(%dma_start3A_1218 : memref<512xf32, #tpu.memory_space<vmem>>) offsets(%dma_start3A_1220 : memref<512xi32, #tpu.memory_space<vmem>>) semaphore(%dma_start3A_1224 : memref<!tpu.dma_semaphore, #tpu.memory_space<semaphore_mem>>)
      %dma_start3A_1225 = arith.constant 1 : i32
      %dma_start3A_1226 = arith.constant 1536 : i32
      %dma_start3A_1227 = tpu.memref_slice %arg20[%dma_start3A_1226] : memref<4096xf32, #tpu.memory_space<vmem>> -> memref<512xf32, #tpu.memory_space<vmem>>
      %dma_start3A_1228 = arith.constant 1536 : i32
      %dma_start3A_1229 = tpu.memref_slice %arg18[%dma_start3A_1228] : memref<4096xi32, #tpu.memory_space<vmem>> -> memref<512xi32, #tpu.memory_space<vmem>>
      %dma_start3A_1230 = arith.constant 0 : i32
      %dma_start3A_1231 = tpu.memref_slice %arg2[%dma_start3A_1230] : memref<1048576xf32, #tpu.memory_space<hbm>> -> memref<1048576xf32, #tpu.memory_space<hbm>>
      %dma_start3A_1232 = tpu.memref_slice %arg26[%dma_start3A_1225] : memref<2x!tpu.dma_semaphore, #tpu.memory_space<semaphore_mem>> -> memref<1x!tpu.dma_semaphore, #tpu.memory_space<semaphore_mem>>
      %dma_start3A_1233 = tpu.memref_squeeze %dma_start3A_1232 : memref<1x!tpu.dma_semaphore, #tpu.memory_space<semaphore_mem>> -> memref<!tpu.dma_semaphore, #tpu.memory_space<semaphore_mem>>
      tpu.enqueue_indirect_dma source(%dma_start3A_1231 : memref<1048576xf32, #tpu.memory_space<hbm>>) target(%dma_start3A_1227 : memref<512xf32, #tpu.memory_space<vmem>>) offsets(%dma_start3A_1229 : memref<512xi32, #tpu.memory_space<vmem>>) semaphore(%dma_start3A_1233 : memref<!tpu.dma_semaphore, #tpu.memory_space<semaphore_mem>>)
      %dma_start3A_1234 = arith.constant 1 : i32
      %dma_start3A_1235 = arith.constant 1536 : i32
      %dma_start3A_1236 = tpu.memref_slice %arg22[%dma_start3A_1235] : memref<4096xf32, #tpu.memory_space<vmem>> -> memref<512xf32, #tpu.memory_space<vmem>>
      %dma_start3A_1237 = arith.constant 1536 : i32
      %dma_start3A_1238 = tpu.memref_slice %arg18[%dma_start3A_1237] : memref<4096xi32, #tpu.memory_space<vmem>> -> memref<512xi32, #tpu.memory_space<vmem>>
      %dma_start3A_1239 = arith.constant 0 : i32
      %dma_start3A_1240 = tpu.memref_slice %arg3[%dma_start3A_1239] : memref<1048576xf32, #tpu.memory_space<hbm>> -> memref<1048576xf32, #tpu.memory_space<hbm>>
      %dma_start3A_1241 = tpu.memref_slice %arg26[%dma_start3A_1234] : memref<2x!tpu.dma_semaphore, #tpu.memory_space<semaphore_mem>> -> memref<1x!tpu.dma_semaphore, #tpu.memory_space<semaphore_mem>>
      %dma_start3A_1242 = tpu.memref_squeeze %dma_start3A_1241 : memref<1x!tpu.dma_semaphore, #tpu.memory_space<semaphore_mem>> -> memref<!tpu.dma_semaphore, #tpu.memory_space<semaphore_mem>>
      tpu.enqueue_indirect_dma source(%dma_start3A_1240 : memref<1048576xf32, #tpu.memory_space<hbm>>) target(%dma_start3A_1236 : memref<512xf32, #tpu.memory_space<vmem>>) offsets(%dma_start3A_1238 : memref<512xi32, #tpu.memory_space<vmem>>) semaphore(%dma_start3A_1242 : memref<!tpu.dma_semaphore, #tpu.memory_space<semaphore_mem>>)
      %dma_start3A_1243 = arith.constant 1 : i32
      %dma_start3A_1244 = arith.constant 2048 : i32
      %dma_start3A_1245 = tpu.memref_slice %arg20[%dma_start3A_1244] : memref<4096xf32, #tpu.memory_space<vmem>> -> memref<512xf32, #tpu.memory_space<vmem>>
      %dma_start3A_1246 = arith.constant 2048 : i32
      %dma_start3A_1247 = tpu.memref_slice %arg18[%dma_start3A_1246] : memref<4096xi32, #tpu.memory_space<vmem>> -> memref<512xi32, #tpu.memory_space<vmem>>
      %dma_start3A_1248 = arith.constant 0 : i32
      %dma_start3A_1249 = tpu.memref_slice %arg2[%dma_start3A_1248] : memref<1048576xf32, #tpu.memory_space<hbm>> -> memref<1048576xf32, #tpu.memory_space<hbm>>
      %dma_start3A_1250 = tpu.memref_slice %arg26[%dma_start3A_1243] : memref<2x!tpu.dma_semaphore, #tpu.memory_space<semaphore_mem>> -> memref<1x!tpu.dma_semaphore, #tpu.memory_space<semaphore_mem>>
      %dma_start3A_1251 = tpu.memref_squeeze %dma_start3A_1250 : memref<1x!tpu.dma_semaphore, #tpu.memory_space<semaphore_mem>> -> memref<!tpu.dma_semaphore, #tpu.memory_space<semaphore_mem>>
      tpu.enqueue_indirect_dma source(%dma_start3A_1249 : memref<1048576xf32, #tpu.memory_space<hbm>>) target(%dma_start3A_1245 : memref<512xf32, #tpu.memory_space<vmem>>) offsets(%dma_start3A_1247 : memref<512xi32, #tpu.memory_space<vmem>>) semaphore(%dma_start3A_1251 : memref<!tpu.dma_semaphore, #tpu.memory_space<semaphore_mem>>)
      %dma_start3A_1252 = arith.constant 1 : i32
      %dma_start3A_1253 = arith.constant 2048 : i32
      %dma_start3A_1254 = tpu.memref_slice %arg22[%dma_start3A_1253] : memref<4096xf32, #tpu.memory_space<vmem>> -> memref<512xf32, #tpu.memory_space<vmem>>
      %dma_start3A_1255 = arith.constant 2048 : i32
      %dma_start3A_1256 = tpu.memref_slice %arg18[%dma_start3A_1255] : memref<4096xi32, #tpu.memory_space<vmem>> -> memref<512xi32, #tpu.memory_space<vmem>>
      %dma_start3A_1257 = arith.constant 0 : i32
      %dma_start3A_1258 = tpu.memref_slice %arg3[%dma_start3A_1257] : memref<1048576xf32, #tpu.memory_space<hbm>> -> memref<1048576xf32, #tpu.memory_space<hbm>>
      %dma_start3A_1259 = tpu.memref_slice %arg26[%dma_start3A_1252] : memref<2x!tpu.dma_semaphore, #tpu.memory_space<semaphore_mem>> -> memref<1x!tpu.dma_semaphore, #tpu.memory_space<semaphore_mem>>
      %dma_start3A_1260 = tpu.memref_squeeze %dma_start3A_1259 : memref<1x!tpu.dma_semaphore, #tpu.memory_space<semaphore_mem>> -> memref<!tpu.dma_semaphore, #tpu.memory_space<semaphore_mem>>
      tpu.enqueue_indirect_dma source(%dma_start3A_1258 : memref<1048576xf32, #tpu.memory_space<hbm>>) target(%dma_start3A_1254 : memref<512xf32, #tpu.memory_space<vmem>>) offsets(%dma_start3A_1256 : memref<512xi32, #tpu.memory_space<vmem>>) semaphore(%dma_start3A_1260 : memref<!tpu.dma_semaphore, #tpu.memory_space<semaphore_mem>>)
      %dma_start3A_1261 = arith.constant 1 : i32
      %dma_start3A_1262 = arith.constant 2560 : i32
      %dma_start3A_1263 = tpu.memref_slice %arg20[%dma_start3A_1262] : memref<4096xf32, #tpu.memory_space<vmem>> -> memref<512xf32, #tpu.memory_space<vmem>>
      %dma_start3A_1264 = arith.constant 2560 : i32
      %dma_start3A_1265 = tpu.memref_slice %arg18[%dma_start3A_1264] : memref<4096xi32, #tpu.memory_space<vmem>> -> memref<512xi32, #tpu.memory_space<vmem>>
      %dma_start3A_1266 = arith.constant 0 : i32
      %dma_start3A_1267 = tpu.memref_slice %arg2[%dma_start3A_1266] : memref<1048576xf32, #tpu.memory_space<hbm>> -> memref<1048576xf32, #tpu.memory_space<hbm>>
      %dma_start3A_1268 = tpu.memref_slice %arg26[%dma_start3A_1261] : memref<2x!tpu.dma_semaphore, #tpu.memory_space<semaphore_mem>> -> memref<1x!tpu.dma_semaphore, #tpu.memory_space<semaphore_mem>>
      %dma_start3A_1269 = tpu.memref_squeeze %dma_start3A_1268 : memref<1x!tpu.dma_semaphore, #tpu.memory_space<semaphore_mem>> -> memref<!tpu.dma_semaphore, #tpu.memory_space<semaphore_mem>>
      tpu.enqueue_indirect_dma source(%dma_start3A_1267 : memref<1048576xf32, #tpu.memory_space<hbm>>) target(%dma_start3A_1263 : memref<512xf32, #tpu.memory_space<vmem>>) offsets(%dma_start3A_1265 : memref<512xi32, #tpu.memory_space<vmem>>) semaphore(%dma_start3A_1269 : memref<!tpu.dma_semaphore, #tpu.memory_space<semaphore_mem>>)
      %dma_start3A_1270 = arith.constant 1 : i32
      %dma_start3A_1271 = arith.constant 2560 : i32
      %dma_start3A_1272 = tpu.memref_slice %arg22[%dma_start3A_1271] : memref<4096xf32, #tpu.memory_space<vmem>> -> memref<512xf32, #tpu.memory_space<vmem>>
      %dma_start3A_1273 = arith.constant 2560 : i32
      %dma_start3A_1274 = tpu.memref_slice %arg18[%dma_start3A_1273] : memref<4096xi32, #tpu.memory_space<vmem>> -> memref<512xi32, #tpu.memory_space<vmem>>
      %dma_start3A_1275 = arith.constant 0 : i32
      %dma_start3A_1276 = tpu.memref_slice %arg3[%dma_start3A_1275] : memref<1048576xf32, #tpu.memory_space<hbm>> -> memref<1048576xf32, #tpu.memory_space<hbm>>
      %dma_start3A_1277 = tpu.memref_slice %arg26[%dma_start3A_1270] : memref<2x!tpu.dma_semaphore, #tpu.memory_space<semaphore_mem>> -> memref<1x!tpu.dma_semaphore, #tpu.memory_space<semaphore_mem>>
      %dma_start3A_1278 = tpu.memref_squeeze %dma_start3A_1277 : memref<1x!tpu.dma_semaphore, #tpu.memory_space<semaphore_mem>> -> memref<!tpu.dma_semaphore, #tpu.memory_space<semaphore_mem>>
      tpu.enqueue_indirect_dma source(%dma_start3A_1276 : memref<1048576xf32, #tpu.memory_space<hbm>>) target(%dma_start3A_1272 : memref<512xf32, #tpu.memory_space<vmem>>) offsets(%dma_start3A_1274 : memref<512xi32, #tpu.memory_space<vmem>>) semaphore(%dma_start3A_1278 : memref<!tpu.dma_semaphore, #tpu.memory_space<semaphore_mem>>)
      %dma_start3A_1279 = arith.constant 1 : i32
      %dma_start3A_1280 = arith.constant 3072 : i32
      %dma_start3A_1281 = tpu.memref_slice %arg20[%dma_start3A_1280] : memref<4096xf32, #tpu.memory_space<vmem>> -> memref<512xf32, #tpu.memory_space<vmem>>
      %dma_start3A_1282 = arith.constant 3072 : i32
      %dma_start3A_1283 = tpu.memref_slice %arg18[%dma_start3A_1282] : memref<4096xi32, #tpu.memory_space<vmem>> -> memref<512xi32, #tpu.memory_space<vmem>>
      %dma_start3A_1284 = arith.constant 0 : i32
      %dma_start3A_1285 = tpu.memref_slice %arg2[%dma_start3A_1284] : memref<1048576xf32, #tpu.memory_space<hbm>> -> memref<1048576xf32, #tpu.memory_space<hbm>>
      %dma_start3A_1286 = tpu.memref_slice %arg26[%dma_start3A_1279] : memref<2x!tpu.dma_semaphore, #tpu.memory_space<semaphore_mem>> -> memref<1x!tpu.dma_semaphore, #tpu.memory_space<semaphore_mem>>
      %dma_start3A_1287 = tpu.memref_squeeze %dma_start3A_1286 : memref<1x!tpu.dma_semaphore, #tpu.memory_space<semaphore_mem>> -> memref<!tpu.dma_semaphore, #tpu.memory_space<semaphore_mem>>
      tpu.enqueue_indirect_dma source(%dma_start3A_1285 : memref<1048576xf32, #tpu.memory_space<hbm>>) target(%dma_start3A_1281 : memref<512xf32, #tpu.memory_space<vmem>>) offsets(%dma_start3A_1283 : memref<512xi32, #tpu.memory_space<vmem>>) semaphore(%dma_start3A_1287 : memref<!tpu.dma_semaphore, #tpu.memory_space<semaphore_mem>>)
      %dma_start3A_1288 = arith.constant 1 : i32
      %dma_start3A_1289 = arith.constant 3072 : i32
      %dma_start3A_1290 = tpu.memref_slice %arg22[%dma_start3A_1289] : memref<4096xf32, #tpu.memory_space<vmem>> -> memref<512xf32, #tpu.memory_space<vmem>>
      %dma_start3A_1291 = arith.constant 3072 : i32
      %dma_start3A_1292 = tpu.memref_slice %arg18[%dma_start3A_1291] : memref<4096xi32, #tpu.memory_space<vmem>> -> memref<512xi32, #tpu.memory_space<vmem>>
      %dma_start3A_1293 = arith.constant 0 : i32
      %dma_start3A_1294 = tpu.memref_slice %arg3[%dma_start3A_1293] : memref<1048576xf32, #tpu.memory_space<hbm>> -> memref<1048576xf32, #tpu.memory_space<hbm>>
      %dma_start3A_1295 = tpu.memref_slice %arg26[%dma_start3A_1288] : memref<2x!tpu.dma_semaphore, #tpu.memory_space<semaphore_mem>> -> memref<1x!tpu.dma_semaphore, #tpu.memory_space<semaphore_mem>>
      %dma_start3A_1296 = tpu.memref_squeeze %dma_start3A_1295 : memref<1x!tpu.dma_semaphore, #tpu.memory_space<semaphore_mem>> -> memref<!tpu.dma_semaphore, #tpu.memory_space<semaphore_mem>>
      tpu.enqueue_indirect_dma source(%dma_start3A_1294 : memref<1048576xf32, #tpu.memory_space<hbm>>) target(%dma_start3A_1290 : memref<512xf32, #tpu.memory_space<vmem>>) offsets(%dma_start3A_1292 : memref<512xi32, #tpu.memory_space<vmem>>) semaphore(%dma_start3A_1296 : memref<!tpu.dma_semaphore, #tpu.memory_space<semaphore_mem>>)
      %dma_start3A_1297 = arith.constant 1 : i32
      %dma_start3A_1298 = arith.constant 3584 : i32
      %dma_start3A_1299 = tpu.memref_slice %arg20[%dma_start3A_1298] : memref<4096xf32, #tpu.memory_space<vmem>> -> memref<512xf32, #tpu.memory_space<vmem>>
      %dma_start3A_1300 = arith.constant 3584 : i32
      %dma_start3A_1301 = tpu.memref_slice %arg18[%dma_start3A_1300] : memref<4096xi32, #tpu.memory_space<vmem>> -> memref<512xi32, #tpu.memory_space<vmem>>
      %dma_start3A_1302 = arith.constant 0 : i32
      %dma_start3A_1303 = tpu.memref_slice %arg2[%dma_start3A_1302] : memref<1048576xf32, #tpu.memory_space<hbm>> -> memref<1048576xf32, #tpu.memory_space<hbm>>
      %dma_start3A_1304 = tpu.memref_slice %arg26[%dma_start3A_1297] : memref<2x!tpu.dma_semaphore, #tpu.memory_space<semaphore_mem>> -> memref<1x!tpu.dma_semaphore, #tpu.memory_space<semaphore_mem>>
      %dma_start3A_1305 = tpu.memref_squeeze %dma_start3A_1304 : memref<1x!tpu.dma_semaphore, #tpu.memory_space<semaphore_mem>> -> memref<!tpu.dma_semaphore, #tpu.memory_space<semaphore_mem>>
      tpu.enqueue_indirect_dma source(%dma_start3A_1303 : memref<1048576xf32, #tpu.memory_space<hbm>>) target(%dma_start3A_1299 : memref<512xf32, #tpu.memory_space<vmem>>) offsets(%dma_start3A_1301 : memref<512xi32, #tpu.memory_space<vmem>>) semaphore(%dma_start3A_1305 : memref<!tpu.dma_semaphore, #tpu.memory_space<semaphore_mem>>)
      %dma_start3A_1306 = arith.constant 1 : i32
      %dma_start3A_1307 = arith.constant 3584 : i32
      %dma_start3A_1308 = tpu.memref_slice %arg22[%dma_start3A_1307] : memref<4096xf32, #tpu.memory_space<vmem>> -> memref<512xf32, #tpu.memory_space<vmem>>
      %dma_start3A_1309 = arith.constant 3584 : i32
      %dma_start3A_1310 = tpu.memref_slice %arg18[%dma_start3A_1309] : memref<4096xi32, #tpu.memory_space<vmem>> -> memref<512xi32, #tpu.memory_space<vmem>>
      %dma_start3A_1311 = arith.constant 0 : i32
      %dma_start3A_1312 = tpu.memref_slice %arg3[%dma_start3A_1311] : memref<1048576xf32, #tpu.memory_space<hbm>> -> memref<1048576xf32, #tpu.memory_space<hbm>>
      %dma_start3A_1313 = tpu.memref_slice %arg26[%dma_start3A_1306] : memref<2x!tpu.dma_semaphore, #tpu.memory_space<semaphore_mem>> -> memref<1x!tpu.dma_semaphore, #tpu.memory_space<semaphore_mem>>
      %dma_start3A_1314 = tpu.memref_squeeze %dma_start3A_1313 : memref<1x!tpu.dma_semaphore, #tpu.memory_space<semaphore_mem>> -> memref<!tpu.dma_semaphore, #tpu.memory_space<semaphore_mem>>
      tpu.enqueue_indirect_dma source(%dma_start3A_1312 : memref<1048576xf32, #tpu.memory_space<hbm>>) target(%dma_start3A_1308 : memref<512xf32, #tpu.memory_space<vmem>>) offsets(%dma_start3A_1310 : memref<512xi32, #tpu.memory_space<vmem>>) semaphore(%dma_start3A_1314 : memref<!tpu.dma_semaphore, #tpu.memory_space<semaphore_mem>>)
      %sub3A_1315 = arith.constant 1 : i32
      %sub3A_1316 = arith.subi %add3A_1131, %sub3A_1315 : i32
      %dma_wait3A_1317 = arith.constant 0 : i32
      %dma_wait3A_1318 = arith.constant 0 : i32
      %dma_wait3A_1319 = tpu.memref_slice %arg19[%dma_wait3A_1318] : memref<4096xf32, #tpu.memory_space<vmem>> -> memref<512xf32, #tpu.memory_space<vmem>>
      %dma_wait3A_1320 = arith.constant 0 : i32
      %dma_wait3A_1321 = tpu.memref_slice %arg17[%dma_wait3A_1320] : memref<4096xi32, #tpu.memory_space<vmem>> -> memref<512xi32, #tpu.memory_space<vmem>>
      %dma_wait3A_1322 = arith.constant 0 : i32
      %dma_wait3A_1323 = tpu.memref_slice %arg2[%dma_wait3A_1322] : memref<1048576xf32, #tpu.memory_space<hbm>> -> memref<1048576xf32, #tpu.memory_space<hbm>>
      %dma_wait3A_1324 = tpu.memref_slice %arg26[%dma_wait3A_1317] : memref<2x!tpu.dma_semaphore, #tpu.memory_space<semaphore_mem>> -> memref<1x!tpu.dma_semaphore, #tpu.memory_space<semaphore_mem>>
      %dma_wait3A_1325 = tpu.memref_squeeze %dma_wait3A_1324 : memref<1x!tpu.dma_semaphore, #tpu.memory_space<semaphore_mem>> -> memref<!tpu.dma_semaphore, #tpu.memory_space<semaphore_mem>>
      tpu.wait_indirect_dma semaphore(%dma_wait3A_1325 : memref<!tpu.dma_semaphore, #tpu.memory_space<semaphore_mem>>) src(%dma_wait3A_1323 : memref<1048576xf32, #tpu.memory_space<hbm>>) dst(%dma_wait3A_1319 : memref<512xf32, #tpu.memory_space<vmem>>)
      %dma_wait3A_1326 = arith.constant 0 : i32
      %dma_wait3A_1327 = arith.constant 0 : i32
      %dma_wait3A_1328 = tpu.memref_slice %arg21[%dma_wait3A_1327] : memref<4096xf32, #tpu.memory_space<vmem>> -> memref<512xf32, #tpu.memory_space<vmem>>
      %dma_wait3A_1329 = arith.constant 0 : i32
      %dma_wait3A_1330 = tpu.memref_slice %arg17[%dma_wait3A_1329] : memref<4096xi32, #tpu.memory_space<vmem>> -> memref<512xi32, #tpu.memory_space<vmem>>
      %dma_wait3A_1331 = arith.constant 0 : i32
      %dma_wait3A_1332 = tpu.memref_slice %arg3[%dma_wait3A_1331] : memref<1048576xf32, #tpu.memory_space<hbm>> -> memref<1048576xf32, #tpu.memory_space<hbm>>
      %dma_wait3A_1333 = tpu.memref_slice %arg26[%dma_wait3A_1326] : memref<2x!tpu.dma_semaphore, #tpu.memory_space<semaphore_mem>> -> memref<1x!tpu.dma_semaphore, #tpu.memory_space<semaphore_mem>>
      %dma_wait3A_1334 = tpu.memref_squeeze %dma_wait3A_1333 : memref<1x!tpu.dma_semaphore, #tpu.memory_space<semaphore_mem>> -> memref<!tpu.dma_semaphore, #tpu.memory_space<semaphore_mem>>
      tpu.wait_indirect_dma semaphore(%dma_wait3A_1334 : memref<!tpu.dma_semaphore, #tpu.memory_space<semaphore_mem>>) src(%dma_wait3A_1332 : memref<1048576xf32, #tpu.memory_space<hbm>>) dst(%dma_wait3A_1328 : memref<512xf32, #tpu.memory_space<vmem>>)
      %dma_wait3A_1335 = arith.constant 0 : i32
      %dma_wait3A_1336 = arith.constant 512 : i32
      %dma_wait3A_1337 = tpu.memref_slice %arg19[%dma_wait3A_1336] : memref<4096xf32, #tpu.memory_space<vmem>> -> memref<512xf32, #tpu.memory_space<vmem>>
      %dma_wait3A_1338 = arith.constant 512 : i32
      %dma_wait3A_1339 = tpu.memref_slice %arg17[%dma_wait3A_1338] : memref<4096xi32, #tpu.memory_space<vmem>> -> memref<512xi32, #tpu.memory_space<vmem>>
      %dma_wait3A_1340 = arith.constant 0 : i32
      %dma_wait3A_1341 = tpu.memref_slice %arg2[%dma_wait3A_1340] : memref<1048576xf32, #tpu.memory_space<hbm>> -> memref<1048576xf32, #tpu.memory_space<hbm>>
      %dma_wait3A_1342 = tpu.memref_slice %arg26[%dma_wait3A_1335] : memref<2x!tpu.dma_semaphore, #tpu.memory_space<semaphore_mem>> -> memref<1x!tpu.dma_semaphore, #tpu.memory_space<semaphore_mem>>
      %dma_wait3A_1343 = tpu.memref_squeeze %dma_wait3A_1342 : memref<1x!tpu.dma_semaphore, #tpu.memory_space<semaphore_mem>> -> memref<!tpu.dma_semaphore, #tpu.memory_space<semaphore_mem>>
      tpu.wait_indirect_dma semaphore(%dma_wait3A_1343 : memref<!tpu.dma_semaphore, #tpu.memory_space<semaphore_mem>>) src(%dma_wait3A_1341 : memref<1048576xf32, #tpu.memory_space<hbm>>) dst(%dma_wait3A_1337 : memref<512xf32, #tpu.memory_space<vmem>>)
      %dma_wait3A_1344 = arith.constant 0 : i32
      %dma_wait3A_1345 = arith.constant 512 : i32
      %dma_wait3A_1346 = tpu.memref_slice %arg21[%dma_wait3A_1345] : memref<4096xf32, #tpu.memory_space<vmem>> -> memref<512xf32, #tpu.memory_space<vmem>>
      %dma_wait3A_1347 = arith.constant 512 : i32
      %dma_wait3A_1348 = tpu.memref_slice %arg17[%dma_wait3A_1347] : memref<4096xi32, #tpu.memory_space<vmem>> -> memref<512xi32, #tpu.memory_space<vmem>>
      %dma_wait3A_1349 = arith.constant 0 : i32
      %dma_wait3A_1350 = tpu.memref_slice %arg3[%dma_wait3A_1349] : memref<1048576xf32, #tpu.memory_space<hbm>> -> memref<1048576xf32, #tpu.memory_space<hbm>>
      %dma_wait3A_1351 = tpu.memref_slice %arg26[%dma_wait3A_1344] : memref<2x!tpu.dma_semaphore, #tpu.memory_space<semaphore_mem>> -> memref<1x!tpu.dma_semaphore, #tpu.memory_space<semaphore_mem>>
      %dma_wait3A_1352 = tpu.memref_squeeze %dma_wait3A_1351 : memref<1x!tpu.dma_semaphore, #tpu.memory_space<semaphore_mem>> -> memref<!tpu.dma_semaphore, #tpu.memory_space<semaphore_mem>>
      tpu.wait_indirect_dma semaphore(%dma_wait3A_1352 : memref<!tpu.dma_semaphore, #tpu.memory_space<semaphore_mem>>) src(%dma_wait3A_1350 : memref<1048576xf32, #tpu.memory_space<hbm>>) dst(%dma_wait3A_1346 : memref<512xf32, #tpu.memory_space<vmem>>)
      %dma_wait3A_1353 = arith.constant 0 : i32
      %dma_wait3A_1354 = arith.constant 1024 : i32
      %dma_wait3A_1355 = tpu.memref_slice %arg19[%dma_wait3A_1354] : memref<4096xf32, #tpu.memory_space<vmem>> -> memref<512xf32, #tpu.memory_space<vmem>>
      %dma_wait3A_1356 = arith.constant 1024 : i32
      %dma_wait3A_1357 = tpu.memref_slice %arg17[%dma_wait3A_1356] : memref<4096xi32, #tpu.memory_space<vmem>> -> memref<512xi32, #tpu.memory_space<vmem>>
      %dma_wait3A_1358 = arith.constant 0 : i32
      %dma_wait3A_1359 = tpu.memref_slice %arg2[%dma_wait3A_1358] : memref<1048576xf32, #tpu.memory_space<hbm>> -> memref<1048576xf32, #tpu.memory_space<hbm>>
      %dma_wait3A_1360 = tpu.memref_slice %arg26[%dma_wait3A_1353] : memref<2x!tpu.dma_semaphore, #tpu.memory_space<semaphore_mem>> -> memref<1x!tpu.dma_semaphore, #tpu.memory_space<semaphore_mem>>
      %dma_wait3A_1361 = tpu.memref_squeeze %dma_wait3A_1360 : memref<1x!tpu.dma_semaphore, #tpu.memory_space<semaphore_mem>> -> memref<!tpu.dma_semaphore, #tpu.memory_space<semaphore_mem>>
      tpu.wait_indirect_dma semaphore(%dma_wait3A_1361 : memref<!tpu.dma_semaphore, #tpu.memory_space<semaphore_mem>>) src(%dma_wait3A_1359 : memref<1048576xf32, #tpu.memory_space<hbm>>) dst(%dma_wait3A_1355 : memref<512xf32, #tpu.memory_space<vmem>>)
      %dma_wait3A_1362 = arith.constant 0 : i32
      %dma_wait3A_1363 = arith.constant 1024 : i32
      %dma_wait3A_1364 = tpu.memref_slice %arg21[%dma_wait3A_1363] : memref<4096xf32, #tpu.memory_space<vmem>> -> memref<512xf32, #tpu.memory_space<vmem>>
      %dma_wait3A_1365 = arith.constant 1024 : i32
      %dma_wait3A_1366 = tpu.memref_slice %arg17[%dma_wait3A_1365] : memref<4096xi32, #tpu.memory_space<vmem>> -> memref<512xi32, #tpu.memory_space<vmem>>
      %dma_wait3A_1367 = arith.constant 0 : i32
      %dma_wait3A_1368 = tpu.memref_slice %arg3[%dma_wait3A_1367] : memref<1048576xf32, #tpu.memory_space<hbm>> -> memref<1048576xf32, #tpu.memory_space<hbm>>
      %dma_wait3A_1369 = tpu.memref_slice %arg26[%dma_wait3A_1362] : memref<2x!tpu.dma_semaphore, #tpu.memory_space<semaphore_mem>> -> memref<1x!tpu.dma_semaphore, #tpu.memory_space<semaphore_mem>>
      %dma_wait3A_1370 = tpu.memref_squeeze %dma_wait3A_1369 : memref<1x!tpu.dma_semaphore, #tpu.memory_space<semaphore_mem>> -> memref<!tpu.dma_semaphore, #tpu.memory_space<semaphore_mem>>
      tpu.wait_indirect_dma semaphore(%dma_wait3A_1370 : memref<!tpu.dma_semaphore, #tpu.memory_space<semaphore_mem>>) src(%dma_wait3A_1368 : memref<1048576xf32, #tpu.memory_space<hbm>>) dst(%dma_wait3A_1364 : memref<512xf32, #tpu.memory_space<vmem>>)
      %dma_wait3A_1371 = arith.constant 0 : i32
      %dma_wait3A_1372 = arith.constant 1536 : i32
      %dma_wait3A_1373 = tpu.memref_slice %arg19[%dma_wait3A_1372] : memref<4096xf32, #tpu.memory_space<vmem>> -> memref<512xf32, #tpu.memory_space<vmem>>
      %dma_wait3A_1374 = arith.constant 1536 : i32
      %dma_wait3A_1375 = tpu.memref_slice %arg17[%dma_wait3A_1374] : memref<4096xi32, #tpu.memory_space<vmem>> -> memref<512xi32, #tpu.memory_space<vmem>>
      %dma_wait3A_1376 = arith.constant 0 : i32
      %dma_wait3A_1377 = tpu.memref_slice %arg2[%dma_wait3A_1376] : memref<1048576xf32, #tpu.memory_space<hbm>> -> memref<1048576xf32, #tpu.memory_space<hbm>>
      %dma_wait3A_1378 = tpu.memref_slice %arg26[%dma_wait3A_1371] : memref<2x!tpu.dma_semaphore, #tpu.memory_space<semaphore_mem>> -> memref<1x!tpu.dma_semaphore, #tpu.memory_space<semaphore_mem>>
      %dma_wait3A_1379 = tpu.memref_squeeze %dma_wait3A_1378 : memref<1x!tpu.dma_semaphore, #tpu.memory_space<semaphore_mem>> -> memref<!tpu.dma_semaphore, #tpu.memory_space<semaphore_mem>>
      tpu.wait_indirect_dma semaphore(%dma_wait3A_1379 : memref<!tpu.dma_semaphore, #tpu.memory_space<semaphore_mem>>) src(%dma_wait3A_1377 : memref<1048576xf32, #tpu.memory_space<hbm>>) dst(%dma_wait3A_1373 : memref<512xf32, #tpu.memory_space<vmem>>)
      %dma_wait3A_1380 = arith.constant 0 : i32
      %dma_wait3A_1381 = arith.constant 1536 : i32
      %dma_wait3A_1382 = tpu.memref_slice %arg21[%dma_wait3A_1381] : memref<4096xf32, #tpu.memory_space<vmem>> -> memref<512xf32, #tpu.memory_space<vmem>>
      %dma_wait3A_1383 = arith.constant 1536 : i32
      %dma_wait3A_1384 = tpu.memref_slice %arg17[%dma_wait3A_1383] : memref<4096xi32, #tpu.memory_space<vmem>> -> memref<512xi32, #tpu.memory_space<vmem>>
      %dma_wait3A_1385 = arith.constant 0 : i32
      %dma_wait3A_1386 = tpu.memref_slice %arg3[%dma_wait3A_1385] : memref<1048576xf32, #tpu.memory_space<hbm>> -> memref<1048576xf32, #tpu.memory_space<hbm>>
      %dma_wait3A_1387 = tpu.memref_slice %arg26[%dma_wait3A_1380] : memref<2x!tpu.dma_semaphore, #tpu.memory_space<semaphore_mem>> -> memref<1x!tpu.dma_semaphore, #tpu.memory_space<semaphore_mem>>
      %dma_wait3A_1388 = tpu.memref_squeeze %dma_wait3A_1387 : memref<1x!tpu.dma_semaphore, #tpu.memory_space<semaphore_mem>> -> memref<!tpu.dma_semaphore, #tpu.memory_space<semaphore_mem>>
      tpu.wait_indirect_dma semaphore(%dma_wait3A_1388 : memref<!tpu.dma_semaphore, #tpu.memory_space<semaphore_mem>>) src(%dma_wait3A_1386 : memref<1048576xf32, #tpu.memory_space<hbm>>) dst(%dma_wait3A_1382 : memref<512xf32, #tpu.memory_space<vmem>>)
      %dma_wait3A_1389 = arith.constant 0 : i32
      %dma_wait3A_1390 = arith.constant 2048 : i32
      %dma_wait3A_1391 = tpu.memref_slice %arg19[%dma_wait3A_1390] : memref<4096xf32, #tpu.memory_space<vmem>> -> memref<512xf32, #tpu.memory_space<vmem>>
      %dma_wait3A_1392 = arith.constant 2048 : i32
      %dma_wait3A_1393 = tpu.memref_slice %arg17[%dma_wait3A_1392] : memref<4096xi32, #tpu.memory_space<vmem>> -> memref<512xi32, #tpu.memory_space<vmem>>
      %dma_wait3A_1394 = arith.constant 0 : i32
      %dma_wait3A_1395 = tpu.memref_slice %arg2[%dma_wait3A_1394] : memref<1048576xf32, #tpu.memory_space<hbm>> -> memref<1048576xf32, #tpu.memory_space<hbm>>
      %dma_wait3A_1396 = tpu.memref_slice %arg26[%dma_wait3A_1389] : memref<2x!tpu.dma_semaphore, #tpu.memory_space<semaphore_mem>> -> memref<1x!tpu.dma_semaphore, #tpu.memory_space<semaphore_mem>>
      %dma_wait3A_1397 = tpu.memref_squeeze %dma_wait3A_1396 : memref<1x!tpu.dma_semaphore, #tpu.memory_space<semaphore_mem>> -> memref<!tpu.dma_semaphore, #tpu.memory_space<semaphore_mem>>
      tpu.wait_indirect_dma semaphore(%dma_wait3A_1397 : memref<!tpu.dma_semaphore, #tpu.memory_space<semaphore_mem>>) src(%dma_wait3A_1395 : memref<1048576xf32, #tpu.memory_space<hbm>>) dst(%dma_wait3A_1391 : memref<512xf32, #tpu.memory_space<vmem>>)
      %dma_wait3A_1398 = arith.constant 0 : i32
      %dma_wait3A_1399 = arith.constant 2048 : i32
      %dma_wait3A_1400 = tpu.memref_slice %arg21[%dma_wait3A_1399] : memref<4096xf32, #tpu.memory_space<vmem>> -> memref<512xf32, #tpu.memory_space<vmem>>
      %dma_wait3A_1401 = arith.constant 2048 : i32
      %dma_wait3A_1402 = tpu.memref_slice %arg17[%dma_wait3A_1401] : memref<4096xi32, #tpu.memory_space<vmem>> -> memref<512xi32, #tpu.memory_space<vmem>>
      %dma_wait3A_1403 = arith.constant 0 : i32
      %dma_wait3A_1404 = tpu.memref_slice %arg3[%dma_wait3A_1403] : memref<1048576xf32, #tpu.memory_space<hbm>> -> memref<1048576xf32, #tpu.memory_space<hbm>>
      %dma_wait3A_1405 = tpu.memref_slice %arg26[%dma_wait3A_1398] : memref<2x!tpu.dma_semaphore, #tpu.memory_space<semaphore_mem>> -> memref<1x!tpu.dma_semaphore, #tpu.memory_space<semaphore_mem>>
      %dma_wait3A_1406 = tpu.memref_squeeze %dma_wait3A_1405 : memref<1x!tpu.dma_semaphore, #tpu.memory_space<semaphore_mem>> -> memref<!tpu.dma_semaphore, #tpu.memory_space<semaphore_mem>>
      tpu.wait_indirect_dma semaphore(%dma_wait3A_1406 : memref<!tpu.dma_semaphore, #tpu.memory_space<semaphore_mem>>) src(%dma_wait3A_1404 : memref<1048576xf32, #tpu.memory_space<hbm>>) dst(%dma_wait3A_1400 : memref<512xf32, #tpu.memory_space<vmem>>)
      %dma_wait3A_1407 = arith.constant 0 : i32
      %dma_wait3A_1408 = arith.constant 2560 : i32
      %dma_wait3A_1409 = tpu.memref_slice %arg19[%dma_wait3A_1408] : memref<4096xf32, #tpu.memory_space<vmem>> -> memref<512xf32, #tpu.memory_space<vmem>>
      %dma_wait3A_1410 = arith.constant 2560 : i32
      %dma_wait3A_1411 = tpu.memref_slice %arg17[%dma_wait3A_1410] : memref<4096xi32, #tpu.memory_space<vmem>> -> memref<512xi32, #tpu.memory_space<vmem>>
      %dma_wait3A_1412 = arith.constant 0 : i32
      %dma_wait3A_1413 = tpu.memref_slice %arg2[%dma_wait3A_1412] : memref<1048576xf32, #tpu.memory_space<hbm>> -> memref<1048576xf32, #tpu.memory_space<hbm>>
      %dma_wait3A_1414 = tpu.memref_slice %arg26[%dma_wait3A_1407] : memref<2x!tpu.dma_semaphore, #tpu.memory_space<semaphore_mem>> -> memref<1x!tpu.dma_semaphore, #tpu.memory_space<semaphore_mem>>
      %dma_wait3A_1415 = tpu.memref_squeeze %dma_wait3A_1414 : memref<1x!tpu.dma_semaphore, #tpu.memory_space<semaphore_mem>> -> memref<!tpu.dma_semaphore, #tpu.memory_space<semaphore_mem>>
      tpu.wait_indirect_dma semaphore(%dma_wait3A_1415 : memref<!tpu.dma_semaphore, #tpu.memory_space<semaphore_mem>>) src(%dma_wait3A_1413 : memref<1048576xf32, #tpu.memory_space<hbm>>) dst(%dma_wait3A_1409 : memref<512xf32, #tpu.memory_space<vmem>>)
      %dma_wait3A_1416 = arith.constant 0 : i32
      %dma_wait3A_1417 = arith.constant 2560 : i32
      %dma_wait3A_1418 = tpu.memref_slice %arg21[%dma_wait3A_1417] : memref<4096xf32, #tpu.memory_space<vmem>> -> memref<512xf32, #tpu.memory_space<vmem>>
      %dma_wait3A_1419 = arith.constant 2560 : i32
      %dma_wait3A_1420 = tpu.memref_slice %arg17[%dma_wait3A_1419] : memref<4096xi32, #tpu.memory_space<vmem>> -> memref<512xi32, #tpu.memory_space<vmem>>
      %dma_wait3A_1421 = arith.constant 0 : i32
      %dma_wait3A_1422 = tpu.memref_slice %arg3[%dma_wait3A_1421] : memref<1048576xf32, #tpu.memory_space<hbm>> -> memref<1048576xf32, #tpu.memory_space<hbm>>
      %dma_wait3A_1423 = tpu.memref_slice %arg26[%dma_wait3A_1416] : memref<2x!tpu.dma_semaphore, #tpu.memory_space<semaphore_mem>> -> memref<1x!tpu.dma_semaphore, #tpu.memory_space<semaphore_mem>>
      %dma_wait3A_1424 = tpu.memref_squeeze %dma_wait3A_1423 : memref<1x!tpu.dma_semaphore, #tpu.memory_space<semaphore_mem>> -> memref<!tpu.dma_semaphore, #tpu.memory_space<semaphore_mem>>
      tpu.wait_indirect_dma semaphore(%dma_wait3A_1424 : memref<!tpu.dma_semaphore, #tpu.memory_space<semaphore_mem>>) src(%dma_wait3A_1422 : memref<1048576xf32, #tpu.memory_space<hbm>>) dst(%dma_wait3A_1418 : memref<512xf32, #tpu.memory_space<vmem>>)
      %dma_wait3A_1425 = arith.constant 0 : i32
      %dma_wait3A_1426 = arith.constant 3072 : i32
      %dma_wait3A_1427 = tpu.memref_slice %arg19[%dma_wait3A_1426] : memref<4096xf32, #tpu.memory_space<vmem>> -> memref<512xf32, #tpu.memory_space<vmem>>
      %dma_wait3A_1428 = arith.constant 3072 : i32
      %dma_wait3A_1429 = tpu.memref_slice %arg17[%dma_wait3A_1428] : memref<4096xi32, #tpu.memory_space<vmem>> -> memref<512xi32, #tpu.memory_space<vmem>>
      %dma_wait3A_1430 = arith.constant 0 : i32
      %dma_wait3A_1431 = tpu.memref_slice %arg2[%dma_wait3A_1430] : memref<1048576xf32, #tpu.memory_space<hbm>> -> memref<1048576xf32, #tpu.memory_space<hbm>>
      %dma_wait3A_1432 = tpu.memref_slice %arg26[%dma_wait3A_1425] : memref<2x!tpu.dma_semaphore, #tpu.memory_space<semaphore_mem>> -> memref<1x!tpu.dma_semaphore, #tpu.memory_space<semaphore_mem>>
      %dma_wait3A_1433 = tpu.memref_squeeze %dma_wait3A_1432 : memref<1x!tpu.dma_semaphore, #tpu.memory_space<semaphore_mem>> -> memref<!tpu.dma_semaphore, #tpu.memory_space<semaphore_mem>>
      tpu.wait_indirect_dma semaphore(%dma_wait3A_1433 : memref<!tpu.dma_semaphore, #tpu.memory_space<semaphore_mem>>) src(%dma_wait3A_1431 : memref<1048576xf32, #tpu.memory_space<hbm>>) dst(%dma_wait3A_1427 : memref<512xf32, #tpu.memory_space<vmem>>)
      %dma_wait3A_1434 = arith.constant 0 : i32
      %dma_wait3A_1435 = arith.constant 3072 : i32
      %dma_wait3A_1436 = tpu.memref_slice %arg21[%dma_wait3A_1435] : memref<4096xf32, #tpu.memory_space<vmem>> -> memref<512xf32, #tpu.memory_space<vmem>>
      %dma_wait3A_1437 = arith.constant 3072 : i32
      %dma_wait3A_1438 = tpu.memref_slice %arg17[%dma_wait3A_1437] : memref<4096xi32, #tpu.memory_space<vmem>> -> memref<512xi32, #tpu.memory_space<vmem>>
      %dma_wait3A_1439 = arith.constant 0 : i32
      %dma_wait3A_1440 = tpu.memref_slice %arg3[%dma_wait3A_1439] : memref<1048576xf32, #tpu.memory_space<hbm>> -> memref<1048576xf32, #tpu.memory_space<hbm>>
      %dma_wait3A_1441 = tpu.memref_slice %arg26[%dma_wait3A_1434] : memref<2x!tpu.dma_semaphore, #tpu.memory_space<semaphore_mem>> -> memref<1x!tpu.dma_semaphore, #tpu.memory_space<semaphore_mem>>
      %dma_wait3A_1442 = tpu.memref_squeeze %dma_wait3A_1441 : memref<1x!tpu.dma_semaphore, #tpu.memory_space<semaphore_mem>> -> memref<!tpu.dma_semaphore, #tpu.memory_space<semaphore_mem>>
      tpu.wait_indirect_dma semaphore(%dma_wait3A_1442 : memref<!tpu.dma_semaphore, #tpu.memory_space<semaphore_mem>>) src(%dma_wait3A_1440 : memref<1048576xf32, #tpu.memory_space<hbm>>) dst(%dma_wait3A_1436 : memref<512xf32, #tpu.memory_space<vmem>>)
      %dma_wait3A_1443 = arith.constant 0 : i32
      %dma_wait3A_1444 = arith.constant 3584 : i32
      %dma_wait3A_1445 = tpu.memref_slice %arg19[%dma_wait3A_1444] : memref<4096xf32, #tpu.memory_space<vmem>> -> memref<512xf32, #tpu.memory_space<vmem>>
      %dma_wait3A_1446 = arith.constant 3584 : i32
      %dma_wait3A_1447 = tpu.memref_slice %arg17[%dma_wait3A_1446] : memref<4096xi32, #tpu.memory_space<vmem>> -> memref<512xi32, #tpu.memory_space<vmem>>
      %dma_wait3A_1448 = arith.constant 0 : i32
      %dma_wait3A_1449 = tpu.memref_slice %arg2[%dma_wait3A_1448] : memref<1048576xf32, #tpu.memory_space<hbm>> -> memref<1048576xf32, #tpu.memory_space<hbm>>
      %dma_wait3A_1450 = tpu.memref_slice %arg26[%dma_wait3A_1443] : memref<2x!tpu.dma_semaphore, #tpu.memory_space<semaphore_mem>> -> memref<1x!tpu.dma_semaphore, #tpu.memory_space<semaphore_mem>>
      %dma_wait3A_1451 = tpu.memref_squeeze %dma_wait3A_1450 : memref<1x!tpu.dma_semaphore, #tpu.memory_space<semaphore_mem>> -> memref<!tpu.dma_semaphore, #tpu.memory_space<semaphore_mem>>
      tpu.wait_indirect_dma semaphore(%dma_wait3A_1451 : memref<!tpu.dma_semaphore, #tpu.memory_space<semaphore_mem>>) src(%dma_wait3A_1449 : memref<1048576xf32, #tpu.memory_space<hbm>>) dst(%dma_wait3A_1445 : memref<512xf32, #tpu.memory_space<vmem>>)
      %dma_wait3A_1452 = arith.constant 0 : i32
      %dma_wait3A_1453 = arith.constant 3584 : i32
      %dma_wait3A_1454 = tpu.memref_slice %arg21[%dma_wait3A_1453] : memref<4096xf32, #tpu.memory_space<vmem>> -> memref<512xf32, #tpu.memory_space<vmem>>
      %dma_wait3A_1455 = arith.constant 3584 : i32
      %dma_wait3A_1456 = tpu.memref_slice %arg17[%dma_wait3A_1455] : memref<4096xi32, #tpu.memory_space<vmem>> -> memref<512xi32, #tpu.memory_space<vmem>>
      %dma_wait3A_1457 = arith.constant 0 : i32
      %dma_wait3A_1458 = tpu.memref_slice %arg3[%dma_wait3A_1457] : memref<1048576xf32, #tpu.memory_space<hbm>> -> memref<1048576xf32, #tpu.memory_space<hbm>>
      %dma_wait3A_1459 = tpu.memref_slice %arg26[%dma_wait3A_1452] : memref<2x!tpu.dma_semaphore, #tpu.memory_space<semaphore_mem>> -> memref<1x!tpu.dma_semaphore, #tpu.memory_space<semaphore_mem>>
      %dma_wait3A_1460 = tpu.memref_squeeze %dma_wait3A_1459 : memref<1x!tpu.dma_semaphore, #tpu.memory_space<semaphore_mem>> -> memref<!tpu.dma_semaphore, #tpu.memory_space<semaphore_mem>>
      tpu.wait_indirect_dma semaphore(%dma_wait3A_1460 : memref<!tpu.dma_semaphore, #tpu.memory_space<semaphore_mem>>) src(%dma_wait3A_1458 : memref<1048576xf32, #tpu.memory_space<hbm>>) dst(%dma_wait3A_1454 : memref<512xf32, #tpu.memory_space<vmem>>)
      %sub3A_1461 = arith.constant 2 : i32
      %sub3A_1462 = arith.subi %sub3A_1316, %sub3A_1461 : i32
      %mul3A_1463 = arith.constant 4096 : i32
      %mul3A_1464 = arith.muli %sub3A_1462, %mul3A_1463 : i32
      %add3A_1465 = arith.addi %mul3A_2, %mul3A_1464 : i32
      %dma_wait3A_1466 = arith.constant 0 : i32
      %dma_wait3A_1467 = tpu.memref_slice %arg6[%add3A_1465] : memref<4194304xf32, #tpu.memory_space<hbm>> -> memref<4096xf32, #tpu.memory_space<hbm>>
      %dma_wait3A_1468 = tpu.memref_slice %arg27[%dma_wait3A_1466] : memref<2x!tpu.dma_semaphore, #tpu.memory_space<semaphore_mem>> -> memref<1x!tpu.dma_semaphore, #tpu.memory_space<semaphore_mem>>
      %dma_wait3A_1469 = tpu.memref_squeeze %dma_wait3A_1468 : memref<1x!tpu.dma_semaphore, #tpu.memory_space<semaphore_mem>> -> memref<!tpu.dma_semaphore, #tpu.memory_space<semaphore_mem>>
      %dma_wait3A_1470 = tpu.memref_slice %arg6[%add3A_1465] : memref<4194304xf32, #tpu.memory_space<hbm>> -> memref<4096xf32, #tpu.memory_space<hbm>>
      tpu.wait_dma2 semaphore(%dma_wait3A_1469 : memref<!tpu.dma_semaphore, #tpu.memory_space<semaphore_mem>>) src(%arg23 : memref<4096xf32, #tpu.memory_space<vmem>>) dst(%dma_wait3A_1470 : memref<4096xf32, #tpu.memory_space<hbm>>)
      %scan3A_1471 = arith.constant 0 : i32
      %scan3A_1472 = arith.constant 256 : i32
      %scan3A_1473 = arith.addi %scan3A_1471, %scan3A_1472 : i32
      %scan3A_1474 = arith.constant 2 : i32
      scf.for %scan3A_1484 = %scan3A_1471 to %scan3A_1473 step %scan3A_1474  : i32 {
        %mul3A_1485 = arith.constant 16 : i32
        %mul3A_1486 = arith.muli %scan3A_1484, %mul3A_1485 : i32
        %get3A = arith.index_cast %mul3A_1486 : i32 to index
        %get3A_1487 = tpu.vector_load %arg19[%get3A] {strides = array<i32>} : memref<4096xf32, #tpu.memory_space<vmem>>, vector<16xf32>,
        %mul3A_1488 = arith.constant 16 : i32
        %mul3A_1489 = arith.muli %scan3A_1484, %mul3A_1488 : i32
        %get3A_1490 = arith.index_cast %mul3A_1489 : i32 to index
        %get3A_1491 = tpu.vector_load %arg21[%get3A_1490] {strides = array<i32>} : memref<4096xf32, #tpu.memory_space<vmem>>, vector<16xf32>,
        %mul3A_1492 = arith.constant 16 : i32
        %mul3A_1493 = arith.muli %scan3A_1484, %mul3A_1492 : i32
        %get3A_1494 = arith.index_cast %mul3A_1493 : i32 to index
        %get3A_1495 = tpu.vector_load %arg15[%get3A_1494] {strides = array<i32>} : memref<4096xf32, #tpu.memory_space<vmem>>, vector<16xf32>,
        %mul3A_1496 = arith.constant 16 : i32
        %mul3A_1497 = arith.muli %scan3A_1484, %mul3A_1496 : i32
        %get3A_1498 = arith.index_cast %mul3A_1497 : i32 to index
        %get3A_1499 = tpu.vector_load %arg13[%get3A_1498] {strides = array<i32>} : memref<4096xf32, #tpu.memory_space<vmem>>, vector<16xf32>,
        %lt3A = arith.cmpf olt, %get3A_1495, %get3A_1487 : vector<16xf32>
        %jit3A = arith.constant 0.000000e+00 : f32
        %jit3A_1500 = arith.constant 1.000000e+00 : f32
        %broadcast_in_dim3A = vector.broadcast %jit3A : f32 to vector<16xf32>
        %broadcast_in_dim3A_1501 = vector.broadcast %jit3A_1500 : f32 to vector<16xf32>
        %select_n3A = arith.select %lt3A, %broadcast_in_dim3A, %broadcast_in_dim3A_1501 : vector<16xi1>, vector<16xf32>
        %gt3A_1502 = arith.cmpf ogt, %get3A_1495, %get3A_1491 : vector<16xf32>
        %jit3A_1503 = arith.constant 0.000000e+00 : f32
        %broadcast_in_dim3A_1504 = vector.broadcast %jit3A_1503 : f32 to vector<16xf32>
        %select_n3A_1505 = arith.select %gt3A_1502, %broadcast_in_dim3A_1504, %select_n3A : vector<16xi1>, vector<16xf32>
        %sub3A_1506 = arith.subf %get3A_1495, %get3A_1487 : vector<16xf32>
        %sub3A_1507 = arith.subf %get3A_1491, %get3A_1495 : vector<16xf32>
        %mul3A_1508 = arith.mulf %sub3A_1506, %sub3A_1506 : vector<16xf32>
        %mul3A_1509 = arith.constant 6.250000e+04 : f32
        %mul3A_1510 = vector.broadcast %mul3A_1509 : f32 to vector<16xf32>
        %mul3A_1511 = arith.mulf %mul3A_1508, %mul3A_1510 : vector<16xf32>
        %mul3A_1512 = arith.mulf %sub3A_1507, %sub3A_1507 : vector<16xf32>
        %mul3A_1513 = arith.constant 6.250000e+04 : f32
        %mul3A_1514 = vector.broadcast %mul3A_1513 : f32 to vector<16xf32>
        %mul3A_1515 = arith.mulf %mul3A_1512, %mul3A_1514 : vector<16xf32>
        %add3A_1516 = arith.constant 4.000000e-03 : f32
        %add3A_1517 = vector.broadcast %add3A_1516 : f32 to vector<16xf32>
        %add3A_1518 = arith.addf %get3A_1487, %add3A_1517 : vector<16xf32>
        %lt3A_1519 = arith.cmpf olt, %get3A_1495, %add3A_1518 : vector<16xf32>
        %gt3A_1520 = arith.cmpf ogt, %get3A_1495, %get3A_1487 : vector<16xf32>
        %and3A = arith.andi %lt3A_1519, %gt3A_1520 : vector<16xi1>
        %sub3A_1521 = arith.constant 4.000000e-03 : f32
        %sub3A_1522 = vector.broadcast %sub3A_1521 : f32 to vector<16xf32>
        %sub3A_1523 = arith.subf %get3A_1491, %sub3A_1522 : vector<16xf32>
        %lt3A_1524 = arith.cmpf olt, %get3A_1495, %sub3A_1523 : vector<16xf32>
        %and3A_1525 = arith.andi %and3A, %lt3A_1524 : vector<16xi1>
        %sub3A_1526 = arith.constant 4.000000e-03 : f32
        %sub3A_1527 = vector.broadcast %sub3A_1526 : f32 to vector<16xf32>
        %sub3A_1528 = arith.subf %get3A_1491, %sub3A_1527 : vector<16xf32>
        %gt3A_1529 = arith.cmpf ogt, %get3A_1495, %sub3A_1528 : vector<16xf32>
        %lt3A_1530 = arith.cmpf olt, %get3A_1495, %get3A_1491 : vector<16xf32>
        %and3A_1531 = arith.andi %gt3A_1529, %lt3A_1530 : vector<16xi1>
        %add3A_1532 = arith.constant 4.000000e-03 : f32
        %add3A_1533 = vector.broadcast %add3A_1532 : f32 to vector<16xf32>
        %add3A_1534 = arith.addf %get3A_1487, %add3A_1533 : vector<16xf32>
        %gt3A_1535 = arith.cmpf ogt, %get3A_1495, %add3A_1534 : vector<16xf32>
        %and3A_1536 = arith.andi %and3A_1531, %gt3A_1535 : vector<16xi1>
        %select_n3A_1537 = arith.select %and3A_1525, %mul3A_1511, %select_n3A_1505 : vector<16xi1>, vector<16xf32>
        %select_n3A_1538 = arith.select %and3A_1536, %mul3A_1515, %select_n3A_1537 : vector<16xi1>, vector<16xf32>
        %mul3A_1539 = arith.mulf %get3A_1499, %select_n3A_1538 : vector<16xf32>
        %mul3A_1540 = arith.constant 16 : i32
        %mul3A_1541 = arith.muli %scan3A_1484, %mul3A_1540 : i32
        %swap3A = arith.index_cast %mul3A_1541 : i32 to index
        %swap3A_1542 = tpu.vector_load %arg23[%swap3A] {strides = array<i32>} : memref<4096xf32, #tpu.memory_space<vmem>>, vector<16xf32>,
        tpu.vector_store %arg23[%swap3A], %mul3A_1539 {strides = array<i32>} : memref<4096xf32, #tpu.memory_space<vmem>>, vector<16xf32>,
        %scan3A_1543 = arith.constant 1 : i32
        %scan3A_1544 = arith.addi %scan3A_1484, %scan3A_1543 : i32
        %mul3A_1545 = arith.constant 16 : i32
        %mul3A_1546 = arith.muli %scan3A_1544, %mul3A_1545 : i32
        %get3A_1547 = arith.index_cast %mul3A_1546 : i32 to index
        %get3A_1548 = tpu.vector_load %arg19[%get3A_1547] {strides = array<i32>} : memref<4096xf32, #tpu.memory_space<vmem>>, vector<16xf32>,
        %mul3A_1549 = arith.constant 16 : i32
        %mul3A_1550 = arith.muli %scan3A_1544, %mul3A_1549 : i32
        %get3A_1551 = arith.index_cast %mul3A_1550 : i32 to index
        %get3A_1552 = tpu.vector_load %arg21[%get3A_1551] {strides = array<i32>} : memref<4096xf32, #tpu.memory_space<vmem>>, vector<16xf32>,
        %mul3A_1553 = arith.constant 16 : i32
        %mul3A_1554 = arith.muli %scan3A_1544, %mul3A_1553 : i32
        %get3A_1555 = arith.index_cast %mul3A_1554 : i32 to index
        %get3A_1556 = tpu.vector_load %arg15[%get3A_1555] {strides = array<i32>} : memref<4096xf32, #tpu.memory_space<vmem>>, vector<16xf32>,
        %mul3A_1557 = arith.constant 16 : i32
        %mul3A_1558 = arith.muli %scan3A_1544, %mul3A_1557 : i32
        %get3A_1559 = arith.index_cast %mul3A_1558 : i32 to index
        %get3A_1560 = tpu.vector_load %arg13[%get3A_1559] {strides = array<i32>} : memref<4096xf32, #tpu.memory_space<vmem>>, vector<16xf32>,
        %lt3A_1561 = arith.cmpf olt, %get3A_1556, %get3A_1548 : vector<16xf32>
        %jit3A_1562 = arith.constant 0.000000e+00 : f32
        %jit3A_1563 = arith.constant 1.000000e+00 : f32
        %broadcast_in_dim3A_1564 = vector.broadcast %jit3A_1562 : f32 to vector<16xf32>
        %broadcast_in_dim3A_1565 = vector.broadcast %jit3A_1563 : f32 to vector<16xf32>
        %select_n3A_1566 = arith.select %lt3A_1561, %broadcast_in_dim3A_1564, %broadcast_in_dim3A_1565 : vector<16xi1>, vector<16xf32>
        %gt3A_1567 = arith.cmpf ogt, %get3A_1556, %get3A_1552 : vector<16xf32>
        %jit3A_1568 = arith.constant 0.000000e+00 : f32
        %broadcast_in_dim3A_1569 = vector.broadcast %jit3A_1568 : f32 to vector<16xf32>
        %select_n3A_1570 = arith.select %gt3A_1567, %broadcast_in_dim3A_1569, %select_n3A_1566 : vector<16xi1>, vector<16xf32>
        %sub3A_1571 = arith.subf %get3A_1556, %get3A_1548 : vector<16xf32>
        %sub3A_1572 = arith.subf %get3A_1552, %get3A_1556 : vector<16xf32>
        %mul3A_1573 = arith.mulf %sub3A_1571, %sub3A_1571 : vector<16xf32>
        %mul3A_1574 = arith.constant 6.250000e+04 : f32
        %mul3A_1575 = vector.broadcast %mul3A_1574 : f32 to vector<16xf32>
        %mul3A_1576 = arith.mulf %mul3A_1573, %mul3A_1575 : vector<16xf32>
        %mul3A_1577 = arith.mulf %sub3A_1572, %sub3A_1572 : vector<16xf32>
        %mul3A_1578 = arith.constant 6.250000e+04 : f32
        %mul3A_1579 = vector.broadcast %mul3A_1578 : f32 to vector<16xf32>
        %mul3A_1580 = arith.mulf %mul3A_1577, %mul3A_1579 : vector<16xf32>
        %add3A_1581 = arith.constant 4.000000e-03 : f32
        %add3A_1582 = vector.broadcast %add3A_1581 : f32 to vector<16xf32>
        %add3A_1583 = arith.addf %get3A_1548, %add3A_1582 : vector<16xf32>
        %lt3A_1584 = arith.cmpf olt, %get3A_1556, %add3A_1583 : vector<16xf32>
        %gt3A_1585 = arith.cmpf ogt, %get3A_1556, %get3A_1548 : vector<16xf32>
        %and3A_1586 = arith.andi %lt3A_1584, %gt3A_1585 : vector<16xi1>
        %sub3A_1587 = arith.constant 4.000000e-03 : f32
        %sub3A_1588 = vector.broadcast %sub3A_1587 : f32 to vector<16xf32>
        %sub3A_1589 = arith.subf %get3A_1552, %sub3A_1588 : vector<16xf32>
        %lt3A_1590 = arith.cmpf olt, %get3A_1556, %sub3A_1589 : vector<16xf32>
        %and3A_1591 = arith.andi %and3A_1586, %lt3A_1590 : vector<16xi1>
        %sub3A_1592 = arith.constant 4.000000e-03 : f32
        %sub3A_1593 = vector.broadcast %sub3A_1592 : f32 to vector<16xf32>
        %sub3A_1594 = arith.subf %get3A_1552, %sub3A_1593 : vector<16xf32>
        %gt3A_1595 = arith.cmpf ogt, %get3A_1556, %sub3A_1594 : vector<16xf32>
        %lt3A_1596 = arith.cmpf olt, %get3A_1556, %get3A_1552 : vector<16xf32>
        %and3A_1597 = arith.andi %gt3A_1595, %lt3A_1596 : vector<16xi1>
        %add3A_1598 = arith.constant 4.000000e-03 : f32
        %add3A_1599 = vector.broadcast %add3A_1598 : f32 to vector<16xf32>
        %add3A_1600 = arith.addf %get3A_1548, %add3A_1599 : vector<16xf32>
        %gt3A_1601 = arith.cmpf ogt, %get3A_1556, %add3A_1600 : vector<16xf32>
        %and3A_1602 = arith.andi %and3A_1597, %gt3A_1601 : vector<16xi1>
        %select_n3A_1603 = arith.select %and3A_1591, %mul3A_1576, %select_n3A_1570 : vector<16xi1>, vector<16xf32>
        %select_n3A_1604 = arith.select %and3A_1602, %mul3A_1580, %select_n3A_1603 : vector<16xi1>, vector<16xf32>
        %mul3A_1605 = arith.mulf %get3A_1560, %select_n3A_1604 : vector<16xf32>
        %mul3A_1606 = arith.constant 16 : i32
        %mul3A_1607 = arith.muli %scan3A_1544, %mul3A_1606 : i32
        %swap3A_1608 = arith.index_cast %mul3A_1607 : i32 to index
        %swap3A_1609 = tpu.vector_load %arg23[%swap3A_1608] {strides = array<i32>} : memref<4096xf32, #tpu.memory_space<vmem>>, vector<16xf32>,
        tpu.vector_store %arg23[%swap3A_1608], %mul3A_1605 {strides = array<i32>} : memref<4096xf32, #tpu.memory_space<vmem>>, vector<16xf32>,
      }
      %scan3A_1475 = arith.constant 256 : i32
      %mul3A_1476 = arith.constant 4096 : i32
      %mul3A_1477 = arith.muli %sub3A_1316, %mul3A_1476 : i32
      %add3A_1478 = arith.addi %mul3A_2, %mul3A_1477 : i32
      %dma_start3A_1479 = arith.constant 0 : i32
      %dma_start3A_1480 = tpu.memref_slice %arg6[%add3A_1478] : memref<4194304xf32, #tpu.memory_space<hbm>> -> memref<4096xf32, #tpu.memory_space<hbm>>
      %dma_start3A_1481 = tpu.memref_slice %arg27[%dma_start3A_1479] : memref<2x!tpu.dma_semaphore, #tpu.memory_space<semaphore_mem>> -> memref<1x!tpu.dma_semaphore, #tpu.memory_space<semaphore_mem>>
      %dma_start3A_1482 = tpu.memref_squeeze %dma_start3A_1481 : memref<1x!tpu.dma_semaphore, #tpu.memory_space<semaphore_mem>> -> memref<!tpu.dma_semaphore, #tpu.memory_space<semaphore_mem>>
      %dma_start3A_1483 = tpu.memref_slice %arg6[%add3A_1478] : memref<4194304xf32, #tpu.memory_space<hbm>> -> memref<4096xf32, #tpu.memory_space<hbm>>
      tpu.enqueue_dma source(%arg23 : memref<4096xf32, #tpu.memory_space<vmem>>) target(%dma_start3A_1483 : memref<4096xf32, #tpu.memory_space<hbm>>) target_semaphore(%dma_start3A_1482 : memref<!tpu.dma_semaphore, #tpu.memory_space<semaphore_mem>>)
    }
    %scan3A_33 = arith.constant 8 : i32
    %dma_wait3A = arith.constant 1 : i32
    %dma_wait3A_34 = arith.constant 0 : i32
    %dma_wait3A_35 = tpu.memref_slice %arg20[%dma_wait3A_34] : memref<4096xf32, #tpu.memory_space<vmem>> -> memref<512xf32, #tpu.memory_space<vmem>>
    %dma_wait3A_36 = arith.constant 0 : i32
    %dma_wait3A_37 = tpu.memref_slice %arg18[%dma_wait3A_36] : memref<4096xi32, #tpu.memory_space<vmem>> -> memref<512xi32, #tpu.memory_space<vmem>>
    %dma_wait3A_38 = arith.constant 0 : i32
    %dma_wait3A_39 = tpu.memref_slice %arg2[%dma_wait3A_38] : memref<1048576xf32, #tpu.memory_space<hbm>> -> memref<1048576xf32, #tpu.memory_space<hbm>>
    %dma_wait3A_40 = tpu.memref_slice %arg26[%dma_wait3A] : memref<2x!tpu.dma_semaphore, #tpu.memory_space<semaphore_mem>> -> memref<1x!tpu.dma_semaphore, #tpu.memory_space<semaphore_mem>>
    %dma_wait3A_41 = tpu.memref_squeeze %dma_wait3A_40 : memref<1x!tpu.dma_semaphore, #tpu.memory_space<semaphore_mem>> -> memref<!tpu.dma_semaphore, #tpu.memory_space<semaphore_mem>>
    tpu.wait_indirect_dma semaphore(%dma_wait3A_41 : memref<!tpu.dma_semaphore, #tpu.memory_space<semaphore_mem>>) src(%dma_wait3A_39 : memref<1048576xf32, #tpu.memory_space<hbm>>) dst(%dma_wait3A_35 : memref<512xf32, #tpu.memory_space<vmem>>)
    %dma_wait3A_42 = arith.constant 1 : i32
    %dma_wait3A_43 = arith.constant 0 : i32
    %dma_wait3A_44 = tpu.memref_slice %arg22[%dma_wait3A_43] : memref<4096xf32, #tpu.memory_space<vmem>> -> memref<512xf32, #tpu.memory_space<vmem>>
    %dma_wait3A_45 = arith.constant 0 : i32
    %dma_wait3A_46 = tpu.memref_slice %arg18[%dma_wait3A_45] : memref<4096xi32, #tpu.memory_space<vmem>> -> memref<512xi32, #tpu.memory_space<vmem>>
    %dma_wait3A_47 = arith.constant 0 : i32
    %dma_wait3A_48 = tpu.memref_slice %arg3[%dma_wait3A_47] : memref<1048576xf32, #tpu.memory_space<hbm>> -> memref<1048576xf32, #tpu.memory_space<hbm>>
    %dma_wait3A_49 = tpu.memref_slice %arg26[%dma_wait3A_42] : memref<2x!tpu.dma_semaphore, #tpu.memory_space<semaphore_mem>> -> memref<1x!tpu.dma_semaphore, #tpu.memory_space<semaphore_mem>>
    %dma_wait3A_50 = tpu.memref_squeeze %dma_wait3A_49 : memref<1x!tpu.dma_semaphore, #tpu.memory_space<semaphore_mem>> -> memref<!tpu.dma_semaphore, #tpu.memory_space<semaphore_mem>>
    tpu.wait_indirect_dma semaphore(%dma_wait3A_50 : memref<!tpu.dma_semaphore, #tpu.memory_space<semaphore_mem>>) src(%dma_wait3A_48 : memref<1048576xf32, #tpu.memory_space<hbm>>) dst(%dma_wait3A_44 : memref<512xf32, #tpu.memory_space<vmem>>)
    %dma_wait3A_51 = arith.constant 1 : i32
    %dma_wait3A_52 = arith.constant 512 : i32
    %dma_wait3A_53 = tpu.memref_slice %arg20[%dma_wait3A_52] : memref<4096xf32, #tpu.memory_space<vmem>> -> memref<512xf32, #tpu.memory_space<vmem>>
    %dma_wait3A_54 = arith.constant 512 : i32
    %dma_wait3A_55 = tpu.memref_slice %arg18[%dma_wait3A_54] : memref<4096xi32, #tpu.memory_space<vmem>> -> memref<512xi32, #tpu.memory_space<vmem>>
    %dma_wait3A_56 = arith.constant 0 : i32
    %dma_wait3A_57 = tpu.memref_slice %arg2[%dma_wait3A_56] : memref<1048576xf32, #tpu.memory_space<hbm>> -> memref<1048576xf32, #tpu.memory_space<hbm>>
    %dma_wait3A_58 = tpu.memref_slice %arg26[%dma_wait3A_51] : memref<2x!tpu.dma_semaphore, #tpu.memory_space<semaphore_mem>> -> memref<1x!tpu.dma_semaphore, #tpu.memory_space<semaphore_mem>>
    %dma_wait3A_59 = tpu.memref_squeeze %dma_wait3A_58 : memref<1x!tpu.dma_semaphore, #tpu.memory_space<semaphore_mem>> -> memref<!tpu.dma_semaphore, #tpu.memory_space<semaphore_mem>>
    tpu.wait_indirect_dma semaphore(%dma_wait3A_59 : memref<!tpu.dma_semaphore, #tpu.memory_space<semaphore_mem>>) src(%dma_wait3A_57 : memref<1048576xf32, #tpu.memory_space<hbm>>) dst(%dma_wait3A_53 : memref<512xf32, #tpu.memory_space<vmem>>)
    %dma_wait3A_60 = arith.constant 1 : i32
    %dma_wait3A_61 = arith.constant 512 : i32
    %dma_wait3A_62 = tpu.memref_slice %arg22[%dma_wait3A_61] : memref<4096xf32, #tpu.memory_space<vmem>> -> memref<512xf32, #tpu.memory_space<vmem>>
    %dma_wait3A_63 = arith.constant 512 : i32
    %dma_wait3A_64 = tpu.memref_slice %arg18[%dma_wait3A_63] : memref<4096xi32, #tpu.memory_space<vmem>> -> memref<512xi32, #tpu.memory_space<vmem>>
    %dma_wait3A_65 = arith.constant 0 : i32
    %dma_wait3A_66 = tpu.memref_slice %arg3[%dma_wait3A_65] : memref<1048576xf32, #tpu.memory_space<hbm>> -> memref<1048576xf32, #tpu.memory_space<hbm>>
    %dma_wait3A_67 = tpu.memref_slice %arg26[%dma_wait3A_60] : memref<2x!tpu.dma_semaphore, #tpu.memory_space<semaphore_mem>> -> memref<1x!tpu.dma_semaphore, #tpu.memory_space<semaphore_mem>>
    %dma_wait3A_68 = tpu.memref_squeeze %dma_wait3A_67 : memref<1x!tpu.dma_semaphore, #tpu.memory_space<semaphore_mem>> -> memref<!tpu.dma_semaphore, #tpu.memory_space<semaphore_mem>>
    tpu.wait_indirect_dma semaphore(%dma_wait3A_68 : memref<!tpu.dma_semaphore, #tpu.memory_space<semaphore_mem>>) src(%dma_wait3A_66 : memref<1048576xf32, #tpu.memory_space<hbm>>) dst(%dma_wait3A_62 : memref<512xf32, #tpu.memory_space<vmem>>)
    %dma_wait3A_69 = arith.constant 1 : i32
    %dma_wait3A_70 = arith.constant 1024 : i32
    %dma_wait3A_71 = tpu.memref_slice %arg20[%dma_wait3A_70] : memref<4096xf32, #tpu.memory_space<vmem>> -> memref<512xf32, #tpu.memory_space<vmem>>
    %dma_wait3A_72 = arith.constant 1024 : i32
    %dma_wait3A_73 = tpu.memref_slice %arg18[%dma_wait3A_72] : memref<4096xi32, #tpu.memory_space<vmem>> -> memref<512xi32, #tpu.memory_space<vmem>>
    %dma_wait3A_74 = arith.constant 0 : i32
    %dma_wait3A_75 = tpu.memref_slice %arg2[%dma_wait3A_74] : memref<1048576xf32, #tpu.memory_space<hbm>> -> memref<1048576xf32, #tpu.memory_space<hbm>>
    %dma_wait3A_76 = tpu.memref_slice %arg26[%dma_wait3A_69] : memref<2x!tpu.dma_semaphore, #tpu.memory_space<semaphore_mem>> -> memref<1x!tpu.dma_semaphore, #tpu.memory_space<semaphore_mem>>
    %dma_wait3A_77 = tpu.memref_squeeze %dma_wait3A_76 : memref<1x!tpu.dma_semaphore, #tpu.memory_space<semaphore_mem>> -> memref<!tpu.dma_semaphore, #tpu.memory_space<semaphore_mem>>
    tpu.wait_indirect_dma semaphore(%dma_wait3A_77 : memref<!tpu.dma_semaphore, #tpu.memory_space<semaphore_mem>>) src(%dma_wait3A_75 : memref<1048576xf32, #tpu.memory_space<hbm>>) dst(%dma_wait3A_71 : memref<512xf32, #tpu.memory_space<vmem>>)
    %dma_wait3A_78 = arith.constant 1 : i32
    %dma_wait3A_79 = arith.constant 1024 : i32
    %dma_wait3A_80 = tpu.memref_slice %arg22[%dma_wait3A_79] : memref<4096xf32, #tpu.memory_space<vmem>> -> memref<512xf32, #tpu.memory_space<vmem>>
    %dma_wait3A_81 = arith.constant 1024 : i32
    %dma_wait3A_82 = tpu.memref_slice %arg18[%dma_wait3A_81] : memref<4096xi32, #tpu.memory_space<vmem>> -> memref<512xi32, #tpu.memory_space<vmem>>
    %dma_wait3A_83 = arith.constant 0 : i32
    %dma_wait3A_84 = tpu.memref_slice %arg3[%dma_wait3A_83] : memref<1048576xf32, #tpu.memory_space<hbm>> -> memref<1048576xf32, #tpu.memory_space<hbm>>
    %dma_wait3A_85 = tpu.memref_slice %arg26[%dma_wait3A_78] : memref<2x!tpu.dma_semaphore, #tpu.memory_space<semaphore_mem>> -> memref<1x!tpu.dma_semaphore, #tpu.memory_space<semaphore_mem>>
    %dma_wait3A_86 = tpu.memref_squeeze %dma_wait3A_85 : memref<1x!tpu.dma_semaphore, #tpu.memory_space<semaphore_mem>> -> memref<!tpu.dma_semaphore, #tpu.memory_space<semaphore_mem>>
    tpu.wait_indirect_dma semaphore(%dma_wait3A_86 : memref<!tpu.dma_semaphore, #tpu.memory_space<semaphore_mem>>) src(%dma_wait3A_84 : memref<1048576xf32, #tpu.memory_space<hbm>>) dst(%dma_wait3A_80 : memref<512xf32, #tpu.memory_space<vmem>>)
    %dma_wait3A_87 = arith.constant 1 : i32
    %dma_wait3A_88 = arith.constant 1536 : i32
    %dma_wait3A_89 = tpu.memref_slice %arg20[%dma_wait3A_88] : memref<4096xf32, #tpu.memory_space<vmem>> -> memref<512xf32, #tpu.memory_space<vmem>>
    %dma_wait3A_90 = arith.constant 1536 : i32
    %dma_wait3A_91 = tpu.memref_slice %arg18[%dma_wait3A_90] : memref<4096xi32, #tpu.memory_space<vmem>> -> memref<512xi32, #tpu.memory_space<vmem>>
    %dma_wait3A_92 = arith.constant 0 : i32
    %dma_wait3A_93 = tpu.memref_slice %arg2[%dma_wait3A_92] : memref<1048576xf32, #tpu.memory_space<hbm>> -> memref<1048576xf32, #tpu.memory_space<hbm>>
    %dma_wait3A_94 = tpu.memref_slice %arg26[%dma_wait3A_87] : memref<2x!tpu.dma_semaphore, #tpu.memory_space<semaphore_mem>> -> memref<1x!tpu.dma_semaphore, #tpu.memory_space<semaphore_mem>>
    %dma_wait3A_95 = tpu.memref_squeeze %dma_wait3A_94 : memref<1x!tpu.dma_semaphore, #tpu.memory_space<semaphore_mem>> -> memref<!tpu.dma_semaphore, #tpu.memory_space<semaphore_mem>>
    tpu.wait_indirect_dma semaphore(%dma_wait3A_95 : memref<!tpu.dma_semaphore, #tpu.memory_space<semaphore_mem>>) src(%dma_wait3A_93 : memref<1048576xf32, #tpu.memory_space<hbm>>) dst(%dma_wait3A_89 : memref<512xf32, #tpu.memory_space<vmem>>)
    %dma_wait3A_96 = arith.constant 1 : i32
    %dma_wait3A_97 = arith.constant 1536 : i32
    %dma_wait3A_98 = tpu.memref_slice %arg22[%dma_wait3A_97] : memref<4096xf32, #tpu.memory_space<vmem>> -> memref<512xf32, #tpu.memory_space<vmem>>
    %dma_wait3A_99 = arith.constant 1536 : i32
    %dma_wait3A_100 = tpu.memref_slice %arg18[%dma_wait3A_99] : memref<4096xi32, #tpu.memory_space<vmem>> -> memref<512xi32, #tpu.memory_space<vmem>>
    %dma_wait3A_101 = arith.constant 0 : i32
    %dma_wait3A_102 = tpu.memref_slice %arg3[%dma_wait3A_101] : memref<1048576xf32, #tpu.memory_space<hbm>> -> memref<1048576xf32, #tpu.memory_space<hbm>>
    %dma_wait3A_103 = tpu.memref_slice %arg26[%dma_wait3A_96] : memref<2x!tpu.dma_semaphore, #tpu.memory_space<semaphore_mem>> -> memref<1x!tpu.dma_semaphore, #tpu.memory_space<semaphore_mem>>
    %dma_wait3A_104 = tpu.memref_squeeze %dma_wait3A_103 : memref<1x!tpu.dma_semaphore, #tpu.memory_space<semaphore_mem>> -> memref<!tpu.dma_semaphore, #tpu.memory_space<semaphore_mem>>
    tpu.wait_indirect_dma semaphore(%dma_wait3A_104 : memref<!tpu.dma_semaphore, #tpu.memory_space<semaphore_mem>>) src(%dma_wait3A_102 : memref<1048576xf32, #tpu.memory_space<hbm>>) dst(%dma_wait3A_98 : memref<512xf32, #tpu.memory_space<vmem>>)
    %dma_wait3A_105 = arith.constant 1 : i32
    %dma_wait3A_106 = arith.constant 2048 : i32
    %dma_wait3A_107 = tpu.memref_slice %arg20[%dma_wait3A_106] : memref<4096xf32, #tpu.memory_space<vmem>> -> memref<512xf32, #tpu.memory_space<vmem>>
    %dma_wait3A_108 = arith.constant 2048 : i32
    %dma_wait3A_109 = tpu.memref_slice %arg18[%dma_wait3A_108] : memref<4096xi32, #tpu.memory_space<vmem>> -> memref<512xi32, #tpu.memory_space<vmem>>
    %dma_wait3A_110 = arith.constant 0 : i32
    %dma_wait3A_111 = tpu.memref_slice %arg2[%dma_wait3A_110] : memref<1048576xf32, #tpu.memory_space<hbm>> -> memref<1048576xf32, #tpu.memory_space<hbm>>
    %dma_wait3A_112 = tpu.memref_slice %arg26[%dma_wait3A_105] : memref<2x!tpu.dma_semaphore, #tpu.memory_space<semaphore_mem>> -> memref<1x!tpu.dma_semaphore, #tpu.memory_space<semaphore_mem>>
    %dma_wait3A_113 = tpu.memref_squeeze %dma_wait3A_112 : memref<1x!tpu.dma_semaphore, #tpu.memory_space<semaphore_mem>> -> memref<!tpu.dma_semaphore, #tpu.memory_space<semaphore_mem>>
    tpu.wait_indirect_dma semaphore(%dma_wait3A_113 : memref<!tpu.dma_semaphore, #tpu.memory_space<semaphore_mem>>) src(%dma_wait3A_111 : memref<1048576xf32, #tpu.memory_space<hbm>>) dst(%dma_wait3A_107 : memref<512xf32, #tpu.memory_space<vmem>>)
    %dma_wait3A_114 = arith.constant 1 : i32
    %dma_wait3A_115 = arith.constant 2048 : i32
    %dma_wait3A_116 = tpu.memref_slice %arg22[%dma_wait3A_115] : memref<4096xf32, #tpu.memory_space<vmem>> -> memref<512xf32, #tpu.memory_space<vmem>>
    %dma_wait3A_117 = arith.constant 2048 : i32
    %dma_wait3A_118 = tpu.memref_slice %arg18[%dma_wait3A_117] : memref<4096xi32, #tpu.memory_space<vmem>> -> memref<512xi32, #tpu.memory_space<vmem>>
    %dma_wait3A_119 = arith.constant 0 : i32
    %dma_wait3A_120 = tpu.memref_slice %arg3[%dma_wait3A_119] : memref<1048576xf32, #tpu.memory_space<hbm>> -> memref<1048576xf32, #tpu.memory_space<hbm>>
    %dma_wait3A_121 = tpu.memref_slice %arg26[%dma_wait3A_114] : memref<2x!tpu.dma_semaphore, #tpu.memory_space<semaphore_mem>> -> memref<1x!tpu.dma_semaphore, #tpu.memory_space<semaphore_mem>>
    %dma_wait3A_122 = tpu.memref_squeeze %dma_wait3A_121 : memref<1x!tpu.dma_semaphore, #tpu.memory_space<semaphore_mem>> -> memref<!tpu.dma_semaphore, #tpu.memory_space<semaphore_mem>>
    tpu.wait_indirect_dma semaphore(%dma_wait3A_122 : memref<!tpu.dma_semaphore, #tpu.memory_space<semaphore_mem>>) src(%dma_wait3A_120 : memref<1048576xf32, #tpu.memory_space<hbm>>) dst(%dma_wait3A_116 : memref<512xf32, #tpu.memory_space<vmem>>)
    %dma_wait3A_123 = arith.constant 1 : i32
    %dma_wait3A_124 = arith.constant 2560 : i32
    %dma_wait3A_125 = tpu.memref_slice %arg20[%dma_wait3A_124] : memref<4096xf32, #tpu.memory_space<vmem>> -> memref<512xf32, #tpu.memory_space<vmem>>
    %dma_wait3A_126 = arith.constant 2560 : i32
    %dma_wait3A_127 = tpu.memref_slice %arg18[%dma_wait3A_126] : memref<4096xi32, #tpu.memory_space<vmem>> -> memref<512xi32, #tpu.memory_space<vmem>>
    %dma_wait3A_128 = arith.constant 0 : i32
    %dma_wait3A_129 = tpu.memref_slice %arg2[%dma_wait3A_128] : memref<1048576xf32, #tpu.memory_space<hbm>> -> memref<1048576xf32, #tpu.memory_space<hbm>>
    %dma_wait3A_130 = tpu.memref_slice %arg26[%dma_wait3A_123] : memref<2x!tpu.dma_semaphore, #tpu.memory_space<semaphore_mem>> -> memref<1x!tpu.dma_semaphore, #tpu.memory_space<semaphore_mem>>
    %dma_wait3A_131 = tpu.memref_squeeze %dma_wait3A_130 : memref<1x!tpu.dma_semaphore, #tpu.memory_space<semaphore_mem>> -> memref<!tpu.dma_semaphore, #tpu.memory_space<semaphore_mem>>
    tpu.wait_indirect_dma semaphore(%dma_wait3A_131 : memref<!tpu.dma_semaphore, #tpu.memory_space<semaphore_mem>>) src(%dma_wait3A_129 : memref<1048576xf32, #tpu.memory_space<hbm>>) dst(%dma_wait3A_125 : memref<512xf32, #tpu.memory_space<vmem>>)
    %dma_wait3A_132 = arith.constant 1 : i32
    %dma_wait3A_133 = arith.constant 2560 : i32
    %dma_wait3A_134 = tpu.memref_slice %arg22[%dma_wait3A_133] : memref<4096xf32, #tpu.memory_space<vmem>> -> memref<512xf32, #tpu.memory_space<vmem>>
    %dma_wait3A_135 = arith.constant 2560 : i32
    %dma_wait3A_136 = tpu.memref_slice %arg18[%dma_wait3A_135] : memref<4096xi32, #tpu.memory_space<vmem>> -> memref<512xi32, #tpu.memory_space<vmem>>
    %dma_wait3A_137 = arith.constant 0 : i32
    %dma_wait3A_138 = tpu.memref_slice %arg3[%dma_wait3A_137] : memref<1048576xf32, #tpu.memory_space<hbm>> -> memref<1048576xf32, #tpu.memory_space<hbm>>
    %dma_wait3A_139 = tpu.memref_slice %arg26[%dma_wait3A_132] : memref<2x!tpu.dma_semaphore, #tpu.memory_space<semaphore_mem>> -> memref<1x!tpu.dma_semaphore, #tpu.memory_space<semaphore_mem>>
    %dma_wait3A_140 = tpu.memref_squeeze %dma_wait3A_139 : memref<1x!tpu.dma_semaphore, #tpu.memory_space<semaphore_mem>> -> memref<!tpu.dma_semaphore, #tpu.memory_space<semaphore_mem>>
    tpu.wait_indirect_dma semaphore(%dma_wait3A_140 : memref<!tpu.dma_semaphore, #tpu.memory_space<semaphore_mem>>) src(%dma_wait3A_138 : memref<1048576xf32, #tpu.memory_space<hbm>>) dst(%dma_wait3A_134 : memref<512xf32, #tpu.memory_space<vmem>>)
    %dma_wait3A_141 = arith.constant 1 : i32
    %dma_wait3A_142 = arith.constant 3072 : i32
    %dma_wait3A_143 = tpu.memref_slice %arg20[%dma_wait3A_142] : memref<4096xf32, #tpu.memory_space<vmem>> -> memref<512xf32, #tpu.memory_space<vmem>>
    %dma_wait3A_144 = arith.constant 3072 : i32
    %dma_wait3A_145 = tpu.memref_slice %arg18[%dma_wait3A_144] : memref<4096xi32, #tpu.memory_space<vmem>> -> memref<512xi32, #tpu.memory_space<vmem>>
    %dma_wait3A_146 = arith.constant 0 : i32
    %dma_wait3A_147 = tpu.memref_slice %arg2[%dma_wait3A_146] : memref<1048576xf32, #tpu.memory_space<hbm>> -> memref<1048576xf32, #tpu.memory_space<hbm>>
    %dma_wait3A_148 = tpu.memref_slice %arg26[%dma_wait3A_141] : memref<2x!tpu.dma_semaphore, #tpu.memory_space<semaphore_mem>> -> memref<1x!tpu.dma_semaphore, #tpu.memory_space<semaphore_mem>>
    %dma_wait3A_149 = tpu.memref_squeeze %dma_wait3A_148 : memref<1x!tpu.dma_semaphore, #tpu.memory_space<semaphore_mem>> -> memref<!tpu.dma_semaphore, #tpu.memory_space<semaphore_mem>>
    tpu.wait_indirect_dma semaphore(%dma_wait3A_149 : memref<!tpu.dma_semaphore, #tpu.memory_space<semaphore_mem>>) src(%dma_wait3A_147 : memref<1048576xf32, #tpu.memory_space<hbm>>) dst(%dma_wait3A_143 : memref<512xf32, #tpu.memory_space<vmem>>)
    %dma_wait3A_150 = arith.constant 1 : i32
    %dma_wait3A_151 = arith.constant 3072 : i32
    %dma_wait3A_152 = tpu.memref_slice %arg22[%dma_wait3A_151] : memref<4096xf32, #tpu.memory_space<vmem>> -> memref<512xf32, #tpu.memory_space<vmem>>
    %dma_wait3A_153 = arith.constant 3072 : i32
    %dma_wait3A_154 = tpu.memref_slice %arg18[%dma_wait3A_153] : memref<4096xi32, #tpu.memory_space<vmem>> -> memref<512xi32, #tpu.memory_space<vmem>>
    %dma_wait3A_155 = arith.constant 0 : i32
    %dma_wait3A_156 = tpu.memref_slice %arg3[%dma_wait3A_155] : memref<1048576xf32, #tpu.memory_space<hbm>> -> memref<1048576xf32, #tpu.memory_space<hbm>>
    %dma_wait3A_157 = tpu.memref_slice %arg26[%dma_wait3A_150] : memref<2x!tpu.dma_semaphore, #tpu.memory_space<semaphore_mem>> -> memref<1x!tpu.dma_semaphore, #tpu.memory_space<semaphore_mem>>
    %dma_wait3A_158 = tpu.memref_squeeze %dma_wait3A_157 : memref<1x!tpu.dma_semaphore, #tpu.memory_space<semaphore_mem>> -> memref<!tpu.dma_semaphore, #tpu.memory_space<semaphore_mem>>
    tpu.wait_indirect_dma semaphore(%dma_wait3A_158 : memref<!tpu.dma_semaphore, #tpu.memory_space<semaphore_mem>>) src(%dma_wait3A_156 : memref<1048576xf32, #tpu.memory_space<hbm>>) dst(%dma_wait3A_152 : memref<512xf32, #tpu.memory_space<vmem>>)
    %dma_wait3A_159 = arith.constant 1 : i32
    %dma_wait3A_160 = arith.constant 3584 : i32
    %dma_wait3A_161 = tpu.memref_slice %arg20[%dma_wait3A_160] : memref<4096xf32, #tpu.memory_space<vmem>> -> memref<512xf32, #tpu.memory_space<vmem>>
    %dma_wait3A_162 = arith.constant 3584 : i32
    %dma_wait3A_163 = tpu.memref_slice %arg18[%dma_wait3A_162] : memref<4096xi32, #tpu.memory_space<vmem>> -> memref<512xi32, #tpu.memory_space<vmem>>
    %dma_wait3A_164 = arith.constant 0 : i32
    %dma_wait3A_165 = tpu.memref_slice %arg2[%dma_wait3A_164] : memref<1048576xf32, #tpu.memory_space<hbm>> -> memref<1048576xf32, #tpu.memory_space<hbm>>
    %dma_wait3A_166 = tpu.memref_slice %arg26[%dma_wait3A_159] : memref<2x!tpu.dma_semaphore, #tpu.memory_space<semaphore_mem>> -> memref<1x!tpu.dma_semaphore, #tpu.memory_space<semaphore_mem>>
    %dma_wait3A_167 = tpu.memref_squeeze %dma_wait3A_166 : memref<1x!tpu.dma_semaphore, #tpu.memory_space<semaphore_mem>> -> memref<!tpu.dma_semaphore, #tpu.memory_space<semaphore_mem>>
    tpu.wait_indirect_dma semaphore(%dma_wait3A_167 : memref<!tpu.dma_semaphore, #tpu.memory_space<semaphore_mem>>) src(%dma_wait3A_165 : memref<1048576xf32, #tpu.memory_space<hbm>>) dst(%dma_wait3A_161 : memref<512xf32, #tpu.memory_space<vmem>>)
    %dma_wait3A_168 = arith.constant 1 : i32
    %dma_wait3A_169 = arith.constant 3584 : i32
    %dma_wait3A_170 = tpu.memref_slice %arg22[%dma_wait3A_169] : memref<4096xf32, #tpu.memory_space<vmem>> -> memref<512xf32, #tpu.memory_space<vmem>>
    %dma_wait3A_171 = arith.constant 3584 : i32
    %dma_wait3A_172 = tpu.memref_slice %arg18[%dma_wait3A_171] : memref<4096xi32, #tpu.memory_space<vmem>> -> memref<512xi32, #tpu.memory_space<vmem>>
    %dma_wait3A_173 = arith.constant 0 : i32
    %dma_wait3A_174 = tpu.memref_slice %arg3[%dma_wait3A_173] : memref<1048576xf32, #tpu.memory_space<hbm>> -> memref<1048576xf32, #tpu.memory_space<hbm>>
    %dma_wait3A_175 = tpu.memref_slice %arg26[%dma_wait3A_168] : memref<2x!tpu.dma_semaphore, #tpu.memory_space<semaphore_mem>> -> memref<1x!tpu.dma_semaphore, #tpu.memory_space<semaphore_mem>>
    %dma_wait3A_176 = tpu.memref_squeeze %dma_wait3A_175 : memref<1x!tpu.dma_semaphore, #tpu.memory_space<semaphore_mem>> -> memref<!tpu.dma_semaphore, #tpu.memory_space<semaphore_mem>>
    tpu.wait_indirect_dma semaphore(%dma_wait3A_176 : memref<!tpu.dma_semaphore, #tpu.memory_space<semaphore_mem>>) src(%dma_wait3A_174 : memref<1048576xf32, #tpu.memory_space<hbm>>) dst(%dma_wait3A_170 : memref<512xf32, #tpu.memory_space<vmem>>)
    %add3A_177 = arith.constant 118784 : i32
    %add3A_178 = arith.addi %mul3A_2, %add3A_177 : i32
    %dma_wait3A_179 = arith.constant 1 : i32
    %dma_wait3A_180 = tpu.memref_slice %arg6[%add3A_178] : memref<4194304xf32, #tpu.memory_space<hbm>> -> memref<4096xf32, #tpu.memory_space<hbm>>
    %dma_wait3A_181 = tpu.memref_slice %arg27[%dma_wait3A_179] : memref<2x!tpu.dma_semaphore, #tpu.memory_space<semaphore_mem>> -> memref<1x!tpu.dma_semaphore, #tpu.memory_space<semaphore_mem>>
    %dma_wait3A_182 = tpu.memref_squeeze %dma_wait3A_181 : memref<1x!tpu.dma_semaphore, #tpu.memory_space<semaphore_mem>> -> memref<!tpu.dma_semaphore, #tpu.memory_space<semaphore_mem>>
    %dma_wait3A_183 = tpu.memref_slice %arg6[%add3A_178] : memref<4194304xf32, #tpu.memory_space<hbm>> -> memref<4096xf32, #tpu.memory_space<hbm>>
    tpu.wait_dma2 semaphore(%dma_wait3A_182 : memref<!tpu.dma_semaphore, #tpu.memory_space<semaphore_mem>>) src(%arg24 : memref<4096xf32, #tpu.memory_space<vmem>>) dst(%dma_wait3A_183 : memref<4096xf32, #tpu.memory_space<hbm>>)
    %scan3A_184 = arith.constant 0 : i32
    %scan3A_185 = arith.constant 256 : i32
    %scan3A_186 = arith.addi %scan3A_184, %scan3A_185 : i32
    %scan3A_187 = arith.constant 2 : i32
    scf.for %scan3A_238 = %scan3A_184 to %scan3A_186 step %scan3A_187  : i32 {
      %mul3A_239 = arith.constant 16 : i32
      %mul3A_240 = arith.muli %scan3A_238, %mul3A_239 : i32
      %get3A = arith.index_cast %mul3A_240 : i32 to index
      %get3A_241 = tpu.vector_load %arg20[%get3A] {strides = array<i32>} : memref<4096xf32, #tpu.memory_space<vmem>>, vector<16xf32>,
      %mul3A_242 = arith.constant 16 : i32
      %mul3A_243 = arith.muli %scan3A_238, %mul3A_242 : i32
      %get3A_244 = arith.index_cast %mul3A_243 : i32 to index
      %get3A_245 = tpu.vector_load %arg22[%get3A_244] {strides = array<i32>} : memref<4096xf32, #tpu.memory_space<vmem>>, vector<16xf32>,
      %mul3A_246 = arith.constant 16 : i32
      %mul3A_247 = arith.muli %scan3A_238, %mul3A_246 : i32
      %get3A_248 = arith.index_cast %mul3A_247 : i32 to index
      %get3A_249 = tpu.vector_load %arg16[%get3A_248] {strides = array<i32>} : memref<4096xf32, #tpu.memory_space<vmem>>, vector<16xf32>,
      %mul3A_250 = arith.constant 16 : i32
      %mul3A_251 = arith.muli %scan3A_238, %mul3A_250 : i32
      %get3A_252 = arith.index_cast %mul3A_251 : i32 to index
      %get3A_253 = tpu.vector_load %arg14[%get3A_252] {strides = array<i32>} : memref<4096xf32, #tpu.memory_space<vmem>>, vector<16xf32>,
      %lt3A = arith.cmpf olt, %get3A_249, %get3A_241 : vector<16xf32>
      %jit3A = arith.constant 0.000000e+00 : f32
      %jit3A_254 = arith.constant 1.000000e+00 : f32
      %broadcast_in_dim3A = vector.broadcast %jit3A : f32 to vector<16xf32>
      %broadcast_in_dim3A_255 = vector.broadcast %jit3A_254 : f32 to vector<16xf32>
      %select_n3A = arith.select %lt3A, %broadcast_in_dim3A, %broadcast_in_dim3A_255 : vector<16xi1>, vector<16xf32>
      %gt3A = arith.cmpf ogt, %get3A_249, %get3A_245 : vector<16xf32>
      %jit3A_256 = arith.constant 0.000000e+00 : f32
      %broadcast_in_dim3A_257 = vector.broadcast %jit3A_256 : f32 to vector<16xf32>
      %select_n3A_258 = arith.select %gt3A, %broadcast_in_dim3A_257, %select_n3A : vector<16xi1>, vector<16xf32>
      %sub3A = arith.subf %get3A_249, %get3A_241 : vector<16xf32>
      %sub3A_259 = arith.subf %get3A_245, %get3A_249 : vector<16xf32>
      %mul3A_260 = arith.mulf %sub3A, %sub3A : vector<16xf32>
      %mul3A_261 = arith.constant 6.250000e+04 : f32
      %mul3A_262 = vector.broadcast %mul3A_261 : f32 to vector<16xf32>
      %mul3A_263 = arith.mulf %mul3A_260, %mul3A_262 : vector<16xf32>
      %mul3A_264 = arith.mulf %sub3A_259, %sub3A_259 : vector<16xf32>
      %mul3A_265 = arith.constant 6.250000e+04 : f32
      %mul3A_266 = vector.broadcast %mul3A_265 : f32 to vector<16xf32>
      %mul3A_267 = arith.mulf %mul3A_264, %mul3A_266 : vector<16xf32>
      %add3A_268 = arith.constant 4.000000e-03 : f32
      %add3A_269 = vector.broadcast %add3A_268 : f32 to vector<16xf32>
      %add3A_270 = arith.addf %get3A_241, %add3A_269 : vector<16xf32>
      %lt3A_271 = arith.cmpf olt, %get3A_249, %add3A_270 : vector<16xf32>
      %gt3A_272 = arith.cmpf ogt, %get3A_249, %get3A_241 : vector<16xf32>
      %and3A = arith.andi %lt3A_271, %gt3A_272 : vector<16xi1>
      %sub3A_273 = arith.constant 4.000000e-03 : f32
      %sub3A_274 = vector.broadcast %sub3A_273 : f32 to vector<16xf32>
      %sub3A_275 = arith.subf %get3A_245, %sub3A_274 : vector<16xf32>
      %lt3A_276 = arith.cmpf olt, %get3A_249, %sub3A_275 : vector<16xf32>
      %and3A_277 = arith.andi %and3A, %lt3A_276 : vector<16xi1>
      %sub3A_278 = arith.constant 4.000000e-03 : f32
      %sub3A_279 = vector.broadcast %sub3A_278 : f32 to vector<16xf32>
      %sub3A_280 = arith.subf %get3A_245, %sub3A_279 : vector<16xf32>
      %gt3A_281 = arith.cmpf ogt, %get3A_249, %sub3A_280 : vector<16xf32>
      %lt3A_282 = arith.cmpf olt, %get3A_249, %get3A_245 : vector<16xf32>
      %and3A_283 = arith.andi %gt3A_281, %lt3A_282 : vector<16xi1>
      %add3A_284 = arith.constant 4.000000e-03 : f32
      %add3A_285 = vector.broadcast %add3A_284 : f32 to vector<16xf32>
      %add3A_286 = arith.addf %get3A_241, %add3A_285 : vector<16xf32>
      %gt3A_287 = arith.cmpf ogt, %get3A_249, %add3A_286 : vector<16xf32>
      %and3A_288 = arith.andi %and3A_283, %gt3A_287 : vector<16xi1>
      %select_n3A_289 = arith.select %and3A_277, %mul3A_263, %select_n3A_258 : vector<16xi1>, vector<16xf32>
      %select_n3A_290 = arith.select %and3A_288, %mul3A_267, %select_n3A_289 : vector<16xi1>, vector<16xf32>
      %mul3A_291 = arith.mulf %get3A_253, %select_n3A_290 : vector<16xf32>
      %mul3A_292 = arith.constant 16 : i32
      %mul3A_293 = arith.muli %scan3A_238, %mul3A_292 : i32
      %swap3A = arith.index_cast %mul3A_293 : i32 to index
      %swap3A_294 = tpu.vector_load %arg24[%swap3A] {strides = array<i32>} : memref<4096xf32, #tpu.memory_space<vmem>>, vector<16xf32>,
      tpu.vector_store %arg24[%swap3A], %mul3A_291 {strides = array<i32>} : memref<4096xf32, #tpu.memory_space<vmem>>, vector<16xf32>,
      %scan3A_295 = arith.constant 1 : i32
      %scan3A_296 = arith.addi %scan3A_238, %scan3A_295 : i32
      %mul3A_297 = arith.constant 16 : i32
      %mul3A_298 = arith.muli %scan3A_296, %mul3A_297 : i32
      %get3A_299 = arith.index_cast %mul3A_298 : i32 to index
      %get3A_300 = tpu.vector_load %arg20[%get3A_299] {strides = array<i32>} : memref<4096xf32, #tpu.memory_space<vmem>>, vector<16xf32>,
      %mul3A_301 = arith.constant 16 : i32
      %mul3A_302 = arith.muli %scan3A_296, %mul3A_301 : i32
      %get3A_303 = arith.index_cast %mul3A_302 : i32 to index
      %get3A_304 = tpu.vector_load %arg22[%get3A_303] {strides = array<i32>} : memref<4096xf32, #tpu.memory_space<vmem>>, vector<16xf32>,
      %mul3A_305 = arith.constant 16 : i32
      %mul3A_306 = arith.muli %scan3A_296, %mul3A_305 : i32
      %get3A_307 = arith.index_cast %mul3A_306 : i32 to index
      %get3A_308 = tpu.vector_load %arg16[%get3A_307] {strides = array<i32>} : memref<4096xf32, #tpu.memory_space<vmem>>, vector<16xf32>,
      %mul3A_309 = arith.constant 16 : i32
      %mul3A_310 = arith.muli %scan3A_296, %mul3A_309 : i32
      %get3A_311 = arith.index_cast %mul3A_310 : i32 to index
      %get3A_312 = tpu.vector_load %arg14[%get3A_311] {strides = array<i32>} : memref<4096xf32, #tpu.memory_space<vmem>>, vector<16xf32>,
      %lt3A_313 = arith.cmpf olt, %get3A_308, %get3A_300 : vector<16xf32>
      %jit3A_314 = arith.constant 0.000000e+00 : f32
      %jit3A_315 = arith.constant 1.000000e+00 : f32
      %broadcast_in_dim3A_316 = vector.broadcast %jit3A_314 : f32 to vector<16xf32>
      %broadcast_in_dim3A_317 = vector.broadcast %jit3A_315 : f32 to vector<16xf32>
      %select_n3A_318 = arith.select %lt3A_313, %broadcast_in_dim3A_316, %broadcast_in_dim3A_317 : vector<16xi1>, vector<16xf32>
      %gt3A_319 = arith.cmpf ogt, %get3A_308, %get3A_304 : vector<16xf32>
      %jit3A_320 = arith.constant 0.000000e+00 : f32
      %broadcast_in_dim3A_321 = vector.broadcast %jit3A_320 : f32 to vector<16xf32>
      %select_n3A_322 = arith.select %gt3A_319, %broadcast_in_dim3A_321, %select_n3A_318 : vector<16xi1>, vector<16xf32>
      %sub3A_323 = arith.subf %get3A_308, %get3A_300 : vector<16xf32>
      %sub3A_324 = arith.subf %get3A_304, %get3A_308 : vector<16xf32>
      %mul3A_325 = arith.mulf %sub3A_323, %sub3A_323 : vector<16xf32>
      %mul3A_326 = arith.constant 6.250000e+04 : f32
      %mul3A_327 = vector.broadcast %mul3A_326 : f32 to vector<16xf32>
      %mul3A_328 = arith.mulf %mul3A_325, %mul3A_327 : vector<16xf32>
      %mul3A_329 = arith.mulf %sub3A_324, %sub3A_324 : vector<16xf32>
      %mul3A_330 = arith.constant 6.250000e+04 : f32
      %mul3A_331 = vector.broadcast %mul3A_330 : f32 to vector<16xf32>
      %mul3A_332 = arith.mulf %mul3A_329, %mul3A_331 : vector<16xf32>
      %add3A_333 = arith.constant 4.000000e-03 : f32
      %add3A_334 = vector.broadcast %add3A_333 : f32 to vector<16xf32>
      %add3A_335 = arith.addf %get3A_300, %add3A_334 : vector<16xf32>
      %lt3A_336 = arith.cmpf olt, %get3A_308, %add3A_335 : vector<16xf32>
      %gt3A_337 = arith.cmpf ogt, %get3A_308, %get3A_300 : vector<16xf32>
      %and3A_338 = arith.andi %lt3A_336, %gt3A_337 : vector<16xi1>
      %sub3A_339 = arith.constant 4.000000e-03 : f32
      %sub3A_340 = vector.broadcast %sub3A_339 : f32 to vector<16xf32>
      %sub3A_341 = arith.subf %get3A_304, %sub3A_340 : vector<16xf32>
      %lt3A_342 = arith.cmpf olt, %get3A_308, %sub3A_341 : vector<16xf32>
      %and3A_343 = arith.andi %and3A_338, %lt3A_342 : vector<16xi1>
      %sub3A_344 = arith.constant 4.000000e-03 : f32
      %sub3A_345 = vector.broadcast %sub3A_344 : f32 to vector<16xf32>
      %sub3A_346 = arith.subf %get3A_304, %sub3A_345 : vector<16xf32>
      %gt3A_347 = arith.cmpf ogt, %get3A_308, %sub3A_346 : vector<16xf32>
      %lt3A_348 = arith.cmpf olt, %get3A_308, %get3A_304 : vector<16xf32>
      %and3A_349 = arith.andi %gt3A_347, %lt3A_348 : vector<16xi1>
      %add3A_350 = arith.constant 4.000000e-03 : f32
      %add3A_351 = vector.broadcast %add3A_350 : f32 to vector<16xf32>
      %add3A_352 = arith.addf %get3A_300, %add3A_351 : vector<16xf32>
      %gt3A_353 = arith.cmpf ogt, %get3A_308, %add3A_352 : vector<16xf32>
      %and3A_354 = arith.andi %and3A_349, %gt3A_353 : vector<16xi1>
      %select_n3A_355 = arith.select %and3A_343, %mul3A_328, %select_n3A_322 : vector<16xi1>, vector<16xf32>
      %select_n3A_356 = arith.select %and3A_354, %mul3A_332, %select_n3A_355 : vector<16xi1>, vector<16xf32>
      %mul3A_357 = arith.mulf %get3A_312, %select_n3A_356 : vector<16xf32>
      %mul3A_358 = arith.constant 16 : i32
      %mul3A_359 = arith.muli %scan3A_296, %mul3A_358 : i32
      %swap3A_360 = arith.index_cast %mul3A_359 : i32 to index
      %swap3A_361 = tpu.vector_load %arg24[%swap3A_360] {strides = array<i32>} : memref<4096xf32, #tpu.memory_space<vmem>>, vector<16xf32>,
      tpu.vector_store %arg24[%swap3A_360], %mul3A_357 {strides = array<i32>} : memref<4096xf32, #tpu.memory_space<vmem>>, vector<16xf32>,
    }
    %scan3A_188 = arith.constant 256 : i32
    %add3A_189 = arith.constant 126976 : i32
    %add3A_190 = arith.addi %mul3A_2, %add3A_189 : i32
    %dma_start3A_191 = arith.constant 1 : i32
    %dma_start3A_192 = tpu.memref_slice %arg6[%add3A_190] : memref<4194304xf32, #tpu.memory_space<hbm>> -> memref<4096xf32, #tpu.memory_space<hbm>>
    %dma_start3A_193 = tpu.memref_slice %arg27[%dma_start3A_191] : memref<2x!tpu.dma_semaphore, #tpu.memory_space<semaphore_mem>> -> memref<1x!tpu.dma_semaphore, #tpu.memory_space<semaphore_mem>>
    %dma_start3A_194 = tpu.memref_squeeze %dma_start3A_193 : memref<1x!tpu.dma_semaphore, #tpu.memory_space<semaphore_mem>> -> memref<!tpu.dma_semaphore, #tpu.memory_space<semaphore_mem>>
    %dma_start3A_195 = tpu.memref_slice %arg6[%add3A_190] : memref<4194304xf32, #tpu.memory_space<hbm>> -> memref<4096xf32, #tpu.memory_space<hbm>>
    tpu.enqueue_dma source(%arg24 : memref<4096xf32, #tpu.memory_space<vmem>>) target(%dma_start3A_195 : memref<4096xf32, #tpu.memory_space<hbm>>) target_semaphore(%dma_start3A_194 : memref<!tpu.dma_semaphore, #tpu.memory_space<semaphore_mem>>)
    %add3A_196 = arith.constant 122880 : i32
    %add3A_197 = arith.addi %mul3A_2, %add3A_196 : i32
    %dma_wait3A_198 = arith.constant 0 : i32
    %dma_wait3A_199 = tpu.memref_slice %arg6[%add3A_197] : memref<4194304xf32, #tpu.memory_space<hbm>> -> memref<4096xf32, #tpu.memory_space<hbm>>
    %dma_wait3A_200 = tpu.memref_slice %arg27[%dma_wait3A_198] : memref<2x!tpu.dma_semaphore, #tpu.memory_space<semaphore_mem>> -> memref<1x!tpu.dma_semaphore, #tpu.memory_space<semaphore_mem>>
    %dma_wait3A_201 = tpu.memref_squeeze %dma_wait3A_200 : memref<1x!tpu.dma_semaphore, #tpu.memory_space<semaphore_mem>> -> memref<!tpu.dma_semaphore, #tpu.memory_space<semaphore_mem>>
    %dma_wait3A_202 = tpu.memref_slice %arg6[%add3A_197] : memref<4194304xf32, #tpu.memory_space<hbm>> -> memref<4096xf32, #tpu.memory_space<hbm>>
    tpu.wait_dma2 semaphore(%dma_wait3A_201 : memref<!tpu.dma_semaphore, #tpu.memory_space<semaphore_mem>>) src(%arg23 : memref<4096xf32, #tpu.memory_space<vmem>>) dst(%dma_wait3A_202 : memref<4096xf32, #tpu.memory_space<hbm>>)
    %add3A_203 = arith.constant 126976 : i32
    %add3A_204 = arith.addi %mul3A_2, %add3A_203 : i32
    %dma_wait3A_205 = arith.constant 1 : i32
    %dma_wait3A_206 = tpu.memref_slice %arg6[%add3A_204] : memref<4194304xf32, #tpu.memory_space<hbm>> -> memref<4096xf32, #tpu.memory_space<hbm>>
    %dma_wait3A_207 = tpu.memref_slice %arg27[%dma_wait3A_205] : memref<2x!tpu.dma_semaphore, #tpu.memory_space<semaphore_mem>> -> memref<1x!tpu.dma_semaphore, #tpu.memory_space<semaphore_mem>>
    %dma_wait3A_208 = tpu.memref_squeeze %dma_wait3A_207 : memref<1x!tpu.dma_semaphore, #tpu.memory_space<semaphore_mem>> -> memref<!tpu.dma_semaphore, #tpu.memory_space<semaphore_mem>>
    %dma_wait3A_209 = tpu.memref_slice %arg6[%add3A_204] : memref<4194304xf32, #tpu.memory_space<hbm>> -> memref<4096xf32, #tpu.memory_space<hbm>>
    tpu.wait_dma2 semaphore(%dma_wait3A_208 : memref<!tpu.dma_semaphore, #tpu.memory_space<semaphore_mem>>) src(%arg24 : memref<4096xf32, #tpu.memory_space<vmem>>) dst(%dma_wait3A_209 : memref<4096xf32, #tpu.memory_space<hbm>>)
    %add3A_210 = arith.constant 126976 : i32
    %add3A_211 = arith.addi %mul3A_2, %add3A_210 : i32
    %mul3A_212 = arith.constant 3 : i32
    %mul3A_213 = arith.muli %add3A_211, %mul3A_212 : i32
    %dma_wait3A_214 = arith.constant 0 : i32
    %dma_wait3A_215 = tpu.memref_slice %arg4[%mul3A_213] : memref<12582912xf32, #tpu.memory_space<hbm>> -> memref<12288xf32, #tpu.memory_space<hbm>>
    %dma_wait3A_216 = tpu.memref_slice %arg25[%dma_wait3A_214] : memref<2x!tpu.dma_semaphore, #tpu.memory_space<semaphore_mem>> -> memref<1x!tpu.dma_semaphore, #tpu.memory_space<semaphore_mem>>
    %dma_wait3A_217 = tpu.memref_squeeze %dma_wait3A_216 : memref<1x!tpu.dma_semaphore, #tpu.memory_space<semaphore_mem>> -> memref<!tpu.dma_semaphore, #tpu.memory_space<semaphore_mem>>
    %dma_wait3A_218 = tpu.memref_slice %arg4[%mul3A_213] : memref<12582912xf32, #tpu.memory_space<hbm>> -> memref<12288xf32, #tpu.memory_space<hbm>>
    tpu.wait_dma2 semaphore(%dma_wait3A_217 : memref<!tpu.dma_semaphore, #tpu.memory_space<semaphore_mem>>) src(%dma_wait3A_218 : memref<12288xf32, #tpu.memory_space<hbm>>) dst(%arg7 : memref<12288xf32, #tpu.memory_space<vmem>>)
    %dma_wait3A_219 = arith.constant 0 : i32
    %dma_wait3A_220 = tpu.memref_slice %arg5[%add3A_211] : memref<4194304xf32, #tpu.memory_space<hbm>> -> memref<4096xf32, #tpu.memory_space<hbm>>
    %dma_wait3A_221 = tpu.memref_slice %arg25[%dma_wait3A_219] : memref<2x!tpu.dma_semaphore, #tpu.memory_space<semaphore_mem>> -> memref<1x!tpu.dma_semaphore, #tpu.memory_space<semaphore_mem>>
    %dma_wait3A_222 = tpu.memref_squeeze %dma_wait3A_221 : memref<1x!tpu.dma_semaphore, #tpu.memory_space<semaphore_mem>> -> memref<!tpu.dma_semaphore, #tpu.memory_space<semaphore_mem>>
    %dma_wait3A_223 = tpu.memref_slice %arg5[%add3A_211] : memref<4194304xf32, #tpu.memory_space<hbm>> -> memref<4096xf32, #tpu.memory_space<hbm>>
    tpu.wait_dma2 semaphore(%dma_wait3A_222 : memref<!tpu.dma_semaphore, #tpu.memory_space<semaphore_mem>>) src(%dma_wait3A_223 : memref<4096xf32, #tpu.memory_space<hbm>>) dst(%arg11 : memref<4096xf32, #tpu.memory_space<vmem>>)
    %add3A_224 = arith.constant 126976 : i32
    %add3A_225 = arith.addi %mul3A_2, %add3A_224 : i32
    %mul3A_226 = arith.constant 3 : i32
    %mul3A_227 = arith.muli %add3A_225, %mul3A_226 : i32
    %dma_wait3A_228 = arith.constant 1 : i32
    %dma_wait3A_229 = tpu.memref_slice %arg4[%mul3A_227] : memref<12582912xf32, #tpu.memory_space<hbm>> -> memref<12288xf32, #tpu.memory_space<hbm>>
    %dma_wait3A_230 = tpu.memref_slice %arg25[%dma_wait3A_228] : memref<2x!tpu.dma_semaphore, #tpu.memory_space<semaphore_mem>> -> memref<1x!tpu.dma_semaphore, #tpu.memory_space<semaphore_mem>>
    %dma_wait3A_231 = tpu.memref_squeeze %dma_wait3A_230 : memref<1x!tpu.dma_semaphore, #tpu.memory_space<semaphore_mem>> -> memref<!tpu.dma_semaphore, #tpu.memory_space<semaphore_mem>>
    %dma_wait3A_232 = tpu.memref_slice %arg4[%mul3A_227] : memref<12582912xf32, #tpu.memory_space<hbm>> -> memref<12288xf32, #tpu.memory_space<hbm>>
    tpu.wait_dma2 semaphore(%dma_wait3A_231 : memref<!tpu.dma_semaphore, #tpu.memory_space<semaphore_mem>>) src(%dma_wait3A_232 : memref<12288xf32, #tpu.memory_space<hbm>>) dst(%arg8 : memref<12288xf32, #tpu.memory_space<vmem>>)
    %dma_wait3A_233 = arith.constant 1 : i32
    %dma_wait3A_234 = tpu.memref_slice %arg5[%add3A_225] : memref<4194304xf32, #tpu.memory_space<hbm>> -> memref<4096xf32, #tpu.memory_space<hbm>>
    %dma_wait3A_235 = tpu.memref_slice %arg25[%dma_wait3A_233] : memref<2x!tpu.dma_semaphore, #tpu.memory_space<semaphore_mem>> -> memref<1x!tpu.dma_semaphore, #tpu.memory_space<semaphore_mem>>
    %dma_wait3A_236 = tpu.memref_squeeze %dma_wait3A_235 : memref<1x!tpu.dma_semaphore, #tpu.memory_space<semaphore_mem>> -> memref<!tpu.dma_semaphore, #tpu.memory_space<semaphore_mem>>
    %dma_wait3A_237 = tpu.memref_slice %arg5[%add3A_225] : memref<4194304xf32, #tpu.memory_space<hbm>> -> memref<4096xf32, #tpu.memory_space<hbm>>
    tpu.wait_dma2 semaphore(%dma_wait3A_236 : memref<!tpu.dma_semaphore, #tpu.memory_space<semaphore_mem>>) src(%dma_wait3A_237 : memref<4096xf32, #tpu.memory_space<hbm>>) dst(%arg12 : memref<4096xf32, #tpu.memory_space<vmem>>)
    return
  }
}

</mosaic_0001>

<sc_bundles>
// kernel: _occ_mask_sc.3.cloned.1.call-start
scs
__scs_entry_jumppad:
0x0: {  	(pc) =	sbr.rel $0x88, $3  }
0x1: {  	(tag) =	ssettag $0x0;
	lr =	simm.s32 $0x1  }
0x2: {  	[smem:$0x3F9D] =	sst lr;
	_ =	strace $0xD0000000  }
0x3: {  	_ = 	snop  }
0x4: {  	_ = 	snop  }
0x5: {  	_ = 	snop  }
0x6: {  	_ = 	snop  }
0x7: {  	_ = 	snop  }
__scs_overlays_trampoline_lowered:
0x8: {  	[smem:$0x3FAC] =	sst s0  }
0x9: {  	[smem:$0x3FAD] =	sst s1  }
0xa: {  	[smem:$0x3FAE] =	sst s2  }
0xb: {  	[smem:$0x3FAF] =	sst s3  }
0xc: {  	[smem:$0x3FB0] =	sst s4  }
0xd: {  	[smem:$0x3FB1] =	sst s5  }
0xe: {  	[smem:$0x3FB2] =	sst s6  }
0xf: {  	[smem:$0x3FB3] =	sst s7  }
0x10: {  	[smem:$0x3FB4] =	sst s8  }
0x11: {  	[smem:$0x3FB5] =	sst s9;
	s0 =	simm.s32 @!p0 $0x0  }
0x12: {  	s1 =	sld [smem:$0x3F9B];
	s0 =	simm.s32 @p0 $0x1  }
0x13: {  	[smem:$0x3FB6] =	sst s0;
	s0 =	simm.s32 @!p1 $0x0  }
0x14: {  	s2 =	sld [smem:$0x3F9A];
	s0 =	simm.s32 @p1 $0x1  }
0x15: {  	[smem:$0x3FB7] =	sst s0;
	s0 =	simm.s32 @!p2 $0x0  }
0x16: {  	s3 =	sld [smem:$0x3FDB];
	s0 =	simm.s32 @p2 $0x1  }
0x17: {  	s4 =	simm.s32 $0x1BF5;
	[smem:$0x3FB9] =	sst s0  }
0x18: {  	s0 =	sld [smem:$0x3F9C];
	_ =	swait.ge [sflag:s4], $0x0  }
0x19: {  	s7 =	sld [smem:$0x3F9D]  }
0x1a: {  	s8 =	sadd.s32 $0xFFFFE003, lr  }
0x1b: {  	s9 =	sadd.s32 $0xFFFFFEF7, lr;
	s5 =	simm.s32 $0xFFFFFFFF;
	p2 =	slt.u32 s8, $0xFFFFF086  }
0x1c: {  	p1 =	slt.u32 s9, $0xF7A;
	s5 =	simm.s32 @!p2 $0x0  }
0x1d: {  	s5 =	simm.s32 @p1 $0x1;
	p0 =	seq.s32 s7, s2  }
0x1e: {  	s7 =	smul.u32 @!p0 $0xF7A, s2;
	p2 =	seq.s32 @!p0 s5, $0x0  }
0x1f: {  	s9 =	smul.u32 $0xF7A, s1;
	s8 =	simm.s32 @!p0 $0x1BF5;
	p2 =	por !p2, p0  }
0x20: {  	[sflag:s8] =	ssyncset.s32 @!p0 $0xFFFFF086;
	s6 =	sadd.s32 @!p0 s3, s7;
	s7 =	simm.s32 @!p0 $0x108  }
0x21: {  	s3 =	sadd.s32 s3, s9;
	s6 =	sadd.s32 @!p0 $0x88, s6;
	s7 =	simm.s32 @p2 $0x1082  }
0x22: {  	[simem:s7], [sflag:s8] =	dma.local @!p0 [hbm:s6], $0xF7A  }
0x23: {  	s9 =	sor.u32 $0xD0000000, s2;
	s6 =	simm.s32 $0x108;
	_ =	swait.ge @!p0 [sflag:s8], $0x0  }
0x24: {  	s3 =	sadd.s32 $0x88, s3;
	s6 =	simm.s32 @!p1 $0x1082;
	[sflag:s4] =	ssyncset.s32 $0xFFFFF086  }
0x25: {  	[simem:s6], [sflag:s4] =	dma.local [hbm:s3], $0xF7A  }
0x26: {  	[smem:$0x3F9D] =	sst s1;
	(tag) =	ssettag s2;
	_ =	strace s9  }
0x27: {  	s1 =	sld [smem:$0x3FAD]  }
0x28: {  	s2 =	sld [smem:$0x3FAE]  }
0x29: {  	s4 =	sld [smem:$0x3FB0]  }
0x2a: {  	p0 =	seq.s32 s5, $0x0;
	s5 =	sld [smem:$0x3FB1]  }
0x2b: {  	s6 =	sld [smem:$0x3FB2]  }
0x2c: {  	s7 =	sld [smem:$0x3FB3]  }
0x2d: {  	s3 =	simm.s32 $0x108;
	s8 =	sld [smem:$0x3FB4]  }
0x2e: {  	s3 =	simm.s32 @!p0 $0x1082;
	s9 =	sld [smem:$0x3FB5]  }
0x2f: {  	lr =	sadd.s32 s0, s3;
	s0 =	sld [smem:$0x3FAC]  }
0x30: {  	s3 =	sld [smem:$0x3FAF]  }
0x31: {  	[smem:$0x3FB8] =	sst s10  }
0x32: {  	s10 =	sld [smem:$0x3FB6];
	_ =	sdelay $0x3  }
0x33: {  	p0 =	seq.s32 s10, $0x1;
	s10 =	sld [smem:$0x3FB8];
	_ =	sdelay $0x3  }
0x34: {  	[smem:$0x3FB8] =	sst s10  }
0x35: {  	s10 =	sld [smem:$0x3FB7];
	_ =	sdelay $0x3  }
0x36: {  	p1 =	seq.s32 s10, $0x1;
	s10 =	sld [smem:$0x3FB8];
	_ =	sdelay $0x3  }
0x37: {  	[smem:$0x3FB8] =	sst s10  }
0x38: {  	s10 =	sld [smem:$0x3FB9]  }
0x39: {  	_ = 	snop;
	(pc) =	sbr.ind lr, $3  }
0x3a: {  	_ = 	snop  }
0x3b: {  	_ = 	snop  }
0x3c: {  	p2 =	seq.s32 s10, $0x1;
	s10 =	sld [smem:$0x3FB8]  }
0x3d: {  	_ =	shalt  }
0x3e: {  	_ =	shalt  }
0x3f: {  	_ =	shalt  }
0x40: {  	_ =	shalt  }
0x41: {  	_ =	shalt  }
0x42: {  	_ =	shalt  }
0x43: {  	_ =	shalt  }
0x44: {  	_ =	shalt  }
0x45: {  	_ =	shalt  }
0x46: {  	_ =	shalt  }
0x47: {  	_ =	shalt  }
0x48: {  	_ =	shalt  }
0x49: {  	_ =	shalt  }
0x4a: {  	_ =	shalt  }
0x4b: {  	_ =	shalt  }
0x4c: {  	_ =	shalt  }
0x4d: {  	_ =	shalt  }
0x4e: {  	_ =	shalt  }
0x4f: {  	_ =	shalt  }
0x50: {  	_ =	shalt  }
0x51: {  	_ =	shalt  }
0x52: {  	_ =	shalt  }
0x53: {  	_ =	shalt  }
0x54: {  	_ =	shalt  }
0x55: {  	_ =	shalt  }
0x56: {  	_ =	shalt  }
0x57: {  	_ =	shalt  }
0x58: {  	_ =	shalt  }
0x59: {  	_ =	shalt  }
0x5a: {  	_ =	shalt  }
0x5b: {  	_ =	shalt  }
0x5c: {  	_ =	shalt  }
0x5d: {  	_ =	shalt  }
0x5e: {  	_ =	shalt  }
0x5f: {  	_ =	shalt  }
0x60: {  	_ =	shalt  }
0x61: {  	_ =	shalt  }
0x62: {  	_ =	shalt  }
0x63: {  	_ =	shalt  }
0x64: {  	_ =	shalt  }
0x65: {  	_ =	shalt  }
0x66: {  	_ =	shalt  }
0x67: {  	_ =	shalt  }
0x68: {  	_ =	shalt  }
0x69: {  	_ =	shalt  }
0x6a: {  	_ =	shalt  }
0x6b: {  	_ =	shalt  }
0x6c: {  	_ =	shalt  }
0x6d: {  	_ =	shalt  }
0x6e: {  	_ =	shalt  }
0x6f: {  	_ =	shalt  }
0x70: {  	_ =	shalt  }
0x71: {  	_ =	shalt  }
0x72: {  	_ =	shalt  }
0x73: {  	_ =	shalt  }
0x74: {  	_ =	shalt  }
0x75: {  	_ =	shalt  }
0x76: {  	_ =	shalt  }
0x77: {  	_ =	shalt  }
0x78: {  	_ =	shalt  }
0x79: {  	_ =	shalt  }
0x7a: {  	_ =	shalt  }
0x7b: {  	_ =	shalt  }
0x7c: {  	_ =	shalt  }
0x7d: {  	_ =	shalt  }
0x7e: {  	_ =	shalt  }
0x7f: {  	_ =	shalt  }
0x80: {  	_ =	shalt  }
0x81: {  	_ =	shalt  }
0x82: {  	_ =	shalt  }
0x83: {  	_ =	shalt  }
0x84: {  	_ =	shalt  }
0x85: {  	_ =	shalt  }
0x86: {  	_ =	shalt  }
0x87: {  	_ =	shalt  }
.Lfunc_end0:
.L_simem_size_0:
called_computation_lowered:
.L_overlay_start_0:
0x88: {  	s2 =	sld [smem:$0x3FD9]  }
0x89: {  	s3 =	sld [smem:$0x3FFE];
	_ =	sdelay $0x1  }
0x8a: {  	s1 =	srdreg.scid  }
0x8b: {  	s0 =	sand.u32 $0x1, s1  }
0x8c: {  	s18 =	sshll.u32 s0, $0xA;
	s2 =	sadd.s32 s3, s2  }
0x8d: {  	s2 =	sadd.s32 s2, s18  }
0x8e: {  	[smem:$0x3FC4] =	sst s2  }
0x8f: {  	_ = 	snop  }
0x90: {  	s2 =	sld [smem:$0x3FC9]  }
0x91: {  	s19 =	sld [smem:$0x3FC8]  }
0x92: {  	s4 =	sld [smem:$0x3FC7]  }
0x93: {  	s5 =	sld [smem:$0x3FC6]  }
0x94: {  	s6 =	sld [smem:$0x3FD0];
	(tm) =	ssettm $0x1  }
0x95: {  	s7 =	sld [smem:$0x3FFB];
	_ =	sdelay $0x3  }
0x96: {  	_ =	strace s7  }
0x97: {  	s7 =	sld [smem:$0x3FFC];
	_ =	sdelay $0x3  }
0x98: {  	_ =	strace s7  }
0x99: {  	s7 =	sld [smem:$0x3FFD];
	_ =	sdelay $0x3  }
0x9a: {  	_ =	strace s7  }
0x9b: {  	_ =	strace $0x8FFFFFFF  }
0x9c: {  	s20 =	sld [smem:$0x3FDB];
	_ =	sdelay $0x1  }
0x9d: {  	s8 =	simm.s32 $_scs_section_size  }
0x9e: {  	s9 =	simm.s32 $_size__tile_overlayer_lowered;
	s10 =	simm.s32 $_tile_overlayer_lowered  }
0x9f: {  	s23 =	simm.s32 $0x1BFF;
	s22 =	sshll.u32 s10, $0x1;
	s7 =	sadd.s32 s8, s20  }
0xa0: {  	s11 =	simm.s32 $0x0;
	s21 =	sshll.u32 s9, $0x1;
	s9 =	sadd.s32 s22, s7  }
0xa1: {  	[timem:s11], [sflag:s23] =	dma.local [hbm:s9], s21  }
0xa2: {  	_ =	swait.ge [sflag:s23], s21  }
0xa3: {  	s8 =	ssub.s32 $0x0, s21;
	[sflag:s23] =	ssyncset.done $0x0  }
0xa4: {  	[sflag:s23] =	ssyncadd.s32 s8;
	_ =	sdelay $0x1  }
0xa5: {  	s24 =	simm.s32 $0x1B8B  }
0xa6: {  	_ =	swait.ge [sflag:s24], $0x1  }
0xa7: {  	[sflag:s24] =	ssyncset.done $0x0  }
0xa8: {  	s25 =	simm.s32 $0x1B8E;
	[sflag:s24] =	ssyncadd.s32 $0xFFFFFFFF  }
0xa9: {  	s26 =	simm.s32 $execute0_lowered;
	[smem:$0x3FD2] =	sst s25  }
0xaa: {  	s8 =	sshll.u32 s26, $0x1;
	_ =	strace $0x80000046;
	[dreg:$0x1] =	wrdreg $0xFFFFFFFF  }
0xab: {  	s28 =	simm.s32 $_size_execute0_lowered;
	s7 =	sadd.s32 s7, s8;
	[dreg:$0x0] =	wrdreg $0x0  }
0xac: {  	s8 =	sshll.u32 s28, $0x1;
	[dreg:$0x2] =	wrdreg s7  }
0xad: {  	[dreg:$0x3] =	wrdreg s8  }
0xae: {  	[dreg:$0x4] =	wrdreg $0xC0  }
0xaf: {  	_ =	task [dreg:s11], $0x5FFFF  }
0xb0: {  	[dreg:$0x1] =	wrdreg $0xFFFFFFFF  }
0xb1: {  	[dreg:$0x0] =	wrdreg $0x60  }
0xb2: {  	[dreg:$0x2] =	wrdreg s2  }
0xb3: {  	[dreg:$0x3] =	wrdreg s19  }
0xb4: {  	[dreg:$0x4] =	wrdreg s4  }
0xb5: {  	[dreg:$0x5] =	wrdreg s5  }
0xb6: {  	[dreg:$0x6] =	wrdreg s6  }
0xb7: {  	[dreg:$0x7] =	wrdreg $0x9  }
0xb8: {  	_ =	task.clear_ibuf [dreg:s11], $0x8FFFF;
	_ =	strace $0x90000046  }
0xb9: {  	s29 =	simm.s32 $0x9;
	_ =	strace $0x80000048  }
0xba: {  	_ =	swait.ge [sflag:s29], $0x1  }
0xbb: {  	[sflag:s29] =	ssyncadd.s32 $0xFFFFFFFF  }
0xbc: {  	_ =	strace $0x90000048  }
0xbd: {  	_ =	sfence  }
0xbe: {  	s30 =	sld [smem:$0x0];
	_ =	sdelay $0x2  }
0xbf: {  	s31 =	sshll.u32 s1, $0xD;
	s1 =	sshrl.u32 s1, $0x2  }
0xc0: {  	s3 =	sand.u32 $0x4000, s31;
	s1 =	sadd.s32 s1, s30  }
0xc1: {  	s0 =	sor.u32 s3, s0;
	s1 =	sshll.u32 s1, $0x11  }
0xc2: {  	s0 =	sor.u32 s1, s0  }
0xc3: {  	s0 =	sadd.s32 $0x8F2B, s0  }
0xc4: {  	[sflag:s0] =	ssyncadd.remote.s32 $0x1  }
0xc5: {  	_ =	sfence.sel $0xFFFF  }
0xc6: {  	[dreg:$0x0] =	wrdreg $0xFFFFFFFF;
	(pc) =	sbr.abs _section_cstart, $3  }
0xc7: {  	[dreg:$0x1] =	wrdreg $0xFFFFFFFF  }
0xc8: {  	_ =	task.clear_ibuf [dreg:s11], $0x2FFFF;
	_ =	strace $0x9FFFFFFF  }
0xc9: {  	(tm) =	ssettm $0x7FFFFFFF  }
tec
execute0_lowered:
.L_overlay_start_1:
0x0: {  	(tag) =	ssettag $0x1  }
0x1: {  	s1 =	rddreg [dreg:$0x0]  }
0x2: {  	s2 =	rddreg [dreg:$0x1]  }
0x3: {  	s28 =	rddreg [dreg:$0x2]  }
0x4: {  	s0 =	srdreg.scid;
	s9 =	rddreg [dreg:$0x3]  }
0x5: {  	s3 =	stileid.u32;
	s10 =	rddreg [dreg:$0x4]  }
0x6: {  	s7 =	simm.s32 $0x0;
	s20 =	simm.s32 $0x3000;
	s29 =	simm.s32 $0x13600  }
0x7: {  	s17 =	simm.s32 $0x13800;
	s15 =	simm.s32 $0x13A00;
	s12 =	simm.s32 $0x13C00  }
0x8: {  	s16 =	simm.s32 $0x13E00;
	s14 =	simm.s32 $0x3;
	s19 =	simm.s32 $0x4  }
0x9: {  	s0 =	sand.u32 $0x1, s0;
	s3 =	sshll.u32 s3, $0x1;
	[smem:$0x7FF] =	sst s7  }
0xa: {  	s3 =	sor.u32 s0, s3;
	s0 =	ssub.s32 $0x2, s0;
	_ =	strace $0x80000047  }
0xb: {  	s11 =	sshll.u32 s3, $0x11;
	s4 =	smul.u32 $0xC000, s3;
	s3 =	sshll.u32 s3, $0xE  }
0xc: {  	s6 =	sshrl.u32 s0, $0x1;
	s23 =	sadd.s32 s9, s3;
	[dreg:$0x6] =	wrdreg s11  }
0xd: {  	s5 =	sor.u32 $0x1000, s11;
	s25 =	sor.u32 $0x2000, s11;
	[dreg:$0x8] =	wrdreg s23  }
0xe: {  	s0 =	ssub.s32 s0, s6;
	s26 =	sadd.s32 $0xFFFFF000, s11;
	[dreg:$0xb] =	wrdreg s25  }
0xf: {  	s3 =	sadd.s32 s3, s10;
	s30 =	sor.u32 $0x4000, s11;
	[dreg:$0xc] =	wrdreg s26  }
0x10: {  	s31 =	sor.u32 $0x5000, s11;
	s8 =	smul.u32 $0x3, s5;
	[dreg:$0xd] =	wrdreg s30  }
0x11: {  	s4 =	sadd.s32 s28, s4;
	s5 =	sshrl.u32 s5, $0x3;
	[dreg:$0xe] =	wrdreg s31  }
0x12: {  	s3 =	sadd.s32 $0x3E00, s3;
	s0 =	smax.u32 s0, $0x1;
	[dreg:$0x7] =	wrdreg s4  }
0x13: {  	s23 =	simm.s32 $0x6000;
	s25 =	simm.s32 $0x200;
	[dreg:$0xf] =	wrdreg s3  }
0x14: {  	v0 =	vlaneseq.u32;
	s24 =	sadd.s32 s9, s5;
	[dreg:$0x10] =	wrdreg s0;
	s9 =	simm.s32 $0x9000  }
0x15: {  	v0 =	vmul.u32 $0x3, v0;
	s3 =	simm.s32 $0x0;
	s22 =	sshrl.u32 s8, $0x3;
	[dreg:$0xa] =	wrdreg s24  }
0x16: {  	s24 =	simm.s32 $0x13200;
	s8 =	simm.s32 $0x13400;
	s4 =	sadd.s32 s28, s22  }
0x17: {  	v3 =	vimm.f32 $1.000000000e+00;
	v1 =	vadd.s32 $0x1, v0;
	v2 =	vadd.s32 $0x2, v0;
	s22 =	simm.s32 $0x1;
	[dreg:$0x9] =	wrdreg s4;
	s4 =	simm.s32 $0x2  }
.LBB2_1:
0x18: {  	[dreg:$0x11] =	wrdreg s3  }
0x19: {  	s0 =	rddreg [dreg:$0x7]  }
0x1a: {  	[tilespmem:s7], [sflag:$0x1] =	stream.linear.gather [hbm4b:s0+s7], $0x3000, $0x38;
	[tilespmem:$0x1A000] =	vst v63  }
0x1b: {  	s13 =	rddreg [dreg:$0x8];
	s18 =	simm.s32 $0xC000  }
0x1c: {  	[tilespmem:s18], [sflag:$0x1] =	stream.linear.gather [hbm4b:s13+s7], $0x1000, $0x38;
	[tilespmem:$0x1A000] =	vst v63  }
0x1d: {  	s21 =	rddreg [dreg:$0x9]  }
0x1e: {  	[tilespmem:s20], [sflag:$0x2] =	stream.linear.gather [hbm4b:s21+s7], $0x3000, $0x38;
	[tilespmem:$0x1A000] =	vst v63  }
0x1f: {  	s26 =	rddreg [dreg:$0xa];
	s30 =	simm.s32 $0xD000;
	s31 =	simm.s32 $0x0  }
0x20: {  	[tilespmem:s30], [sflag:$0x2] =	stream.linear.gather [hbm4b:s26+s7], $0x1000, $0x38;
	[tilespmem:$0x1A000] =	vst v63  }
.LBB2_2:
0x21: {  	_ =	swait.ge [sflag:s22], $0x3000  }
0x22: {  	s3 =	sshll.u32 s31, $0xE;
	[sflag:s22] =	ssyncset.done $0x0;
	s0 =	rddreg [dreg:$0xb]  }
0x23: {  	s0 =	sadd.s32 s0, s3;
	[sflag:s22] =	ssyncadd.s32 $0xFFFFD000  }
0x24: {  	s5 =	smul.u32 $0x3, s0;
	_ =	swait.ge [sflag:s22], $0x1000  }
0x25: {  	s11 =	simm.s32 $0x0;
	[sflag:s22] =	ssyncset.done $0x0  }
0x26: {  	v4 =	vadd.s32 s11, v0;
	s5 =	sshrl.u32 s5, $0x3;
	[sflag:s22] =	ssyncadd.s32 $0xFFFFF000  }
0x27: {  	v5 =	vadd.s32 s11, v1;
	s6 =	sshrl.u32 s0, $0x3;
	s5 =	sadd.s32 s28, s5;
	s18 =	rddreg [dreg:$0x3]  }
0x28: {  	v6 =	vadd.s32 s11, v2;
	[tilespmem:s23], [sflag:$0x1] =	stream.linear.gather [hbm4b:s5+s7], $0x3000, $0x38;
	[tilespmem:$0x1A000] =	vst v63  }
0x29: {  	s21 =	simm.s32 $0xE000;
	s0 =	sadd.s32 s18, s6  }
0x2a: {  	[tilespmem:s21], [sflag:$0x1] =	stream.linear.gather [hbm4b:s0+s7], $0x1000, $0x38;
	[tilespmem:$0x1A000] =	vst v63  }
0x2b: {  	v4 =	vld.idx.msk [tilespmem:v4+s7+$0x0], $0xffff  }
0x2c: {  	v5 =	vld.idx.msk [tilespmem:v5+s7+$0x0], $0xffff  }
0x2d: {  	v6 =	vld.idx.msk [tilespmem:v6+s7+$0x0], $0xffff;
	_ =	sdelay $0x3  }
0x2e: {  	v7 =	vand.u32 $0x7FFFFFFF, v4;
	v8 =	vand.u32 $0x7FFFFFFF, v5  }
0x2f: {  	v7 =	vmax.f32 v7, v8;
	v8 =	vand.u32 $0x7FFFFFFF, v6  }
0x30: {  	v7 =	vmax.f32 v7, v8  }
0x31: {  	v8 =	vmax.f32 v7, $9.999999710e-10  }
0x32: {  	(erf) = vrcp.f32 v8;
	_ =	sdelay $0x8  }
0x33: {  	v8 =	vpop (erf)  }
0x34: {  	v9 =	vsub.f32 $2.000000000e+00, v8;
	_ =	sdelay $0x1  }
0x35: {  	v8 =	vmul.f32 v9, v8  }
0x36: {  	vm0 =	vle.f32 v7, $1.000000000e+00  }
0x37: {  	v7 =	vsel vm0, $0x3F800000, v8  }
0x38: {  	v4 =	vmul.f32 v7, v4  }
0x39: {  	v5 =	vmul.f32 v7, v5  }
0x3a: {  	v4 =	vadd.f32 $2.000000000e+00, v4  }
0x3b: {  	v5 =	vadd.f32 $2.000000000e+00, v5  }
0x3c: {  	v4 =	vmul.f32 $2.560000000e+02, v4  }
0x3d: {  	v5 =	vmul.f32 $2.560000000e+02, v5  }
0x3e: {  	v4 =	vmin.f32 v4, $1.023000000e+03  }
0x3f: {  	s26 =	simm.s32 $0x30;
	v5 =	vmin.f32 v5, $1.023000000e+03;
	v4 =	vtrunc.f32 v4  }
0x40: {  	v8 =	vadd.s32 s26, v0;
	v5 =	vtrunc.f32 v5;
	v4 =	vcvt.f32.s32 v4  }
0x41: {  	v6 =	vmul.f32 v7, v6;
	v7 =	vadd.s32 s26, v1;
	v5 =	vcvt.f32.s32 v5  }
0x42: {  	s5 =	simm.s32 $0x10010;
	v9 =	vadd.s32 s26, v2;
	v4 =	vshll.u32 v4, $0xA  }
0x43: {  	s26 =	simm.s32 $0x12010;
	[tilespmem:s5+$0xFFFFFFF0] =	vst v6;
	v4 =	vadd.s32 v5, v4  }
0x44: {  	[tilespmem:s26+$0xFFFFFFF0] =	vst v4  }
0x45: {  	v4 =	vld.idx.msk [tilespmem:v8+s7+$0x0], $0xffff  }
0x46: {  	v5 =	vld.idx.msk [tilespmem:v7+s7+$0x0], $0xffff  }
0x47: {  	v6 =	vld.idx.msk [tilespmem:v9+s7+$0x0], $0xffff;
	_ =	sdelay $0x3  }
0x48: {  	v7 =	vand.u32 $0x7FFFFFFF, v4;
	v8 =	vand.u32 $0x7FFFFFFF, v5  }
0x49: {  	v7 =	vmax.f32 v7, v8;
	v8 =	vand.u32 $0x7FFFFFFF, v6  }
0x4a: {  	v7 =	vmax.f32 v7, v8  }
0x4b: {  	v8 =	vmax.f32 v7, $9.999999710e-10  }
0x4c: {  	(erf) = vrcp.f32 v8;
	_ =	sdelay $0x8  }
0x4d: {  	v8 =	vpop (erf)  }
0x4e: {  	v9 =	vsub.f32 $2.000000000e+00, v8;
	_ =	sdelay $0x1  }
0x4f: {  	v8 =	vmul.f32 v9, v8  }
0x50: {  	vm15 =	vle.f32 v7, $1.000000000e+00  }
0x51: {  	v7 =	vsel vm15, $0x3F800000, v8  }
0x52: {  	v4 =	vmul.f32 v7, v4;
	v5 =	vmul.f32 v7, v5;
	_ =	sdelay $0x1  }
0x53: {  	s13 =	simm.s32 $0x60;
	v6 =	vmul.f32 v7, v6;
	v7 =	vadd.f32 $2.000000000e+00, v4;
	v8 =	vadd.f32 $2.000000000e+00, v5  }
0x54: {  	v5 =	vadd.s32 s13, v0;
	v4 =	vadd.s32 s13, v1  }
0x55: {  	s30 =	simm.s32 $0x12010;
	s11 =	simm.s32 $0x2;
	s0 =	simm.s32 $0x90;
	[tilespmem:s5+$0x0] =	vst v6;
	v6 =	vadd.s32 s13, v2;
	v7 =	vmul.f32 $2.560000000e+02, v7;
	v8 =	vmul.f32 $2.560000000e+02, v8  }
.LBB2_3:
0x56: {  	s11 =	sadd.s32 $0x2, s11;
	s5 =	sadd.s32 $0x20, s5;
	s26 =	sadd.s32 $0x20, s26  }
0x57: {  	p0 =	slt.u32 s11, $0xFE;
	v7 =	vmin.f32 v7, $1.023000000e+03;
	v8 =	vmin.f32 v8, $1.023000000e+03  }
0x58: {  	v7 =	vtrunc.f32 v7;
	v8 =	vtrunc.f32 v8  }
0x59: {  	v7 =	vcvt.f32.s32 v7;
	v8 =	vcvt.f32.s32 v8;
	_ =	sdelay $0x1  }
0x5a: {  	v7 =	vshll.u32 v7, $0xA  }
0x5b: {  	v7 =	vadd.s32 v8, v7  }
0x5c: {  	[tilespmem:s30+$0x0] =	vst v7;
	s30 =	smov.u32 s26  }
0x5d: {  	v5 =	vld.idx.msk [tilespmem:v5+s7+$0x0], $0xffff  }
0x5e: {  	v4 =	vld.idx.msk [tilespmem:v4+s7+$0x0], $0xffff  }
0x5f: {  	v6 =	vld.idx.msk [tilespmem:v6+s7+$0x0], $0xffff;
	_ =	sdelay $0x4  }
0x60: {  	v7 =	vand.u32 $0x7FFFFFFF, v5;
	v8 =	vand.u32 $0x7FFFFFFF, v4  }
0x61: {  	v7 =	vmax.f32 v7, v8;
	v8 =	vand.u32 $0x7FFFFFFF, v6  }
0x62: {  	v7 =	vmax.f32 v7, v8  }
0x63: {  	v8 =	vmax.f32 v7, $9.999999710e-10  }
0x64: {  	(erf) = vrcp.f32 v8;
	_ =	sdelay $0x8  }
0x65: {  	v8 =	vpop (erf)  }
0x66: {  	v9 =	vsub.f32 $2.000000000e+00, v8;
	_ =	sdelay $0x1  }
0x67: {  	v8 =	vmul.f32 v9, v8  }
0x68: {  	vm0 =	vle.f32 v7, $1.000000000e+00  }
0x69: {  	v7 =	vsel vm0, $0x3F800000, v8  }
0x6a: {  	v5 =	vmul.f32 v7, v5;
	v4 =	vmul.f32 v7, v4  }
0x6b: {  	v6 =	vmul.f32 v7, v6  }
0x6c: {  	v5 =	vadd.f32 $2.000000000e+00, v5;
	v4 =	vadd.f32 $2.000000000e+00, v4;
	_ =	sdelay $0x1  }
0x6d: {  	v5 =	vmul.f32 $2.560000000e+02, v5;
	v4 =	vmul.f32 $2.560000000e+02, v4;
	_ =	sdelay $0x1  }
0x6e: {  	v5 =	vmin.f32 v5, $1.023000000e+03;
	v4 =	vmin.f32 v4, $1.023000000e+03  }
0x6f: {  	v5 =	vtrunc.f32 v5;
	v4 =	vtrunc.f32 v4  }
0x70: {  	v7 =	vadd.s32 s0, v0;
	v5 =	vcvt.f32.s32 v5  }
0x71: {  	v8 =	vadd.s32 s0, v1;
	v4 =	vcvt.f32.s32 v4  }
0x72: {  	v9 =	vadd.s32 s0, v2;
	v5 =	vshll.u32 v5, $0xA  }
0x73: {  	v4 =	vadd.s32 v4, v5;
	[tilespmem:s5+$0xFFFFFFF0] =	vst v6  }
0x74: {  	[tilespmem:s26+$0xFFFFFFF0] =	vst v4  }
0x75: {  	v4 =	vld.idx.msk [tilespmem:v7+s7+$0x0], $0xffff  }
0x76: {  	v5 =	vld.idx.msk [tilespmem:v8+s7+$0x0], $0xffff  }
0x77: {  	v6 =	vld.idx.msk [tilespmem:v9+s7+$0x0], $0xffff;
	_ =	sdelay $0x3  }
0x78: {  	v7 =	vand.u32 $0x7FFFFFFF, v4  }
0x79: {  	v8 =	vand.u32 $0x7FFFFFFF, v5  }
0x7a: {  	v7 =	vmax.f32 v7, v8;
	v8 =	vand.u32 $0x7FFFFFFF, v6  }
0x7b: {  	v7 =	vmax.f32 v7, v8  }
0x7c: {  	v8 =	vmax.f32 v7, $9.999999710e-10  }
0x7d: {  	(erf) = vrcp.f32 v8;
	_ =	sdelay $0x8  }
0x7e: {  	v8 =	vpop (erf)  }
0x7f: {  	v9 =	vsub.f32 $2.000000000e+00, v8;
	_ =	sdelay $0x1  }
0x80: {  	v8 =	vmul.f32 v9, v8  }
0x81: {  	vm0 =	vle.f32 v7, $1.000000000e+00  }
0x82: {  	v7 =	vsel vm0, $0x3F800000, v8  }
.Ltmp0:
0x83: {  	v4 =	vmul.f32 v7, v4;
	v5 =	vmul.f32 v7, v5;
	(pc) =	sbr.rel @p0 .LBB2_3-.Ltmp0, $4  }
0x84: {  	s0 =	sadd.s32 $0x60, s0;
	v6 =	vmul.f32 v7, v6  }
0x85: {  	s13 =	sadd.s32 $0xFFFFFFD0, s0;
	v7 =	vadd.f32 $2.000000000e+00, v4;
	v8 =	vadd.f32 $2.000000000e+00, v5  }
0x86: {  	v5 =	vadd.s32 s13, v0;
	v4 =	vadd.s32 s13, v1;
	[tilespmem:s5+$0x0] =	vst v6  }
0x87: {  	v6 =	vadd.s32 s13, v2;
	v7 =	vmul.f32 $2.560000000e+02, v7;
	v8 =	vmul.f32 $2.560000000e+02, v8  }
0x88: {  	_ = 	snop  }
0x89: {  	v7 =	vmin.f32 v7, $1.023000000e+03  }
0x8a: {  	v8 =	vmin.f32 v8, $1.023000000e+03;
	v7 =	vtrunc.f32 v7  }
0x8b: {  	v8 =	vtrunc.f32 v8;
	v7 =	vcvt.f32.s32 v7  }
0x8c: {  	v8 =	vcvt.f32.s32 v8  }
0x8d: {  	v7 =	vshll.u32 v7, $0xA  }
0x8e: {  	v7 =	vadd.s32 v8, v7  }
0x8f: {  	[tilespmem:s30+$0x0] =	vst v7  }
0x90: {  	v5 =	vld.idx.msk [tilespmem:v5+s7+$0x0], $0xffff  }
0x91: {  	v4 =	vld.idx.msk [tilespmem:v4+s7+$0x0], $0xffff  }
0x92: {  	v6 =	vld.idx.msk [tilespmem:v6+s7+$0x0], $0xffff;
	_ =	sdelay $0x3  }
0x93: {  	v54 =	vand.u32 $0x7FFFFFFF, v5;
	v55 =	vand.u32 $0x7FFFFFFF, v4  }
0x94: {  	v56 =	vand.u32 $0x7FFFFFFF, v6;
	v7 =	vmax.f32 v54, v55  }
0x95: {  	v7 =	vmax.f32 v7, v56  }
0x96: {  	v8 =	vmax.f32 v7, $9.999999710e-10  }
0x97: {  	(erf) = vrcp.f32 v8;
	_ =	sdelay $0x8  }
0x98: {  	v8 =	vpop (erf)  }
0x99: {  	v9 =	vsub.f32 $2.000000000e+00, v8;
	_ =	sdelay $0x1  }
0x9a: {  	v8 =	vmul.f32 v9, v8  }
0x9b: {  	vm0 =	vle.f32 v7, $1.000000000e+00  }
0x9c: {  	v7 =	vsel vm0, $0x3F800000, v8  }
0x9d: {  	v5 =	vmul.f32 v7, v5  }
0x9e: {  	v4 =	vmul.f32 v7, v4  }
0x9f: {  	v5 =	vadd.f32 $2.000000000e+00, v5  }
0xa0: {  	v4 =	vadd.f32 $2.000000000e+00, v4  }
0xa1: {  	v5 =	vmul.f32 $2.560000000e+02, v5  }
0xa2: {  	v4 =	vmul.f32 $2.560000000e+02, v4  }
0xa3: {  	v5 =	vmin.f32 v5, $1.023000000e+03  }
0xa4: {  	v4 =	vmin.f32 v4, $1.023000000e+03;
	v5 =	vtrunc.f32 v5  }
0xa5: {  	v57 =	vadd.s32 s0, v0;
	v4 =	vtrunc.f32 v4;
	v5 =	vcvt.f32.s32 v5  }
0xa6: {  	v58 =	vadd.s32 s0, v1;
	v6 =	vmul.f32 v7, v6;
	v4 =	vcvt.f32.s32 v4  }
0xa7: {  	v59 =	vadd.s32 s0, v2;
	s13 =	sadd.s32 $0x20, s5;
	v5 =	vshll.u32 v5, $0xA  }
0xa8: {  	s18 =	sadd.s32 $0x20, s26;
	[tilespmem:s13+$0xFFFFFFF0] =	vst v6;
	v4 =	vadd.s32 v4, v5  }
0xa9: {  	[tilespmem:s18+$0xFFFFFFF0] =	vst v4  }
0xaa: {  	v4 =	vld.idx.msk [tilespmem:v57+s7+$0x0], $0xffff  }
0xab: {  	v5 =	vld.idx.msk [tilespmem:v58+s7+$0x0], $0xffff  }
0xac: {  	v6 =	vld.idx.msk [tilespmem:v59+s7+$0x0], $0xffff;
	_ =	sdelay $0x3  }
0xad: {  	v60 =	vand.u32 $0x7FFFFFFF, v4;
	v61 =	vand.u32 $0x7FFFFFFF, v5  }
0xae: {  	v62 =	vand.u32 $0x7FFFFFFF, v6;
	v7 =	vmax.f32 v60, v61  }
0xaf: {  	v7 =	vmax.f32 v7, v62  }
0xb0: {  	v8 =	vmax.f32 v7, $9.999999710e-10  }
0xb1: {  	(erf) = vrcp.f32 v8;
	_ =	sdelay $0x8  }
0xb2: {  	v8 =	vpop (erf)  }
0xb3: {  	v63 =	vsub.f32 $2.000000000e+00, v8;
	_ =	sdelay $0x1  }
0xb4: {  	v8 =	vmul.f32 v63, v8  }
0xb5: {  	vm15 =	vle.f32 v7, $1.000000000e+00  }
0xb6: {  	v7 =	vsel vm15, $0x3F800000, v8  }
0xb7: {  	v4 =	vmul.f32 v7, v4  }
0xb8: {  	v5 =	vmul.f32 v7, v5  }
0xb9: {  	v4 =	vadd.f32 $2.000000000e+00, v4  }
0xba: {  	v5 =	vadd.f32 $2.000000000e+00, v5  }
0xbb: {  	v4 =	vmul.f32 $2.560000000e+02, v4  }
0xbc: {  	v5 =	vmul.f32 $2.560000000e+02, v5  }
0xbd: {  	v4 =	vmin.f32 v4, $1.023000000e+03  }
0xbe: {  	v5 =	vmin.f32 v5, $1.023000000e+03;
	v4 =	vtrunc.f32 v4  }
0xbf: {  	v5 =	vtrunc.f32 v5;
	v4 =	vcvt.f32.s32 v4  }
0xc0: {  	v6 =	vmul.f32 v7, v6;
	v5 =	vcvt.f32.s32 v5  }
0xc1: {  	v4 =	vshll.u32 v4, $0xA  }
0xc2: {  	[tilespmem:s13+$0x0] =	vst v6;
	v4 =	vadd.s32 v5, v4  }
0xc3: {  	s21 =	simm.s32 $0x12000;
	s26 =	simm.s32 $0x14000;
	[tilespmem:s18+$0x0] =	vst v4  }
0xc4: {  	[tilespmem:s26], [sflag:$0x3] =	stream.indirect.gather [hbm4b:s1+s25], $0x1, s21, s25, $0xb8;
	[tilespmem:$0x1A000] =	vst v63  }
0xc5: {  	s30 =	simm.s32 $0x16000  }
0xc6: {  	[tilespmem:s30], [sflag:$0x3] =	stream.indirect.gather [hbm4b:s2+s25], $0x1, s21, s25, $0xb8;
	[tilespmem:$0x1A000] =	vst v63  }
0xc7: {  	s10 =	simm.s32 $0x12200;
	s11 =	simm.s32 $0x14200  }
0xc8: {  	[tilespmem:s11], [sflag:$0x3] =	stream.indirect.gather [hbm4b:s1+s25], $0x1, s10, s25, $0xb8;
	[tilespmem:$0x1A000] =	vst v63  }
0xc9: {  	s13 =	simm.s32 $0x16200  }
0xca: {  	[tilespmem:s13], [sflag:$0x3] =	stream.indirect.gather [hbm4b:s2+s25], $0x1, s10, s25, $0xb8;
	[tilespmem:$0x1A000] =	vst v63  }
0xcb: {  	s18 =	simm.s32 $0x12400;
	s21 =	simm.s32 $0x14400  }
0xcc: {  	[tilespmem:s21], [sflag:$0x3] =	stream.indirect.gather [hbm4b:s1+s25], $0x1, s18, s25, $0xb8;
	[tilespmem:$0x1A000] =	vst v63  }
0xcd: {  	s26 =	simm.s32 $0x16400  }
0xce: {  	[tilespmem:s26], [sflag:$0x3] =	stream.indirect.gather [hbm4b:s2+s25], $0x1, s18, s25, $0xb8;
	[tilespmem:$0x1A000] =	vst v63  }
0xcf: {  	s30 =	simm.s32 $0x12600;
	s10 =	simm.s32 $0x14600  }
0xd0: {  	[tilespmem:s10], [sflag:$0x3] =	stream.indirect.gather [hbm4b:s1+s25], $0x1, s30, s25, $0xb8;
	[tilespmem:$0x1A000] =	vst v63  }
0xd1: {  	s11 =	simm.s32 $0x16600  }
0xd2: {  	[tilespmem:s11], [sflag:$0x3] =	stream.indirect.gather [hbm4b:s2+s25], $0x1, s30, s25, $0xb8;
	[tilespmem:$0x1A000] =	vst v63  }
0xd3: {  	s13 =	simm.s32 $0x12800;
	s18 =	simm.s32 $0x14800  }
0xd4: {  	[tilespmem:s18], [sflag:$0x3] =	stream.indirect.gather [hbm4b:s1+s25], $0x1, s13, s25, $0xb8;
	[tilespmem:$0x1A000] =	vst v63  }
0xd5: {  	s21 =	simm.s32 $0x16800  }
0xd6: {  	[tilespmem:s21], [sflag:$0x3] =	stream.indirect.gather [hbm4b:s2+s25], $0x1, s13, s25, $0xb8;
	[tilespmem:$0x1A000] =	vst v63  }
0xd7: {  	s26 =	simm.s32 $0x12A00;
	s30 =	simm.s32 $0x14A00  }
0xd8: {  	[tilespmem:s30], [sflag:$0x3] =	stream.indirect.gather [hbm4b:s1+s25], $0x1, s26, s25, $0xb8;
	[tilespmem:$0x1A000] =	vst v63  }
0xd9: {  	s10 =	simm.s32 $0x16A00  }
0xda: {  	[tilespmem:s10], [sflag:$0x3] =	stream.indirect.gather [hbm4b:s2+s25], $0x1, s26, s25, $0xb8;
	[tilespmem:$0x1A000] =	vst v63  }
0xdb: {  	s11 =	simm.s32 $0x12C00;
	s13 =	simm.s32 $0x14C00  }
0xdc: {  	[tilespmem:s13], [sflag:$0x3] =	stream.indirect.gather [hbm4b:s1+s25], $0x1, s11, s25, $0xb8;
	[tilespmem:$0x1A000] =	vst v63  }
0xdd: {  	p0 =	seq.s32 s31, $0x0;
	s18 =	simm.s32 $0x16C00  }
0xde: {  	[tilespmem:s18], [sflag:$0x3] =	stream.indirect.gather [hbm4b:s2+s25], $0x1, s11, s25, $0xb8;
	[tilespmem:$0x1A000] =	vst v63  }
.Ltmp1:
0xdf: {  	_ = 	snop;
	(pc) =	sbr.rel @p0 .LBB2_8-.Ltmp1, $4  }
0xe0: {  	s21 =	simm.s32 $0x12E00;
	s26 =	simm.s32 $0x14E00  }
0xe1: {  	[tilespmem:s26], [sflag:$0x3] =	stream.indirect.gather [hbm4b:s1+s25], $0x1, s21, s25, $0xb8;
	[tilespmem:$0x1A000] =	vst v63  }
0xe2: {  	s30 =	simm.s32 $0x16E00  }
0xe3: {  	[tilespmem:s30], [sflag:$0x3] =	stream.indirect.gather [hbm4b:s2+s25], $0x1, s21, s25, $0xb8;
	[tilespmem:$0x1A000] =	vst v63  }
0xe4: {  	_ =	swait.ge [sflag:s19], $0x200  }
0xe5: {  	[sflag:s19] =	ssyncset.done $0x0  }
0xe6: {  	[sflag:s19] =	ssyncadd.s32 $0xFFFFFE00  }
0xe7: {  	_ =	swait.ge [sflag:s19], $0x200  }
0xe8: {  	[sflag:s19] =	ssyncset.done $0x0  }
0xe9: {  	[sflag:s19] =	ssyncadd.s32 $0xFFFFFE00  }
0xea: {  	_ =	swait.ge [sflag:s19], $0x200  }
0xeb: {  	[sflag:s19] =	ssyncset.done $0x0  }
0xec: {  	[sflag:s19] =	ssyncadd.s32 $0xFFFFFE00  }
0xed: {  	_ =	swait.ge [sflag:s19], $0x200  }
0xee: {  	[sflag:s19] =	ssyncset.done $0x0  }
0xef: {  	[sflag:s19] =	ssyncadd.s32 $0xFFFFFE00  }
0xf0: {  	_ =	swait.ge [sflag:s19], $0x200  }
0xf1: {  	[sflag:s19] =	ssyncset.done $0x0  }
0xf2: {  	[sflag:s19] =	ssyncadd.s32 $0xFFFFFE00  }
0xf3: {  	_ =	swait.ge [sflag:s19], $0x200  }
0xf4: {  	[sflag:s19] =	ssyncset.done $0x0  }
0xf5: {  	[sflag:s19] =	ssyncadd.s32 $0xFFFFFE00  }
0xf6: {  	_ =	swait.ge [sflag:s19], $0x200  }
0xf7: {  	[sflag:s19] =	ssyncset.done $0x0  }
0xf8: {  	[sflag:s19] =	ssyncadd.s32 $0xFFFFFE00  }
0xf9: {  	_ =	swait.ge [sflag:s19], $0x200  }
0xfa: {  	[sflag:s19] =	ssyncset.done $0x0  }
0xfb: {  	[sflag:s19] =	ssyncadd.s32 $0xFFFFFE00  }
0xfc: {  	_ =	swait.ge [sflag:s19], $0x200  }
0xfd: {  	[sflag:s19] =	ssyncset.done $0x0  }
0xfe: {  	[sflag:s19] =	ssyncadd.s32 $0xFFFFFE00  }
0xff: {  	_ =	swait.ge [sflag:s19], $0x200  }
0x100: {  	[sflag:s19] =	ssyncset.done $0x0  }
0x101: {  	[sflag:s19] =	ssyncadd.s32 $0xFFFFFE00  }
0x102: {  	_ =	swait.ge [sflag:s19], $0x200  }
0x103: {  	[sflag:s19] =	ssyncset.done $0x0  }
0x104: {  	[sflag:s19] =	ssyncadd.s32 $0xFFFFFE00  }
0x105: {  	_ =	swait.ge [sflag:s19], $0x200  }
0x106: {  	[sflag:s19] =	ssyncset.done $0x0  }
0x107: {  	[sflag:s19] =	ssyncadd.s32 $0xFFFFFE00  }
0x108: {  	_ =	swait.ge [sflag:s19], $0x200  }
0x109: {  	[sflag:s19] =	ssyncset.done $0x0  }
0x10a: {  	[sflag:s19] =	ssyncadd.s32 $0xFFFFFE00  }
0x10b: {  	_ =	swait.ge [sflag:s19], $0x200  }
0x10c: {  	[sflag:s19] =	ssyncset.done $0x0  }
0x10d: {  	[sflag:s19] =	ssyncadd.s32 $0xFFFFFE00  }
0x10e: {  	_ =	swait.ge [sflag:s19], $0x200  }
0x10f: {  	[sflag:s19] =	ssyncset.done $0x0  }
0x110: {  	[sflag:s19] =	ssyncadd.s32 $0xFFFFFE00  }
0x111: {  	_ =	swait.ge [sflag:s19], $0x200  }
0x112: {  	[sflag:s19] =	ssyncset.done $0x0  }
0x113: {  	s0 =	simm.s32 $0x6;
	[sflag:s19] =	ssyncadd.s32 $0xFFFFFE00  }
0x114: {  	_ =	swait.ge [sflag:s0], $0x1000  }
0x115: {  	[sflag:s0] =	ssyncset.done $0x0  }
0x116: {  	s26 =	simm.s32 $0x17010;
	[sflag:s0] =	ssyncadd.s32 $0xFFFFF000  }
0x117: {  	s11 =	simm.s32 $0x11010;
	v4 =	vld [tilespmem:s26+$0xFFFFFFF0]  }
0x118: {  	s13 =	simm.s32 $0x15010;
	v5 =	vld [tilespmem:s11+$0xFFFFFFF0]  }
0x119: {  	v6 =	vld [tilespmem:s13+$0xFFFFFFF0];
	_ =	sdelay $0x3  }
0x11a: {  	vm0 =	vgt.f32 v5, v4;
	v7 =	vsub.f32 v4, v5;
	v8 =	vadd.f32 $-4.000000190e-03, v4  }
0x11b: {  	vm1 =	vlt.f32 v5, v6;
	v9 =	vsub.f32 v5, v6;
	v10 =	vadd.f32 $4.000000190e-03, v6  }
0x11c: {  	vm2 =	vgt.f32 v5, v6;
	vm14 =	vlt.f32 v5, v4;
	vm0 =	vmor vm0, vm1  }
0x11d: {  	s5 =	simm.s32 $0xF010;
	vm3 =	vlt.f32 v5, v8;
	vm4 =	vgt.f32 v5, v8;
	v6 =	vmul.f32 v9, v9  }
0x11e: {  	vm5 =	vlt.f32 v5, v10;
	vm6 =	vgt.f32 v5, v10;
	v8 =	vld [tilespmem:s5+$0xFFFFFFF0];
	v7 =	vmul.f32 v7, v7  }
0x11f: {  	v4 =	vsel vm0, $0x0, v3;
	vm3 =	vmand vm5, vm3;
	v6 =	vmul.f32 $6.250000000e+04, v6  }
0x120: {  	vm4 =	vmand vm4, vm6;
	v5 =	vmul.f32 $6.250000000e+04, v7;
	vm15 =	vmand vm3, vm2  }
0x121: {  	vm1 =	vmand vm4, vm14;
	v4 =	vsel vm15, v6, v4  }
0x122: {  	v4 =	vsel vm1, v5, v4  }
0x123: {  	v4 =	vmul.f32 v4, v8  }
0x124: {  	s18 =	simm.s32 $0x19010  }
0x125: {  	[tilespmem:s18+$0xFFFFFFF0] =	vst v4  }
0x126: {  	v4 =	vld [tilespmem:s26+$0x0]  }
0x127: {  	v5 =	vld [tilespmem:s11+$0x0]  }
0x128: {  	v6 =	vld [tilespmem:s13+$0x0]  }
0x129: {  	s30 =	simm.s32 $0x11030;
	s21 =	simm.s32 $0x17030;
	s0 =	simm.s32 $0x19010  }
0x12a: {  	s26 =	simm.s32 $0x0;
	s13 =	simm.s32 $0x15030;
	s11 =	simm.s32 $0xF010  }
.LBB2_6:
0x12b: {  	s26 =	sadd.s32 $0x2, s26;
	s18 =	sadd.s32 $0x20, s18;
	s5 =	sadd.s32 $0x20, s5  }
0x12c: {  	v8 =	vadd.f32 $-4.000000190e-03, v4;
	p1 =	slt.u32 s26, $0xFE;
	vm0 =	vgt.f32 v5, v4;
	v7 =	vsub.f32 v4, v5  }
0x12d: {  	vm1 =	vlt.f32 v5, v6;
	v9 =	vsub.f32 v5, v6;
	v10 =	vadd.f32 $4.000000190e-03, v6  }
0x12e: {  	vm0 =	vmor vm0, vm1;
	v7 =	vmul.f32 v7, v7;
	vm1 =	vlt.f32 v5, v8  }
0x12f: {  	vm2 =	vgt.f32 v5, v8;
	v9 =	vmul.f32 v9, v9;
	vm3 =	vgt.f32 v5, v10  }
0x130: {  	vm5 =	vgt.f32 v5, v6;
	vm4 =	vlt.f32 v5, v10;
	v8 =	vld [tilespmem:s11+$0x0];
	vm2 =	vmand vm2, vm3;
	s11 =	smov.u32 s5  }
0x131: {  	vm1 =	vmand vm4, vm1;
	vm3 =	vlt.f32 v5, v4;
	v6 =	vmul.f32 $6.250000000e+04, v9  }
0x132: {  	v4 =	vsel vm0, $0x0, v3;
	v5 =	vmul.f32 $6.250000000e+04, v7;
	vm0 =	vmand vm1, vm5  }
0x133: {  	vm1 =	vmand vm2, vm3;
	v4 =	vsel vm0, v6, v4  }
0x134: {  	v4 =	vsel vm1, v5, v4  }
0x135: {  	v4 =	vmul.f32 v4, v8;
	_ =	sdelay $0x1  }
0x136: {  	[tilespmem:s0+$0x0] =	vst v4;
	s0 =	smov.u32 s18  }
0x137: {  	v4 =	vld [tilespmem:s21+$0xFFFFFFF0]  }
0x138: {  	v5 =	vld [tilespmem:s30+$0xFFFFFFF0]  }
0x139: {  	v6 =	vld [tilespmem:s13+$0xFFFFFFF0];
	_ =	sdelay $0x3  }
0x13a: {  	v8 =	vadd.f32 $-4.000000190e-03, v4;
	vm0 =	vgt.f32 v5, v4;
	v7 =	vsub.f32 v4, v5  }
0x13b: {  	vm1 =	vlt.f32 v5, v6;
	v9 =	vsub.f32 v5, v6;
	v10 =	vadd.f32 $4.000000190e-03, v6  }
0x13c: {  	vm2 =	vgt.f32 v5, v6;
	vm3 =	vlt.f32 v5, v8;
	vm4 =	vgt.f32 v5, v8  }
0x13d: {  	v6 =	vmul.f32 v9, v9;
	vm5 =	vlt.f32 v5, v10;
	vm6 =	vgt.f32 v5, v10  }
0x13e: {  	v7 =	vmul.f32 v7, v7;
	v8 =	vld [tilespmem:s5+$0xFFFFFFF0];
	vm3 =	vmand vm5, vm3;
	vm4 =	vmand vm4, vm6  }
0x13f: {  	vm0 =	vmor vm0, vm1;
	vm1 =	vlt.f32 v5, v4;
	v6 =	vmul.f32 $6.250000000e+04, v6  }
0x140: {  	v4 =	vsel vm0, $0x0, v3;
	v5 =	vmul.f32 $6.250000000e+04, v7;
	vm0 =	vmand vm3, vm2  }
0x141: {  	vm1 =	vmand vm4, vm1;
	v4 =	vsel vm0, v6, v4  }
0x142: {  	v4 =	vsel vm1, v5, v4  }
0x143: {  	v4 =	vmul.f32 v4, v8;
	_ =	sdelay $0x1  }
0x144: {  	[tilespmem:s18+$0xFFFFFFF0] =	vst v4  }
.Ltmp2:
0x145: {  	v4 =	vld [tilespmem:s21+$0x0];
	(pc) =	sbr.rel @p1 .LBB2_6-.Ltmp2, $3  }
0x146: {  	v5 =	vld [tilespmem:s30+$0x0]  }
0x147: {  	v6 =	vld [tilespmem:s13+$0x0];
	_ =	sdelay $0x1  }
0x148: {  	s21 =	sadd.s32 $0x20, s21;
	s30 =	sadd.s32 $0x20, s30;
	s13 =	sadd.s32 $0x20, s13  }
0x149: {  	_ = 	snop  }
0x14a: {  	v8 =	vadd.f32 $-4.000000190e-03, v4;
	vm0 =	vgt.f32 v5, v4;
	v7 =	vsub.f32 v4, v5  }
0x14b: {  	vm13 =	vlt.f32 v5, v4;
	vm1 =	vlt.f32 v5, v6;
	v9 =	vsub.f32 v5, v6  }
0x14c: {  	v10 =	vadd.f32 $4.000000190e-03, v6;
	vm12 =	vlt.f32 v5, v8;
	vm2 =	vgt.f32 v5, v8  }
0x14d: {  	vm5 =	vgt.f32 v5, v6;
	vm0 =	vmor vm0, vm1;
	v9 =	vmul.f32 v9, v9  }
0x14e: {  	v62 =	vld [tilespmem:s11+$0x0];
	v7 =	vmul.f32 v7, v7;
	vm3 =	vgt.f32 v5, v10;
	vm4 =	vlt.f32 v5, v10  }
0x14f: {  	v4 =	vsel vm0, $0x0, v3;
	vm1 =	vmand vm4, vm12;
	v63 =	vmul.f32 $6.250000000e+04, v9  }
0x150: {  	vm2 =	vmand vm2, vm3;
	v5 =	vmul.f32 $6.250000000e+04, v7;
	vm14 =	vmand vm1, vm5  }
0x151: {  	vm15 =	vmand vm2, vm13;
	v4 =	vsel vm14, v63, v4  }
0x152: {  	s5 =	rddreg [dreg:$0xc];
	v4 =	vsel vm15, v5, v4  }
0x153: {  	s5 =	sadd.s32 s3, s5;
	v4 =	vmul.f32 v4, v62  }
0x154: {  	s26 =	rddreg [dreg:$0x4];
	s5 =	sshrl.u32 s5, $0x3  }
0x155: {  	s30 =	simm.s32 $0x19000;
	[tilespmem:s0+$0x0] =	vst v4;
	s0 =	sadd.s32 s26, s5  }
0x156: {  	[hbm4b:s0+s7] =	stream.linear.scatter [tilespmem:s30], [sflag:$0x6], $0x1000, $0x38;
	[tilespmem:$0x1A000] =	vst v63  }
.LBB2_8:
0x157: {  	s0 =	rddreg [dreg:$0x6]  }
0x158: {  	_ =	swait.ge [sflag:s4], $0x3000;
	s5 =	sor.u32 s0, s3  }
0x159: {  	[sflag:s4] =	ssyncset.done $0x0;
	s0 =	sor.u32 $0x3000, s5  }
0x15a: {  	[sflag:s4] =	ssyncadd.s32 $0xFFFFD000;
	s11 =	smul.u32 $0x3, s0  }
0x15b: {  	_ =	swait.ge [sflag:s4], $0x1000  }
0x15c: {  	[sflag:s4] =	ssyncset.done $0x0;
	s3 =	sshrl.u32 s11, $0x3;
	s11 =	simm.s32 $0x0  }
0x15d: {  	[sflag:s4] =	ssyncadd.s32 $0xFFFFF000;
	v4 =	vadd.s32 s11, v0  }
0x15e: {  	s0 =	sshrl.u32 s0, $0x3;
	s3 =	sadd.s32 s28, s3;
	v5 =	vadd.s32 s11, v1;
	s13 =	rddreg [dreg:$0x3]  }
0x15f: {  	v6 =	vadd.s32 s11, v2;
	[tilespmem:s9], [sflag:$0x2] =	stream.linear.gather [hbm4b:s3+s7], $0x3000, $0x38;
	[tilespmem:$0x1A000] =	vst v63  }
0x160: {  	s18 =	simm.s32 $0xF000;
	s0 =	sadd.s32 s13, s0  }
0x161: {  	[tilespmem:s18], [sflag:$0x2] =	stream.linear.gather [hbm4b:s0+s7], $0x1000, $0x38;
	[tilespmem:$0x1A000] =	vst v63  }
0x162: {  	v4 =	vld.idx.msk [tilespmem:v4+s20+$0x0], $0xffff  }
0x163: {  	v5 =	vld.idx.msk [tilespmem:v5+s20+$0x0], $0xffff  }
0x164: {  	v6 =	vld.idx.msk [tilespmem:v6+s20+$0x0], $0xffff;
	_ =	sdelay $0x3  }
0x165: {  	v7 =	vand.u32 $0x7FFFFFFF, v4;
	v8 =	vand.u32 $0x7FFFFFFF, v5  }
0x166: {  	v7 =	vmax.f32 v7, v8;
	v8 =	vand.u32 $0x7FFFFFFF, v6  }
0x167: {  	v7 =	vmax.f32 v7, v8  }
0x168: {  	v8 =	vmax.f32 v7, $9.999999710e-10  }
0x169: {  	(erf) = vrcp.f32 v8;
	_ =	sdelay $0x8  }
0x16a: {  	v8 =	vpop (erf)  }
0x16b: {  	v9 =	vsub.f32 $2.000000000e+00, v8;
	_ =	sdelay $0x1  }
0x16c: {  	v8 =	vmul.f32 v9, v8  }
0x16d: {  	vm0 =	vle.f32 v7, $1.000000000e+00  }
0x16e: {  	v7 =	vsel vm0, $0x3F800000, v8  }
0x16f: {  	v4 =	vmul.f32 v7, v4  }
0x170: {  	v5 =	vmul.f32 v7, v5  }
0x171: {  	v4 =	vadd.f32 $2.000000000e+00, v4  }
0x172: {  	v5 =	vadd.f32 $2.000000000e+00, v5  }
0x173: {  	v4 =	vmul.f32 $2.560000000e+02, v4  }
0x174: {  	v5 =	vmul.f32 $2.560000000e+02, v5  }
0x175: {  	v4 =	vmin.f32 v4, $1.023000000e+03  }
0x176: {  	s21 =	simm.s32 $0x30;
	v5 =	vmin.f32 v5, $1.023000000e+03;
	v4 =	vtrunc.f32 v4  }
0x177: {  	v8 =	vadd.s32 s21, v0;
	v5 =	vtrunc.f32 v5;
	v4 =	vcvt.f32.s32 v4  }
0x178: {  	v6 =	vmul.f32 v7, v6;
	v7 =	vadd.s32 s21, v1;
	v5 =	vcvt.f32.s32 v5  }
0x179: {  	s26 =	simm.s32 $0x11010;
	v9 =	vadd.s32 s21, v2;
	v4 =	vshll.u32 v4, $0xA  }
0x17a: {  	s30 =	simm.s32 $0x13010;
	[tilespmem:s26+$0xFFFFFFF0] =	vst v6;
	v4 =	vadd.s32 v5, v4  }
0x17b: {  	[tilespmem:s30+$0xFFFFFFF0] =	vst v4  }
0x17c: {  	v4 =	vld.idx.msk [tilespmem:v8+s20+$0x0], $0xffff  }
0x17d: {  	v5 =	vld.idx.msk [tilespmem:v7+s20+$0x0], $0xffff  }
0x17e: {  	v6 =	vld.idx.msk [tilespmem:v9+s20+$0x0], $0xffff;
	_ =	sdelay $0x3  }
0x17f: {  	v7 =	vand.u32 $0x7FFFFFFF, v4;
	v8 =	vand.u32 $0x7FFFFFFF, v5  }
0x180: {  	v7 =	vmax.f32 v7, v8;
	v8 =	vand.u32 $0x7FFFFFFF, v6  }
0x181: {  	v7 =	vmax.f32 v7, v8  }
0x182: {  	v8 =	vmax.f32 v7, $9.999999710e-10  }
0x183: {  	(erf) = vrcp.f32 v8;
	_ =	sdelay $0x8  }
0x184: {  	v8 =	vpop (erf)  }
0x185: {  	v9 =	vsub.f32 $2.000000000e+00, v8;
	_ =	sdelay $0x1  }
0x186: {  	v8 =	vmul.f32 v9, v8  }
0x187: {  	vm15 =	vle.f32 v7, $1.000000000e+00  }
0x188: {  	v7 =	vsel vm15, $0x3F800000, v8  }
0x189: {  	v4 =	vmul.f32 v7, v4;
	v5 =	vmul.f32 v7, v5;
	_ =	sdelay $0x1  }
0x18a: {  	s10 =	smov.u32 s28;
	s28 =	simm.s32 $0x60;
	v6 =	vmul.f32 v7, v6;
	v7 =	vadd.f32 $2.000000000e+00, v4;
	v8 =	vadd.f32 $2.000000000e+00, v5  }
0x18b: {  	s11 =	simm.s32 $0x13010;
	v5 =	vadd.s32 s28, v0;
	v4 =	vadd.s32 s28, v1  }
0x18c: {  	s3 =	sshll.u32 s31, $0x2;
	s18 =	simm.s32 $0x2;
	s0 =	simm.s32 $0x90;
	[tilespmem:s26+$0x0] =	vst v6;
	v6 =	vadd.s32 s28, v2;
	v7 =	vmul.f32 $2.560000000e+02, v7;
	v8 =	vmul.f32 $2.560000000e+02, v8  }
.LBB2_9:
0x18d: {  	s18 =	sadd.s32 $0x2, s18;
	s26 =	sadd.s32 $0x20, s26;
	s30 =	sadd.s32 $0x20, s30  }
0x18e: {  	p1 =	slt.u32 s18, $0xFE;
	v7 =	vmin.f32 v7, $1.023000000e+03;
	v8 =	vmin.f32 v8, $1.023000000e+03  }
0x18f: {  	v7 =	vtrunc.f32 v7;
	v8 =	vtrunc.f32 v8  }
0x190: {  	v7 =	vcvt.f32.s32 v7;
	v8 =	vcvt.f32.s32 v8;
	_ =	sdelay $0x1  }
0x191: {  	v7 =	vshll.u32 v7, $0xA  }
0x192: {  	v7 =	vadd.s32 v8, v7  }
0x193: {  	[tilespmem:s11+$0x0] =	vst v7;
	s11 =	smov.u32 s30  }
0x194: {  	v5 =	vld.idx.msk [tilespmem:v5+s20+$0x0], $0xffff  }
0x195: {  	v4 =	vld.idx.msk [tilespmem:v4+s20+$0x0], $0xffff  }
0x196: {  	v6 =	vld.idx.msk [tilespmem:v6+s20+$0x0], $0xffff;
	_ =	sdelay $0x4  }
0x197: {  	v7 =	vand.u32 $0x7FFFFFFF, v5;
	v8 =	vand.u32 $0x7FFFFFFF, v4  }
0x198: {  	v7 =	vmax.f32 v7, v8;
	v8 =	vand.u32 $0x7FFFFFFF, v6  }
0x199: {  	v7 =	vmax.f32 v7, v8  }
0x19a: {  	v8 =	vmax.f32 v7, $9.999999710e-10  }
0x19b: {  	(erf) = vrcp.f32 v8;
	_ =	sdelay $0x8  }
0x19c: {  	v8 =	vpop (erf)  }
0x19d: {  	v9 =	vsub.f32 $2.000000000e+00, v8;
	_ =	sdelay $0x1  }
0x19e: {  	v8 =	vmul.f32 v9, v8  }
0x19f: {  	vm0 =	vle.f32 v7, $1.000000000e+00  }
0x1a0: {  	v7 =	vsel vm0, $0x3F800000, v8  }
0x1a1: {  	v5 =	vmul.f32 v7, v5;
	v4 =	vmul.f32 v7, v4  }
0x1a2: {  	v6 =	vmul.f32 v7, v6  }
0x1a3: {  	v5 =	vadd.f32 $2.000000000e+00, v5;
	v4 =	vadd.f32 $2.000000000e+00, v4;
	_ =	sdelay $0x1  }
0x1a4: {  	v5 =	vmul.f32 $2.560000000e+02, v5;
	v4 =	vmul.f32 $2.560000000e+02, v4;
	_ =	sdelay $0x1  }
0x1a5: {  	v5 =	vmin.f32 v5, $1.023000000e+03;
	v4 =	vmin.f32 v4, $1.023000000e+03  }
0x1a6: {  	v5 =	vtrunc.f32 v5;
	v4 =	vtrunc.f32 v4  }
0x1a7: {  	v7 =	vadd.s32 s0, v0;
	v5 =	vcvt.f32.s32 v5  }
0x1a8: {  	v8 =	vadd.s32 s0, v1;
	v4 =	vcvt.f32.s32 v4  }
0x1a9: {  	v9 =	vadd.s32 s0, v2;
	v5 =	vshll.u32 v5, $0xA  }
0x1aa: {  	v4 =	vadd.s32 v4, v5;
	[tilespmem:s26+$0xFFFFFFF0] =	vst v6  }
0x1ab: {  	[tilespmem:s30+$0xFFFFFFF0] =	vst v4  }
0x1ac: {  	v4 =	vld.idx.msk [tilespmem:v7+s20+$0x0], $0xffff  }
0x1ad: {  	v5 =	vld.idx.msk [tilespmem:v8+s20+$0x0], $0xffff  }
0x1ae: {  	v6 =	vld.idx.msk [tilespmem:v9+s20+$0x0], $0xffff;
	_ =	sdelay $0x3  }
0x1af: {  	v7 =	vand.u32 $0x7FFFFFFF, v4  }
0x1b0: {  	v8 =	vand.u32 $0x7FFFFFFF, v5  }
0x1b1: {  	v7 =	vmax.f32 v7, v8;
	v8 =	vand.u32 $0x7FFFFFFF, v6  }
0x1b2: {  	v7 =	vmax.f32 v7, v8  }
0x1b3: {  	v8 =	vmax.f32 v7, $9.999999710e-10  }
0x1b4: {  	(erf) = vrcp.f32 v8;
	_ =	sdelay $0x8  }
0x1b5: {  	v8 =	vpop (erf)  }
0x1b6: {  	v9 =	vsub.f32 $2.000000000e+00, v8;
	_ =	sdelay $0x1  }
0x1b7: {  	v8 =	vmul.f32 v9, v8  }
0x1b8: {  	vm0 =	vle.f32 v7, $1.000000000e+00  }
0x1b9: {  	v7 =	vsel vm0, $0x3F800000, v8  }
.Ltmp3:
0x1ba: {  	v4 =	vmul.f32 v7, v4;
	v5 =	vmul.f32 v7, v5;
	(pc) =	sbr.rel @p1 .LBB2_9-.Ltmp3, $4  }
0x1bb: {  	s0 =	sadd.s32 $0x60, s0;
	v6 =	vmul.f32 v7, v6  }
0x1bc: {  	s13 =	sadd.s32 $0xFFFFFFD0, s0;
	v7 =	vadd.f32 $2.000000000e+00, v4;
	v8 =	vadd.f32 $2.000000000e+00, v5  }
0x1bd: {  	v5 =	vadd.s32 s13, v0;
	v4 =	vadd.s32 s13, v1;
	[tilespmem:s26+$0x0] =	vst v6  }
0x1be: {  	v6 =	vadd.s32 s13, v2;
	v7 =	vmul.f32 $2.560000000e+02, v7;
	v8 =	vmul.f32 $2.560000000e+02, v8  }
0x1bf: {  	_ = 	snop  }
0x1c0: {  	v7 =	vmin.f32 v7, $1.023000000e+03  }
0x1c1: {  	v8 =	vmin.f32 v8, $1.023000000e+03;
	v7 =	vtrunc.f32 v7  }
0x1c2: {  	v8 =	vtrunc.f32 v8;
	v7 =	vcvt.f32.s32 v7  }
0x1c3: {  	v8 =	vcvt.f32.s32 v8  }
0x1c4: {  	v7 =	vshll.u32 v7, $0xA  }
0x1c5: {  	v7 =	vadd.s32 v8, v7  }
0x1c6: {  	[tilespmem:s11+$0x0] =	vst v7  }
0x1c7: {  	v5 =	vld.idx.msk [tilespmem:v5+s20+$0x0], $0xffff  }
0x1c8: {  	v4 =	vld.idx.msk [tilespmem:v4+s20+$0x0], $0xffff  }
0x1c9: {  	v6 =	vld.idx.msk [tilespmem:v6+s20+$0x0], $0xffff;
	_ =	sdelay $0x3  }
0x1ca: {  	v7 =	vand.u32 $0x7FFFFFFF, v5;
	v8 =	vand.u32 $0x7FFFFFFF, v4  }
0x1cb: {  	v7 =	vmax.f32 v7, v8;
	v8 =	vand.u32 $0x7FFFFFFF, v6  }
0x1cc: {  	v7 =	vmax.f32 v7, v8  }
0x1cd: {  	v8 =	vmax.f32 v7, $9.999999710e-10  }
0x1ce: {  	(erf) = vrcp.f32 v8;
	_ =	sdelay $0x8  }
0x1cf: {  	v8 =	vpop (erf)  }
0x1d0: {  	v9 =	vsub.f32 $2.000000000e+00, v8;
	_ =	sdelay $0x1  }
0x1d1: {  	v8 =	vmul.f32 v9, v8  }
0x1d2: {  	vm0 =	vle.f32 v7, $1.000000000e+00  }
0x1d3: {  	v7 =	vsel vm0, $0x3F800000, v8  }
0x1d4: {  	v5 =	vmul.f32 v7, v5  }
0x1d5: {  	v4 =	vmul.f32 v7, v4  }
0x1d6: {  	v5 =	vadd.f32 $2.000000000e+00, v5  }
0x1d7: {  	v4 =	vadd.f32 $2.000000000e+00, v4  }
0x1d8: {  	v5 =	vmul.f32 $2.560000000e+02, v5  }
0x1d9: {  	v4 =	vmul.f32 $2.560000000e+02, v4  }
0x1da: {  	v5 =	vmin.f32 v5, $1.023000000e+03  }
0x1db: {  	v4 =	vmin.f32 v4, $1.023000000e+03;
	v5 =	vtrunc.f32 v5  }
0x1dc: {  	v8 =	vadd.s32 s0, v0;
	v4 =	vtrunc.f32 v4;
	v5 =	vcvt.f32.s32 v5  }
0x1dd: {  	v6 =	vmul.f32 v7, v6;
	v7 =	vadd.s32 s0, v1;
	v4 =	vcvt.f32.s32 v4  }
0x1de: {  	s21 =	sadd.s32 $0x20, s26;
	v61 =	vadd.s32 s0, v2;
	v5 =	vshll.u32 v5, $0xA  }
0x1df: {  	s26 =	sadd.s32 $0x20, s30;
	[tilespmem:s21+$0xFFFFFFF0] =	vst v6;
	v4 =	vadd.s32 v4, v5  }
0x1e0: {  	[tilespmem:s26+$0xFFFFFFF0] =	vst v4  }
0x1e1: {  	v4 =	vld.idx.msk [tilespmem:v8+s20+$0x0], $0xffff  }
0x1e2: {  	v5 =	vld.idx.msk [tilespmem:v7+s20+$0x0], $0xffff  }
0x1e3: {  	v6 =	vld.idx.msk [tilespmem:v61+s20+$0x0], $0xffff;
	_ =	sdelay $0x3  }
0x1e4: {  	v7 =	vand.u32 $0x7FFFFFFF, v4;
	v8 =	vand.u32 $0x7FFFFFFF, v5  }
0x1e5: {  	v7 =	vmax.f32 v7, v8;
	v8 =	vand.u32 $0x7FFFFFFF, v6  }
0x1e6: {  	v7 =	vmax.f32 v7, v8  }
0x1e7: {  	v8 =	vmax.f32 v7, $9.999999710e-10  }
0x1e8: {  	(erf) = vrcp.f32 v8;
	_ =	sdelay $0x8  }
0x1e9: {  	v8 =	vpop (erf)  }
0x1ea: {  	v62 =	vsub.f32 $2.000000000e+00, v8;
	_ =	sdelay $0x1  }
0x1eb: {  	v8 =	vmul.f32 v62, v8  }
0x1ec: {  	vm12 =	vle.f32 v7, $1.000000000e+00  }
0x1ed: {  	v7 =	vsel vm12, $0x3F800000, v8  }
0x1ee: {  	v4 =	vmul.f32 v7, v4  }
0x1ef: {  	v5 =	vmul.f32 v7, v5  }
0x1f0: {  	v4 =	vadd.f32 $2.000000000e+00, v4  }
0x1f1: {  	v5 =	vadd.f32 $2.000000000e+00, v5  }
0x1f2: {  	v4 =	vmul.f32 $2.560000000e+02, v4  }
0x1f3: {  	v5 =	vmul.f32 $2.560000000e+02, v5  }
0x1f4: {  	v4 =	vmin.f32 v4, $1.023000000e+03  }
0x1f5: {  	v5 =	vmin.f32 v5, $1.023000000e+03;
	v4 =	vtrunc.f32 v4  }
0x1f6: {  	v5 =	vtrunc.f32 v5;
	v4 =	vcvt.f32.s32 v4  }
0x1f7: {  	v6 =	vmul.f32 v7, v6;
	v5 =	vcvt.f32.s32 v5  }
0x1f8: {  	v4 =	vshll.u32 v4, $0xA  }
0x1f9: {  	[tilespmem:s21+$0x0] =	vst v6;
	v4 =	vadd.s32 v5, v4  }
0x1fa: {  	s13 =	simm.s32 $0x13000;
	s18 =	simm.s32 $0x15000;
	[tilespmem:s26+$0x0] =	vst v4  }
0x1fb: {  	[tilespmem:s18], [sflag:$0x4] =	stream.indirect.gather [hbm4b:s1+s25], $0x1, s13, s25, $0xb8;
	[tilespmem:$0x1A000] =	vst v63  }
0x1fc: {  	s21 =	simm.s32 $0x17000  }
0x1fd: {  	[tilespmem:s21], [sflag:$0x4] =	stream.indirect.gather [hbm4b:s2+s25], $0x1, s13, s25, $0xb8;
	[tilespmem:$0x1A000] =	vst v63  }
0x1fe: {  	s26 =	simm.s32 $0x15200  }
0x1ff: {  	[tilespmem:s26], [sflag:$0x4] =	stream.indirect.gather [hbm4b:s1+s25], $0x1, s24, s25, $0xb8;
	[tilespmem:$0x1A000] =	vst v63  }
0x200: {  	s11 =	simm.s32 $0x17200  }
0x201: {  	[tilespmem:s11], [sflag:$0x4] =	stream.indirect.gather [hbm4b:s2+s25], $0x1, s24, s25, $0xb8;
	[tilespmem:$0x1A000] =	vst v63  }
0x202: {  	s13 =	simm.s32 $0x15400  }
0x203: {  	[tilespmem:s13], [sflag:$0x4] =	stream.indirect.gather [hbm4b:s1+s25], $0x1, s8, s25, $0xb8;
	[tilespmem:$0x1A000] =	vst v63  }
0x204: {  	s18 =	simm.s32 $0x17400  }
0x205: {  	[tilespmem:s18], [sflag:$0x4] =	stream.indirect.gather [hbm4b:s2+s25], $0x1, s8, s25, $0xb8;
	[tilespmem:$0x1A000] =	vst v63  }
0x206: {  	s21 =	simm.s32 $0x15600  }
0x207: {  	[tilespmem:s21], [sflag:$0x4] =	stream.indirect.gather [hbm4b:s1+s25], $0x1, s29, s25, $0xb8;
	[tilespmem:$0x1A000] =	vst v63  }
0x208: {  	s26 =	simm.s32 $0x17600  }
0x209: {  	[tilespmem:s26], [sflag:$0x4] =	stream.indirect.gather [hbm4b:s2+s25], $0x1, s29, s25, $0xb8;
	[tilespmem:$0x1A000] =	vst v63  }
0x20a: {  	s11 =	simm.s32 $0x15800  }
0x20b: {  	[tilespmem:s11], [sflag:$0x4] =	stream.indirect.gather [hbm4b:s1+s25], $0x1, s17, s25, $0xb8;
	[tilespmem:$0x1A000] =	vst v63  }
0x20c: {  	s13 =	simm.s32 $0x17800  }
0x20d: {  	[tilespmem:s13], [sflag:$0x4] =	stream.indirect.gather [hbm4b:s2+s25], $0x1, s17, s25, $0xb8;
	[tilespmem:$0x1A000] =	vst v63  }
0x20e: {  	s18 =	simm.s32 $0x15A00  }
0x20f: {  	[tilespmem:s18], [sflag:$0x4] =	stream.indirect.gather [hbm4b:s1+s25], $0x1, s15, s25, $0xb8;
	[tilespmem:$0x1A000] =	vst v63  }
0x210: {  	s21 =	simm.s32 $0x17A00  }
0x211: {  	[tilespmem:s21], [sflag:$0x4] =	stream.indirect.gather [hbm4b:s2+s25], $0x1, s15, s25, $0xb8;
	[tilespmem:$0x1A000] =	vst v63  }
0x212: {  	s26 =	simm.s32 $0x15C00  }
0x213: {  	[tilespmem:s26], [sflag:$0x4] =	stream.indirect.gather [hbm4b:s1+s25], $0x1, s12, s25, $0xb8;
	[tilespmem:$0x1A000] =	vst v63  }
0x214: {  	s11 =	simm.s32 $0x17C00  }
0x215: {  	[tilespmem:s11], [sflag:$0x4] =	stream.indirect.gather [hbm4b:s2+s25], $0x1, s12, s25, $0xb8;
	[tilespmem:$0x1A000] =	vst v63  }
0x216: {  	s13 =	simm.s32 $0x15E00  }
0x217: {  	[tilespmem:s13], [sflag:$0x4] =	stream.indirect.gather [hbm4b:s1+s25], $0x1, s16, s25, $0xb8;
	[tilespmem:$0x1A000] =	vst v63  }
0x218: {  	s18 =	simm.s32 $0x17E00  }
0x219: {  	[tilespmem:s18], [sflag:$0x4] =	stream.indirect.gather [hbm4b:s2+s25], $0x1, s16, s25, $0xb8;
	[tilespmem:$0x1A000] =	vst v63  }
0x21a: {  	_ =	swait.ge [sflag:s14], $0x200  }
0x21b: {  	[sflag:s14] =	ssyncset.done $0x0  }
0x21c: {  	[sflag:s14] =	ssyncadd.s32 $0xFFFFFE00  }
0x21d: {  	_ =	swait.ge [sflag:s14], $0x200  }
0x21e: {  	[sflag:s14] =	ssyncset.done $0x0  }
0x21f: {  	[sflag:s14] =	ssyncadd.s32 $0xFFFFFE00  }
0x220: {  	_ =	swait.ge [sflag:s14], $0x200  }
0x221: {  	[sflag:s14] =	ssyncset.done $0x0  }
0x222: {  	[sflag:s14] =	ssyncadd.s32 $0xFFFFFE00  }
0x223: {  	_ =	swait.ge [sflag:s14], $0x200  }
0x224: {  	[sflag:s14] =	ssyncset.done $0x0  }
0x225: {  	[sflag:s14] =	ssyncadd.s32 $0xFFFFFE00  }
0x226: {  	_ =	swait.ge [sflag:s14], $0x200  }
0x227: {  	[sflag:s14] =	ssyncset.done $0x0  }
0x228: {  	[sflag:s14] =	ssyncadd.s32 $0xFFFFFE00  }
0x229: {  	_ =	swait.ge [sflag:s14], $0x200  }
0x22a: {  	[sflag:s14] =	ssyncset.done $0x0  }
0x22b: {  	[sflag:s14] =	ssyncadd.s32 $0xFFFFFE00  }
0x22c: {  	_ =	swait.ge [sflag:s14], $0x200  }
0x22d: {  	[sflag:s14] =	ssyncset.done $0x0  }
0x22e: {  	[sflag:s14] =	ssyncadd.s32 $0xFFFFFE00  }
0x22f: {  	_ =	swait.ge [sflag:s14], $0x200  }
0x230: {  	[sflag:s14] =	ssyncset.done $0x0  }
0x231: {  	[sflag:s14] =	ssyncadd.s32 $0xFFFFFE00  }
0x232: {  	_ =	swait.ge [sflag:s14], $0x200  }
0x233: {  	[sflag:s14] =	ssyncset.done $0x0  }
0x234: {  	[sflag:s14] =	ssyncadd.s32 $0xFFFFFE00  }
0x235: {  	_ =	swait.ge [sflag:s14], $0x200  }
0x236: {  	[sflag:s14] =	ssyncset.done $0x0  }
0x237: {  	[sflag:s14] =	ssyncadd.s32 $0xFFFFFE00  }
0x238: {  	_ =	swait.ge [sflag:s14], $0x200  }
0x239: {  	[sflag:s14] =	ssyncset.done $0x0  }
0x23a: {  	[sflag:s14] =	ssyncadd.s32 $0xFFFFFE00  }
0x23b: {  	_ =	swait.ge [sflag:s14], $0x200  }
0x23c: {  	[sflag:s14] =	ssyncset.done $0x0  }
0x23d: {  	[sflag:s14] =	ssyncadd.s32 $0xFFFFFE00  }
0x23e: {  	_ =	swait.ge [sflag:s14], $0x200  }
0x23f: {  	[sflag:s14] =	ssyncset.done $0x0  }
0x240: {  	[sflag:s14] =	ssyncadd.s32 $0xFFFFFE00  }
0x241: {  	_ =	swait.ge [sflag:s14], $0x200  }
0x242: {  	[sflag:s14] =	ssyncset.done $0x0  }
0x243: {  	[sflag:s14] =	ssyncadd.s32 $0xFFFFFE00  }
0x244: {  	_ =	swait.ge [sflag:s14], $0x200  }
0x245: {  	[sflag:s14] =	ssyncset.done $0x0  }
0x246: {  	[sflag:s14] =	ssyncadd.s32 $0xFFFFFE00  }
0x247: {  	_ =	swait.ge [sflag:s14], $0x200  }
0x248: {  	[sflag:s14] =	ssyncset.done $0x0  }
0x249: {  	s0 =	simm.s32 @!p0 $0x5;
	[sflag:s14] =	ssyncadd.s32 $0xFFFFFE00  }
0x24a: {  	_ =	swait.ge @!p0 [sflag:s0], $0x1000  }
0x24b: {  	[sflag:s0] =	ssyncset.done @!p0 $0x0  }
0x24c: {  	s21 =	simm.s32 $0x16010;
	[sflag:s0] =	ssyncadd.s32 @!p0 $0xFFFFF000  }
0x24d: {  	s13 =	simm.s32 $0x10010;
	v4 =	vld [tilespmem:s21+$0xFFFFFFF0]  }
0x24e: {  	s18 =	simm.s32 $0x14010;
	v5 =	vld [tilespmem:s13+$0xFFFFFFF0]  }
0x24f: {  	v6 =	vld [tilespmem:s18+$0xFFFFFFF0];
	_ =	sdelay $0x3  }
0x250: {  	vm13 =	vgt.f32 v5, v4;
	v7 =	vsub.f32 v4, v5;
	v8 =	vadd.f32 $-4.000000190e-03, v4  }
0x251: {  	vm1 =	vlt.f32 v5, v6;
	v63 =	vsub.f32 v5, v6;
	v10 =	vadd.f32 $4.000000190e-03, v6  }
0x252: {  	vm2 =	vgt.f32 v5, v6;
	vm14 =	vlt.f32 v5, v4;
	vm0 =	vmor vm13, vm1  }
0x253: {  	s0 =	simm.s32 $0xC010;
	vm3 =	vlt.f32 v5, v8;
	vm4 =	vgt.f32 v5, v8;
	v6 =	vmul.f32 v63, v63  }
0x254: {  	vm5 =	vlt.f32 v5, v10;
	vm6 =	vgt.f32 v5, v10;
	v8 =	vld [tilespmem:s0+$0xFFFFFFF0];
	v7 =	vmul.f32 v7, v7  }
0x255: {  	v4 =	vsel vm0, $0x0, v3;
	vm3 =	vmand vm5, vm3;
	v6 =	vmul.f32 $6.250000000e+04, v6  }
0x256: {  	vm4 =	vmand vm4, vm6;
	v5 =	vmul.f32 $6.250000000e+04, v7;
	vm15 =	vmand vm3, vm2  }
0x257: {  	vm1 =	vmand vm4, vm14;
	v4 =	vsel vm15, v6, v4  }
0x258: {  	v4 =	vsel vm1, v5, v4  }
0x259: {  	v4 =	vmul.f32 v4, v8  }
0x25a: {  	s26 =	simm.s32 $0x18010  }
0x25b: {  	[tilespmem:s26+$0xFFFFFFF0] =	vst v4  }
0x25c: {  	v4 =	vld [tilespmem:s21+$0x0]  }
0x25d: {  	v5 =	vld [tilespmem:s13+$0x0]  }
0x25e: {  	v6 =	vld [tilespmem:s18+$0x0]  }
0x25f: {  	s30 =	simm.s32 $0x0;
	s28 =	simm.s32 $0x14030;
	s11 =	simm.s32 $0x18010  }
0x260: {  	s21 =	simm.s32 $0x10030;
	s13 =	simm.s32 $0x16030;
	s18 =	simm.s32 $0xC010  }
.LBB2_11:
0x261: {  	s30 =	sadd.s32 $0x2, s30;
	s26 =	sadd.s32 $0x20, s26;
	s0 =	sadd.s32 $0x20, s0  }
0x262: {  	v8 =	vadd.f32 $-4.000000190e-03, v4;
	p1 =	slt.u32 s30, $0xFE;
	vm0 =	vgt.f32 v5, v4;
	v7 =	vsub.f32 v4, v5  }
0x263: {  	vm1 =	vlt.f32 v5, v6;
	v9 =	vsub.f32 v5, v6;
	v10 =	vadd.f32 $4.000000190e-03, v6  }
0x264: {  	vm0 =	vmor vm0, vm1;
	v7 =	vmul.f32 v7, v7;
	vm1 =	vlt.f32 v5, v8  }
0x265: {  	vm2 =	vgt.f32 v5, v8;
	v9 =	vmul.f32 v9, v9;
	vm3 =	vgt.f32 v5, v10  }
0x266: {  	vm5 =	vgt.f32 v5, v6;
	vm4 =	vlt.f32 v5, v10;
	v8 =	vld [tilespmem:s18+$0x0];
	vm2 =	vmand vm2, vm3;
	s18 =	smov.u32 s0  }
0x267: {  	vm1 =	vmand vm4, vm1;
	vm3 =	vlt.f32 v5, v4;
	v6 =	vmul.f32 $6.250000000e+04, v9  }
0x268: {  	v4 =	vsel vm0, $0x0, v3;
	v5 =	vmul.f32 $6.250000000e+04, v7;
	vm0 =	vmand vm1, vm5  }
0x269: {  	vm1 =	vmand vm2, vm3;
	v4 =	vsel vm0, v6, v4  }
0x26a: {  	v4 =	vsel vm1, v5, v4  }
0x26b: {  	v4 =	vmul.f32 v4, v8;
	_ =	sdelay $0x1  }
0x26c: {  	[tilespmem:s11+$0x0] =	vst v4;
	s11 =	smov.u32 s26  }
0x26d: {  	v4 =	vld [tilespmem:s13+$0xFFFFFFF0]  }
0x26e: {  	v5 =	vld [tilespmem:s21+$0xFFFFFFF0]  }
0x26f: {  	v6 =	vld [tilespmem:s28+$0xFFFFFFF0];
	_ =	sdelay $0x3  }
0x270: {  	v8 =	vadd.f32 $-4.000000190e-03, v4;
	vm0 =	vgt.f32 v5, v4;
	v7 =	vsub.f32 v4, v5  }
0x271: {  	vm1 =	vlt.f32 v5, v6;
	v9 =	vsub.f32 v5, v6;
	v10 =	vadd.f32 $4.000000190e-03, v6  }
0x272: {  	vm2 =	vgt.f32 v5, v6;
	vm3 =	vlt.f32 v5, v8;
	vm4 =	vgt.f32 v5, v8  }
0x273: {  	v6 =	vmul.f32 v9, v9;
	vm5 =	vlt.f32 v5, v10;
	vm6 =	vgt.f32 v5, v10  }
0x274: {  	v7 =	vmul.f32 v7, v7;
	v8 =	vld [tilespmem:s0+$0xFFFFFFF0];
	vm3 =	vmand vm5, vm3;
	vm4 =	vmand vm4, vm6  }
0x275: {  	vm0 =	vmor vm0, vm1;
	vm1 =	vlt.f32 v5, v4;
	v6 =	vmul.f32 $6.250000000e+04, v6  }
0x276: {  	v4 =	vsel vm0, $0x0, v3;
	v5 =	vmul.f32 $6.250000000e+04, v7;
	vm0 =	vmand vm3, vm2  }
0x277: {  	vm1 =	vmand vm4, vm1;
	v4 =	vsel vm0, v6, v4  }
0x278: {  	v4 =	vsel vm1, v5, v4  }
0x279: {  	v4 =	vmul.f32 v4, v8;
	_ =	sdelay $0x1  }
0x27a: {  	[tilespmem:s26+$0xFFFFFFF0] =	vst v4  }
.Ltmp4:
0x27b: {  	v4 =	vld [tilespmem:s13+$0x0];
	(pc) =	sbr.rel @p1 .LBB2_11-.Ltmp4, $3  }
0x27c: {  	v5 =	vld [tilespmem:s21+$0x0]  }
0x27d: {  	v6 =	vld [tilespmem:s28+$0x0];
	_ =	sdelay $0x1  }
0x27e: {  	s13 =	sadd.s32 $0x20, s13;
	s21 =	sadd.s32 $0x20, s21;
	s28 =	sadd.s32 $0x20, s28  }
0x27f: {  	_ = 	snop  }
0x280: {  	v8 =	vadd.f32 $-4.000000190e-03, v4;
	vm0 =	vgt.f32 v5, v4;
	v7 =	vsub.f32 v4, v5  }
0x281: {  	vm11 =	vlt.f32 v5, v4;
	vm1 =	vlt.f32 v5, v6;
	v9 =	vsub.f32 v5, v6  }
0x282: {  	v10 =	vadd.f32 $4.000000190e-03, v6;
	vm10 =	vlt.f32 v5, v8;
	vm2 =	vgt.f32 v5, v8  }
0x283: {  	vm5 =	vgt.f32 v5, v6;
	vm0 =	vmor vm0, vm1;
	v9 =	vmul.f32 v9, v9  }
0x284: {  	v8 =	vld [tilespmem:s18+$0x0];
	v7 =	vmul.f32 v7, v7;
	vm3 =	vgt.f32 v5, v10;
	vm4 =	vlt.f32 v5, v10  }
0x285: {  	v4 =	vsel vm0, $0x0, v3;
	vm1 =	vmand vm4, vm10;
	v6 =	vmul.f32 $6.250000000e+04, v9  }
0x286: {  	vm2 =	vmand vm2, vm3;
	v5 =	vmul.f32 $6.250000000e+04, v7;
	vm12 =	vmand vm1, vm5  }
0x287: {  	vm13 =	vmand vm2, vm11;
	v4 =	vsel vm12, v6, v4  }
0x288: {  	v4 =	vsel vm13, v5, v4  }
0x289: {  	v4 =	vmul.f32 v4, v8  }
0x28a: {  	s5 =	sshrl.u32 s5, $0x3;
	s0 =	rddreg [dreg:$0x4]  }
0x28b: {  	s21 =	simm.s32 $0x18000;
	s0 =	sadd.s32 s0, s5;
	[tilespmem:s11+$0x0] =	vst v4  }
0x28c: {  	[hbm4b:s0+s7] =	stream.linear.scatter [tilespmem:s21], [sflag:$0x5], $0x1000, $0x38;
	[tilespmem:$0x1A000] =	vst v63  }
0x28d: {  	s26 =	smin.u32 s3, $0x1B;
	_ =	swait.ge [sflag:s22], $0x3000  }
0x28e: {  	s0 =	sshll.u32 s26, $0xC;
	[sflag:s22] =	ssyncset.done $0x0;
	s28 =	rddreg [dreg:$0xd]  }
0x28f: {  	s0 =	sadd.s32 s0, s28;
	[sflag:s22] =	ssyncadd.s32 $0xFFFFD000  }
0x290: {  	s11 =	smul.u32 $0x3, s0;
	_ =	swait.ge [sflag:s22], $0x1000  }
0x291: {  	s13 =	simm.s32 $0x0;
	[sflag:s22] =	ssyncset.done $0x0  }
0x292: {  	v4 =	vadd.s32 s13, v0;
	s11 =	sshrl.u32 s11, $0x3;
	[sflag:s22] =	ssyncadd.s32 $0xFFFFF000  }
0x293: {  	v6 =	vadd.s32 s13, v2;
	v5 =	vadd.s32 s13, v1;
	s0 =	sshrl.u32 s0, $0x3;
	s11 =	sadd.s32 s10, s11;
	s13 =	rddreg [dreg:$0x3]  }
0x294: {  	[tilespmem:s7], [sflag:$0x1] =	stream.linear.gather [hbm4b:s11+s7], $0x3000, $0x38;
	[tilespmem:$0x1A000] =	vst v63  }
0x295: {  	s18 =	simm.s32 $0xC000;
	s0 =	sadd.s32 s13, s0  }
0x296: {  	[tilespmem:s18], [sflag:$0x1] =	stream.linear.gather [hbm4b:s0+s7], $0x1000, $0x38;
	[tilespmem:$0x1A000] =	vst v63  }
0x297: {  	v4 =	vld.idx.msk [tilespmem:v4+s23+$0x0], $0xffff  }
0x298: {  	v5 =	vld.idx.msk [tilespmem:v5+s23+$0x0], $0xffff  }
0x299: {  	v6 =	vld.idx.msk [tilespmem:v6+s23+$0x0], $0xffff;
	_ =	sdelay $0x3  }
0x29a: {  	v7 =	vand.u32 $0x7FFFFFFF, v4;
	v8 =	vand.u32 $0x7FFFFFFF, v5  }
0x29b: {  	v7 =	vmax.f32 v7, v8;
	v8 =	vand.u32 $0x7FFFFFFF, v6  }
0x29c: {  	v7 =	vmax.f32 v7, v8  }
0x29d: {  	v8 =	vmax.f32 v7, $9.999999710e-10  }
0x29e: {  	(erf) = vrcp.f32 v8;
	_ =	sdelay $0x8  }
0x29f: {  	v8 =	vpop (erf)  }
0x2a0: {  	v9 =	vsub.f32 $2.000000000e+00, v8;
	_ =	sdelay $0x1  }
0x2a1: {  	v8 =	vmul.f32 v9, v8  }
0x2a2: {  	vm14 =	vle.f32 v7, $1.000000000e+00  }
0x2a3: {  	v7 =	vsel vm14, $0x3F800000, v8  }
0x2a4: {  	v4 =	vmul.f32 v7, v4  }
0x2a5: {  	v5 =	vmul.f32 v7, v5  }
0x2a6: {  	v4 =	vadd.f32 $2.000000000e+00, v4  }
0x2a7: {  	v5 =	vadd.f32 $2.000000000e+00, v5  }
0x2a8: {  	v4 =	vmul.f32 $2.560000000e+02, v4  }
0x2a9: {  	v5 =	vmul.f32 $2.560000000e+02, v5  }
0x2aa: {  	v4 =	vmin.f32 v4, $1.023000000e+03  }
0x2ab: {  	s21 =	simm.s32 $0x30;
	v5 =	vmin.f32 v5, $1.023000000e+03;
	v4 =	vtrunc.f32 v4  }
0x2ac: {  	v8 =	vadd.s32 s21, v0;
	v5 =	vtrunc.f32 v5;
	v4 =	vcvt.f32.s32 v4  }
0x2ad: {  	v6 =	vmul.f32 v7, v6;
	v7 =	vadd.s32 s21, v1;
	v5 =	vcvt.f32.s32 v5  }
0x2ae: {  	s26 =	simm.s32 $0x10010;
	v9 =	vadd.s32 s21, v2;
	v4 =	vshll.u32 v4, $0xA  }
0x2af: {  	s30 =	simm.s32 $0x12010;
	[tilespmem:s26+$0xFFFFFFF0] =	vst v6;
	v4 =	vadd.s32 v5, v4  }
0x2b0: {  	[tilespmem:s30+$0xFFFFFFF0] =	vst v4  }
0x2b1: {  	v4 =	vld.idx.msk [tilespmem:v8+s23+$0x0], $0xffff  }
0x2b2: {  	v5 =	vld.idx.msk [tilespmem:v7+s23+$0x0], $0xffff  }
0x2b3: {  	v6 =	vld.idx.msk [tilespmem:v9+s23+$0x0], $0xffff;
	_ =	sdelay $0x3  }
0x2b4: {  	v7 =	vand.u32 $0x7FFFFFFF, v4;
	v8 =	vand.u32 $0x7FFFFFFF, v5  }
0x2b5: {  	v7 =	vmax.f32 v7, v8;
	v8 =	vand.u32 $0x7FFFFFFF, v6  }
0x2b6: {  	v7 =	vmax.f32 v7, v8  }
0x2b7: {  	v8 =	vmax.f32 v7, $9.999999710e-10  }
0x2b8: {  	(erf) = vrcp.f32 v8;
	_ =	sdelay $0x8  }
0x2b9: {  	v8 =	vpop (erf)  }
0x2ba: {  	v9 =	vsub.f32 $2.000000000e+00, v8;
	_ =	sdelay $0x1  }
0x2bb: {  	v8 =	vmul.f32 v9, v8  }
0x2bc: {  	vm15 =	vle.f32 v7, $1.000000000e+00  }
0x2bd: {  	v7 =	vsel vm15, $0x3F800000, v8  }
0x2be: {  	v4 =	vmul.f32 v7, v4;
	v5 =	vmul.f32 v7, v5;
	_ =	sdelay $0x1  }
0x2bf: {  	s28 =	simm.s32 $0x60;
	v6 =	vmul.f32 v7, v6;
	v7 =	vadd.f32 $2.000000000e+00, v4;
	v8 =	vadd.f32 $2.000000000e+00, v5  }
0x2c0: {  	v5 =	vadd.s32 s28, v0;
	v4 =	vadd.s32 s28, v1  }
0x2c1: {  	s11 =	simm.s32 $0x12010;
	s18 =	simm.s32 $0x2;
	s0 =	simm.s32 $0x90;
	[tilespmem:s26+$0x0] =	vst v6;
	v6 =	vadd.s32 s28, v2;
	v7 =	vmul.f32 $2.560000000e+02, v7;
	v8 =	vmul.f32 $2.560000000e+02, v8  }
.LBB2_13:
0x2c2: {  	s18 =	sadd.s32 $0x2, s18;
	s26 =	sadd.s32 $0x20, s26;
	s30 =	sadd.s32 $0x20, s30  }
0x2c3: {  	p1 =	slt.u32 s18, $0xFE;
	v7 =	vmin.f32 v7, $1.023000000e+03;
	v8 =	vmin.f32 v8, $1.023000000e+03  }
0x2c4: {  	v7 =	vtrunc.f32 v7;
	v8 =	vtrunc.f32 v8  }
0x2c5: {  	v7 =	vcvt.f32.s32 v7;
	v8 =	vcvt.f32.s32 v8;
	_ =	sdelay $0x1  }
0x2c6: {  	v7 =	vshll.u32 v7, $0xA  }
0x2c7: {  	v7 =	vadd.s32 v8, v7  }
0x2c8: {  	[tilespmem:s11+$0x0] =	vst v7;
	s11 =	smov.u32 s30  }
0x2c9: {  	v5 =	vld.idx.msk [tilespmem:v5+s23+$0x0], $0xffff  }
0x2ca: {  	v4 =	vld.idx.msk [tilespmem:v4+s23+$0x0], $0xffff  }
0x2cb: {  	v6 =	vld.idx.msk [tilespmem:v6+s23+$0x0], $0xffff;
	_ =	sdelay $0x4  }
0x2cc: {  	v7 =	vand.u32 $0x7FFFFFFF, v5;
	v8 =	vand.u32 $0x7FFFFFFF, v4  }
0x2cd: {  	v7 =	vmax.f32 v7, v8;
	v8 =	vand.u32 $0x7FFFFFFF, v6  }
0x2ce: {  	v7 =	vmax.f32 v7, v8  }
0x2cf: {  	v8 =	vmax.f32 v7, $9.999999710e-10  }
0x2d0: {  	(erf) = vrcp.f32 v8;
	_ =	sdelay $0x8  }
0x2d1: {  	v8 =	vpop (erf)  }
0x2d2: {  	v9 =	vsub.f32 $2.000000000e+00, v8;
	_ =	sdelay $0x1  }
0x2d3: {  	v8 =	vmul.f32 v9, v8  }
0x2d4: {  	vm0 =	vle.f32 v7, $1.000000000e+00  }
0x2d5: {  	v7 =	vsel vm0, $0x3F800000, v8  }
0x2d6: {  	v5 =	vmul.f32 v7, v5;
	v4 =	vmul.f32 v7, v4  }
0x2d7: {  	v6 =	vmul.f32 v7, v6  }
0x2d8: {  	v5 =	vadd.f32 $2.000000000e+00, v5;
	v4 =	vadd.f32 $2.000000000e+00, v4;
	_ =	sdelay $0x1  }
0x2d9: {  	v5 =	vmul.f32 $2.560000000e+02, v5;
	v4 =	vmul.f32 $2.560000000e+02, v4;
	_ =	sdelay $0x1  }
0x2da: {  	v5 =	vmin.f32 v5, $1.023000000e+03;
	v4 =	vmin.f32 v4, $1.023000000e+03  }
0x2db: {  	v5 =	vtrunc.f32 v5;
	v4 =	vtrunc.f32 v4  }
0x2dc: {  	v7 =	vadd.s32 s0, v0;
	v5 =	vcvt.f32.s32 v5  }
0x2dd: {  	v8 =	vadd.s32 s0, v1;
	v4 =	vcvt.f32.s32 v4  }
0x2de: {  	v9 =	vadd.s32 s0, v2;
	v5 =	vshll.u32 v5, $0xA  }
0x2df: {  	v4 =	vadd.s32 v4, v5;
	[tilespmem:s26+$0xFFFFFFF0] =	vst v6  }
0x2e0: {  	[tilespmem:s30+$0xFFFFFFF0] =	vst v4  }
0x2e1: {  	v4 =	vld.idx.msk [tilespmem:v7+s23+$0x0], $0xffff  }
0x2e2: {  	v5 =	vld.idx.msk [tilespmem:v8+s23+$0x0], $0xffff  }
0x2e3: {  	v6 =	vld.idx.msk [tilespmem:v9+s23+$0x0], $0xffff;
	_ =	sdelay $0x3  }
0x2e4: {  	v7 =	vand.u32 $0x7FFFFFFF, v4  }
0x2e5: {  	v8 =	vand.u32 $0x7FFFFFFF, v5  }
0x2e6: {  	v7 =	vmax.f32 v7, v8;
	v8 =	vand.u32 $0x7FFFFFFF, v6  }
0x2e7: {  	v7 =	vmax.f32 v7, v8  }
0x2e8: {  	v8 =	vmax.f32 v7, $9.999999710e-10  }
0x2e9: {  	(erf) = vrcp.f32 v8;
	_ =	sdelay $0x8  }
0x2ea: {  	v8 =	vpop (erf)  }
0x2eb: {  	v9 =	vsub.f32 $2.000000000e+00, v8;
	_ =	sdelay $0x1  }
0x2ec: {  	v8 =	vmul.f32 v9, v8  }
0x2ed: {  	vm0 =	vle.f32 v7, $1.000000000e+00  }
0x2ee: {  	v7 =	vsel vm0, $0x3F800000, v8  }
.Ltmp5:
0x2ef: {  	v4 =	vmul.f32 v7, v4;
	v5 =	vmul.f32 v7, v5;
	(pc) =	sbr.rel @p1 .LBB2_13-.Ltmp5, $4  }
0x2f0: {  	s0 =	sadd.s32 $0x60, s0;
	v6 =	vmul.f32 v7, v6  }
0x2f1: {  	s13 =	sadd.s32 $0xFFFFFFD0, s0;
	v7 =	vadd.f32 $2.000000000e+00, v4;
	v8 =	vadd.f32 $2.000000000e+00, v5  }
0x2f2: {  	v5 =	vadd.s32 s13, v0;
	v4 =	vadd.s32 s13, v1;
	[tilespmem:s26+$0x0] =	vst v6  }
0x2f3: {  	v6 =	vadd.s32 s13, v2;
	v7 =	vmul.f32 $2.560000000e+02, v7;
	v8 =	vmul.f32 $2.560000000e+02, v8  }
0x2f4: {  	_ = 	snop  }
0x2f5: {  	v7 =	vmin.f32 v7, $1.023000000e+03  }
0x2f6: {  	v8 =	vmin.f32 v8, $1.023000000e+03;
	v7 =	vtrunc.f32 v7  }
0x2f7: {  	v8 =	vtrunc.f32 v8;
	v7 =	vcvt.f32.s32 v7  }
0x2f8: {  	v8 =	vcvt.f32.s32 v8  }
0x2f9: {  	v7 =	vshll.u32 v7, $0xA  }
0x2fa: {  	v7 =	vadd.s32 v8, v7  }
0x2fb: {  	[tilespmem:s11+$0x0] =	vst v7  }
0x2fc: {  	v5 =	vld.idx.msk [tilespmem:v5+s23+$0x0], $0xffff  }
0x2fd: {  	v4 =	vld.idx.msk [tilespmem:v4+s23+$0x0], $0xffff  }
0x2fe: {  	v6 =	vld.idx.msk [tilespmem:v6+s23+$0x0], $0xffff;
	_ =	sdelay $0x3  }
0x2ff: {  	v7 =	vand.u32 $0x7FFFFFFF, v5;
	v8 =	vand.u32 $0x7FFFFFFF, v4  }
0x300: {  	v7 =	vmax.f32 v7, v8;
	v8 =	vand.u32 $0x7FFFFFFF, v6  }
0x301: {  	v7 =	vmax.f32 v7, v8  }
0x302: {  	v8 =	vmax.f32 v7, $9.999999710e-10  }
0x303: {  	(erf) = vrcp.f32 v8;
	_ =	sdelay $0x8  }
0x304: {  	v8 =	vpop (erf)  }
0x305: {  	v9 =	vsub.f32 $2.000000000e+00, v8;
	_ =	sdelay $0x1  }
0x306: {  	v8 =	vmul.f32 v9, v8  }
0x307: {  	vm0 =	vle.f32 v7, $1.000000000e+00  }
0x308: {  	v7 =	vsel vm0, $0x3F800000, v8  }
0x309: {  	v5 =	vmul.f32 v7, v5  }
0x30a: {  	v4 =	vmul.f32 v7, v4  }
0x30b: {  	v5 =	vadd.f32 $2.000000000e+00, v5  }
0x30c: {  	v4 =	vadd.f32 $2.000000000e+00, v4  }
0x30d: {  	v5 =	vmul.f32 $2.560000000e+02, v5  }
0x30e: {  	v4 =	vmul.f32 $2.560000000e+02, v4  }
0x30f: {  	v5 =	vmin.f32 v5, $1.023000000e+03  }
0x310: {  	v4 =	vmin.f32 v4, $1.023000000e+03;
	v5 =	vtrunc.f32 v5  }
0x311: {  	v8 =	vadd.s32 s0, v0;
	v4 =	vtrunc.f32 v4;
	v5 =	vcvt.f32.s32 v5  }
0x312: {  	v6 =	vmul.f32 v7, v6;
	v7 =	vadd.s32 s0, v1;
	v4 =	vcvt.f32.s32 v4  }
0x313: {  	s13 =	sadd.s32 $0x20, s26;
	v61 =	vadd.s32 s0, v2;
	v5 =	vshll.u32 v5, $0xA  }
0x314: {  	s18 =	sadd.s32 $0x20, s30;
	[tilespmem:s13+$0xFFFFFFF0] =	vst v6;
	v4 =	vadd.s32 v4, v5  }
0x315: {  	[tilespmem:s18+$0xFFFFFFF0] =	vst v4  }
0x316: {  	v4 =	vld.idx.msk [tilespmem:v8+s23+$0x0], $0xffff  }
0x317: {  	v5 =	vld.idx.msk [tilespmem:v7+s23+$0x0], $0xffff  }
0x318: {  	v6 =	vld.idx.msk [tilespmem:v61+s23+$0x0], $0xffff;
	_ =	sdelay $0x3  }
0x319: {  	v7 =	vand.u32 $0x7FFFFFFF, v4;
	v8 =	vand.u32 $0x7FFFFFFF, v5  }
0x31a: {  	v7 =	vmax.f32 v7, v8;
	v8 =	vand.u32 $0x7FFFFFFF, v6  }
0x31b: {  	v7 =	vmax.f32 v7, v8  }
0x31c: {  	v8 =	vmax.f32 v7, $9.999999710e-10  }
0x31d: {  	(erf) = vrcp.f32 v8;
	_ =	sdelay $0x8  }
0x31e: {  	v8 =	vpop (erf)  }
0x31f: {  	v62 =	vsub.f32 $2.000000000e+00, v8;
	_ =	sdelay $0x1  }
0x320: {  	v8 =	vmul.f32 v62, v8  }
0x321: {  	vm12 =	vle.f32 v7, $1.000000000e+00  }
0x322: {  	v7 =	vsel vm12, $0x3F800000, v8  }
0x323: {  	v4 =	vmul.f32 v7, v4  }
0x324: {  	v5 =	vmul.f32 v7, v5  }
0x325: {  	v4 =	vadd.f32 $2.000000000e+00, v4  }
0x326: {  	v5 =	vadd.f32 $2.000000000e+00, v5  }
0x327: {  	v4 =	vmul.f32 $2.560000000e+02, v4  }
0x328: {  	v5 =	vmul.f32 $2.560000000e+02, v5  }
0x329: {  	v4 =	vmin.f32 v4, $1.023000000e+03  }
0x32a: {  	v5 =	vmin.f32 v5, $1.023000000e+03;
	v4 =	vtrunc.f32 v4  }
0x32b: {  	v5 =	vtrunc.f32 v5;
	v4 =	vcvt.f32.s32 v4  }
0x32c: {  	v6 =	vmul.f32 v7, v6;
	v5 =	vcvt.f32.s32 v5  }
0x32d: {  	v4 =	vshll.u32 v4, $0xA  }
0x32e: {  	[tilespmem:s13+$0x0] =	vst v6;
	v4 =	vadd.s32 v5, v4  }
0x32f: {  	s21 =	simm.s32 $0x12000;
	s26 =	simm.s32 $0x14000;
	[tilespmem:s18+$0x0] =	vst v4  }
0x330: {  	[tilespmem:s26], [sflag:$0x3] =	stream.indirect.gather [hbm4b:s1+s25], $0x1, s21, s25, $0xb8;
	[tilespmem:$0x1A000] =	vst v63  }
0x331: {  	s13 =	simm.s32 $0x16000  }
0x332: {  	[tilespmem:s13], [sflag:$0x3] =	stream.indirect.gather [hbm4b:s2+s25], $0x1, s21, s25, $0xb8;
	[tilespmem:$0x1A000] =	vst v63  }
0x333: {  	s18 =	simm.s32 $0x12200;
	s21 =	simm.s32 $0x14200  }
0x334: {  	[tilespmem:s21], [sflag:$0x3] =	stream.indirect.gather [hbm4b:s1+s25], $0x1, s18, s25, $0xb8;
	[tilespmem:$0x1A000] =	vst v63  }
0x335: {  	s26 =	simm.s32 $0x16200  }
0x336: {  	[tilespmem:s26], [sflag:$0x3] =	stream.indirect.gather [hbm4b:s2+s25], $0x1, s18, s25, $0xb8;
	[tilespmem:$0x1A000] =	vst v63  }
0x337: {  	s13 =	simm.s32 $0x12400;
	s18 =	simm.s32 $0x14400  }
0x338: {  	[tilespmem:s18], [sflag:$0x3] =	stream.indirect.gather [hbm4b:s1+s25], $0x1, s13, s25, $0xb8;
	[tilespmem:$0x1A000] =	vst v63  }
0x339: {  	s21 =	simm.s32 $0x16400  }
0x33a: {  	[tilespmem:s21], [sflag:$0x3] =	stream.indirect.gather [hbm4b:s2+s25], $0x1, s13, s25, $0xb8;
	[tilespmem:$0x1A000] =	vst v63  }
0x33b: {  	s26 =	simm.s32 $0x12600;
	s13 =	simm.s32 $0x14600  }
0x33c: {  	[tilespmem:s13], [sflag:$0x3] =	stream.indirect.gather [hbm4b:s1+s25], $0x1, s26, s25, $0xb8;
	[tilespmem:$0x1A000] =	vst v63  }
0x33d: {  	s18 =	simm.s32 $0x16600  }
0x33e: {  	[tilespmem:s18], [sflag:$0x3] =	stream.indirect.gather [hbm4b:s2+s25], $0x1, s26, s25, $0xb8;
	[tilespmem:$0x1A000] =	vst v63  }
0x33f: {  	s21 =	simm.s32 $0x12800;
	s26 =	simm.s32 $0x14800  }
0x340: {  	[tilespmem:s26], [sflag:$0x3] =	stream.indirect.gather [hbm4b:s1+s25], $0x1, s21, s25, $0xb8;
	[tilespmem:$0x1A000] =	vst v63  }
0x341: {  	s13 =	simm.s32 $0x16800  }
0x342: {  	[tilespmem:s13], [sflag:$0x3] =	stream.indirect.gather [hbm4b:s2+s25], $0x1, s21, s25, $0xb8;
	[tilespmem:$0x1A000] =	vst v63  }
0x343: {  	s18 =	simm.s32 $0x12A00;
	s21 =	simm.s32 $0x14A00  }
0x344: {  	[tilespmem:s21], [sflag:$0x3] =	stream.indirect.gather [hbm4b:s1+s25], $0x1, s18, s25, $0xb8;
	[tilespmem:$0x1A000] =	vst v63  }
0x345: {  	s26 =	simm.s32 $0x16A00  }
0x346: {  	[tilespmem:s26], [sflag:$0x3] =	stream.indirect.gather [hbm4b:s2+s25], $0x1, s18, s25, $0xb8;
	[tilespmem:$0x1A000] =	vst v63  }
0x347: {  	s13 =	simm.s32 $0x12C00;
	s18 =	simm.s32 $0x14C00  }
0x348: {  	[tilespmem:s18], [sflag:$0x3] =	stream.indirect.gather [hbm4b:s1+s25], $0x1, s13, s25, $0xb8;
	[tilespmem:$0x1A000] =	vst v63  }
0x349: {  	s21 =	simm.s32 $0x16C00  }
0x34a: {  	[tilespmem:s21], [sflag:$0x3] =	stream.indirect.gather [hbm4b:s2+s25], $0x1, s13, s25, $0xb8;
	[tilespmem:$0x1A000] =	vst v63  }
0x34b: {  	s26 =	simm.s32 $0x12E00;
	s13 =	simm.s32 $0x14E00  }
0x34c: {  	[tilespmem:s13], [sflag:$0x3] =	stream.indirect.gather [hbm4b:s1+s25], $0x1, s26, s25, $0xb8;
	[tilespmem:$0x1A000] =	vst v63  }
0x34d: {  	s18 =	simm.s32 $0x16E00  }
0x34e: {  	[tilespmem:s18], [sflag:$0x3] =	stream.indirect.gather [hbm4b:s2+s25], $0x1, s26, s25, $0xb8;
	[tilespmem:$0x1A000] =	vst v63  }
0x34f: {  	_ =	swait.ge [sflag:s19], $0x200  }
0x350: {  	[sflag:s19] =	ssyncset.done $0x0  }
0x351: {  	[sflag:s19] =	ssyncadd.s32 $0xFFFFFE00  }
0x352: {  	_ =	swait.ge [sflag:s19], $0x200  }
0x353: {  	[sflag:s19] =	ssyncset.done $0x0  }
0x354: {  	[sflag:s19] =	ssyncadd.s32 $0xFFFFFE00  }
0x355: {  	_ =	swait.ge [sflag:s19], $0x200  }
0x356: {  	[sflag:s19] =	ssyncset.done $0x0  }
0x357: {  	[sflag:s19] =	ssyncadd.s32 $0xFFFFFE00  }
0x358: {  	_ =	swait.ge [sflag:s19], $0x200  }
0x359: {  	[sflag:s19] =	ssyncset.done $0x0  }
0x35a: {  	[sflag:s19] =	ssyncadd.s32 $0xFFFFFE00  }
0x35b: {  	_ =	swait.ge [sflag:s19], $0x200  }
0x35c: {  	[sflag:s19] =	ssyncset.done $0x0  }
0x35d: {  	[sflag:s19] =	ssyncadd.s32 $0xFFFFFE00  }
0x35e: {  	_ =	swait.ge [sflag:s19], $0x200  }
0x35f: {  	[sflag:s19] =	ssyncset.done $0x0  }
0x360: {  	[sflag:s19] =	ssyncadd.s32 $0xFFFFFE00  }
0x361: {  	_ =	swait.ge [sflag:s19], $0x200  }
0x362: {  	[sflag:s19] =	ssyncset.done $0x0  }
0x363: {  	[sflag:s19] =	ssyncadd.s32 $0xFFFFFE00  }
0x364: {  	_ =	swait.ge [sflag:s19], $0x200  }
0x365: {  	[sflag:s19] =	ssyncset.done $0x0  }
0x366: {  	[sflag:s19] =	ssyncadd.s32 $0xFFFFFE00  }
0x367: {  	_ =	swait.ge [sflag:s19], $0x200  }
0x368: {  	[sflag:s19] =	ssyncset.done $0x0  }
0x369: {  	[sflag:s19] =	ssyncadd.s32 $0xFFFFFE00  }
0x36a: {  	_ =	swait.ge [sflag:s19], $0x200  }
0x36b: {  	[sflag:s19] =	ssyncset.done $0x0  }
0x36c: {  	[sflag:s19] =	ssyncadd.s32 $0xFFFFFE00  }
0x36d: {  	_ =	swait.ge [sflag:s19], $0x200  }
0x36e: {  	[sflag:s19] =	ssyncset.done $0x0  }
0x36f: {  	[sflag:s19] =	ssyncadd.s32 $0xFFFFFE00  }
0x370: {  	_ =	swait.ge [sflag:s19], $0x200  }
0x371: {  	[sflag:s19] =	ssyncset.done $0x0  }
0x372: {  	[sflag:s19] =	ssyncadd.s32 $0xFFFFFE00  }
0x373: {  	_ =	swait.ge [sflag:s19], $0x200  }
0x374: {  	[sflag:s19] =	ssyncset.done $0x0  }
0x375: {  	[sflag:s19] =	ssyncadd.s32 $0xFFFFFE00  }
0x376: {  	_ =	swait.ge [sflag:s19], $0x200  }
0x377: {  	[sflag:s19] =	ssyncset.done $0x0  }
0x378: {  	[sflag:s19] =	ssyncadd.s32 $0xFFFFFE00  }
0x379: {  	_ =	swait.ge [sflag:s19], $0x200  }
0x37a: {  	[sflag:s19] =	ssyncset.done $0x0  }
0x37b: {  	[sflag:s19] =	ssyncadd.s32 $0xFFFFFE00  }
0x37c: {  	_ =	swait.ge [sflag:s19], $0x200  }
0x37d: {  	[sflag:s19] =	ssyncset.done $0x0  }
0x37e: {  	s0 =	simm.s32 @!p0 $0x6;
	[sflag:s19] =	ssyncadd.s32 $0xFFFFFE00  }
0x37f: {  	_ =	swait.ge @!p0 [sflag:s0], $0x1000  }
0x380: {  	[sflag:s0] =	ssyncset.done @!p0 $0x0  }
0x381: {  	s21 =	simm.s32 $0x17010;
	[sflag:s0] =	ssyncadd.s32 @!p0 $0xFFFFF000  }
0x382: {  	s13 =	simm.s32 $0x11010;
	v4 =	vld [tilespmem:s21+$0xFFFFFFF0]  }
0x383: {  	s18 =	simm.s32 $0x15010;
	v5 =	vld [tilespmem:s13+$0xFFFFFFF0]  }
0x384: {  	v6 =	vld [tilespmem:s18+$0xFFFFFFF0];
	_ =	sdelay $0x3  }
0x385: {  	vm13 =	vgt.f32 v5, v4;
	v7 =	vsub.f32 v4, v5;
	v8 =	vadd.f32 $-4.000000190e-03, v4  }
0x386: {  	vm1 =	vlt.f32 v5, v6;
	v63 =	vsub.f32 v5, v6;
	v10 =	vadd.f32 $4.000000190e-03, v6  }
0x387: {  	vm2 =	vgt.f32 v5, v6;
	vm14 =	vlt.f32 v5, v4;
	vm0 =	vmor vm13, vm1  }
0x388: {  	s0 =	simm.s32 $0xD010;
	vm3 =	vlt.f32 v5, v8;
	vm4 =	vgt.f32 v5, v8;
	v6 =	vmul.f32 v63, v63  }
0x389: {  	vm5 =	vlt.f32 v5, v10;
	vm6 =	vgt.f32 v5, v10;
	v8 =	vld [tilespmem:s0+$0xFFFFFFF0];
	v7 =	vmul.f32 v7, v7  }
0x38a: {  	v4 =	vsel vm0, $0x0, v3;
	vm3 =	vmand vm5, vm3;
	v6 =	vmul.f32 $6.250000000e+04, v6  }
0x38b: {  	vm4 =	vmand vm4, vm6;
	v5 =	vmul.f32 $6.250000000e+04, v7;
	vm15 =	vmand vm3, vm2  }
0x38c: {  	vm1 =	vmand vm4, vm14;
	v4 =	vsel vm15, v6, v4  }
0x38d: {  	v4 =	vsel vm1, v5, v4  }
0x38e: {  	v4 =	vmul.f32 v4, v8  }
0x38f: {  	s26 =	simm.s32 $0x19010  }
0x390: {  	[tilespmem:s26+$0xFFFFFFF0] =	vst v4  }
0x391: {  	v4 =	vld [tilespmem:s21+$0x0]  }
0x392: {  	v5 =	vld [tilespmem:s13+$0x0]  }
0x393: {  	v6 =	vld [tilespmem:s18+$0x0]  }
0x394: {  	s30 =	simm.s32 $0x0;
	s28 =	simm.s32 $0x15030;
	s11 =	simm.s32 $0x19010  }
0x395: {  	s21 =	simm.s32 $0x11030;
	s13 =	simm.s32 $0x17030;
	s18 =	simm.s32 $0xD010  }
.LBB2_15:
0x396: {  	s30 =	sadd.s32 $0x2, s30;
	s26 =	sadd.s32 $0x20, s26;
	s0 =	sadd.s32 $0x20, s0  }
0x397: {  	v8 =	vadd.f32 $-4.000000190e-03, v4;
	p0 =	slt.u32 s30, $0xFE;
	vm0 =	vgt.f32 v5, v4;
	v7 =	vsub.f32 v4, v5  }
0x398: {  	vm1 =	vlt.f32 v5, v6;
	v9 =	vsub.f32 v5, v6;
	v10 =	vadd.f32 $4.000000190e-03, v6  }
0x399: {  	vm0 =	vmor vm0, vm1;
	v7 =	vmul.f32 v7, v7;
	vm1 =	vlt.f32 v5, v8  }
0x39a: {  	vm2 =	vgt.f32 v5, v8;
	v9 =	vmul.f32 v9, v9;
	vm3 =	vgt.f32 v5, v10  }
0x39b: {  	vm5 =	vgt.f32 v5, v6;
	vm4 =	vlt.f32 v5, v10;
	v8 =	vld [tilespmem:s18+$0x0];
	vm2 =	vmand vm2, vm3;
	s18 =	smov.u32 s0  }
0x39c: {  	vm1 =	vmand vm4, vm1;
	vm3 =	vlt.f32 v5, v4;
	v6 =	vmul.f32 $6.250000000e+04, v9  }
0x39d: {  	v4 =	vsel vm0, $0x0, v3;
	v5 =	vmul.f32 $6.250000000e+04, v7;
	vm0 =	vmand vm1, vm5  }
0x39e: {  	vm1 =	vmand vm2, vm3;
	v4 =	vsel vm0, v6, v4  }
0x39f: {  	v4 =	vsel vm1, v5, v4  }
0x3a0: {  	v4 =	vmul.f32 v4, v8;
	_ =	sdelay $0x1  }
0x3a1: {  	[tilespmem:s11+$0x0] =	vst v4;
	s11 =	smov.u32 s26  }
0x3a2: {  	v4 =	vld [tilespmem:s13+$0xFFFFFFF0]  }
0x3a3: {  	v5 =	vld [tilespmem:s21+$0xFFFFFFF0]  }
0x3a4: {  	v6 =	vld [tilespmem:s28+$0xFFFFFFF0];
	_ =	sdelay $0x3  }
0x3a5: {  	v8 =	vadd.f32 $-4.000000190e-03, v4;
	vm0 =	vgt.f32 v5, v4;
	v7 =	vsub.f32 v4, v5  }
0x3a6: {  	vm1 =	vlt.f32 v5, v6;
	v9 =	vsub.f32 v5, v6;
	v10 =	vadd.f32 $4.000000190e-03, v6  }
0x3a7: {  	vm2 =	vgt.f32 v5, v6;
	vm3 =	vlt.f32 v5, v8;
	vm4 =	vgt.f32 v5, v8  }
0x3a8: {  	v6 =	vmul.f32 v9, v9;
	vm5 =	vlt.f32 v5, v10;
	vm6 =	vgt.f32 v5, v10  }
0x3a9: {  	v7 =	vmul.f32 v7, v7;
	v8 =	vld [tilespmem:s0+$0xFFFFFFF0];
	vm3 =	vmand vm5, vm3;
	vm4 =	vmand vm4, vm6  }
0x3aa: {  	vm0 =	vmor vm0, vm1;
	vm1 =	vlt.f32 v5, v4;
	v6 =	vmul.f32 $6.250000000e+04, v6  }
0x3ab: {  	v4 =	vsel vm0, $0x0, v3;
	v5 =	vmul.f32 $6.250000000e+04, v7;
	vm0 =	vmand vm3, vm2  }
0x3ac: {  	vm1 =	vmand vm4, vm1;
	v4 =	vsel vm0, v6, v4  }
0x3ad: {  	v4 =	vsel vm1, v5, v4  }
0x3ae: {  	v4 =	vmul.f32 v4, v8;
	_ =	sdelay $0x1  }
0x3af: {  	[tilespmem:s26+$0xFFFFFFF0] =	vst v4  }
.Ltmp6:
0x3b0: {  	v4 =	vld [tilespmem:s13+$0x0];
	(pc) =	sbr.rel @p0 .LBB2_15-.Ltmp6, $3  }
0x3b1: {  	v5 =	vld [tilespmem:s21+$0x0]  }
0x3b2: {  	v6 =	vld [tilespmem:s28+$0x0];
	_ =	sdelay $0x1  }
0x3b3: {  	s13 =	sadd.s32 $0x20, s13;
	s21 =	sadd.s32 $0x20, s21;
	s28 =	sadd.s32 $0x20, s28  }
0x3b4: {  	_ = 	snop  }
0x3b5: {  	v8 =	vadd.f32 $-4.000000190e-03, v4;
	vm0 =	vgt.f32 v5, v4;
	v7 =	vsub.f32 v4, v5  }
0x3b6: {  	vm11 =	vlt.f32 v5, v4;
	vm1 =	vlt.f32 v5, v6;
	v9 =	vsub.f32 v5, v6  }
0x3b7: {  	v10 =	vadd.f32 $4.000000190e-03, v6;
	vm10 =	vlt.f32 v5, v8;
	vm2 =	vgt.f32 v5, v8  }
0x3b8: {  	vm5 =	vgt.f32 v5, v6;
	vm0 =	vmor vm0, vm1;
	v9 =	vmul.f32 v9, v9  }
0x3b9: {  	v8 =	vld [tilespmem:s18+$0x0];
	v7 =	vmul.f32 v7, v7;
	vm3 =	vgt.f32 v5, v10;
	vm4 =	vlt.f32 v5, v10  }
0x3ba: {  	v4 =	vsel vm0, $0x0, v3;
	vm1 =	vmand vm4, vm10;
	v6 =	vmul.f32 $6.250000000e+04, v9  }
0x3bb: {  	vm2 =	vmand vm2, vm3;
	v5 =	vmul.f32 $6.250000000e+04, v7;
	vm12 =	vmand vm1, vm5  }
0x3bc: {  	vm13 =	vmand vm2, vm11;
	v4 =	vsel vm12, v6, v4  }
0x3bd: {  	v4 =	vsel vm13, v5, v4  }
0x3be: {  	s0 =	rddreg [dreg:$0x4];
	v4 =	vmul.f32 v4, v8  }
0x3bf: {  	s0 =	sadd.s32 s5, s0  }
0x3c0: {  	s30 =	simm.s32 $0x19000;
	s0 =	sadd.s32 $0x200, s0;
	[tilespmem:s11+$0x0] =	vst v4  }
0x3c1: {  	[hbm4b:s0+s7] =	stream.linear.scatter [tilespmem:s30], [sflag:$0x6], $0x1000, $0x38;
	[tilespmem:$0x1A000] =	vst v63  }
0x3c2: {  	s5 =	smin.u32 s3, $0x1A;
	_ =	swait.ge [sflag:s4], $0x3000  }
0x3c3: {  	s0 =	sshll.u32 s5, $0xC;
	[sflag:s4] =	ssyncset.done $0x0;
	s11 =	rddreg [dreg:$0xe]  }
0x3c4: {  	s0 =	sadd.s32 s0, s11;
	[sflag:s4] =	ssyncadd.s32 $0xFFFFD000  }
0x3c5: {  	s3 =	smul.u32 $0x3, s0;
	_ =	swait.ge [sflag:s4], $0x1000  }
0x3c6: {  	s13 =	simm.s32 $0x0;
	[sflag:s4] =	ssyncset.done $0x0  }
0x3c7: {  	v4 =	vadd.s32 s13, v0;
	s3 =	sshrl.u32 s3, $0x3;
	[sflag:s4] =	ssyncadd.s32 $0xFFFFF000  }
0x3c8: {  	v5 =	vadd.s32 s13, v1;
	s0 =	sshrl.u32 s0, $0x3;
	s3 =	sadd.s32 s10, s3;
	s18 =	rddreg [dreg:$0x3]  }
0x3c9: {  	v6 =	vadd.s32 s13, v2;
	[tilespmem:s20], [sflag:$0x2] =	stream.linear.gather [hbm4b:s3+s7], $0x3000, $0x38;
	[tilespmem:$0x1A000] =	vst v63  }
0x3ca: {  	s21 =	simm.s32 $0xD000;
	s0 =	sadd.s32 s18, s0  }
0x3cb: {  	[tilespmem:s21], [sflag:$0x2] =	stream.linear.gather [hbm4b:s0+s7], $0x1000, $0x38;
	[tilespmem:$0x1A000] =	vst v63  }
0x3cc: {  	v4 =	vld.idx.msk [tilespmem:v4+s9+$0x0], $0xffff  }
0x3cd: {  	v5 =	vld.idx.msk [tilespmem:v5+s9+$0x0], $0xffff  }
0x3ce: {  	v6 =	vld.idx.msk [tilespmem:v6+s9+$0x0], $0xffff;
	_ =	sdelay $0x3  }
0x3cf: {  	v7 =	vand.u32 $0x7FFFFFFF, v4;
	v8 =	vand.u32 $0x7FFFFFFF, v5  }
0x3d0: {  	v7 =	vmax.f32 v7, v8;
	v8 =	vand.u32 $0x7FFFFFFF, v6  }
0x3d1: {  	v7 =	vmax.f32 v7, v8  }
0x3d2: {  	v8 =	vmax.f32 v7, $9.999999710e-10  }
0x3d3: {  	(erf) = vrcp.f32 v8;
	_ =	sdelay $0x8  }
0x3d4: {  	v8 =	vpop (erf)  }
0x3d5: {  	v9 =	vsub.f32 $2.000000000e+00, v8;
	_ =	sdelay $0x1  }
0x3d6: {  	v8 =	vmul.f32 v9, v8  }
0x3d7: {  	vm14 =	vle.f32 v7, $1.000000000e+00  }
0x3d8: {  	v7 =	vsel vm14, $0x3F800000, v8  }
0x3d9: {  	v4 =	vmul.f32 v7, v4  }
0x3da: {  	v5 =	vmul.f32 v7, v5  }
0x3db: {  	v4 =	vadd.f32 $2.000000000e+00, v4  }
0x3dc: {  	v5 =	vadd.f32 $2.000000000e+00, v5  }
0x3dd: {  	v4 =	vmul.f32 $2.560000000e+02, v4  }
0x3de: {  	v5 =	vmul.f32 $2.560000000e+02, v5  }
0x3df: {  	v4 =	vmin.f32 v4, $1.023000000e+03  }
0x3e0: {  	s26 =	simm.s32 $0x30;
	v5 =	vmin.f32 v5, $1.023000000e+03;
	v4 =	vtrunc.f32 v4  }
0x3e1: {  	v8 =	vadd.s32 s26, v0;
	v5 =	vtrunc.f32 v5;
	v4 =	vcvt.f32.s32 v4  }
0x3e2: {  	v6 =	vmul.f32 v7, v6;
	v7 =	vadd.s32 s26, v1;
	v5 =	vcvt.f32.s32 v5  }
0x3e3: {  	s3 =	simm.s32 $0x11010;
	v9 =	vadd.s32 s26, v2;
	v4 =	vshll.u32 v4, $0xA  }
0x3e4: {  	s5 =	simm.s32 $0x13010;
	[tilespmem:s3+$0xFFFFFFF0] =	vst v6;
	v4 =	vadd.s32 v5, v4  }
0x3e5: {  	[tilespmem:s5+$0xFFFFFFF0] =	vst v4  }
0x3e6: {  	v4 =	vld.idx.msk [tilespmem:v8+s9+$0x0], $0xffff  }
0x3e7: {  	v5 =	vld.idx.msk [tilespmem:v7+s9+$0x0], $0xffff  }
0x3e8: {  	v6 =	vld.idx.msk [tilespmem:v9+s9+$0x0], $0xffff;
	_ =	sdelay $0x3  }
0x3e9: {  	v7 =	vand.u32 $0x7FFFFFFF, v4;
	v8 =	vand.u32 $0x7FFFFFFF, v5  }
0x3ea: {  	v7 =	vmax.f32 v7, v8;
	v8 =	vand.u32 $0x7FFFFFFF, v6  }
0x3eb: {  	v7 =	vmax.f32 v7, v8  }
0x3ec: {  	v8 =	vmax.f32 v7, $9.999999710e-10  }
0x3ed: {  	(erf) = vrcp.f32 v8;
	_ =	sdelay $0x8  }
0x3ee: {  	v8 =	vpop (erf)  }
0x3ef: {  	v9 =	vsub.f32 $2.000000000e+00, v8;
	_ =	sdelay $0x1  }
0x3f0: {  	v8 =	vmul.f32 v9, v8  }
0x3f1: {  	vm15 =	vle.f32 v7, $1.000000000e+00  }
0x3f2: {  	v7 =	vsel vm15, $0x3F800000, v8  }
0x3f3: {  	v4 =	vmul.f32 v7, v4;
	v5 =	vmul.f32 v7, v5;
	_ =	sdelay $0x1  }
0x3f4: {  	s30 =	simm.s32 $0x60;
	v6 =	vmul.f32 v7, v6;
	v7 =	vadd.f32 $2.000000000e+00, v4;
	v8 =	vadd.f32 $2.000000000e+00, v5  }
0x3f5: {  	s28 =	smov.u32 s10;
	v5 =	vadd.s32 s30, v0;
	v4 =	vadd.s32 s30, v1  }
0x3f6: {  	s11 =	simm.s32 $0x13010;
	s18 =	simm.s32 $0x2;
	s0 =	simm.s32 $0x90;
	[tilespmem:s3+$0x0] =	vst v6;
	v6 =	vadd.s32 s30, v2;
	v7 =	vmul.f32 $2.560000000e+02, v7;
	v8 =	vmul.f32 $2.560000000e+02, v8  }
.LBB2_17:
0x3f7: {  	s18 =	sadd.s32 $0x2, s18;
	s3 =	sadd.s32 $0x20, s3;
	s5 =	sadd.s32 $0x20, s5  }
0x3f8: {  	p0 =	slt.u32 s18, $0xFE;
	v7 =	vmin.f32 v7, $1.023000000e+03;
	v8 =	vmin.f32 v8, $1.023000000e+03  }
0x3f9: {  	v7 =	vtrunc.f32 v7;
	v8 =	vtrunc.f32 v8  }
0x3fa: {  	v7 =	vcvt.f32.s32 v7;
	v8 =	vcvt.f32.s32 v8;
	_ =	sdelay $0x1  }
0x3fb: {  	v7 =	vshll.u32 v7, $0xA  }
0x3fc: {  	v7 =	vadd.s32 v8, v7  }
0x3fd: {  	[tilespmem:s11+$0x0] =	vst v7;
	s11 =	smov.u32 s5  }
0x3fe: {  	v5 =	vld.idx.msk [tilespmem:v5+s9+$0x0], $0xffff  }
0x3ff: {  	v4 =	vld.idx.msk [tilespmem:v4+s9+$0x0], $0xffff  }
0x400: {  	v6 =	vld.idx.msk [tilespmem:v6+s9+$0x0], $0xffff;
	_ =	sdelay $0x4  }
0x401: {  	v7 =	vand.u32 $0x7FFFFFFF, v5;
	v8 =	vand.u32 $0x7FFFFFFF, v4  }
0x402: {  	v7 =	vmax.f32 v7, v8;
	v8 =	vand.u32 $0x7FFFFFFF, v6  }
0x403: {  	v7 =	vmax.f32 v7, v8  }
0x404: {  	v8 =	vmax.f32 v7, $9.999999710e-10  }
0x405: {  	(erf) = vrcp.f32 v8;
	_ =	sdelay $0x8  }
0x406: {  	v8 =	vpop (erf)  }
0x407: {  	v9 =	vsub.f32 $2.000000000e+00, v8;
	_ =	sdelay $0x1  }
0x408: {  	v8 =	vmul.f32 v9, v8  }
0x409: {  	vm0 =	vle.f32 v7, $1.000000000e+00  }
0x40a: {  	v7 =	vsel vm0, $0x3F800000, v8  }
0x40b: {  	v5 =	vmul.f32 v7, v5;
	v4 =	vmul.f32 v7, v4  }
0x40c: {  	v6 =	vmul.f32 v7, v6  }
0x40d: {  	v5 =	vadd.f32 $2.000000000e+00, v5;
	v4 =	vadd.f32 $2.000000000e+00, v4;
	_ =	sdelay $0x1  }
0x40e: {  	v5 =	vmul.f32 $2.560000000e+02, v5;
	v4 =	vmul.f32 $2.560000000e+02, v4;
	_ =	sdelay $0x1  }
0x40f: {  	v5 =	vmin.f32 v5, $1.023000000e+03;
	v4 =	vmin.f32 v4, $1.023000000e+03  }
0x410: {  	v5 =	vtrunc.f32 v5;
	v4 =	vtrunc.f32 v4  }
0x411: {  	v7 =	vadd.s32 s0, v0;
	v5 =	vcvt.f32.s32 v5  }
0x412: {  	v8 =	vadd.s32 s0, v1;
	v4 =	vcvt.f32.s32 v4  }
0x413: {  	v9 =	vadd.s32 s0, v2;
	v5 =	vshll.u32 v5, $0xA  }
0x414: {  	v4 =	vadd.s32 v4, v5;
	[tilespmem:s3+$0xFFFFFFF0] =	vst v6  }
0x415: {  	[tilespmem:s5+$0xFFFFFFF0] =	vst v4  }
0x416: {  	v4 =	vld.idx.msk [tilespmem:v7+s9+$0x0], $0xffff  }
0x417: {  	v5 =	vld.idx.msk [tilespmem:v8+s9+$0x0], $0xffff  }
0x418: {  	v6 =	vld.idx.msk [tilespmem:v9+s9+$0x0], $0xffff;
	_ =	sdelay $0x3  }
0x419: {  	v7 =	vand.u32 $0x7FFFFFFF, v4  }
0x41a: {  	v8 =	vand.u32 $0x7FFFFFFF, v5  }
0x41b: {  	v7 =	vmax.f32 v7, v8;
	v8 =	vand.u32 $0x7FFFFFFF, v6  }
0x41c: {  	v7 =	vmax.f32 v7, v8  }
0x41d: {  	v8 =	vmax.f32 v7, $9.999999710e-10  }
0x41e: {  	(erf) = vrcp.f32 v8;
	_ =	sdelay $0x8  }
0x41f: {  	v8 =	vpop (erf)  }
0x420: {  	v9 =	vsub.f32 $2.000000000e+00, v8;
	_ =	sdelay $0x1  }
0x421: {  	v8 =	vmul.f32 v9, v8  }
0x422: {  	vm0 =	vle.f32 v7, $1.000000000e+00  }
0x423: {  	v7 =	vsel vm0, $0x3F800000, v8  }
.Ltmp7:
0x424: {  	v4 =	vmul.f32 v7, v4;
	v5 =	vmul.f32 v7, v5;
	(pc) =	sbr.rel @p0 .LBB2_17-.Ltmp7, $4  }
0x425: {  	s0 =	sadd.s32 $0x60, s0;
	v6 =	vmul.f32 v7, v6  }
0x426: {  	s13 =	sadd.s32 $0xFFFFFFD0, s0;
	v7 =	vadd.f32 $2.000000000e+00, v4;
	v8 =	vadd.f32 $2.000000000e+00, v5  }
0x427: {  	v5 =	vadd.s32 s13, v0;
	v4 =	vadd.s32 s13, v1;
	[tilespmem:s3+$0x0] =	vst v6  }
0x428: {  	v6 =	vadd.s32 s13, v2;
	v7 =	vmul.f32 $2.560000000e+02, v7;
	v8 =	vmul.f32 $2.560000000e+02, v8  }
0x429: {  	_ = 	snop  }
0x42a: {  	v7 =	vmin.f32 v7, $1.023000000e+03  }
0x42b: {  	v8 =	vmin.f32 v8, $1.023000000e+03;
	v7 =	vtrunc.f32 v7  }
0x42c: {  	v8 =	vtrunc.f32 v8;
	v7 =	vcvt.f32.s32 v7  }
0x42d: {  	v8 =	vcvt.f32.s32 v8  }
0x42e: {  	v7 =	vshll.u32 v7, $0xA  }
0x42f: {  	v7 =	vadd.s32 v8, v7  }
0x430: {  	[tilespmem:s11+$0x0] =	vst v7  }
0x431: {  	v5 =	vld.idx.msk [tilespmem:v5+s9+$0x0], $0xffff  }
0x432: {  	v4 =	vld.idx.msk [tilespmem:v4+s9+$0x0], $0xffff  }
0x433: {  	v6 =	vld.idx.msk [tilespmem:v6+s9+$0x0], $0xffff;
	_ =	sdelay $0x3  }
0x434: {  	v7 =	vand.u32 $0x7FFFFFFF, v5;
	v8 =	vand.u32 $0x7FFFFFFF, v4  }
0x435: {  	v7 =	vmax.f32 v7, v8;
	v8 =	vand.u32 $0x7FFFFFFF, v6  }
0x436: {  	v7 =	vmax.f32 v7, v8  }
0x437: {  	v8 =	vmax.f32 v7, $9.999999710e-10  }
0x438: {  	(erf) = vrcp.f32 v8;
	_ =	sdelay $0x8  }
0x439: {  	v8 =	vpop (erf)  }
0x43a: {  	v9 =	vsub.f32 $2.000000000e+00, v8;
	_ =	sdelay $0x1  }
0x43b: {  	v8 =	vmul.f32 v9, v8  }
0x43c: {  	vm0 =	vle.f32 v7, $1.000000000e+00  }
0x43d: {  	v7 =	vsel vm0, $0x3F800000, v8  }
0x43e: {  	v5 =	vmul.f32 v7, v5  }
0x43f: {  	v4 =	vmul.f32 v7, v4  }
0x440: {  	v5 =	vadd.f32 $2.000000000e+00, v5  }
0x441: {  	v4 =	vadd.f32 $2.000000000e+00, v4  }
0x442: {  	v5 =	vmul.f32 $2.560000000e+02, v5  }
0x443: {  	v4 =	vmul.f32 $2.560000000e+02, v4  }
0x444: {  	v5 =	vmin.f32 v5, $1.023000000e+03  }
0x445: {  	v4 =	vmin.f32 v4, $1.023000000e+03;
	v5 =	vtrunc.f32 v5  }
0x446: {  	v8 =	vadd.s32 s0, v0;
	v4 =	vtrunc.f32 v4;
	v5 =	vcvt.f32.s32 v5  }
0x447: {  	v6 =	vmul.f32 v7, v6;
	v7 =	vadd.s32 s0, v1;
	v4 =	vcvt.f32.s32 v4  }
0x448: {  	s3 =	sadd.s32 $0x20, s3;
	v61 =	vadd.s32 s0, v2;
	v5 =	vshll.u32 v5, $0xA  }
0x449: {  	s18 =	sadd.s32 $0x20, s5;
	[tilespmem:s3+$0xFFFFFFF0] =	vst v6;
	v4 =	vadd.s32 v4, v5  }
0x44a: {  	[tilespmem:s18+$0xFFFFFFF0] =	vst v4  }
0x44b: {  	v4 =	vld.idx.msk [tilespmem:v8+s9+$0x0], $0xffff  }
0x44c: {  	v5 =	vld.idx.msk [tilespmem:v7+s9+$0x0], $0xffff  }
0x44d: {  	v6 =	vld.idx.msk [tilespmem:v61+s9+$0x0], $0xffff;
	_ =	sdelay $0x3  }
0x44e: {  	v7 =	vand.u32 $0x7FFFFFFF, v4;
	v8 =	vand.u32 $0x7FFFFFFF, v5  }
0x44f: {  	v7 =	vmax.f32 v7, v8;
	v8 =	vand.u32 $0x7FFFFFFF, v6  }
0x450: {  	v7 =	vmax.f32 v7, v8  }
0x451: {  	v8 =	vmax.f32 v7, $9.999999710e-10  }
0x452: {  	(erf) = vrcp.f32 v8;
	_ =	sdelay $0x8  }
0x453: {  	v8 =	vpop (erf)  }
0x454: {  	v62 =	vsub.f32 $2.000000000e+00, v8;
	_ =	sdelay $0x1  }
0x455: {  	v8 =	vmul.f32 v62, v8  }
0x456: {  	vm12 =	vle.f32 v7, $1.000000000e+00  }
0x457: {  	v7 =	vsel vm12, $0x3F800000, v8  }
0x458: {  	v4 =	vmul.f32 v7, v4  }
0x459: {  	v5 =	vmul.f32 v7, v5  }
0x45a: {  	v4 =	vadd.f32 $2.000000000e+00, v4  }
0x45b: {  	v5 =	vadd.f32 $2.000000000e+00, v5  }
0x45c: {  	v4 =	vmul.f32 $2.560000000e+02, v4  }
0x45d: {  	v5 =	vmul.f32 $2.560000000e+02, v5  }
0x45e: {  	v4 =	vmin.f32 v4, $1.023000000e+03  }
0x45f: {  	v5 =	vmin.f32 v5, $1.023000000e+03;
	v4 =	vtrunc.f32 v4  }
0x460: {  	v5 =	vtrunc.f32 v5;
	v4 =	vcvt.f32.s32 v4  }
0x461: {  	v6 =	vmul.f32 v7, v6;
	v5 =	vcvt.f32.s32 v5  }
0x462: {  	v4 =	vshll.u32 v4, $0xA  }
0x463: {  	[tilespmem:s3+$0x0] =	vst v6;
	v4 =	vadd.s32 v5, v4  }
0x464: {  	s21 =	simm.s32 $0x13000;
	s26 =	simm.s32 $0x15000;
	[tilespmem:s18+$0x0] =	vst v4  }
0x465: {  	[tilespmem:s26], [sflag:$0x4] =	stream.indirect.gather [hbm4b:s1+s25], $0x1, s21, s25, $0xb8;
	[tilespmem:$0x1A000] =	vst v63  }
0x466: {  	s30 =	simm.s32 $0x17000  }
0x467: {  	[tilespmem:s30], [sflag:$0x4] =	stream.indirect.gather [hbm4b:s2+s25], $0x1, s21, s25, $0xb8;
	[tilespmem:$0x1A000] =	vst v63  }
0x468: {  	s3 =	simm.s32 $0x15200  }
0x469: {  	[tilespmem:s3], [sflag:$0x4] =	stream.indirect.gather [hbm4b:s1+s25], $0x1, s24, s25, $0xb8;
	[tilespmem:$0x1A000] =	vst v63  }
0x46a: {  	s5 =	simm.s32 $0x17200  }
0x46b: {  	[tilespmem:s5], [sflag:$0x4] =	stream.indirect.gather [hbm4b:s2+s25], $0x1, s24, s25, $0xb8;
	[tilespmem:$0x1A000] =	vst v63  }
0x46c: {  	s10 =	simm.s32 $0x15400  }
0x46d: {  	[tilespmem:s10], [sflag:$0x4] =	stream.indirect.gather [hbm4b:s1+s25], $0x1, s8, s25, $0xb8;
	[tilespmem:$0x1A000] =	vst v63  }
0x46e: {  	s11 =	simm.s32 $0x17400  }
0x46f: {  	[tilespmem:s11], [sflag:$0x4] =	stream.indirect.gather [hbm4b:s2+s25], $0x1, s8, s25, $0xb8;
	[tilespmem:$0x1A000] =	vst v63  }
0x470: {  	s13 =	simm.s32 $0x15600  }
0x471: {  	[tilespmem:s13], [sflag:$0x4] =	stream.indirect.gather [hbm4b:s1+s25], $0x1, s29, s25, $0xb8;
	[tilespmem:$0x1A000] =	vst v63  }
0x472: {  	s18 =	simm.s32 $0x17600  }
0x473: {  	[tilespmem:s18], [sflag:$0x4] =	stream.indirect.gather [hbm4b:s2+s25], $0x1, s29, s25, $0xb8;
	[tilespmem:$0x1A000] =	vst v63  }
0x474: {  	s21 =	simm.s32 $0x15800  }
0x475: {  	[tilespmem:s21], [sflag:$0x4] =	stream.indirect.gather [hbm4b:s1+s25], $0x1, s17, s25, $0xb8;
	[tilespmem:$0x1A000] =	vst v63  }
0x476: {  	s26 =	simm.s32 $0x17800  }
0x477: {  	[tilespmem:s26], [sflag:$0x4] =	stream.indirect.gather [hbm4b:s2+s25], $0x1, s17, s25, $0xb8;
	[tilespmem:$0x1A000] =	vst v63  }
0x478: {  	s30 =	simm.s32 $0x15A00  }
0x479: {  	[tilespmem:s30], [sflag:$0x4] =	stream.indirect.gather [hbm4b:s1+s25], $0x1, s15, s25, $0xb8;
	[tilespmem:$0x1A000] =	vst v63  }
0x47a: {  	s3 =	simm.s32 $0x17A00  }
0x47b: {  	[tilespmem:s3], [sflag:$0x4] =	stream.indirect.gather [hbm4b:s2+s25], $0x1, s15, s25, $0xb8;
	[tilespmem:$0x1A000] =	vst v63  }
0x47c: {  	s5 =	simm.s32 $0x15C00  }
0x47d: {  	[tilespmem:s5], [sflag:$0x4] =	stream.indirect.gather [hbm4b:s1+s25], $0x1, s12, s25, $0xb8;
	[tilespmem:$0x1A000] =	vst v63  }
0x47e: {  	s10 =	simm.s32 $0x17C00  }
0x47f: {  	[tilespmem:s10], [sflag:$0x4] =	stream.indirect.gather [hbm4b:s2+s25], $0x1, s12, s25, $0xb8;
	[tilespmem:$0x1A000] =	vst v63  }
0x480: {  	s11 =	simm.s32 $0x15E00  }
0x481: {  	[tilespmem:s11], [sflag:$0x4] =	stream.indirect.gather [hbm4b:s1+s25], $0x1, s16, s25, $0xb8;
	[tilespmem:$0x1A000] =	vst v63  }
0x482: {  	s13 =	simm.s32 $0x17E00  }
0x483: {  	[tilespmem:s13], [sflag:$0x4] =	stream.indirect.gather [hbm4b:s2+s25], $0x1, s16, s25, $0xb8;
	[tilespmem:$0x1A000] =	vst v63  }
0x484: {  	_ =	swait.ge [sflag:s14], $0x200  }
0x485: {  	[sflag:s14] =	ssyncset.done $0x0  }
0x486: {  	[sflag:s14] =	ssyncadd.s32 $0xFFFFFE00  }
0x487: {  	_ =	swait.ge [sflag:s14], $0x200  }
0x488: {  	[sflag:s14] =	ssyncset.done $0x0  }
0x489: {  	[sflag:s14] =	ssyncadd.s32 $0xFFFFFE00  }
0x48a: {  	_ =	swait.ge [sflag:s14], $0x200  }
0x48b: {  	[sflag:s14] =	ssyncset.done $0x0  }
0x48c: {  	[sflag:s14] =	ssyncadd.s32 $0xFFFFFE00  }
0x48d: {  	_ =	swait.ge [sflag:s14], $0x200  }
0x48e: {  	[sflag:s14] =	ssyncset.done $0x0  }
0x48f: {  	[sflag:s14] =	ssyncadd.s32 $0xFFFFFE00  }
0x490: {  	_ =	swait.ge [sflag:s14], $0x200  }
0x491: {  	[sflag:s14] =	ssyncset.done $0x0  }
0x492: {  	[sflag:s14] =	ssyncadd.s32 $0xFFFFFE00  }
0x493: {  	_ =	swait.ge [sflag:s14], $0x200  }
0x494: {  	[sflag:s14] =	ssyncset.done $0x0  }
0x495: {  	[sflag:s14] =	ssyncadd.s32 $0xFFFFFE00  }
0x496: {  	_ =	swait.ge [sflag:s14], $0x200  }
0x497: {  	[sflag:s14] =	ssyncset.done $0x0  }
0x498: {  	[sflag:s14] =	ssyncadd.s32 $0xFFFFFE00  }
0x499: {  	_ =	swait.ge [sflag:s14], $0x200  }
0x49a: {  	[sflag:s14] =	ssyncset.done $0x0  }
0x49b: {  	[sflag:s14] =	ssyncadd.s32 $0xFFFFFE00  }
0x49c: {  	_ =	swait.ge [sflag:s14], $0x200  }
0x49d: {  	[sflag:s14] =	ssyncset.done $0x0  }
0x49e: {  	[sflag:s14] =	ssyncadd.s32 $0xFFFFFE00  }
0x49f: {  	_ =	swait.ge [sflag:s14], $0x200  }
0x4a0: {  	[sflag:s14] =	ssyncset.done $0x0  }
0x4a1: {  	[sflag:s14] =	ssyncadd.s32 $0xFFFFFE00  }
0x4a2: {  	_ =	swait.ge [sflag:s14], $0x200  }
0x4a3: {  	[sflag:s14] =	ssyncset.done $0x0  }
0x4a4: {  	[sflag:s14] =	ssyncadd.s32 $0xFFFFFE00  }
0x4a5: {  	_ =	swait.ge [sflag:s14], $0x200  }
0x4a6: {  	[sflag:s14] =	ssyncset.done $0x0  }
0x4a7: {  	[sflag:s14] =	ssyncadd.s32 $0xFFFFFE00  }
0x4a8: {  	_ =	swait.ge [sflag:s14], $0x200  }
0x4a9: {  	[sflag:s14] =	ssyncset.done $0x0  }
0x4aa: {  	[sflag:s14] =	ssyncadd.s32 $0xFFFFFE00  }
0x4ab: {  	_ =	swait.ge [sflag:s14], $0x200  }
0x4ac: {  	[sflag:s14] =	ssyncset.done $0x0  }
0x4ad: {  	[sflag:s14] =	ssyncadd.s32 $0xFFFFFE00  }
0x4ae: {  	_ =	swait.ge [sflag:s14], $0x200  }
0x4af: {  	[sflag:s14] =	ssyncset.done $0x0  }
0x4b0: {  	[sflag:s14] =	ssyncadd.s32 $0xFFFFFE00  }
0x4b1: {  	_ =	swait.ge [sflag:s14], $0x200  }
0x4b2: {  	[sflag:s14] =	ssyncset.done $0x0  }
0x4b3: {  	s18 =	simm.s32 $0x5;
	[sflag:s14] =	ssyncadd.s32 $0xFFFFFE00  }
0x4b4: {  	_ =	swait.ge [sflag:s18], $0x1000  }
0x4b5: {  	[sflag:s18] =	ssyncset.done $0x0  }
0x4b6: {  	s21 =	simm.s32 $0x16010;
	[sflag:s18] =	ssyncadd.s32 $0xFFFFF000  }
0x4b7: {  	s30 =	simm.s32 $0x10010;
	v4 =	vld [tilespmem:s21+$0xFFFFFFF0]  }
0x4b8: {  	s26 =	simm.s32 $0x14010;
	v5 =	vld [tilespmem:s30+$0xFFFFFFF0]  }
0x4b9: {  	v6 =	vld [tilespmem:s26+$0xFFFFFFF0];
	_ =	sdelay $0x3  }
0x4ba: {  	vm13 =	vgt.f32 v5, v4;
	v7 =	vsub.f32 v4, v5;
	v8 =	vadd.f32 $-4.000000190e-03, v4  }
0x4bb: {  	vm1 =	vlt.f32 v5, v6;
	v63 =	vsub.f32 v5, v6;
	v10 =	vadd.f32 $4.000000190e-03, v6  }
0x4bc: {  	vm2 =	vgt.f32 v5, v6;
	vm14 =	vlt.f32 v5, v4;
	vm0 =	vmor vm13, vm1  }
0x4bd: {  	s0 =	simm.s32 $0xE010;
	vm3 =	vlt.f32 v5, v8;
	vm4 =	vgt.f32 v5, v8;
	v6 =	vmul.f32 v63, v63  }
0x4be: {  	vm5 =	vlt.f32 v5, v10;
	vm6 =	vgt.f32 v5, v10;
	v8 =	vld [tilespmem:s0+$0xFFFFFFF0];
	v7 =	vmul.f32 v7, v7  }
0x4bf: {  	v4 =	vsel vm0, $0x0, v3;
	vm3 =	vmand vm5, vm3;
	v6 =	vmul.f32 $6.250000000e+04, v6  }
0x4c0: {  	vm4 =	vmand vm4, vm6;
	v5 =	vmul.f32 $6.250000000e+04, v7;
	vm15 =	vmand vm3, vm2  }
0x4c1: {  	vm1 =	vmand vm4, vm14;
	v4 =	vsel vm15, v6, v4  }
0x4c2: {  	v4 =	vsel vm1, v5, v4  }
0x4c3: {  	v4 =	vmul.f32 v4, v8  }
0x4c4: {  	s11 =	simm.s32 $0x18010  }
0x4c5: {  	[tilespmem:s11+$0xFFFFFFF0] =	vst v4  }
0x4c6: {  	v4 =	vld [tilespmem:s21+$0x0]  }
0x4c7: {  	v5 =	vld [tilespmem:s30+$0x0]  }
0x4c8: {  	v6 =	vld [tilespmem:s26+$0x0]  }
0x4c9: {  	s3 =	simm.s32 $0x18010;
	s5 =	simm.s32 $0xE010;
	s13 =	simm.s32 $0x16030  }
0x4ca: {  	s18 =	simm.s32 $0x0;
	s21 =	simm.s32 $0x10030;
	s26 =	simm.s32 $0x14030  }
.LBB2_19:
0x4cb: {  	s18 =	sadd.s32 $0x2, s18;
	s11 =	sadd.s32 $0x20, s11;
	s0 =	sadd.s32 $0x20, s0  }
0x4cc: {  	v8 =	vadd.f32 $-4.000000190e-03, v4;
	p0 =	slt.u32 s18, $0xFE;
	vm0 =	vgt.f32 v5, v4;
	v7 =	vsub.f32 v4, v5  }
0x4cd: {  	vm1 =	vlt.f32 v5, v6;
	v9 =	vsub.f32 v5, v6;
	v10 =	vadd.f32 $4.000000190e-03, v6  }
0x4ce: {  	vm0 =	vmor vm0, vm1;
	v7 =	vmul.f32 v7, v7;
	vm1 =	vlt.f32 v5, v8  }
0x4cf: {  	vm2 =	vgt.f32 v5, v8;
	v9 =	vmul.f32 v9, v9;
	vm3 =	vgt.f32 v5, v10  }
0x4d0: {  	vm5 =	vgt.f32 v5, v6;
	vm4 =	vlt.f32 v5, v10;
	v8 =	vld [tilespmem:s5+$0x0];
	vm2 =	vmand vm2, vm3;
	s5 =	smov.u32 s0  }
0x4d1: {  	vm1 =	vmand vm4, vm1;
	vm3 =	vlt.f32 v5, v4;
	v6 =	vmul.f32 $6.250000000e+04, v9  }
0x4d2: {  	v4 =	vsel vm0, $0x0, v3;
	v5 =	vmul.f32 $6.250000000e+04, v7;
	vm0 =	vmand vm1, vm5  }
0x4d3: {  	vm1 =	vmand vm2, vm3;
	v4 =	vsel vm0, v6, v4  }
0x4d4: {  	v4 =	vsel vm1, v5, v4  }
0x4d5: {  	v4 =	vmul.f32 v4, v8;
	_ =	sdelay $0x1  }
0x4d6: {  	[tilespmem:s3+$0x0] =	vst v4;
	s3 =	smov.u32 s11  }
0x4d7: {  	v4 =	vld [tilespmem:s13+$0xFFFFFFF0]  }
0x4d8: {  	v5 =	vld [tilespmem:s21+$0xFFFFFFF0]  }
0x4d9: {  	v6 =	vld [tilespmem:s26+$0xFFFFFFF0];
	_ =	sdelay $0x3  }
0x4da: {  	v8 =	vadd.f32 $-4.000000190e-03, v4;
	vm0 =	vgt.f32 v5, v4;
	v7 =	vsub.f32 v4, v5  }
0x4db: {  	vm1 =	vlt.f32 v5, v6;
	v9 =	vsub.f32 v5, v6;
	v10 =	vadd.f32 $4.000000190e-03, v6  }
0x4dc: {  	vm2 =	vgt.f32 v5, v6;
	vm3 =	vlt.f32 v5, v8;
	vm4 =	vgt.f32 v5, v8  }
0x4dd: {  	v6 =	vmul.f32 v9, v9;
	vm5 =	vlt.f32 v5, v10;
	vm6 =	vgt.f32 v5, v10  }
0x4de: {  	v7 =	vmul.f32 v7, v7;
	v8 =	vld [tilespmem:s0+$0xFFFFFFF0];
	vm3 =	vmand vm5, vm3;
	vm4 =	vmand vm4, vm6  }
0x4df: {  	vm0 =	vmor vm0, vm1;
	vm1 =	vlt.f32 v5, v4;
	v6 =	vmul.f32 $6.250000000e+04, v6  }
0x4e0: {  	v4 =	vsel vm0, $0x0, v3;
	v5 =	vmul.f32 $6.250000000e+04, v7;
	vm0 =	vmand vm3, vm2  }
0x4e1: {  	vm1 =	vmand vm4, vm1;
	v4 =	vsel vm0, v6, v4  }
0x4e2: {  	v4 =	vsel vm1, v5, v4  }
0x4e3: {  	v4 =	vmul.f32 v4, v8;
	_ =	sdelay $0x1  }
0x4e4: {  	[tilespmem:s11+$0xFFFFFFF0] =	vst v4  }
.Ltmp8:
0x4e5: {  	v4 =	vld [tilespmem:s13+$0x0];
	(pc) =	sbr.rel @p0 .LBB2_19-.Ltmp8, $3  }
0x4e6: {  	v5 =	vld [tilespmem:s21+$0x0]  }
0x4e7: {  	v6 =	vld [tilespmem:s26+$0x0];
	_ =	sdelay $0x1  }
0x4e8: {  	s13 =	sadd.s32 $0x20, s13;
	s21 =	sadd.s32 $0x20, s21;
	s26 =	sadd.s32 $0x20, s26  }
0x4e9: {  	_ = 	snop  }
0x4ea: {  	v8 =	vadd.f32 $-4.000000190e-03, v4;
	vm0 =	vgt.f32 v5, v4;
	v7 =	vsub.f32 v4, v5  }
0x4eb: {  	vm13 =	vlt.f32 v5, v4;
	vm1 =	vlt.f32 v5, v6;
	v9 =	vsub.f32 v5, v6  }
0x4ec: {  	v10 =	vadd.f32 $4.000000190e-03, v6;
	vm12 =	vlt.f32 v5, v8;
	vm2 =	vgt.f32 v5, v8  }
0x4ed: {  	vm5 =	vgt.f32 v5, v6;
	vm0 =	vmor vm0, vm1;
	v9 =	vmul.f32 v9, v9  }
0x4ee: {  	v62 =	vld [tilespmem:s5+$0x0];
	v7 =	vmul.f32 v7, v7;
	vm3 =	vgt.f32 v5, v10;
	vm4 =	vlt.f32 v5, v10  }
0x4ef: {  	v4 =	vsel vm0, $0x0, v3;
	vm1 =	vmand vm4, vm12;
	v63 =	vmul.f32 $6.250000000e+04, v9  }
0x4f0: {  	s31 =	sadd.s32 $0x1, s31;
	vm2 =	vmand vm2, vm3;
	v5 =	vmul.f32 $6.250000000e+04, v7;
	vm14 =	vmand vm1, vm5  }
0x4f1: {  	p0 =	sne.s32 s31, $0x8;
	vm15 =	vmand vm2, vm13;
	v4 =	vsel vm14, v63, v4  }
.Ltmp9:
0x4f2: {  	v4 =	vsel vm15, v5, v4;
	(pc) =	sbr.rel @p0 .LBB2_2-.Ltmp9, $4  }
0x4f3: {  	v4 =	vmul.f32 v4, v62  }
0x4f4: {  	s0 =	rddreg [dreg:$0x4]  }
0x4f5: {  	s30 =	simm.s32 $0x18000;
	s0 =	sadd.s32 s0, s6;
	[tilespmem:s3+$0x0] =	vst v4  }
0x4f6: {  	[hbm4b:s0+s7] =	stream.linear.scatter [tilespmem:s30], [sflag:$0x5], $0x1000, $0x38;
	[tilespmem:$0x1A000] =	vst v63  }
0x4f7: {  	_ =	swait.ge [sflag:s19], $0x200  }
0x4f8: {  	[sflag:s19] =	ssyncset.done $0x0  }
0x4f9: {  	[sflag:s19] =	ssyncadd.s32 $0xFFFFFE00  }
0x4fa: {  	_ =	swait.ge [sflag:s19], $0x200  }
0x4fb: {  	[sflag:s19] =	ssyncset.done $0x0  }
0x4fc: {  	[sflag:s19] =	ssyncadd.s32 $0xFFFFFE00  }
0x4fd: {  	_ =	swait.ge [sflag:s19], $0x200  }
0x4fe: {  	[sflag:s19] =	ssyncset.done $0x0  }
0x4ff: {  	[sflag:s19] =	ssyncadd.s32 $0xFFFFFE00  }
0x500: {  	_ =	swait.ge [sflag:s19], $0x200  }
0x501: {  	[sflag:s19] =	ssyncset.done $0x0  }
0x502: {  	[sflag:s19] =	ssyncadd.s32 $0xFFFFFE00  }
0x503: {  	_ =	swait.ge [sflag:s19], $0x200  }
0x504: {  	[sflag:s19] =	ssyncset.done $0x0  }
0x505: {  	[sflag:s19] =	ssyncadd.s32 $0xFFFFFE00  }
0x506: {  	_ =	swait.ge [sflag:s19], $0x200  }
0x507: {  	[sflag:s19] =	ssyncset.done $0x0  }
0x508: {  	[sflag:s19] =	ssyncadd.s32 $0xFFFFFE00  }
0x509: {  	_ =	swait.ge [sflag:s19], $0x200  }
0x50a: {  	[sflag:s19] =	ssyncset.done $0x0  }
0x50b: {  	[sflag:s19] =	ssyncadd.s32 $0xFFFFFE00  }
0x50c: {  	_ =	swait.ge [sflag:s19], $0x200  }
0x50d: {  	[sflag:s19] =	ssyncset.done $0x0  }
0x50e: {  	[sflag:s19] =	ssyncadd.s32 $0xFFFFFE00  }
0x50f: {  	_ =	swait.ge [sflag:s19], $0x200  }
0x510: {  	[sflag:s19] =	ssyncset.done $0x0  }
0x511: {  	[sflag:s19] =	ssyncadd.s32 $0xFFFFFE00  }
0x512: {  	_ =	swait.ge [sflag:s19], $0x200  }
0x513: {  	[sflag:s19] =	ssyncset.done $0x0  }
0x514: {  	[sflag:s19] =	ssyncadd.s32 $0xFFFFFE00  }
0x515: {  	_ =	swait.ge [sflag:s19], $0x200  }
0x516: {  	[sflag:s19] =	ssyncset.done $0x0  }
0x517: {  	[sflag:s19] =	ssyncadd.s32 $0xFFFFFE00  }
0x518: {  	_ =	swait.ge [sflag:s19], $0x200  }
0x519: {  	[sflag:s19] =	ssyncset.done $0x0  }
0x51a: {  	[sflag:s19] =	ssyncadd.s32 $0xFFFFFE00  }
0x51b: {  	_ =	swait.ge [sflag:s19], $0x200  }
0x51c: {  	[sflag:s19] =	ssyncset.done $0x0  }
0x51d: {  	[sflag:s19] =	ssyncadd.s32 $0xFFFFFE00  }
0x51e: {  	_ =	swait.ge [sflag:s19], $0x200  }
0x51f: {  	[sflag:s19] =	ssyncset.done $0x0  }
0x520: {  	[sflag:s19] =	ssyncadd.s32 $0xFFFFFE00  }
0x521: {  	_ =	swait.ge [sflag:s19], $0x200  }
0x522: {  	[sflag:s19] =	ssyncset.done $0x0  }
0x523: {  	[sflag:s19] =	ssyncadd.s32 $0xFFFFFE00  }
0x524: {  	_ =	swait.ge [sflag:s19], $0x200  }
0x525: {  	[sflag:s19] =	ssyncset.done $0x0  }
0x526: {  	s0 =	simm.s32 $0x6;
	[sflag:s19] =	ssyncadd.s32 $0xFFFFFE00  }
0x527: {  	_ =	swait.ge [sflag:s0], $0x1000  }
0x528: {  	[sflag:s0] =	ssyncset.done $0x0  }
0x529: {  	s3 =	simm.s32 $0x17010;
	[sflag:s0] =	ssyncadd.s32 $0xFFFFF000  }
0x52a: {  	s5 =	simm.s32 $0x11010;
	v4 =	vld [tilespmem:s3+$0xFFFFFFF0]  }
0x52b: {  	s21 =	simm.s32 $0x15010;
	v5 =	vld [tilespmem:s5+$0xFFFFFFF0]  }
0x52c: {  	v6 =	vld [tilespmem:s21+$0xFFFFFFF0];
	_ =	sdelay $0x3  }
0x52d: {  	vm0 =	vgt.f32 v5, v4;
	v7 =	vsub.f32 v4, v5;
	v8 =	vadd.f32 $-4.000000190e-03, v4  }
0x52e: {  	vm1 =	vlt.f32 v5, v6;
	v9 =	vsub.f32 v5, v6;
	v10 =	vadd.f32 $4.000000190e-03, v6  }
0x52f: {  	vm2 =	vgt.f32 v5, v6;
	vm14 =	vlt.f32 v5, v4;
	vm0 =	vmor vm0, vm1  }
0x530: {  	s0 =	simm.s32 $0xF010;
	vm3 =	vlt.f32 v5, v8;
	vm4 =	vgt.f32 v5, v8;
	v6 =	vmul.f32 v9, v9  }
0x531: {  	vm5 =	vlt.f32 v5, v10;
	vm6 =	vgt.f32 v5, v10;
	v8 =	vld [tilespmem:s0+$0xFFFFFFF0];
	v7 =	vmul.f32 v7, v7  }
0x532: {  	v4 =	vsel vm0, $0x0, v3;
	vm3 =	vmand vm5, vm3;
	v6 =	vmul.f32 $6.250000000e+04, v6  }
0x533: {  	vm4 =	vmand vm4, vm6;
	v5 =	vmul.f32 $6.250000000e+04, v7;
	vm15 =	vmand vm3, vm2  }
0x534: {  	vm1 =	vmand vm4, vm14;
	v4 =	vsel vm15, v6, v4  }
0x535: {  	v4 =	vsel vm1, v5, v4  }
0x536: {  	v4 =	vmul.f32 v4, v8  }
0x537: {  	s6 =	simm.s32 $0x19010  }
0x538: {  	[tilespmem:s6+$0xFFFFFFF0] =	vst v4  }
0x539: {  	v4 =	vld [tilespmem:s3+$0x0]  }
0x53a: {  	v5 =	vld [tilespmem:s5+$0x0]  }
0x53b: {  	v6 =	vld [tilespmem:s21+$0x0]  }
0x53c: {  	s11 =	simm.s32 $0x0;
	s18 =	simm.s32 $0x11030;
	s13 =	simm.s32 $0x17030  }
0x53d: {  	s21 =	simm.s32 $0x15030;
	s5 =	simm.s32 $0xF010;
	s3 =	simm.s32 $0x19010  }
.LBB2_22:
0x53e: {  	s11 =	sadd.s32 $0x2, s11;
	s6 =	sadd.s32 $0x20, s6;
	s0 =	sadd.s32 $0x20, s0  }
0x53f: {  	v8 =	vadd.f32 $-4.000000190e-03, v4;
	p0 =	slt.u32 s11, $0xFE;
	vm0 =	vgt.f32 v5, v4;
	v7 =	vsub.f32 v4, v5  }
0x540: {  	vm1 =	vlt.f32 v5, v6;
	v9 =	vsub.f32 v5, v6;
	v10 =	vadd.f32 $4.000000190e-03, v6  }
0x541: {  	vm0 =	vmor vm0, vm1;
	v7 =	vmul.f32 v7, v7;
	vm1 =	vlt.f32 v5, v8  }
0x542: {  	vm2 =	vgt.f32 v5, v8;
	v9 =	vmul.f32 v9, v9;
	vm3 =	vgt.f32 v5, v10  }
0x543: {  	vm5 =	vgt.f32 v5, v6;
	vm4 =	vlt.f32 v5, v10;
	v8 =	vld [tilespmem:s5+$0x0];
	vm2 =	vmand vm2, vm3;
	s5 =	smov.u32 s0  }
0x544: {  	vm1 =	vmand vm4, vm1;
	vm3 =	vlt.f32 v5, v4;
	v6 =	vmul.f32 $6.250000000e+04, v9  }
0x545: {  	v4 =	vsel vm0, $0x0, v3;
	v5 =	vmul.f32 $6.250000000e+04, v7;
	vm0 =	vmand vm1, vm5  }
0x546: {  	vm1 =	vmand vm2, vm3;
	v4 =	vsel vm0, v6, v4  }
0x547: {  	v4 =	vsel vm1, v5, v4  }
0x548: {  	v4 =	vmul.f32 v4, v8;
	_ =	sdelay $0x1  }
0x549: {  	[tilespmem:s3+$0x0] =	vst v4;
	s3 =	smov.u32 s6  }
0x54a: {  	v4 =	vld [tilespmem:s13+$0xFFFFFFF0]  }
0x54b: {  	v5 =	vld [tilespmem:s18+$0xFFFFFFF0]  }
0x54c: {  	v6 =	vld [tilespmem:s21+$0xFFFFFFF0];
	_ =	sdelay $0x3  }
0x54d: {  	v8 =	vadd.f32 $-4.000000190e-03, v4;
	vm0 =	vgt.f32 v5, v4;
	v7 =	vsub.f32 v4, v5  }
0x54e: {  	vm1 =	vlt.f32 v5, v6;
	v9 =	vsub.f32 v5, v6;
	v10 =	vadd.f32 $4.000000190e-03, v6  }
0x54f: {  	vm2 =	vgt.f32 v5, v6;
	vm3 =	vlt.f32 v5, v8;
	vm4 =	vgt.f32 v5, v8  }
0x550: {  	v6 =	vmul.f32 v9, v9;
	vm5 =	vlt.f32 v5, v10;
	vm6 =	vgt.f32 v5, v10  }
0x551: {  	v7 =	vmul.f32 v7, v7;
	v8 =	vld [tilespmem:s0+$0xFFFFFFF0];
	vm3 =	vmand vm5, vm3;
	vm4 =	vmand vm4, vm6  }
0x552: {  	vm0 =	vmor vm0, vm1;
	vm1 =	vlt.f32 v5, v4;
	v6 =	vmul.f32 $6.250000000e+04, v6  }
0x553: {  	v4 =	vsel vm0, $0x0, v3;
	v5 =	vmul.f32 $6.250000000e+04, v7;
	vm0 =	vmand vm3, vm2  }
0x554: {  	vm1 =	vmand vm4, vm1;
	v4 =	vsel vm0, v6, v4  }
0x555: {  	v4 =	vsel vm1, v5, v4  }
0x556: {  	v4 =	vmul.f32 v4, v8;
	_ =	sdelay $0x1  }
0x557: {  	[tilespmem:s6+$0xFFFFFFF0] =	vst v4  }
.Ltmp10:
0x558: {  	v4 =	vld [tilespmem:s13+$0x0];
	(pc) =	sbr.rel @p0 .LBB2_22-.Ltmp10, $3  }
0x559: {  	v5 =	vld [tilespmem:s18+$0x0]  }
0x55a: {  	v6 =	vld [tilespmem:s21+$0x0];
	_ =	sdelay $0x1  }
0x55b: {  	s13 =	sadd.s32 $0x20, s13;
	s18 =	sadd.s32 $0x20, s18;
	s21 =	sadd.s32 $0x20, s21  }
0x55c: {  	_ = 	snop  }
0x55d: {  	v8 =	vadd.f32 $-4.000000190e-03, v4;
	vm0 =	vgt.f32 v5, v4;
	v7 =	vsub.f32 v4, v5  }
0x55e: {  	vm13 =	vlt.f32 v5, v4;
	vm1 =	vlt.f32 v5, v6;
	v9 =	vsub.f32 v5, v6  }
0x55f: {  	v10 =	vadd.f32 $4.000000190e-03, v6;
	vm12 =	vlt.f32 v5, v8;
	vm2 =	vgt.f32 v5, v8  }
0x560: {  	vm5 =	vgt.f32 v5, v6;
	vm0 =	vmor vm0, vm1;
	v9 =	vmul.f32 v9, v9  }
0x561: {  	v62 =	vld [tilespmem:s5+$0x0];
	v7 =	vmul.f32 v7, v7;
	vm3 =	vgt.f32 v5, v10;
	vm4 =	vlt.f32 v5, v10  }
0x562: {  	v4 =	vsel vm0, $0x0, v3;
	vm1 =	vmand vm4, vm12;
	v63 =	vmul.f32 $6.250000000e+04, v9  }
0x563: {  	vm2 =	vmand vm2, vm3;
	v5 =	vmul.f32 $6.250000000e+04, v7;
	vm14 =	vmand vm1, vm5  }
0x564: {  	vm15 =	vmand vm2, vm13;
	v4 =	vsel vm14, v63, v4  }
0x565: {  	v4 =	vsel vm15, v5, v4  }
0x566: {  	v4 =	vmul.f32 v4, v62;
	_ =	sdelay $0x1  }
0x567: {  	s0 =	rddreg [dreg:$0xf];
	s18 =	simm.s32 $0x19000;
	s21 =	simm.s32 $0x5;
	[tilespmem:s3+$0x0] =	vst v4  }
0x568: {  	[hbm4b:s0+s7] =	stream.linear.scatter [tilespmem:s18], [sflag:$0x6], $0x1000, $0x38;
	[tilespmem:$0x1A000] =	vst v63  }
0x569: {  	_ =	swait.ge [sflag:s21], $0x1000  }
0x56a: {  	[sflag:s21] =	ssyncset.done $0x0  }
0x56b: {  	s26 =	simm.s32 $0x6;
	[sflag:s21] =	ssyncadd.s32 $0xFFFFF000  }
0x56c: {  	_ =	swait.ge [sflag:s26], $0x1000  }
0x56d: {  	[sflag:s26] =	ssyncset.done $0x0  }
0x56e: {  	[sflag:s26] =	ssyncadd.s32 $0xFFFFF000  }
0x56f: {  	_ =	swait.ge [sflag:s22], $0x3000  }
0x570: {  	[sflag:s22] =	ssyncset.done $0x0  }
0x571: {  	[sflag:s22] =	ssyncadd.s32 $0xFFFFD000  }
0x572: {  	_ =	swait.ge [sflag:s22], $0x1000  }
0x573: {  	[sflag:s22] =	ssyncset.done $0x0  }
0x574: {  	[sflag:s22] =	ssyncadd.s32 $0xFFFFF000  }
0x575: {  	_ =	swait.ge [sflag:s4], $0x3000  }
0x576: {  	[sflag:s4] =	ssyncset.done $0x0  }
0x577: {  	[sflag:s4] =	ssyncadd.s32 $0xFFFFD000  }
0x578: {  	_ =	swait.ge [sflag:s4], $0x1000  }
0x579: {  	s30 =	rddreg [dreg:$0x11]  }
0x57a: {  	s31 =	rddreg [dreg:$0x10];
	s3 =	sadd.s32 $0x1, s30  }
0x57b: {  	p0 =	sne.s32 s3, s31  }
.Ltmp11:
0x57c: {  	_ = 	snop;
	(pc) =	sbr.rel @p0 .LBB2_1-.Ltmp11, $3  }
0x57d: {  	_ =	sdelay $0x1  }
0x57e: {  	[sflag:s4] =	ssyncset.done $0x0  }
0x57f: {  	[sflag:s4] =	ssyncadd.s32 $0xFFFFF000  }
0x580: {  	_ =	sfence.sel $0x180000  }
0x581: {  	[bflag:$0x0] =	sbarrier.arrive $0xFFFF  }
0x582: {  	_ =	strace $0x90000047  }
0x583: {  	s0 =	stileid.u32;
	[bflag:$0x2] =	sbarrier.arrive $0xFFFF  }
0x584: {  	p0 =	sne.s32 s0, $0x0;
	s0 =	rddreg [dreg:$0x5]  }
0x585: {  	s0 =	sadd.s32 @!p0 $0x100000, s0  }
0x586: {  	[sflag:s0] =	ssyncadd.tile.s32 @!p0 $0x1;
	_ =	shalt  }
.Lfunc_end2:
_tile_overlayer_lowered:
.L_overlay_start_2:
0x587: {  	(tag) =	ssettag $0x2  }
0x588: {  	s0 =	rddreg [dreg:$0x0];
	s2 =	stileid.u32  }
0x589: {  	s1 =	rddreg [dreg:$0x1];
	p0 =	sne.s32 s2, $0x0  }
0x58a: {  	s3 =	rddreg [dreg:$0x2];
	[bflag:$0x3] =	sbarrier.arrive $0xFFFF;
	s2 =	simm.s32 @!p0 $0x1C07  }
0x58b: {  	[timem:s3], [sflag:s2] =	dma.local @!p0 [hbm:s0], s1  }
0x58c: {  	s0 =	simm.s32 @!p0 $0x7  }
0x58d: {  	_ =	swait.ge @!p0 [sflag:s0], s1  }
0x58e: {  	s1 =	ssub.s32 @!p0 $0x0, s1;
	[sflag:s0] =	ssyncset.done @!p0 $0x0  }
0x58f: {  	[sflag:s0] =	ssyncadd.s32 @!p0 s1  }
0x590: {  	[bflag:$0x3] =	sbarrier.arrive $0xFFFF  }
0x591: {  	_ =	shalt  }

</sc_bundles>
